<compile_context>
chip_gen: v7x
topology: tpu7x:2x2x1
jax: 0.10.2.dev20260603
libtpu: 0.0.44.dev20260713+nightly
codegen_flags: <defaults>
</compile_context>

<pallas_src>
import functools

import jax
import jax.numpy as jnp
from jax import lax
from jax.experimental import pallas as pl
from jax.experimental.pallas import tpu as pltpu
from jax.experimental.pallas import tpu_sc as plsc

_NC = 2
_NS = 16
_NW = _NC * _NS

_F32 = jnp.float32
_CHUNK = 80
_DEGW = 8
_CH_ROWS = 400


def _sc_deg(n, iters, chunk):
    mesh = plsc.VectorSubcoreMesh(core_axis_name="c", subcore_axis_name="s")

    @functools.partial(
        pl.kernel,
        out_type=jax.ShapeDtypeStruct((_NC, n, _DEGW), _F32),
        mesh=mesh,
        compiler_params=pltpu.CompilerParams(use_tc_tiling_on_sc=False),
        scratch_types=[
            pltpu.VMEM((iters, chunk), jnp.int32),
            pltpu.VMEM((chunk, _DEGW), _F32),
            pltpu.VMEM_SHARED((n + _TRASH, _DEGW), _F32),
        ] + [pltpu.SemaphoreType.DMA] * _NBUF,
    )
    def deg(ones_hbm, zeros_hbm, dst_hbm, out_hbm, dst_v, ones_v, acc_sh,
            *ssems):
        ci = lax.axis_index("c")
        si = lax.axis_index("s")
        wid = ci * _NS + si

        pltpu.async_copy(dst_hbm.at[wid], dst_v, ssems[0])
        pltpu.async_copy(ones_hbm, ones_v, ssems[1])

        n_chunks = n // _CH_ROWS
        max_k = (n_chunks + _NS - 1) // _NS

        def z_fire(cid, k):
            pltpu.async_copy(zeros_hbm,
                             acc_sh.at[pl.ds(cid * _CH_ROWS, _CH_ROWS)],
                             ssems[2 + k])

        def z_drain(cid, k):
            pltpu.make_async_copy(
                zeros_hbm, acc_sh.at[pl.ds(cid * _CH_ROWS, _CH_ROWS)],
                ssems[2 + k]).wait()

        for k in range(max_k):
            cid = si + _NS * k
            if (k + 1) * _NS <= n_chunks:
                z_fire(cid, k)
            else:
                @pl.when(cid < n_chunks)
                def _():
                    z_fire(cid, k)

        pltpu.make_async_copy(dst_hbm.at[wid], dst_v, ssems[0]).wait()
        pltpu.make_async_copy(ones_hbm, ones_v, ssems[1]).wait()

        for k in range(max_k):
            cid = si + _NS * k
            if (k + 1) * _NS <= n_chunks:
                z_drain(cid, k)
            else:
                @pl.when(cid < n_chunks)
                def _():
                    z_drain(cid, k)

        plsc.subcore_barrier()

        for b in range(_NBUF):
            pltpu.async_copy(ones_v, acc_sh.at[dst_v.at[b]], ssems[b],
                             add=True)

        def body(g, carry):
            for b in range(_NBUF):
                m = (g + 1) * _NBUF + b
                pltpu.make_async_copy(
                    ones_v, acc_sh.at[dst_v.at[m - _NBUF]], ssems[b]).wait()
                pltpu.async_copy(ones_v, acc_sh.at[dst_v.at[m]], ssems[b],
                                 add=True)
            return carry

        lax.fori_loop(0, iters // _NBUF - 1, body, 0)
        for b in range(_NBUF):
            pltpu.make_async_copy(
                ones_v, acc_sh.at[dst_v.at[iters - _NBUF + b]],
                ssems[b]).wait()
        plsc.subcore_barrier()

        def o_fire(cid, k):
            pltpu.async_copy(acc_sh.at[pl.ds(cid * _CH_ROWS, _CH_ROWS)],
                             out_hbm.at[ci, pl.ds(cid * _CH_ROWS, _CH_ROWS)],
                             ssems[2 + k])

        def o_drain(cid, k):
            pltpu.make_async_copy(
                acc_sh.at[pl.ds(cid * _CH_ROWS, _CH_ROWS)],
                out_hbm.at[ci, pl.ds(cid * _CH_ROWS, _CH_ROWS)],
                ssems[2 + k]).wait()

        for k in range(max_k):
            cid = si + _NS * k
            if (k + 1) * _NS <= n_chunks:
                o_fire(cid, k)
            else:
                @pl.when(cid < n_chunks)
                def _():
                    o_fire(cid, k)

        for k in range(max_k):
            cid = si + _NS * k
            if (k + 1) * _NS <= n_chunks:
                o_drain(cid, k)
            else:
                @pl.when(cid < n_chunks)
                def _():
                    o_drain(cid, k)

    return deg


_NBUF = 5
_LAG = 1
_TRASH = 400


def _sc_agg(n, h, iters, chunk):
    mesh = plsc.VectorSubcoreMesh(core_axis_name="c", subcore_axis_name="s")

    @functools.partial(
        pl.kernel,
        out_type=jax.ShapeDtypeStruct((_NC, n, h), _F32),
        mesh=mesh,
        compiler_params=pltpu.CompilerParams(use_tc_tiling_on_sc=False),
        scratch_types=[
            pltpu.VMEM((iters, chunk), jnp.int32),
            pltpu.VMEM((iters, chunk), jnp.int32),
            pltpu.VMEM((_NBUF, chunk, h), _F32),
            pltpu.VMEM_SHARED((n + _TRASH, h), _F32),
        ] + [pltpu.SemaphoreType.DMA] * (2 * _NBUF),
    )
    def agg(g_hbm, src_hbm, dst_hbm, out_hbm,
            src_v, dst_v, rows_v, acc_sh, *sems):
        gsems = sems[:_NBUF]
        ssems = sems[_NBUF:]
        ci = lax.axis_index("c")
        si = lax.axis_index("s")
        wid = ci * _NS + si

        pltpu.async_copy(src_hbm.at[wid], src_v, ssems[0])
        pltpu.async_copy(dst_hbm.at[wid], dst_v, ssems[1])

        n_chunks = n // _CH_ROWS
        max_k = (n_chunks + _NS - 1) // _NS

        def init_fire(cid, k):
            pltpu.async_copy(g_hbm.at[pl.ds(cid * _CH_ROWS, _CH_ROWS)],
                             acc_sh.at[pl.ds(cid * _CH_ROWS, _CH_ROWS)],
                             ssems[2 + k])

        def init_drain(cid, k):
            pltpu.make_async_copy(
                g_hbm.at[pl.ds(cid * _CH_ROWS, _CH_ROWS)],
                acc_sh.at[pl.ds(cid * _CH_ROWS, _CH_ROWS)],
                ssems[2 + k]).wait()

        for k in range(max_k):
            cid = si + _NS * k
            if (k + 1) * _NS <= n_chunks:
                init_fire(cid, k)
            else:
                @pl.when(cid < n_chunks)
                def _():
                    init_fire(cid, k)

        pltpu.make_async_copy(src_hbm.at[wid], src_v, ssems[0]).wait()
        pltpu.make_async_copy(dst_hbm.at[wid], dst_v, ssems[1]).wait()

        for b in range(_NBUF):
            pltpu.async_copy(g_hbm.at[src_v.at[b]], rows_v.at[b], gsems[b])

        for k in range(max_k):
            cid = si + _NS * k
            if (k + 1) * _NS <= n_chunks:
                init_drain(cid, k)
            else:
                @pl.when(cid < n_chunks)
                def _():
                    init_drain(cid, k)

        plsc.subcore_barrier()

        def body(g, carry):
            for b in range(_NBUF):
                m = g * _NBUF + b
                pltpu.make_async_copy(
                    g_hbm.at[src_v.at[m]], rows_v.at[b], gsems[b]).wait()
                pltpu.async_copy(
                    rows_v.at[b], acc_sh.at[dst_v.at[m]], ssems[b], add=True)
                bp = (b - _LAG) % _NBUF
                mp = m - _LAG

                @pl.when(mp >= 0)
                def _():
                    pltpu.make_async_copy(
                        rows_v.at[bp], acc_sh.at[dst_v.at[mp]],
                        ssems[bp]).wait()

                    @pl.when(mp + _NBUF < iters)
                    def _():
                        pltpu.async_copy(
                            g_hbm.at[src_v.at[mp + _NBUF]], rows_v.at[bp],
                            gsems[bp])

            return carry

        lax.fori_loop(0, iters // _NBUF, body, 0)
        for k in range(_LAG):
            bl = (iters - _LAG + k) % _NBUF
            pltpu.make_async_copy(
                rows_v.at[bl], acc_sh.at[dst_v.at[iters - _LAG + k]],
                ssems[bl]).wait()
        plsc.subcore_barrier()

        def out_fire(cid, k):
            pltpu.async_copy(acc_sh.at[pl.ds(cid * _CH_ROWS, _CH_ROWS)],
                             out_hbm.at[ci, pl.ds(cid * _CH_ROWS, _CH_ROWS)],
                             ssems[2 + k])

        def out_drain(cid, k):
            pltpu.make_async_copy(
                acc_sh.at[pl.ds(cid * _CH_ROWS, _CH_ROWS)],
                out_hbm.at[ci, pl.ds(cid * _CH_ROWS, _CH_ROWS)],
                ssems[2 + k]).wait()

        for k in range(max_k):
            cid = si + _NS * k
            if (k + 1) * _NS <= n_chunks:
                out_fire(cid, k)
            else:
                @pl.when(cid < n_chunks)
                def _():
                    out_fire(cid, k)

        for k in range(max_k):
            cid = si + _NS * k
            if (k + 1) * _NS <= n_chunks:
                out_drain(cid, k)
            else:
                @pl.when(cid < n_chunks)
                def _():
                    out_drain(cid, k)

    return agg


def _dot(a, b, precision=jax.lax.Precision.HIGHEST):
    return jax.lax.dot_general(a, b, (((1,), (0,)), ((), ())),
                               preferred_element_type=_F32,
                               precision=precision)


def _rt(a):
    t = lax.bitcast_convert_type(a, jnp.uint32)
    r = (t + jnp.uint32(0x7FFF) + ((t >> 16) & jnp.uint32(1)))
    r = r & jnp.uint32(0xFFFF0000)
    return lax.bitcast_convert_type(r, _F32)


def _tc_first(deg_parts, x, w1, rb):
    n, d_in = x.shape
    hdim = w1.shape[1]

    def kfn(dp_ref, x_ref, w_ref, dinv_ref, g_ref):
        dp = dp_ref[0] + dp_ref[1]
        deg = jnp.sum(dp, axis=1, keepdims=True) + 1.0
        dinv = lax.rsqrt(deg)
        dinv_ref[...] = dinv
        g_ref[...] = dinv * _dot(_rt(x_ref[...]), _rt(w_ref[...]))

    return pl.pallas_call(
        kfn,
        grid=(n // rb,),
        in_specs=[
            pl.BlockSpec((2, rb, _DEGW), lambda i: (0, i, 0)),
            pl.BlockSpec((rb, d_in), lambda i: (i, 0)),
            pl.BlockSpec((d_in, hdim), lambda i: (0, 0)),
        ],
        out_specs=[
            pl.BlockSpec((rb, 1), lambda i: (i, 0)),
            pl.BlockSpec((rb, hdim), lambda i: (i, 0)),
        ],
        out_shape=[
            jax.ShapeDtypeStruct((n, 1), _F32),
            jax.ShapeDtypeStruct((n, hdim), _F32),
        ],
    )(deg_parts, x, w1)


def _tc_mid(s_parts, g_prev, dinv, w_next, b, rb):
    n, hdim = g_prev.shape
    hout = w_next.shape[1]

    def kfn(sp_ref, gp_ref, dinv_ref, w_ref, b_ref, out_ref):
        s = sp_ref[0] + sp_ref[1] - gp_ref[...]
        dv = dinv_ref[...]
        hact = jnp.maximum(dv * s + b_ref[...], 0.0)
        out_ref[...] = dv * _dot(_rt(hact), _rt(w_ref[...]))

    return pl.pallas_call(
        kfn,
        grid=(n // rb,),
        in_specs=[
            pl.BlockSpec((2, rb, hdim), lambda i: (0, i, 0)),
            pl.BlockSpec((rb, hdim), lambda i: (i, 0)),
            pl.BlockSpec((rb, 1), lambda i: (i, 0)),
            pl.BlockSpec((hdim, hout), lambda i: (0, 0)),
            pl.BlockSpec((1, hdim), lambda i: (0, 0)),
        ],
        out_specs=pl.BlockSpec((rb, hout), lambda i: (i, 0)),
        out_shape=jax.ShapeDtypeStruct((n, hout), _F32),
    )(s_parts, g_prev, dinv, w_next, b)


def _tc_last_g(s_parts, g_prev, dinv, b, rb):
    n, hdim = g_prev.shape

    def kfn(sp_ref, gp_ref, dinv_ref, b_ref, out_ref):
        s = sp_ref[0] + sp_ref[1] - gp_ref[...]
        dv = dinv_ref[...]
        out_ref[...] = dv * _rt(jnp.maximum(dv * s + b_ref[...], 0.0))

    return pl.pallas_call(
        kfn,
        grid=(n // rb,),
        in_specs=[
            pl.BlockSpec((2, rb, hdim), lambda i: (0, i, 0)),
            pl.BlockSpec((rb, hdim), lambda i: (i, 0)),
            pl.BlockSpec((rb, 1), lambda i: (i, 0)),
            pl.BlockSpec((1, hdim), lambda i: (0, 0)),
        ],
        out_specs=pl.BlockSpec((rb, hdim), lambda i: (i, 0)),
        out_shape=jax.ShapeDtypeStruct((n, hdim), _F32),
    )(s_parts, g_prev, dinv, b)


def _tc_readout(s_parts, g_prev, dinv, w4, b4, batch3, nseg, rb):
    n, hdim = g_prev.shape
    dout = w4.shape[1]
    nblocks = n // rb

    def kfn(sp_ref, gp_ref, dinv_ref, w_ref, b_ref, batch_ref, out_ref,
            sums_sc, cnt_sc):
        i = pl.program_id(0)

        @pl.when(i == 0)
        def _():
            sums_sc[...] = jnp.zeros_like(sums_sc)
            cnt_sc[...] = jnp.zeros_like(cnt_sc)

        u = dinv_ref[...] * (sp_ref[0] + sp_ref[1] - gp_ref[...])
        uh = _rt(u)
        w4r = _rt(w_ref[...])
        h4 = _dot(uh, w4r) + _dot(u - uh, w4r) + b_ref[...]
        bvec = batch_ref[0]
        onehot_t = jnp.where(
            lax.broadcasted_iota(jnp.int32, (nseg, rb), 0) == bvec, 1.0, 0.0)
        hi = _rt(h4)
        sums_sc[...] += _dot(onehot_t, hi) + _dot(onehot_t, h4 - hi)
        cnt_sc[...] += jnp.sum(onehot_t, axis=1, keepdims=True)

        @pl.when(i == nblocks - 1)
        def _():
            mean = sums_sc[...] / jnp.maximum(cnt_sc[...], 1.0)
            m = jnp.max(mean, axis=1, keepdims=True)
            lse = jnp.log(jnp.sum(jnp.exp(mean - m), axis=1, keepdims=True)) + m
            out_ref[...] = mean - lse

    return pl.pallas_call(
        kfn,
        grid=(nblocks,),
        in_specs=[
            pl.BlockSpec((2, rb, hdim), lambda i: (0, i, 0)),
            pl.BlockSpec((rb, hdim), lambda i: (i, 0)),
            pl.BlockSpec((rb, 1), lambda i: (i, 0)),
            pl.BlockSpec((hdim, dout), lambda i: (0, 0)),
            pl.BlockSpec((1, dout), lambda i: (0, 0)),
            pl.BlockSpec((1, 1, rb), lambda i: (i, 0, 0)),
        ],
        out_specs=pl.BlockSpec((nseg, dout), lambda i: (0, 0)),
        out_shape=jax.ShapeDtypeStruct((nseg, dout), _F32),
        scratch_shapes=[
            pltpu.VMEM((nseg, dout), _F32),
            pltpu.VMEM((nseg, 1), _F32),
        ],
    )(s_parts, g_prev, dinv, w4, b4, batch3)


def kernel(x, edge_index, batch, W1, b1, W2, b2, W3, b3, W4, b4):
    n, d_in = x.shape
    e = edge_index.shape[1]
    hdim = W1.shape[1]
    nseg = 64
    rb = 2000

    per_w = e // _NW
    iters = -(-per_w // (_CHUNK * _NBUF)) * _NBUF
    e_pad = _NW * iters * _CHUNK - e
    if e_pad:
        src_p = jnp.concatenate([edge_index[0],
                                 jnp.zeros((e_pad,), jnp.int32)])
        dst_p = jnp.concatenate([edge_index[1],
                                 n + (jnp.arange(e_pad, dtype=jnp.int32)
                                      % _TRASH)])
    else:
        src_p, dst_p = edge_index[0], edge_index[1]
    src3 = src_p.reshape(_NW, iters, _CHUNK)
    dst3 = dst_p.reshape(_NW, iters, _CHUNK)
    ones_h = jnp.ones((_CHUNK, _DEGW), _F32)
    zeros_h = jnp.zeros((_CH_ROWS, _DEGW), _F32)
    batch3 = batch.reshape(n // rb, 1, rb)

    deg_parts = _sc_deg(n, iters, _CHUNK)(ones_h, zeros_h, dst3)
    dinv, g1 = _tc_first(deg_parts, x, W1, rb)

    agg = _sc_agg(n, hdim, iters, _CHUNK)
    s1 = agg(g1, src3, dst3)
    g2 = _tc_mid(s1, g1, dinv, W2, b1.reshape(1, -1), rb)
    s2 = agg(g2, src3, dst3)
    g3 = _tc_mid(s2, g2, dinv, W3, b2.reshape(1, -1), rb)
    s3 = agg(g3, src3, dst3)
    g4 = _tc_last_g(s3, g3, dinv, b3.reshape(1, -1), rb)
    s4 = agg(g4, src3, dst3)
    return _tc_readout(s4, g4, dinv, W4, b4.reshape(1, -1), batch3, nseg, rb)

# --- scband reference (transcript-rebuilt; emitter-appended) ---
"""Pipeline reference for scband-qfe-gcn-86457691668576 (READ-ONLY COPY).

The authoritative reference and input builder live on the scoring server;
editing this copy changes nothing except your own understanding.
"""

import jax, jax.numpy as jnp
import numpy as np

N = 10000
E = 320000
D_IN = 128
H = 64
D_OUT = 128
B = 64


def setup_inputs(seed: int = 0) -> dict:
    key = jax.random.key(seed)
    ks = jax.random.split(key, 12)
    x = jax.random.normal(ks[0], (N, D_IN), dtype=jnp.float32)
    edge_index = jax.random.randint(ks[1], (2, E), 0, N, dtype=jnp.int32)
    batch = jnp.sort(jax.random.randint(ks[2], (N,), 0, B, dtype=jnp.int32))
    def lin(k, fan_in, fan_out):
        return jax.random.normal(k, (fan_in, fan_out), dtype=jnp.float32) * (1.0 / np.sqrt(fan_in))
    W1 = lin(ks[3], D_IN, H); b1 = jnp.zeros((H,), jnp.float32)
    W2 = lin(ks[4], H, H);    b2 = jnp.zeros((H,), jnp.float32)
    W3 = lin(ks[5], H, H);    b3 = jnp.zeros((H,), jnp.float32)
    W4 = lin(ks[6], H, D_OUT); b4 = jnp.zeros((D_OUT,), jnp.float32)
    return {"x": x, "edge_index": edge_index, "batch": batch,
            "W1": W1, "b1": b1, "W2": W2, "b2": b2,
            "W3": W3, "b3": b3, "W4": W4, "b4": b4}


def _gcn_conv(x, edge_index, W, b):
    # GCNConv with added self-loops and symmetric normalization
    src = edge_index[0]
    dst = edge_index[1]
    loop = jnp.arange(N, dtype=src.dtype)
    src = jnp.concatenate([src, loop])
    dst = jnp.concatenate([dst, loop])
    deg = jax.ops.segment_sum(jnp.ones_like(dst, dtype=x.dtype), dst, num_segments=N)
    dinv = jnp.where(deg > 0, deg ** -0.5, 0.0)
    norm = dinv[src] * dinv[dst]
    h = x @ W
    msg = h[src] * norm[:, None]
    out = jax.ops.segment_sum(msg, dst, num_segments=N)
    return out + b


def reference(x, edge_index, batch, W1, b1, W2, b2, W3, b3, W4, b4):
    h = jax.nn.relu(_gcn_conv(x, edge_index, W1, b1))
    h = jax.nn.relu(_gcn_conv(h, edge_index, W2, b2))
    h = jax.nn.relu(_gcn_conv(h, edge_index, W3, b3))
    h = _gcn_conv(h, edge_index, W4, b4)
    # scatter(x, batch, reduce='mean') -> per-graph mean readout
    sums = jax.ops.segment_sum(h, batch, num_segments=B)
    cnts = jax.ops.segment_sum(jnp.ones((h.shape[0],), h.dtype), batch, num_segments=B)
    mean = sums / jnp.maximum(cnts, 1.0)[:, None]
    return jax.nn.log_softmax(mean, axis=1)

if __name__ == "__main__":
    import jax
    _d = setup_inputs()
    print(jax.jit(kernel)(*tuple(_d.values())))

</pallas_src>

<mosaic_0001>
#map = affine_map<(d0, d1) -> (0, 0)>
#map1 = affine_map<(d0, d1) -> (0, 0, 0)>
module attributes {stable_mosaic.version = 14 : i64} {
  func.func @deg(%arg0: i32, %arg1: i32, %arg2: memref<80x8xf32, #tpu.memory_space<hbm>>, %arg3: memref<400x8xf32, #tpu.memory_space<hbm>>, %arg4: memref<32x125x80xi32, #tpu.memory_space<hbm>>, %arg5: memref<2x10000x8xf32, #tpu.memory_space<hbm>>, %arg6: memref<125x80xi32, #tpu.memory_space<vmem>>, %arg7: memref<80x8xf32, #tpu.memory_space<vmem>>, %arg8: memref<10400x8xf32, #tpu.memory_space<vmem_shared>>, %arg9: memref<!tpu.dma_semaphore, #tpu.memory_space<semaphore_mem>>, %arg10: memref<!tpu.dma_semaphore, #tpu.memory_space<semaphore_mem>>, %arg11: memref<!tpu.dma_semaphore, #tpu.memory_space<semaphore_mem>>, %arg12: memref<!tpu.dma_semaphore, #tpu.memory_space<semaphore_mem>>, %arg13: memref<!tpu.dma_semaphore, #tpu.memory_space<semaphore_mem>>) attributes {dimension_semantics = [#tpu.dimension_semantics<core_parallel>, #tpu.dimension_semantics<subcore_parallel>], iteration_bounds = array<i64: 2, 16>, scalar_prefetch = 0 : i64, scratch_operands = 8 : i64, tpu.core_type = #tpu.core_type<sc_vector_subcore>, window_params = [{transform_indices = #map}, {transform_indices = #map}, {transform_indices = #map1}, {transform_indices = #map1}]} {
    %mul3A = arith.constant 16 : i32
    %mul3A_0 = arith.muli %arg0, %mul3A : i32
    %add3A = arith.addi %mul3A_0, %arg1 : i32
    %dma_start3A = arith.constant 0 : i32
    %dma_start3A_1 = arith.constant 0 : i32
    %dma_start3A_2 = tpu.memref_slice %arg4[%add3A, %dma_start3A, %dma_start3A_1] : memref<32x125x80xi32, #tpu.memory_space<hbm>> -> memref<1x125x80xi32, #tpu.memory_space<hbm>>
    %dma_start3A_3 = tpu.memref_squeeze %dma_start3A_2 : memref<1x125x80xi32, #tpu.memory_space<hbm>> -> memref<125x80xi32, #tpu.memory_space<hbm>>
    %dma_start3A_4 = arith.constant 0 : i32
    %dma_start3A_5 = arith.constant 0 : i32
    %dma_start3A_6 = tpu.memref_slice %arg4[%add3A, %dma_start3A_4, %dma_start3A_5] : memref<32x125x80xi32, #tpu.memory_space<hbm>> -> memref<1x125x80xi32, #tpu.memory_space<hbm>>
    %dma_start3A_7 = tpu.memref_squeeze %dma_start3A_6 : memref<1x125x80xi32, #tpu.memory_space<hbm>> -> memref<125x80xi32, #tpu.memory_space<hbm>>
    tpu.enqueue_dma source(%dma_start3A_7 : memref<125x80xi32, #tpu.memory_space<hbm>>) target(%arg6 : memref<125x80xi32, #tpu.memory_space<vmem>>) target_semaphore(%arg9 : memref<!tpu.dma_semaphore, #tpu.memory_space<semaphore_mem>>)
    tpu.enqueue_dma source(%arg2 : memref<80x8xf32, #tpu.memory_space<hbm>>) target(%arg7 : memref<80x8xf32, #tpu.memory_space<vmem>>) target_semaphore(%arg10 : memref<!tpu.dma_semaphore, #tpu.memory_space<semaphore_mem>>)
    %add3A_8 = arith.constant 0 : i32
    %add3A_9 = arith.addi %arg1, %add3A_8 : i32
    %mul3A_10 = arith.constant 400 : i32
    %mul3A_11 = arith.muli %add3A_9, %mul3A_10 : i32
    %dma_start3A_12 = arith.constant 0 : i32
    %dma_start3A_13 = tpu.memref_slice %arg8[%mul3A_11, %dma_start3A_12] : memref<10400x8xf32, #tpu.memory_space<vmem_shared>> -> memref<400x8xf32, #tpu.memory_space<vmem_shared>>
    tpu.enqueue_dma source(%arg3 : memref<400x8xf32, #tpu.memory_space<hbm>>) target(%dma_start3A_13 : memref<400x8xf32, #tpu.memory_space<vmem_shared>>) target_semaphore(%arg11 : memref<!tpu.dma_semaphore, #tpu.memory_space<semaphore_mem>>)
    %add3A_14 = arith.constant 16 : i32
    %add3A_15 = arith.addi %arg1, %add3A_14 : i32
    %lt3A = arith.constant 25 : i32
    %lt3A_16 = arith.cmpi slt, %add3A_15, %lt3A : i32
    %convert_element_type3A = arith.extui %lt3A_16 : i1 to i32
    %cond3A = arith.constant 0 : i32
    %cond3A_17 = arith.cmpi ne, %convert_element_type3A, %cond3A : i32
    scf.if %cond3A_17 {
      %mul3A_150 = arith.constant 400 : i32
      %mul3A_151 = arith.muli %add3A_15, %mul3A_150 : i32
      %dma_start3A_152 = arith.constant 0 : i32
      %dma_start3A_153 = tpu.memref_slice %arg8[%mul3A_151, %dma_start3A_152] : memref<10400x8xf32, #tpu.memory_space<vmem_shared>> -> memref<400x8xf32, #tpu.memory_space<vmem_shared>>
      tpu.enqueue_dma source(%arg3 : memref<400x8xf32, #tpu.memory_space<hbm>>) target(%dma_start3A_153 : memref<400x8xf32, #tpu.memory_space<vmem_shared>>) target_semaphore(%arg12 : memref<!tpu.dma_semaphore, #tpu.memory_space<semaphore_mem>>)
    } else {
    }
    %dma_wait3A = arith.constant 0 : i32
    %dma_wait3A_18 = arith.constant 0 : i32
    %dma_wait3A_19 = tpu.memref_slice %arg4[%add3A, %dma_wait3A, %dma_wait3A_18] : memref<32x125x80xi32, #tpu.memory_space<hbm>> -> memref<1x125x80xi32, #tpu.memory_space<hbm>>
    %dma_wait3A_20 = tpu.memref_squeeze %dma_wait3A_19 : memref<1x125x80xi32, #tpu.memory_space<hbm>> -> memref<125x80xi32, #tpu.memory_space<hbm>>
    %dma_wait3A_21 = arith.constant 0 : i32
    %dma_wait3A_22 = arith.constant 0 : i32
    %dma_wait3A_23 = tpu.memref_slice %arg4[%add3A, %dma_wait3A_21, %dma_wait3A_22] : memref<32x125x80xi32, #tpu.memory_space<hbm>> -> memref<1x125x80xi32, #tpu.memory_space<hbm>>
    %dma_wait3A_24 = tpu.memref_squeeze %dma_wait3A_23 : memref<1x125x80xi32, #tpu.memory_space<hbm>> -> memref<125x80xi32, #tpu.memory_space<hbm>>
    tpu.wait_dma2 semaphore(%arg9 : memref<!tpu.dma_semaphore, #tpu.memory_space<semaphore_mem>>) src(%dma_wait3A_24 : memref<125x80xi32, #tpu.memory_space<hbm>>) dst(%arg6 : memref<125x80xi32, #tpu.memory_space<vmem>>)
    tpu.wait_dma2 semaphore(%arg10 : memref<!tpu.dma_semaphore, #tpu.memory_space<semaphore_mem>>) src(%arg2 : memref<80x8xf32, #tpu.memory_space<hbm>>) dst(%arg7 : memref<80x8xf32, #tpu.memory_space<vmem>>)
    %add3A_25 = arith.constant 0 : i32
    %add3A_26 = arith.addi %arg1, %add3A_25 : i32
    %mul3A_27 = arith.constant 400 : i32
    %mul3A_28 = arith.muli %add3A_26, %mul3A_27 : i32
    %dma_wait3A_29 = arith.constant 0 : i32
    %dma_wait3A_30 = tpu.memref_slice %arg8[%mul3A_28, %dma_wait3A_29] : memref<10400x8xf32, #tpu.memory_space<vmem_shared>> -> memref<400x8xf32, #tpu.memory_space<vmem_shared>>
    tpu.wait_dma2 semaphore(%arg11 : memref<!tpu.dma_semaphore, #tpu.memory_space<semaphore_mem>>) src(%arg3 : memref<400x8xf32, #tpu.memory_space<hbm>>) dst(%dma_wait3A_30 : memref<400x8xf32, #tpu.memory_space<vmem_shared>>)
    %add3A_31 = arith.constant 16 : i32
    %add3A_32 = arith.addi %arg1, %add3A_31 : i32
    %lt3A_33 = arith.constant 25 : i32
    %lt3A_34 = arith.cmpi slt, %add3A_32, %lt3A_33 : i32
    %convert_element_type3A_35 = arith.extui %lt3A_34 : i1 to i32
    %cond3A_36 = arith.constant 0 : i32
    %cond3A_37 = arith.cmpi ne, %convert_element_type3A_35, %cond3A_36 : i32
    scf.if %cond3A_37 {
      %mul3A_150 = arith.constant 400 : i32
      %mul3A_151 = arith.muli %add3A_32, %mul3A_150 : i32
      %dma_wait3A_152 = arith.constant 0 : i32
      %dma_wait3A_153 = tpu.memref_slice %arg8[%mul3A_151, %dma_wait3A_152] : memref<10400x8xf32, #tpu.memory_space<vmem_shared>> -> memref<400x8xf32, #tpu.memory_space<vmem_shared>>
      tpu.wait_dma2 semaphore(%arg12 : memref<!tpu.dma_semaphore, #tpu.memory_space<semaphore_mem>>) src(%arg3 : memref<400x8xf32, #tpu.memory_space<hbm>>) dst(%dma_wait3A_153 : memref<400x8xf32, #tpu.memory_space<vmem_shared>>)
    } else {
    }
    %barrier3A = arith.constant 0 : index
    tpu.barrier barrier_id(%barrier3A)
    %dma_start3A_38 = arith.constant 0 : i32
    %dma_start3A_39 = arith.constant 0 : i32
    %dma_start3A_40 = tpu.memref_slice %arg6[%dma_start3A_38, %dma_start3A_39] : memref<125x80xi32, #tpu.memory_space<vmem>> -> memref<1x80xi32, #tpu.memory_space<vmem>>
    %dma_start3A_41 = tpu.memref_squeeze %dma_start3A_40 : memref<1x80xi32, #tpu.memory_space<vmem>> -> memref<80xi32, #tpu.memory_space<vmem>>
    %dma_start3A_42 = arith.constant 0 : i32
    %dma_start3A_43 = arith.constant 0 : i32
    %dma_start3A_44 = tpu.memref_slice %arg8[%dma_start3A_42, %dma_start3A_43] : memref<10400x8xf32, #tpu.memory_space<vmem_shared>> -> memref<10400x8xf32, #tpu.memory_space<vmem_shared>>
    tpu.enqueue_indirect_dma source(%arg7 : memref<80x8xf32, #tpu.memory_space<vmem>>) target(%dma_start3A_44 : memref<10400x8xf32, #tpu.memory_space<vmem_shared>>) offsets(%dma_start3A_41 : memref<80xi32, #tpu.memory_space<vmem>>) semaphore(%arg9 : memref<!tpu.dma_semaphore, #tpu.memory_space<semaphore_mem>>) {add = true}
    %dma_start3A_45 = arith.constant 1 : i32
    %dma_start3A_46 = arith.constant 0 : i32
    %dma_start3A_47 = tpu.memref_slice %arg6[%dma_start3A_45, %dma_start3A_46] : memref<125x80xi32, #tpu.memory_space<vmem>> -> memref<1x80xi32, #tpu.memory_space<vmem>>
    %dma_start3A_48 = tpu.memref_squeeze %dma_start3A_47 : memref<1x80xi32, #tpu.memory_space<vmem>> -> memref<80xi32, #tpu.memory_space<vmem>>
    %dma_start3A_49 = arith.constant 0 : i32
    %dma_start3A_50 = arith.constant 0 : i32
    %dma_start3A_51 = tpu.memref_slice %arg8[%dma_start3A_49, %dma_start3A_50] : memref<10400x8xf32, #tpu.memory_space<vmem_shared>> -> memref<10400x8xf32, #tpu.memory_space<vmem_shared>>
    tpu.enqueue_indirect_dma source(%arg7 : memref<80x8xf32, #tpu.memory_space<vmem>>) target(%dma_start3A_51 : memref<10400x8xf32, #tpu.memory_space<vmem_shared>>) offsets(%dma_start3A_48 : memref<80xi32, #tpu.memory_space<vmem>>) semaphore(%arg10 : memref<!tpu.dma_semaphore, #tpu.memory_space<semaphore_mem>>) {add = true}
    %dma_start3A_52 = arith.constant 2 : i32
    %dma_start3A_53 = arith.constant 0 : i32
    %dma_start3A_54 = tpu.memref_slice %arg6[%dma_start3A_52, %dma_start3A_53] : memref<125x80xi32, #tpu.memory_space<vmem>> -> memref<1x80xi32, #tpu.memory_space<vmem>>
    %dma_start3A_55 = tpu.memref_squeeze %dma_start3A_54 : memref<1x80xi32, #tpu.memory_space<vmem>> -> memref<80xi32, #tpu.memory_space<vmem>>
    %dma_start3A_56 = arith.constant 0 : i32
    %dma_start3A_57 = arith.constant 0 : i32
    %dma_start3A_58 = tpu.memref_slice %arg8[%dma_start3A_56, %dma_start3A_57] : memref<10400x8xf32, #tpu.memory_space<vmem_shared>> -> memref<10400x8xf32, #tpu.memory_space<vmem_shared>>
    tpu.enqueue_indirect_dma source(%arg7 : memref<80x8xf32, #tpu.memory_space<vmem>>) target(%dma_start3A_58 : memref<10400x8xf32, #tpu.memory_space<vmem_shared>>) offsets(%dma_start3A_55 : memref<80xi32, #tpu.memory_space<vmem>>) semaphore(%arg11 : memref<!tpu.dma_semaphore, #tpu.memory_space<semaphore_mem>>) {add = true}
    %dma_start3A_59 = arith.constant 3 : i32
    %dma_start3A_60 = arith.constant 0 : i32
    %dma_start3A_61 = tpu.memref_slice %arg6[%dma_start3A_59, %dma_start3A_60] : memref<125x80xi32, #tpu.memory_space<vmem>> -> memref<1x80xi32, #tpu.memory_space<vmem>>
    %dma_start3A_62 = tpu.memref_squeeze %dma_start3A_61 : memref<1x80xi32, #tpu.memory_space<vmem>> -> memref<80xi32, #tpu.memory_space<vmem>>
    %dma_start3A_63 = arith.constant 0 : i32
    %dma_start3A_64 = arith.constant 0 : i32
    %dma_start3A_65 = tpu.memref_slice %arg8[%dma_start3A_63, %dma_start3A_64] : memref<10400x8xf32, #tpu.memory_space<vmem_shared>> -> memref<10400x8xf32, #tpu.memory_space<vmem_shared>>
    tpu.enqueue_indirect_dma source(%arg7 : memref<80x8xf32, #tpu.memory_space<vmem>>) target(%dma_start3A_65 : memref<10400x8xf32, #tpu.memory_space<vmem_shared>>) offsets(%dma_start3A_62 : memref<80xi32, #tpu.memory_space<vmem>>) semaphore(%arg12 : memref<!tpu.dma_semaphore, #tpu.memory_space<semaphore_mem>>) {add = true}
    %dma_start3A_66 = arith.constant 4 : i32
    %dma_start3A_67 = arith.constant 0 : i32
    %dma_start3A_68 = tpu.memref_slice %arg6[%dma_start3A_66, %dma_start3A_67] : memref<125x80xi32, #tpu.memory_space<vmem>> -> memref<1x80xi32, #tpu.memory_space<vmem>>
    %dma_start3A_69 = tpu.memref_squeeze %dma_start3A_68 : memref<1x80xi32, #tpu.memory_space<vmem>> -> memref<80xi32, #tpu.memory_space<vmem>>
    %dma_start3A_70 = arith.constant 0 : i32
    %dma_start3A_71 = arith.constant 0 : i32
    %dma_start3A_72 = tpu.memref_slice %arg8[%dma_start3A_70, %dma_start3A_71] : memref<10400x8xf32, #tpu.memory_space<vmem_shared>> -> memref<10400x8xf32, #tpu.memory_space<vmem_shared>>
    tpu.enqueue_indirect_dma source(%arg7 : memref<80x8xf32, #tpu.memory_space<vmem>>) target(%dma_start3A_72 : memref<10400x8xf32, #tpu.memory_space<vmem_shared>>) offsets(%dma_start3A_69 : memref<80xi32, #tpu.memory_space<vmem>>) semaphore(%arg13 : memref<!tpu.dma_semaphore, #tpu.memory_space<semaphore_mem>>) {add = true}
    %scan3A = arith.constant 0 : i32
    %scan3A_73 = arith.constant 0 : i32
    %scan3A_74 = arith.constant 24 : i32
    %scan3A_75 = arith.addi %scan3A_73, %scan3A_74 : i32
    %scan3A_76 = arith.constant 1 : i32
    scf.for %scan3A_150 = %scan3A_73 to %scan3A_75 step %scan3A_76  : i32 {
      %add3A_151 = arith.constant 1 : i32
      %add3A_152 = arith.addi %scan3A_150, %add3A_151 : i32
      %mul3A_153 = arith.constant 5 : i32
      %mul3A_154 = arith.muli %add3A_152, %mul3A_153 : i32
      %add3A_155 = arith.constant 0 : i32
      %add3A_156 = arith.addi %mul3A_154, %add3A_155 : i32
      %sub3A = arith.constant 5 : i32
      %sub3A_157 = arith.subi %add3A_156, %sub3A : i32
      %dma_wait3A_158 = arith.constant 0 : i32
      %dma_wait3A_159 = tpu.memref_slice %arg6[%sub3A_157, %dma_wait3A_158] : memref<125x80xi32, #tpu.memory_space<vmem>> -> memref<1x80xi32, #tpu.memory_space<vmem>>
      %dma_wait3A_160 = tpu.memref_squeeze %dma_wait3A_159 : memref<1x80xi32, #tpu.memory_space<vmem>> -> memref<80xi32, #tpu.memory_space<vmem>>
      %dma_wait3A_161 = arith.constant 0 : i32
      %dma_wait3A_162 = arith.constant 0 : i32
      %dma_wait3A_163 = tpu.memref_slice %arg8[%dma_wait3A_161, %dma_wait3A_162] : memref<10400x8xf32, #tpu.memory_space<vmem_shared>> -> memref<10400x8xf32, #tpu.memory_space<vmem_shared>>
      tpu.wait_indirect_dma semaphore(%arg9 : memref<!tpu.dma_semaphore, #tpu.memory_space<semaphore_mem>>) src(%arg7 : memref<80x8xf32, #tpu.memory_space<vmem>>) dst(%dma_wait3A_163 : memref<10400x8xf32, #tpu.memory_space<vmem_shared>>)
      %dma_start3A_164 = arith.constant 0 : i32
      %dma_start3A_165 = tpu.memref_slice %arg6[%add3A_156, %dma_start3A_164] : memref<125x80xi32, #tpu.memory_space<vmem>> -> memref<1x80xi32, #tpu.memory_space<vmem>>
      %dma_start3A_166 = tpu.memref_squeeze %dma_start3A_165 : memref<1x80xi32, #tpu.memory_space<vmem>> -> memref<80xi32, #tpu.memory_space<vmem>>
      %dma_start3A_167 = arith.constant 0 : i32
      %dma_start3A_168 = arith.constant 0 : i32
      %dma_start3A_169 = tpu.memref_slice %arg8[%dma_start3A_167, %dma_start3A_168] : memref<10400x8xf32, #tpu.memory_space<vmem_shared>> -> memref<10400x8xf32, #tpu.memory_space<vmem_shared>>
      tpu.enqueue_indirect_dma source(%arg7 : memref<80x8xf32, #tpu.memory_space<vmem>>) target(%dma_start3A_169 : memref<10400x8xf32, #tpu.memory_space<vmem_shared>>) offsets(%dma_start3A_166 : memref<80xi32, #tpu.memory_space<vmem>>) semaphore(%arg9 : memref<!tpu.dma_semaphore, #tpu.memory_space<semaphore_mem>>) {add = true}
      %add3A_170 = arith.constant 1 : i32
      %add3A_171 = arith.addi %scan3A_150, %add3A_170 : i32
      %mul3A_172 = arith.constant 5 : i32
      %mul3A_173 = arith.muli %add3A_171, %mul3A_172 : i32
      %add3A_174 = arith.constant 1 : i32
      %add3A_175 = arith.addi %mul3A_173, %add3A_174 : i32
      %sub3A_176 = arith.constant 5 : i32
      %sub3A_177 = arith.subi %add3A_175, %sub3A_176 : i32
      %dma_wait3A_178 = arith.constant 0 : i32
      %dma_wait3A_179 = tpu.memref_slice %arg6[%sub3A_177, %dma_wait3A_178] : memref<125x80xi32, #tpu.memory_space<vmem>> -> memref<1x80xi32, #tpu.memory_space<vmem>>
      %dma_wait3A_180 = tpu.memref_squeeze %dma_wait3A_179 : memref<1x80xi32, #tpu.memory_space<vmem>> -> memref<80xi32, #tpu.memory_space<vmem>>
      %dma_wait3A_181 = arith.constant 0 : i32
      %dma_wait3A_182 = arith.constant 0 : i32
      %dma_wait3A_183 = tpu.memref_slice %arg8[%dma_wait3A_181, %dma_wait3A_182] : memref<10400x8xf32, #tpu.memory_space<vmem_shared>> -> memref<10400x8xf32, #tpu.memory_space<vmem_shared>>
      tpu.wait_indirect_dma semaphore(%arg10 : memref<!tpu.dma_semaphore, #tpu.memory_space<semaphore_mem>>) src(%arg7 : memref<80x8xf32, #tpu.memory_space<vmem>>) dst(%dma_wait3A_183 : memref<10400x8xf32, #tpu.memory_space<vmem_shared>>)
      %dma_start3A_184 = arith.constant 0 : i32
      %dma_start3A_185 = tpu.memref_slice %arg6[%add3A_175, %dma_start3A_184] : memref<125x80xi32, #tpu.memory_space<vmem>> -> memref<1x80xi32, #tpu.memory_space<vmem>>
      %dma_start3A_186 = tpu.memref_squeeze %dma_start3A_185 : memref<1x80xi32, #tpu.memory_space<vmem>> -> memref<80xi32, #tpu.memory_space<vmem>>
      %dma_start3A_187 = arith.constant 0 : i32
      %dma_start3A_188 = arith.constant 0 : i32
      %dma_start3A_189 = tpu.memref_slice %arg8[%dma_start3A_187, %dma_start3A_188] : memref<10400x8xf32, #tpu.memory_space<vmem_shared>> -> memref<10400x8xf32, #tpu.memory_space<vmem_shared>>
      tpu.enqueue_indirect_dma source(%arg7 : memref<80x8xf32, #tpu.memory_space<vmem>>) target(%dma_start3A_189 : memref<10400x8xf32, #tpu.memory_space<vmem_shared>>) offsets(%dma_start3A_186 : memref<80xi32, #tpu.memory_space<vmem>>) semaphore(%arg10 : memref<!tpu.dma_semaphore, #tpu.memory_space<semaphore_mem>>) {add = true}
      %add3A_190 = arith.constant 1 : i32
      %add3A_191 = arith.addi %scan3A_150, %add3A_190 : i32
      %mul3A_192 = arith.constant 5 : i32
      %mul3A_193 = arith.muli %add3A_191, %mul3A_192 : i32
      %add3A_194 = arith.constant 2 : i32
      %add3A_195 = arith.addi %mul3A_193, %add3A_194 : i32
      %sub3A_196 = arith.constant 5 : i32
      %sub3A_197 = arith.subi %add3A_195, %sub3A_196 : i32
      %dma_wait3A_198 = arith.constant 0 : i32
      %dma_wait3A_199 = tpu.memref_slice %arg6[%sub3A_197, %dma_wait3A_198] : memref<125x80xi32, #tpu.memory_space<vmem>> -> memref<1x80xi32, #tpu.memory_space<vmem>>
      %dma_wait3A_200 = tpu.memref_squeeze %dma_wait3A_199 : memref<1x80xi32, #tpu.memory_space<vmem>> -> memref<80xi32, #tpu.memory_space<vmem>>
      %dma_wait3A_201 = arith.constant 0 : i32
      %dma_wait3A_202 = arith.constant 0 : i32
      %dma_wait3A_203 = tpu.memref_slice %arg8[%dma_wait3A_201, %dma_wait3A_202] : memref<10400x8xf32, #tpu.memory_space<vmem_shared>> -> memref<10400x8xf32, #tpu.memory_space<vmem_shared>>
      tpu.wait_indirect_dma semaphore(%arg11 : memref<!tpu.dma_semaphore, #tpu.memory_space<semaphore_mem>>) src(%arg7 : memref<80x8xf32, #tpu.memory_space<vmem>>) dst(%dma_wait3A_203 : memref<10400x8xf32, #tpu.memory_space<vmem_shared>>)
      %dma_start3A_204 = arith.constant 0 : i32
      %dma_start3A_205 = tpu.memref_slice %arg6[%add3A_195, %dma_start3A_204] : memref<125x80xi32, #tpu.memory_space<vmem>> -> memref<1x80xi32, #tpu.memory_space<vmem>>
      %dma_start3A_206 = tpu.memref_squeeze %dma_start3A_205 : memref<1x80xi32, #tpu.memory_space<vmem>> -> memref<80xi32, #tpu.memory_space<vmem>>
      %dma_start3A_207 = arith.constant 0 : i32
      %dma_start3A_208 = arith.constant 0 : i32
      %dma_start3A_209 = tpu.memref_slice %arg8[%dma_start3A_207, %dma_start3A_208] : memref<10400x8xf32, #tpu.memory_space<vmem_shared>> -> memref<10400x8xf32, #tpu.memory_space<vmem_shared>>
      tpu.enqueue_indirect_dma source(%arg7 : memref<80x8xf32, #tpu.memory_space<vmem>>) target(%dma_start3A_209 : memref<10400x8xf32, #tpu.memory_space<vmem_shared>>) offsets(%dma_start3A_206 : memref<80xi32, #tpu.memory_space<vmem>>) semaphore(%arg11 : memref<!tpu.dma_semaphore, #tpu.memory_space<semaphore_mem>>) {add = true}
      %add3A_210 = arith.constant 1 : i32
      %add3A_211 = arith.addi %scan3A_150, %add3A_210 : i32
      %mul3A_212 = arith.constant 5 : i32
      %mul3A_213 = arith.muli %add3A_211, %mul3A_212 : i32
      %add3A_214 = arith.constant 3 : i32
      %add3A_215 = arith.addi %mul3A_213, %add3A_214 : i32
      %sub3A_216 = arith.constant 5 : i32
      %sub3A_217 = arith.subi %add3A_215, %sub3A_216 : i32
      %dma_wait3A_218 = arith.constant 0 : i32
      %dma_wait3A_219 = tpu.memref_slice %arg6[%sub3A_217, %dma_wait3A_218] : memref<125x80xi32, #tpu.memory_space<vmem>> -> memref<1x80xi32, #tpu.memory_space<vmem>>
      %dma_wait3A_220 = tpu.memref_squeeze %dma_wait3A_219 : memref<1x80xi32, #tpu.memory_space<vmem>> -> memref<80xi32, #tpu.memory_space<vmem>>
      %dma_wait3A_221 = arith.constant 0 : i32
      %dma_wait3A_222 = arith.constant 0 : i32
      %dma_wait3A_223 = tpu.memref_slice %arg8[%dma_wait3A_221, %dma_wait3A_222] : memref<10400x8xf32, #tpu.memory_space<vmem_shared>> -> memref<10400x8xf32, #tpu.memory_space<vmem_shared>>
      tpu.wait_indirect_dma semaphore(%arg12 : memref<!tpu.dma_semaphore, #tpu.memory_space<semaphore_mem>>) src(%arg7 : memref<80x8xf32, #tpu.memory_space<vmem>>) dst(%dma_wait3A_223 : memref<10400x8xf32, #tpu.memory_space<vmem_shared>>)
      %dma_start3A_224 = arith.constant 0 : i32
      %dma_start3A_225 = tpu.memref_slice %arg6[%add3A_215, %dma_start3A_224] : memref<125x80xi32, #tpu.memory_space<vmem>> -> memref<1x80xi32, #tpu.memory_space<vmem>>
      %dma_start3A_226 = tpu.memref_squeeze %dma_start3A_225 : memref<1x80xi32, #tpu.memory_space<vmem>> -> memref<80xi32, #tpu.memory_space<vmem>>
      %dma_start3A_227 = arith.constant 0 : i32
      %dma_start3A_228 = arith.constant 0 : i32
      %dma_start3A_229 = tpu.memref_slice %arg8[%dma_start3A_227, %dma_start3A_228] : memref<10400x8xf32, #tpu.memory_space<vmem_shared>> -> memref<10400x8xf32, #tpu.memory_space<vmem_shared>>
      tpu.enqueue_indirect_dma source(%arg7 : memref<80x8xf32, #tpu.memory_space<vmem>>) target(%dma_start3A_229 : memref<10400x8xf32, #tpu.memory_space<vmem_shared>>) offsets(%dma_start3A_226 : memref<80xi32, #tpu.memory_space<vmem>>) semaphore(%arg12 : memref<!tpu.dma_semaphore, #tpu.memory_space<semaphore_mem>>) {add = true}
      %add3A_230 = arith.constant 1 : i32
      %add3A_231 = arith.addi %scan3A_150, %add3A_230 : i32
      %mul3A_232 = arith.constant 5 : i32
      %mul3A_233 = arith.muli %add3A_231, %mul3A_232 : i32
      %add3A_234 = arith.constant 4 : i32
      %add3A_235 = arith.addi %mul3A_233, %add3A_234 : i32
      %sub3A_236 = arith.constant 5 : i32
      %sub3A_237 = arith.subi %add3A_235, %sub3A_236 : i32
      %dma_wait3A_238 = arith.constant 0 : i32
      %dma_wait3A_239 = tpu.memref_slice %arg6[%sub3A_237, %dma_wait3A_238] : memref<125x80xi32, #tpu.memory_space<vmem>> -> memref<1x80xi32, #tpu.memory_space<vmem>>
      %dma_wait3A_240 = tpu.memref_squeeze %dma_wait3A_239 : memref<1x80xi32, #tpu.memory_space<vmem>> -> memref<80xi32, #tpu.memory_space<vmem>>
      %dma_wait3A_241 = arith.constant 0 : i32
      %dma_wait3A_242 = arith.constant 0 : i32
      %dma_wait3A_243 = tpu.memref_slice %arg8[%dma_wait3A_241, %dma_wait3A_242] : memref<10400x8xf32, #tpu.memory_space<vmem_shared>> -> memref<10400x8xf32, #tpu.memory_space<vmem_shared>>
      tpu.wait_indirect_dma semaphore(%arg13 : memref<!tpu.dma_semaphore, #tpu.memory_space<semaphore_mem>>) src(%arg7 : memref<80x8xf32, #tpu.memory_space<vmem>>) dst(%dma_wait3A_243 : memref<10400x8xf32, #tpu.memory_space<vmem_shared>>)
      %dma_start3A_244 = arith.constant 0 : i32
      %dma_start3A_245 = tpu.memref_slice %arg6[%add3A_235, %dma_start3A_244] : memref<125x80xi32, #tpu.memory_space<vmem>> -> memref<1x80xi32, #tpu.memory_space<vmem>>
      %dma_start3A_246 = tpu.memref_squeeze %dma_start3A_245 : memref<1x80xi32, #tpu.memory_space<vmem>> -> memref<80xi32, #tpu.memory_space<vmem>>
      %dma_start3A_247 = arith.constant 0 : i32
      %dma_start3A_248 = arith.constant 0 : i32
      %dma_start3A_249 = tpu.memref_slice %arg8[%dma_start3A_247, %dma_start3A_248] : memref<10400x8xf32, #tpu.memory_space<vmem_shared>> -> memref<10400x8xf32, #tpu.memory_space<vmem_shared>>
      tpu.enqueue_indirect_dma source(%arg7 : memref<80x8xf32, #tpu.memory_space<vmem>>) target(%dma_start3A_249 : memref<10400x8xf32, #tpu.memory_space<vmem_shared>>) offsets(%dma_start3A_246 : memref<80xi32, #tpu.memory_space<vmem>>) semaphore(%arg13 : memref<!tpu.dma_semaphore, #tpu.memory_space<semaphore_mem>>) {add = true}
    }
    %scan3A_77 = arith.constant 24 : i32
    %dma_wait3A_78 = arith.constant 120 : i32
    %dma_wait3A_79 = arith.constant 0 : i32
    %dma_wait3A_80 = tpu.memref_slice %arg6[%dma_wait3A_78, %dma_wait3A_79] : memref<125x80xi32, #tpu.memory_space<vmem>> -> memref<1x80xi32, #tpu.memory_space<vmem>>
    %dma_wait3A_81 = tpu.memref_squeeze %dma_wait3A_80 : memref<1x80xi32, #tpu.memory_space<vmem>> -> memref<80xi32, #tpu.memory_space<vmem>>
    %dma_wait3A_82 = arith.constant 0 : i32
    %dma_wait3A_83 = arith.constant 0 : i32
    %dma_wait3A_84 = tpu.memref_slice %arg8[%dma_wait3A_82, %dma_wait3A_83] : memref<10400x8xf32, #tpu.memory_space<vmem_shared>> -> memref<10400x8xf32, #tpu.memory_space<vmem_shared>>
    tpu.wait_indirect_dma semaphore(%arg9 : memref<!tpu.dma_semaphore, #tpu.memory_space<semaphore_mem>>) src(%arg7 : memref<80x8xf32, #tpu.memory_space<vmem>>) dst(%dma_wait3A_84 : memref<10400x8xf32, #tpu.memory_space<vmem_shared>>)
    %dma_wait3A_85 = arith.constant 121 : i32
    %dma_wait3A_86 = arith.constant 0 : i32
    %dma_wait3A_87 = tpu.memref_slice %arg6[%dma_wait3A_85, %dma_wait3A_86] : memref<125x80xi32, #tpu.memory_space<vmem>> -> memref<1x80xi32, #tpu.memory_space<vmem>>
    %dma_wait3A_88 = tpu.memref_squeeze %dma_wait3A_87 : memref<1x80xi32, #tpu.memory_space<vmem>> -> memref<80xi32, #tpu.memory_space<vmem>>
    %dma_wait3A_89 = arith.constant 0 : i32
    %dma_wait3A_90 = arith.constant 0 : i32
    %dma_wait3A_91 = tpu.memref_slice %arg8[%dma_wait3A_89, %dma_wait3A_90] : memref<10400x8xf32, #tpu.memory_space<vmem_shared>> -> memref<10400x8xf32, #tpu.memory_space<vmem_shared>>
    tpu.wait_indirect_dma semaphore(%arg10 : memref<!tpu.dma_semaphore, #tpu.memory_space<semaphore_mem>>) src(%arg7 : memref<80x8xf32, #tpu.memory_space<vmem>>) dst(%dma_wait3A_91 : memref<10400x8xf32, #tpu.memory_space<vmem_shared>>)
    %dma_wait3A_92 = arith.constant 122 : i32
    %dma_wait3A_93 = arith.constant 0 : i32
    %dma_wait3A_94 = tpu.memref_slice %arg6[%dma_wait3A_92, %dma_wait3A_93] : memref<125x80xi32, #tpu.memory_space<vmem>> -> memref<1x80xi32, #tpu.memory_space<vmem>>
    %dma_wait3A_95 = tpu.memref_squeeze %dma_wait3A_94 : memref<1x80xi32, #tpu.memory_space<vmem>> -> memref<80xi32, #tpu.memory_space<vmem>>
    %dma_wait3A_96 = arith.constant 0 : i32
    %dma_wait3A_97 = arith.constant 0 : i32
    %dma_wait3A_98 = tpu.memref_slice %arg8[%dma_wait3A_96, %dma_wait3A_97] : memref<10400x8xf32, #tpu.memory_space<vmem_shared>> -> memref<10400x8xf32, #tpu.memory_space<vmem_shared>>
    tpu.wait_indirect_dma semaphore(%arg11 : memref<!tpu.dma_semaphore, #tpu.memory_space<semaphore_mem>>) src(%arg7 : memref<80x8xf32, #tpu.memory_space<vmem>>) dst(%dma_wait3A_98 : memref<10400x8xf32, #tpu.memory_space<vmem_shared>>)
    %dma_wait3A_99 = arith.constant 123 : i32
    %dma_wait3A_100 = arith.constant 0 : i32
    %dma_wait3A_101 = tpu.memref_slice %arg6[%dma_wait3A_99, %dma_wait3A_100] : memref<125x80xi32, #tpu.memory_space<vmem>> -> memref<1x80xi32, #tpu.memory_space<vmem>>
    %dma_wait3A_102 = tpu.memref_squeeze %dma_wait3A_101 : memref<1x80xi32, #tpu.memory_space<vmem>> -> memref<80xi32, #tpu.memory_space<vmem>>
    %dma_wait3A_103 = arith.constant 0 : i32
    %dma_wait3A_104 = arith.constant 0 : i32
    %dma_wait3A_105 = tpu.memref_slice %arg8[%dma_wait3A_103, %dma_wait3A_104] : memref<10400x8xf32, #tpu.memory_space<vmem_shared>> -> memref<10400x8xf32, #tpu.memory_space<vmem_shared>>
    tpu.wait_indirect_dma semaphore(%arg12 : memref<!tpu.dma_semaphore, #tpu.memory_space<semaphore_mem>>) src(%arg7 : memref<80x8xf32, #tpu.memory_space<vmem>>) dst(%dma_wait3A_105 : memref<10400x8xf32, #tpu.memory_space<vmem_shared>>)
    %dma_wait3A_106 = arith.constant 124 : i32
    %dma_wait3A_107 = arith.constant 0 : i32
    %dma_wait3A_108 = tpu.memref_slice %arg6[%dma_wait3A_106, %dma_wait3A_107] : memref<125x80xi32, #tpu.memory_space<vmem>> -> memref<1x80xi32, #tpu.memory_space<vmem>>
    %dma_wait3A_109 = tpu.memref_squeeze %dma_wait3A_108 : memref<1x80xi32, #tpu.memory_space<vmem>> -> memref<80xi32, #tpu.memory_space<vmem>>
    %dma_wait3A_110 = arith.constant 0 : i32
    %dma_wait3A_111 = arith.constant 0 : i32
    %dma_wait3A_112 = tpu.memref_slice %arg8[%dma_wait3A_110, %dma_wait3A_111] : memref<10400x8xf32, #tpu.memory_space<vmem_shared>> -> memref<10400x8xf32, #tpu.memory_space<vmem_shared>>
    tpu.wait_indirect_dma semaphore(%arg13 : memref<!tpu.dma_semaphore, #tpu.memory_space<semaphore_mem>>) src(%arg7 : memref<80x8xf32, #tpu.memory_space<vmem>>) dst(%dma_wait3A_112 : memref<10400x8xf32, #tpu.memory_space<vmem_shared>>)
    %barrier3A_113 = arith.constant 0 : index
    tpu.barrier barrier_id(%barrier3A_113)
    %add3A_114 = arith.constant 0 : i32
    %add3A_115 = arith.addi %arg1, %add3A_114 : i32
    %mul3A_116 = arith.constant 400 : i32
    %mul3A_117 = arith.muli %add3A_115, %mul3A_116 : i32
    %mul3A_118 = arith.constant 400 : i32
    %mul3A_119 = arith.muli %add3A_115, %mul3A_118 : i32
    %dma_start3A_120 = arith.constant 0 : i32
    %dma_start3A_121 = tpu.memref_slice %arg5[%arg0, %mul3A_119, %dma_start3A_120] : memref<2x10000x8xf32, #tpu.memory_space<hbm>> -> memref<1x400x8xf32, #tpu.memory_space<hbm>>
    %dma_start3A_122 = tpu.memref_squeeze %dma_start3A_121 : memref<1x400x8xf32, #tpu.memory_space<hbm>> -> memref<400x8xf32, #tpu.memory_space<hbm>>
    %dma_start3A_123 = arith.constant 0 : i32
    %dma_start3A_124 = tpu.memref_slice %arg8[%mul3A_117, %dma_start3A_123] : memref<10400x8xf32, #tpu.memory_space<vmem_shared>> -> memref<400x8xf32, #tpu.memory_space<vmem_shared>>
    tpu.enqueue_dma source(%dma_start3A_124 : memref<400x8xf32, #tpu.memory_space<vmem_shared>>) target(%dma_start3A_122 : memref<400x8xf32, #tpu.memory_space<hbm>>) target_semaphore(%arg11 : memref<!tpu.dma_semaphore, #tpu.memory_space<semaphore_mem>>)
    %add3A_125 = arith.constant 16 : i32
    %add3A_126 = arith.addi %arg1, %add3A_125 : i32
    %lt3A_127 = arith.constant 25 : i32
    %lt3A_128 = arith.cmpi slt, %add3A_126, %lt3A_127 : i32
    %convert_element_type3A_129 = arith.extui %lt3A_128 : i1 to i32
    %cond3A_130 = arith.constant 0 : i32
    %cond3A_131 = arith.cmpi ne, %convert_element_type3A_129, %cond3A_130 : i32
    scf.if %cond3A_131 {
      %mul3A_150 = arith.constant 400 : i32
      %mul3A_151 = arith.muli %add3A_126, %mul3A_150 : i32
      %mul3A_152 = arith.constant 400 : i32
      %mul3A_153 = arith.muli %add3A_126, %mul3A_152 : i32
      %dma_start3A_154 = arith.constant 0 : i32
      %dma_start3A_155 = tpu.memref_slice %arg5[%arg0, %mul3A_153, %dma_start3A_154] : memref<2x10000x8xf32, #tpu.memory_space<hbm>> -> memref<1x400x8xf32, #tpu.memory_space<hbm>>
      %dma_start3A_156 = tpu.memref_squeeze %dma_start3A_155 : memref<1x400x8xf32, #tpu.memory_space<hbm>> -> memref<400x8xf32, #tpu.memory_space<hbm>>
      %dma_start3A_157 = arith.constant 0 : i32
      %dma_start3A_158 = tpu.memref_slice %arg8[%mul3A_151, %dma_start3A_157] : memref<10400x8xf32, #tpu.memory_space<vmem_shared>> -> memref<400x8xf32, #tpu.memory_space<vmem_shared>>
      tpu.enqueue_dma source(%dma_start3A_158 : memref<400x8xf32, #tpu.memory_space<vmem_shared>>) target(%dma_start3A_156 : memref<400x8xf32, #tpu.memory_space<hbm>>) target_semaphore(%arg12 : memref<!tpu.dma_semaphore, #tpu.memory_space<semaphore_mem>>)
    } else {
    }
    %add3A_132 = arith.constant 0 : i32
    %add3A_133 = arith.addi %arg1, %add3A_132 : i32
    %mul3A_134 = arith.constant 400 : i32
    %mul3A_135 = arith.muli %add3A_133, %mul3A_134 : i32
    %mul3A_136 = arith.constant 400 : i32
    %mul3A_137 = arith.muli %add3A_133, %mul3A_136 : i32
    %dma_wait3A_138 = arith.constant 0 : i32
    %dma_wait3A_139 = tpu.memref_slice %arg5[%arg0, %mul3A_137, %dma_wait3A_138] : memref<2x10000x8xf32, #tpu.memory_space<hbm>> -> memref<1x400x8xf32, #tpu.memory_space<hbm>>
    %dma_wait3A_140 = tpu.memref_squeeze %dma_wait3A_139 : memref<1x400x8xf32, #tpu.memory_space<hbm>> -> memref<400x8xf32, #tpu.memory_space<hbm>>
    %dma_wait3A_141 = arith.constant 0 : i32
    %dma_wait3A_142 = tpu.memref_slice %arg8[%mul3A_135, %dma_wait3A_141] : memref<10400x8xf32, #tpu.memory_space<vmem_shared>> -> memref<400x8xf32, #tpu.memory_space<vmem_shared>>
    tpu.wait_dma2 semaphore(%arg11 : memref<!tpu.dma_semaphore, #tpu.memory_space<semaphore_mem>>) src(%dma_wait3A_142 : memref<400x8xf32, #tpu.memory_space<vmem_shared>>) dst(%dma_wait3A_140 : memref<400x8xf32, #tpu.memory_space<hbm>>)
    %add3A_143 = arith.constant 16 : i32
    %add3A_144 = arith.addi %arg1, %add3A_143 : i32
    %lt3A_145 = arith.constant 25 : i32
    %lt3A_146 = arith.cmpi slt, %add3A_144, %lt3A_145 : i32
    %convert_element_type3A_147 = arith.extui %lt3A_146 : i1 to i32
    %cond3A_148 = arith.constant 0 : i32
    %cond3A_149 = arith.cmpi ne, %convert_element_type3A_147, %cond3A_148 : i32
    scf.if %cond3A_149 {
      %mul3A_150 = arith.constant 400 : i32
      %mul3A_151 = arith.muli %add3A_144, %mul3A_150 : i32
      %mul3A_152 = arith.constant 400 : i32
      %mul3A_153 = arith.muli %add3A_144, %mul3A_152 : i32
      %dma_wait3A_154 = arith.constant 0 : i32
      %dma_wait3A_155 = tpu.memref_slice %arg5[%arg0, %mul3A_153, %dma_wait3A_154] : memref<2x10000x8xf32, #tpu.memory_space<hbm>> -> memref<1x400x8xf32, #tpu.memory_space<hbm>>
      %dma_wait3A_156 = tpu.memref_squeeze %dma_wait3A_155 : memref<1x400x8xf32, #tpu.memory_space<hbm>> -> memref<400x8xf32, #tpu.memory_space<hbm>>
      %dma_wait3A_157 = arith.constant 0 : i32
      %dma_wait3A_158 = tpu.memref_slice %arg8[%mul3A_151, %dma_wait3A_157] : memref<10400x8xf32, #tpu.memory_space<vmem_shared>> -> memref<400x8xf32, #tpu.memory_space<vmem_shared>>
      tpu.wait_dma2 semaphore(%arg12 : memref<!tpu.dma_semaphore, #tpu.memory_space<semaphore_mem>>) src(%dma_wait3A_158 : memref<400x8xf32, #tpu.memory_space<vmem_shared>>) dst(%dma_wait3A_156 : memref<400x8xf32, #tpu.memory_space<hbm>>)
    } else {
    }
    return
  }
}

#map = affine_map<(d0, d1) -> (0, 0)>
#map1 = affine_map<(d0, d1) -> (0, 0, 0)>
module attributes {stable_mosaic.version = 14 : i64} {
  func.func @agg(%arg0: i32, %arg1: i32, %arg2: memref<10000x64xf32, #tpu.memory_space<hbm>>, %arg3: memref<32x125x80xi32, #tpu.memory_space<hbm>>, %arg4: memref<32x125x80xi32, #tpu.memory_space<hbm>>, %arg5: memref<2x10000x64xf32, #tpu.memory_space<hbm>>, %arg6: memref<125x80xi32, #tpu.memory_space<vmem>>, %arg7: memref<125x80xi32, #tpu.memory_space<vmem>>, %arg8: memref<5x80x64xf32, #tpu.memory_space<vmem>>, %arg9: memref<10400x64xf32, #tpu.memory_space<vmem_shared>>, %arg10: memref<!tpu.dma_semaphore, #tpu.memory_space<semaphore_mem>>, %arg11: memref<!tpu.dma_semaphore, #tpu.memory_space<semaphore_mem>>, %arg12: memref<!tpu.dma_semaphore, #tpu.memory_space<semaphore_mem>>, %arg13: memref<!tpu.dma_semaphore, #tpu.memory_space<semaphore_mem>>, %arg14: memref<!tpu.dma_semaphore, #tpu.memory_space<semaphore_mem>>, %arg15: memref<!tpu.dma_semaphore, #tpu.memory_space<semaphore_mem>>, %arg16: memref<!tpu.dma_semaphore, #tpu.memory_space<semaphore_mem>>, %arg17: memref<!tpu.dma_semaphore, #tpu.memory_space<semaphore_mem>>, %arg18: memref<!tpu.dma_semaphore, #tpu.memory_space<semaphore_mem>>, %arg19: memref<!tpu.dma_semaphore, #tpu.memory_space<semaphore_mem>>) attributes {dimension_semantics = [#tpu.dimension_semantics<core_parallel>, #tpu.dimension_semantics<subcore_parallel>], iteration_bounds = array<i64: 2, 16>, scalar_prefetch = 0 : i64, scratch_operands = 14 : i64, tpu.core_type = #tpu.core_type<sc_vector_subcore>, window_params = [{transform_indices = #map}, {transform_indices = #map1}, {transform_indices = #map1}, {transform_indices = #map1}]} {
    %mul3A = arith.constant 16 : i32
    %mul3A_0 = arith.muli %arg0, %mul3A : i32
    %add3A = arith.addi %mul3A_0, %arg1 : i32
    %dma_start3A = arith.constant 0 : i32
    %dma_start3A_1 = arith.constant 0 : i32
    %dma_start3A_2 = tpu.memref_slice %arg3[%add3A, %dma_start3A, %dma_start3A_1] : memref<32x125x80xi32, #tpu.memory_space<hbm>> -> memref<1x125x80xi32, #tpu.memory_space<hbm>>
    %dma_start3A_3 = tpu.memref_squeeze %dma_start3A_2 : memref<1x125x80xi32, #tpu.memory_space<hbm>> -> memref<125x80xi32, #tpu.memory_space<hbm>>
    %dma_start3A_4 = arith.constant 0 : i32
    %dma_start3A_5 = arith.constant 0 : i32
    %dma_start3A_6 = tpu.memref_slice %arg3[%add3A, %dma_start3A_4, %dma_start3A_5] : memref<32x125x80xi32, #tpu.memory_space<hbm>> -> memref<1x125x80xi32, #tpu.memory_space<hbm>>
    %dma_start3A_7 = tpu.memref_squeeze %dma_start3A_6 : memref<1x125x80xi32, #tpu.memory_space<hbm>> -> memref<125x80xi32, #tpu.memory_space<hbm>>
    tpu.enqueue_dma source(%dma_start3A_7 : memref<125x80xi32, #tpu.memory_space<hbm>>) target(%arg6 : memref<125x80xi32, #tpu.memory_space<vmem>>) target_semaphore(%arg15 : memref<!tpu.dma_semaphore, #tpu.memory_space<semaphore_mem>>)
    %dma_start3A_8 = arith.constant 0 : i32
    %dma_start3A_9 = arith.constant 0 : i32
    %dma_start3A_10 = tpu.memref_slice %arg4[%add3A, %dma_start3A_8, %dma_start3A_9] : memref<32x125x80xi32, #tpu.memory_space<hbm>> -> memref<1x125x80xi32, #tpu.memory_space<hbm>>
    %dma_start3A_11 = tpu.memref_squeeze %dma_start3A_10 : memref<1x125x80xi32, #tpu.memory_space<hbm>> -> memref<125x80xi32, #tpu.memory_space<hbm>>
    %dma_start3A_12 = arith.constant 0 : i32
    %dma_start3A_13 = arith.constant 0 : i32
    %dma_start3A_14 = tpu.memref_slice %arg4[%add3A, %dma_start3A_12, %dma_start3A_13] : memref<32x125x80xi32, #tpu.memory_space<hbm>> -> memref<1x125x80xi32, #tpu.memory_space<hbm>>
    %dma_start3A_15 = tpu.memref_squeeze %dma_start3A_14 : memref<1x125x80xi32, #tpu.memory_space<hbm>> -> memref<125x80xi32, #tpu.memory_space<hbm>>
    tpu.enqueue_dma source(%dma_start3A_15 : memref<125x80xi32, #tpu.memory_space<hbm>>) target(%arg7 : memref<125x80xi32, #tpu.memory_space<vmem>>) target_semaphore(%arg16 : memref<!tpu.dma_semaphore, #tpu.memory_space<semaphore_mem>>)
    %add3A_16 = arith.constant 0 : i32
    %add3A_17 = arith.addi %arg1, %add3A_16 : i32
    %mul3A_18 = arith.constant 400 : i32
    %mul3A_19 = arith.muli %add3A_17, %mul3A_18 : i32
    %mul3A_20 = arith.constant 400 : i32
    %mul3A_21 = arith.muli %add3A_17, %mul3A_20 : i32
    %dma_start3A_22 = arith.constant 0 : i32
    %dma_start3A_23 = tpu.memref_slice %arg9[%mul3A_21, %dma_start3A_22] : memref<10400x64xf32, #tpu.memory_space<vmem_shared>> -> memref<400x64xf32, #tpu.memory_space<vmem_shared>>
    %dma_start3A_24 = arith.constant 0 : i32
    %dma_start3A_25 = tpu.memref_slice %arg2[%mul3A_19, %dma_start3A_24] : memref<10000x64xf32, #tpu.memory_space<hbm>> -> memref<400x64xf32, #tpu.memory_space<hbm>>
    tpu.enqueue_dma source(%dma_start3A_25 : memref<400x64xf32, #tpu.memory_space<hbm>>) target(%dma_start3A_23 : memref<400x64xf32, #tpu.memory_space<vmem_shared>>) target_semaphore(%arg17 : memref<!tpu.dma_semaphore, #tpu.memory_space<semaphore_mem>>)
    %add3A_26 = arith.constant 16 : i32
    %add3A_27 = arith.addi %arg1, %add3A_26 : i32
    %lt3A = arith.constant 25 : i32
    %lt3A_28 = arith.cmpi slt, %add3A_27, %lt3A : i32
    %convert_element_type3A = arith.extui %lt3A_28 : i1 to i32
    %cond3A = arith.constant 0 : i32
    %cond3A_29 = arith.cmpi ne, %convert_element_type3A, %cond3A : i32
    scf.if %cond3A_29 {
      %mul3A_176 = arith.constant 400 : i32
      %mul3A_177 = arith.muli %add3A_27, %mul3A_176 : i32
      %mul3A_178 = arith.constant 400 : i32
      %mul3A_179 = arith.muli %add3A_27, %mul3A_178 : i32
      %dma_start3A_180 = arith.constant 0 : i32
      %dma_start3A_181 = tpu.memref_slice %arg9[%mul3A_179, %dma_start3A_180] : memref<10400x64xf32, #tpu.memory_space<vmem_shared>> -> memref<400x64xf32, #tpu.memory_space<vmem_shared>>
      %dma_start3A_182 = arith.constant 0 : i32
      %dma_start3A_183 = tpu.memref_slice %arg2[%mul3A_177, %dma_start3A_182] : memref<10000x64xf32, #tpu.memory_space<hbm>> -> memref<400x64xf32, #tpu.memory_space<hbm>>
      tpu.enqueue_dma source(%dma_start3A_183 : memref<400x64xf32, #tpu.memory_space<hbm>>) target(%dma_start3A_181 : memref<400x64xf32, #tpu.memory_space<vmem_shared>>) target_semaphore(%arg18 : memref<!tpu.dma_semaphore, #tpu.memory_space<semaphore_mem>>)
    } else {
    }
    %dma_wait3A = arith.constant 0 : i32
    %dma_wait3A_30 = arith.constant 0 : i32
    %dma_wait3A_31 = tpu.memref_slice %arg3[%add3A, %dma_wait3A, %dma_wait3A_30] : memref<32x125x80xi32, #tpu.memory_space<hbm>> -> memref<1x125x80xi32, #tpu.memory_space<hbm>>
    %dma_wait3A_32 = tpu.memref_squeeze %dma_wait3A_31 : memref<1x125x80xi32, #tpu.memory_space<hbm>> -> memref<125x80xi32, #tpu.memory_space<hbm>>
    %dma_wait3A_33 = arith.constant 0 : i32
    %dma_wait3A_34 = arith.constant 0 : i32
    %dma_wait3A_35 = tpu.memref_slice %arg3[%add3A, %dma_wait3A_33, %dma_wait3A_34] : memref<32x125x80xi32, #tpu.memory_space<hbm>> -> memref<1x125x80xi32, #tpu.memory_space<hbm>>
    %dma_wait3A_36 = tpu.memref_squeeze %dma_wait3A_35 : memref<1x125x80xi32, #tpu.memory_space<hbm>> -> memref<125x80xi32, #tpu.memory_space<hbm>>
    tpu.wait_dma2 semaphore(%arg15 : memref<!tpu.dma_semaphore, #tpu.memory_space<semaphore_mem>>) src(%dma_wait3A_36 : memref<125x80xi32, #tpu.memory_space<hbm>>) dst(%arg6 : memref<125x80xi32, #tpu.memory_space<vmem>>)
    %dma_wait3A_37 = arith.constant 0 : i32
    %dma_wait3A_38 = arith.constant 0 : i32
    %dma_wait3A_39 = tpu.memref_slice %arg4[%add3A, %dma_wait3A_37, %dma_wait3A_38] : memref<32x125x80xi32, #tpu.memory_space<hbm>> -> memref<1x125x80xi32, #tpu.memory_space<hbm>>
    %dma_wait3A_40 = tpu.memref_squeeze %dma_wait3A_39 : memref<1x125x80xi32, #tpu.memory_space<hbm>> -> memref<125x80xi32, #tpu.memory_space<hbm>>
    %dma_wait3A_41 = arith.constant 0 : i32
    %dma_wait3A_42 = arith.constant 0 : i32
    %dma_wait3A_43 = tpu.memref_slice %arg4[%add3A, %dma_wait3A_41, %dma_wait3A_42] : memref<32x125x80xi32, #tpu.memory_space<hbm>> -> memref<1x125x80xi32, #tpu.memory_space<hbm>>
    %dma_wait3A_44 = tpu.memref_squeeze %dma_wait3A_43 : memref<1x125x80xi32, #tpu.memory_space<hbm>> -> memref<125x80xi32, #tpu.memory_space<hbm>>
    tpu.wait_dma2 semaphore(%arg16 : memref<!tpu.dma_semaphore, #tpu.memory_space<semaphore_mem>>) src(%dma_wait3A_44 : memref<125x80xi32, #tpu.memory_space<hbm>>) dst(%arg7 : memref<125x80xi32, #tpu.memory_space<vmem>>)
    %dma_start3A_45 = arith.constant 0 : i32
    %dma_start3A_46 = arith.constant 0 : i32
    %dma_start3A_47 = arith.constant 0 : i32
    %dma_start3A_48 = arith.constant 0 : i32
    %dma_start3A_49 = tpu.memref_slice %arg8[%dma_start3A_46, %dma_start3A_47, %dma_start3A_48] : memref<5x80x64xf32, #tpu.memory_space<vmem>> -> memref<1x80x64xf32, #tpu.memory_space<vmem>>
    %dma_start3A_50 = tpu.memref_squeeze %dma_start3A_49 : memref<1x80x64xf32, #tpu.memory_space<vmem>> -> memref<80x64xf32, #tpu.memory_space<vmem>>
    %dma_start3A_51 = arith.constant 0 : i32
    %dma_start3A_52 = tpu.memref_slice %arg6[%dma_start3A_45, %dma_start3A_51] : memref<125x80xi32, #tpu.memory_space<vmem>> -> memref<1x80xi32, #tpu.memory_space<vmem>>
    %dma_start3A_53 = tpu.memref_squeeze %dma_start3A_52 : memref<1x80xi32, #tpu.memory_space<vmem>> -> memref<80xi32, #tpu.memory_space<vmem>>
    %dma_start3A_54 = arith.constant 0 : i32
    %dma_start3A_55 = arith.constant 0 : i32
    %dma_start3A_56 = tpu.memref_slice %arg2[%dma_start3A_54, %dma_start3A_55] : memref<10000x64xf32, #tpu.memory_space<hbm>> -> memref<10000x64xf32, #tpu.memory_space<hbm>>
    tpu.enqueue_indirect_dma source(%dma_start3A_56 : memref<10000x64xf32, #tpu.memory_space<hbm>>) target(%dma_start3A_50 : memref<80x64xf32, #tpu.memory_space<vmem>>) offsets(%dma_start3A_53 : memref<80xi32, #tpu.memory_space<vmem>>) semaphore(%arg10 : memref<!tpu.dma_semaphore, #tpu.memory_space<semaphore_mem>>)
    %dma_start3A_57 = arith.constant 1 : i32
    %dma_start3A_58 = arith.constant 1 : i32
    %dma_start3A_59 = arith.constant 0 : i32
    %dma_start3A_60 = arith.constant 0 : i32
    %dma_start3A_61 = tpu.memref_slice %arg8[%dma_start3A_58, %dma_start3A_59, %dma_start3A_60] : memref<5x80x64xf32, #tpu.memory_space<vmem>> -> memref<1x80x64xf32, #tpu.memory_space<vmem>>
    %dma_start3A_62 = tpu.memref_squeeze %dma_start3A_61 : memref<1x80x64xf32, #tpu.memory_space<vmem>> -> memref<80x64xf32, #tpu.memory_space<vmem>>
    %dma_start3A_63 = arith.constant 0 : i32
    %dma_start3A_64 = tpu.memref_slice %arg6[%dma_start3A_57, %dma_start3A_63] : memref<125x80xi32, #tpu.memory_space<vmem>> -> memref<1x80xi32, #tpu.memory_space<vmem>>
    %dma_start3A_65 = tpu.memref_squeeze %dma_start3A_64 : memref<1x80xi32, #tpu.memory_space<vmem>> -> memref<80xi32, #tpu.memory_space<vmem>>
    %dma_start3A_66 = arith.constant 0 : i32
    %dma_start3A_67 = arith.constant 0 : i32
    %dma_start3A_68 = tpu.memref_slice %arg2[%dma_start3A_66, %dma_start3A_67] : memref<10000x64xf32, #tpu.memory_space<hbm>> -> memref<10000x64xf32, #tpu.memory_space<hbm>>
    tpu.enqueue_indirect_dma source(%dma_start3A_68 : memref<10000x64xf32, #tpu.memory_space<hbm>>) target(%dma_start3A_62 : memref<80x64xf32, #tpu.memory_space<vmem>>) offsets(%dma_start3A_65 : memref<80xi32, #tpu.memory_space<vmem>>) semaphore(%arg11 : memref<!tpu.dma_semaphore, #tpu.memory_space<semaphore_mem>>)
    %dma_start3A_69 = arith.constant 2 : i32
    %dma_start3A_70 = arith.constant 2 : i32
    %dma_start3A_71 = arith.constant 0 : i32
    %dma_start3A_72 = arith.constant 0 : i32
    %dma_start3A_73 = tpu.memref_slice %arg8[%dma_start3A_70, %dma_start3A_71, %dma_start3A_72] : memref<5x80x64xf32, #tpu.memory_space<vmem>> -> memref<1x80x64xf32, #tpu.memory_space<vmem>>
    %dma_start3A_74 = tpu.memref_squeeze %dma_start3A_73 : memref<1x80x64xf32, #tpu.memory_space<vmem>> -> memref<80x64xf32, #tpu.memory_space<vmem>>
    %dma_start3A_75 = arith.constant 0 : i32
    %dma_start3A_76 = tpu.memref_slice %arg6[%dma_start3A_69, %dma_start3A_75] : memref<125x80xi32, #tpu.memory_space<vmem>> -> memref<1x80xi32, #tpu.memory_space<vmem>>
    %dma_start3A_77 = tpu.memref_squeeze %dma_start3A_76 : memref<1x80xi32, #tpu.memory_space<vmem>> -> memref<80xi32, #tpu.memory_space<vmem>>
    %dma_start3A_78 = arith.constant 0 : i32
    %dma_start3A_79 = arith.constant 0 : i32
    %dma_start3A_80 = tpu.memref_slice %arg2[%dma_start3A_78, %dma_start3A_79] : memref<10000x64xf32, #tpu.memory_space<hbm>> -> memref<10000x64xf32, #tpu.memory_space<hbm>>
    tpu.enqueue_indirect_dma source(%dma_start3A_80 : memref<10000x64xf32, #tpu.memory_space<hbm>>) target(%dma_start3A_74 : memref<80x64xf32, #tpu.memory_space<vmem>>) offsets(%dma_start3A_77 : memref<80xi32, #tpu.memory_space<vmem>>) semaphore(%arg12 : memref<!tpu.dma_semaphore, #tpu.memory_space<semaphore_mem>>)
    %dma_start3A_81 = arith.constant 3 : i32
    %dma_start3A_82 = arith.constant 3 : i32
    %dma_start3A_83 = arith.constant 0 : i32
    %dma_start3A_84 = arith.constant 0 : i32
    %dma_start3A_85 = tpu.memref_slice %arg8[%dma_start3A_82, %dma_start3A_83, %dma_start3A_84] : memref<5x80x64xf32, #tpu.memory_space<vmem>> -> memref<1x80x64xf32, #tpu.memory_space<vmem>>
    %dma_start3A_86 = tpu.memref_squeeze %dma_start3A_85 : memref<1x80x64xf32, #tpu.memory_space<vmem>> -> memref<80x64xf32, #tpu.memory_space<vmem>>
    %dma_start3A_87 = arith.constant 0 : i32
    %dma_start3A_88 = tpu.memref_slice %arg6[%dma_start3A_81, %dma_start3A_87] : memref<125x80xi32, #tpu.memory_space<vmem>> -> memref<1x80xi32, #tpu.memory_space<vmem>>
    %dma_start3A_89 = tpu.memref_squeeze %dma_start3A_88 : memref<1x80xi32, #tpu.memory_space<vmem>> -> memref<80xi32, #tpu.memory_space<vmem>>
    %dma_start3A_90 = arith.constant 0 : i32
    %dma_start3A_91 = arith.constant 0 : i32
    %dma_start3A_92 = tpu.memref_slice %arg2[%dma_start3A_90, %dma_start3A_91] : memref<10000x64xf32, #tpu.memory_space<hbm>> -> memref<10000x64xf32, #tpu.memory_space<hbm>>
    tpu.enqueue_indirect_dma source(%dma_start3A_92 : memref<10000x64xf32, #tpu.memory_space<hbm>>) target(%dma_start3A_86 : memref<80x64xf32, #tpu.memory_space<vmem>>) offsets(%dma_start3A_89 : memref<80xi32, #tpu.memory_space<vmem>>) semaphore(%arg13 : memref<!tpu.dma_semaphore, #tpu.memory_space<semaphore_mem>>)
    %dma_start3A_93 = arith.constant 4 : i32
    %dma_start3A_94 = arith.constant 4 : i32
    %dma_start3A_95 = arith.constant 0 : i32
    %dma_start3A_96 = arith.constant 0 : i32
    %dma_start3A_97 = tpu.memref_slice %arg8[%dma_start3A_94, %dma_start3A_95, %dma_start3A_96] : memref<5x80x64xf32, #tpu.memory_space<vmem>> -> memref<1x80x64xf32, #tpu.memory_space<vmem>>
    %dma_start3A_98 = tpu.memref_squeeze %dma_start3A_97 : memref<1x80x64xf32, #tpu.memory_space<vmem>> -> memref<80x64xf32, #tpu.memory_space<vmem>>
    %dma_start3A_99 = arith.constant 0 : i32
    %dma_start3A_100 = tpu.memref_slice %arg6[%dma_start3A_93, %dma_start3A_99] : memref<125x80xi32, #tpu.memory_space<vmem>> -> memref<1x80xi32, #tpu.memory_space<vmem>>
    %dma_start3A_101 = tpu.memref_squeeze %dma_start3A_100 : memref<1x80xi32, #tpu.memory_space<vmem>> -> memref<80xi32, #tpu.memory_space<vmem>>
    %dma_start3A_102 = arith.constant 0 : i32
    %dma_start3A_103 = arith.constant 0 : i32
    %dma_start3A_104 = tpu.memref_slice %arg2[%dma_start3A_102, %dma_start3A_103] : memref<10000x64xf32, #tpu.memory_space<hbm>> -> memref<10000x64xf32, #tpu.memory_space<hbm>>
    tpu.enqueue_indirect_dma source(%dma_start3A_104 : memref<10000x64xf32, #tpu.memory_space<hbm>>) target(%dma_start3A_98 : memref<80x64xf32, #tpu.memory_space<vmem>>) offsets(%dma_start3A_101 : memref<80xi32, #tpu.memory_space<vmem>>) semaphore(%arg14 : memref<!tpu.dma_semaphore, #tpu.memory_space<semaphore_mem>>)
    %add3A_105 = arith.constant 0 : i32
    %add3A_106 = arith.addi %arg1, %add3A_105 : i32
    %mul3A_107 = arith.constant 400 : i32
    %mul3A_108 = arith.muli %add3A_106, %mul3A_107 : i32
    %mul3A_109 = arith.constant 400 : i32
    %mul3A_110 = arith.muli %add3A_106, %mul3A_109 : i32
    %dma_wait3A_111 = arith.constant 0 : i32
    %dma_wait3A_112 = tpu.memref_slice %arg9[%mul3A_110, %dma_wait3A_111] : memref<10400x64xf32, #tpu.memory_space<vmem_shared>> -> memref<400x64xf32, #tpu.memory_space<vmem_shared>>
    %dma_wait3A_113 = arith.constant 0 : i32
    %dma_wait3A_114 = tpu.memref_slice %arg2[%mul3A_108, %dma_wait3A_113] : memref<10000x64xf32, #tpu.memory_space<hbm>> -> memref<400x64xf32, #tpu.memory_space<hbm>>
    tpu.wait_dma2 semaphore(%arg17 : memref<!tpu.dma_semaphore, #tpu.memory_space<semaphore_mem>>) src(%dma_wait3A_114 : memref<400x64xf32, #tpu.memory_space<hbm>>) dst(%dma_wait3A_112 : memref<400x64xf32, #tpu.memory_space<vmem_shared>>)
    %add3A_115 = arith.constant 16 : i32
    %add3A_116 = arith.addi %arg1, %add3A_115 : i32
    %lt3A_117 = arith.constant 25 : i32
    %lt3A_118 = arith.cmpi slt, %add3A_116, %lt3A_117 : i32
    %convert_element_type3A_119 = arith.extui %lt3A_118 : i1 to i32
    %cond3A_120 = arith.constant 0 : i32
    %cond3A_121 = arith.cmpi ne, %convert_element_type3A_119, %cond3A_120 : i32
    scf.if %cond3A_121 {
      %mul3A_176 = arith.constant 400 : i32
      %mul3A_177 = arith.muli %add3A_116, %mul3A_176 : i32
      %mul3A_178 = arith.constant 400 : i32
      %mul3A_179 = arith.muli %add3A_116, %mul3A_178 : i32
      %dma_wait3A_180 = arith.constant 0 : i32
      %dma_wait3A_181 = tpu.memref_slice %arg9[%mul3A_179, %dma_wait3A_180] : memref<10400x64xf32, #tpu.memory_space<vmem_shared>> -> memref<400x64xf32, #tpu.memory_space<vmem_shared>>
      %dma_wait3A_182 = arith.constant 0 : i32
      %dma_wait3A_183 = tpu.memref_slice %arg2[%mul3A_177, %dma_wait3A_182] : memref<10000x64xf32, #tpu.memory_space<hbm>> -> memref<400x64xf32, #tpu.memory_space<hbm>>
      tpu.wait_dma2 semaphore(%arg18 : memref<!tpu.dma_semaphore, #tpu.memory_space<semaphore_mem>>) src(%dma_wait3A_183 : memref<400x64xf32, #tpu.memory_space<hbm>>) dst(%dma_wait3A_181 : memref<400x64xf32, #tpu.memory_space<vmem_shared>>)
    } else {
    }
    %barrier3A = arith.constant 0 : index
    tpu.barrier barrier_id(%barrier3A)
    %scan3A = arith.constant 0 : i32
    %scan3A_122 = arith.constant 0 : i32
    %scan3A_123 = arith.constant 25 : i32
    %scan3A_124 = arith.addi %scan3A_122, %scan3A_123 : i32
    %scan3A_125 = arith.constant 1 : i32
    scf.for %scan3A_176 = %scan3A_122 to %scan3A_124 step %scan3A_125  : i32 {
      %mul3A_177 = arith.constant 5 : i32
      %mul3A_178 = arith.muli %scan3A_176, %mul3A_177 : i32
      %add3A_179 = arith.constant 0 : i32
      %add3A_180 = arith.addi %mul3A_178, %add3A_179 : i32
      %dma_wait3A_181 = arith.constant 0 : i32
      %dma_wait3A_182 = arith.constant 0 : i32
      %dma_wait3A_183 = arith.constant 0 : i32
      %dma_wait3A_184 = tpu.memref_slice %arg8[%dma_wait3A_181, %dma_wait3A_182, %dma_wait3A_183] : memref<5x80x64xf32, #tpu.memory_space<vmem>> -> memref<1x80x64xf32, #tpu.memory_space<vmem>>
      %dma_wait3A_185 = tpu.memref_squeeze %dma_wait3A_184 : memref<1x80x64xf32, #tpu.memory_space<vmem>> -> memref<80x64xf32, #tpu.memory_space<vmem>>
      %dma_wait3A_186 = arith.constant 0 : i32
      %dma_wait3A_187 = tpu.memref_slice %arg6[%add3A_180, %dma_wait3A_186] : memref<125x80xi32, #tpu.memory_space<vmem>> -> memref<1x80xi32, #tpu.memory_space<vmem>>
      %dma_wait3A_188 = tpu.memref_squeeze %dma_wait3A_187 : memref<1x80xi32, #tpu.memory_space<vmem>> -> memref<80xi32, #tpu.memory_space<vmem>>
      %dma_wait3A_189 = arith.constant 0 : i32
      %dma_wait3A_190 = arith.constant 0 : i32
      %dma_wait3A_191 = tpu.memref_slice %arg2[%dma_wait3A_189, %dma_wait3A_190] : memref<10000x64xf32, #tpu.memory_space<hbm>> -> memref<10000x64xf32, #tpu.memory_space<hbm>>
      tpu.wait_indirect_dma semaphore(%arg10 : memref<!tpu.dma_semaphore, #tpu.memory_space<semaphore_mem>>) src(%dma_wait3A_191 : memref<10000x64xf32, #tpu.memory_space<hbm>>) dst(%dma_wait3A_185 : memref<80x64xf32, #tpu.memory_space<vmem>>)
      %dma_start3A_192 = arith.constant 0 : i32
      %dma_start3A_193 = arith.constant 0 : i32
      %dma_start3A_194 = arith.constant 0 : i32
      %dma_start3A_195 = tpu.memref_slice %arg8[%dma_start3A_192, %dma_start3A_193, %dma_start3A_194] : memref<5x80x64xf32, #tpu.memory_space<vmem>> -> memref<1x80x64xf32, #tpu.memory_space<vmem>>
      %dma_start3A_196 = tpu.memref_squeeze %dma_start3A_195 : memref<1x80x64xf32, #tpu.memory_space<vmem>> -> memref<80x64xf32, #tpu.memory_space<vmem>>
      %dma_start3A_197 = arith.constant 0 : i32
      %dma_start3A_198 = tpu.memref_slice %arg7[%add3A_180, %dma_start3A_197] : memref<125x80xi32, #tpu.memory_space<vmem>> -> memref<1x80xi32, #tpu.memory_space<vmem>>
      %dma_start3A_199 = tpu.memref_squeeze %dma_start3A_198 : memref<1x80xi32, #tpu.memory_space<vmem>> -> memref<80xi32, #tpu.memory_space<vmem>>
      %dma_start3A_200 = arith.constant 0 : i32
      %dma_start3A_201 = arith.constant 0 : i32
      %dma_start3A_202 = tpu.memref_slice %arg9[%dma_start3A_200, %dma_start3A_201] : memref<10400x64xf32, #tpu.memory_space<vmem_shared>> -> memref<10400x64xf32, #tpu.memory_space<vmem_shared>>
      tpu.enqueue_indirect_dma source(%dma_start3A_196 : memref<80x64xf32, #tpu.memory_space<vmem>>) target(%dma_start3A_202 : memref<10400x64xf32, #tpu.memory_space<vmem_shared>>) offsets(%dma_start3A_199 : memref<80xi32, #tpu.memory_space<vmem>>) semaphore(%arg15 : memref<!tpu.dma_semaphore, #tpu.memory_space<semaphore_mem>>) {add = true}
      %sub3A = arith.constant 1 : i32
      %sub3A_203 = arith.subi %add3A_180, %sub3A : i32
      %ge3A = arith.constant 0 : i32
      %ge3A_204 = arith.cmpi sge, %sub3A_203, %ge3A : i32
      %convert_element_type3A_205 = arith.extui %ge3A_204 : i1 to i32
      %cond3A_206 = arith.constant 0 : i32
      %cond3A_207 = arith.cmpi ne, %convert_element_type3A_205, %cond3A_206 : i32
      scf.if %cond3A_207 {
        %dma_wait3A_340 = arith.constant 4 : i32
        %dma_wait3A_341 = arith.constant 0 : i32
        %dma_wait3A_342 = arith.constant 0 : i32
        %dma_wait3A_343 = tpu.memref_slice %arg8[%dma_wait3A_340, %dma_wait3A_341, %dma_wait3A_342] : memref<5x80x64xf32, #tpu.memory_space<vmem>> -> memref<1x80x64xf32, #tpu.memory_space<vmem>>
        %dma_wait3A_344 = tpu.memref_squeeze %dma_wait3A_343 : memref<1x80x64xf32, #tpu.memory_space<vmem>> -> memref<80x64xf32, #tpu.memory_space<vmem>>
        %dma_wait3A_345 = arith.constant 0 : i32
        %dma_wait3A_346 = tpu.memref_slice %arg7[%sub3A_203, %dma_wait3A_345] : memref<125x80xi32, #tpu.memory_space<vmem>> -> memref<1x80xi32, #tpu.memory_space<vmem>>
        %dma_wait3A_347 = tpu.memref_squeeze %dma_wait3A_346 : memref<1x80xi32, #tpu.memory_space<vmem>> -> memref<80xi32, #tpu.memory_space<vmem>>
        %dma_wait3A_348 = arith.constant 0 : i32
        %dma_wait3A_349 = arith.constant 0 : i32
        %dma_wait3A_350 = tpu.memref_slice %arg9[%dma_wait3A_348, %dma_wait3A_349] : memref<10400x64xf32, #tpu.memory_space<vmem_shared>> -> memref<10400x64xf32, #tpu.memory_space<vmem_shared>>
        tpu.wait_indirect_dma semaphore(%arg19 : memref<!tpu.dma_semaphore, #tpu.memory_space<semaphore_mem>>) src(%dma_wait3A_344 : memref<80x64xf32, #tpu.memory_space<vmem>>) dst(%dma_wait3A_350 : memref<10400x64xf32, #tpu.memory_space<vmem_shared>>)
        %add3A_351 = arith.constant 5 : i32
        %add3A_352 = arith.addi %sub3A_203, %add3A_351 : i32
        %lt3A_353 = arith.constant 125 : i32
        %lt3A_354 = arith.cmpi slt, %add3A_352, %lt3A_353 : i32
        %convert_element_type3A_355 = arith.extui %lt3A_354 : i1 to i32
        %cond3A_356 = arith.constant 0 : i32
        %cond3A_357 = arith.cmpi ne, %convert_element_type3A_355, %cond3A_356 : i32
        scf.if %cond3A_357 {
          %add3A_358 = arith.constant 5 : i32
          %add3A_359 = arith.addi %sub3A_203, %add3A_358 : i32
          %dma_start3A_360 = arith.constant 4 : i32
          %dma_start3A_361 = arith.constant 0 : i32
          %dma_start3A_362 = arith.constant 0 : i32
          %dma_start3A_363 = tpu.memref_slice %arg8[%dma_start3A_360, %dma_start3A_361, %dma_start3A_362] : memref<5x80x64xf32, #tpu.memory_space<vmem>> -> memref<1x80x64xf32, #tpu.memory_space<vmem>>
          %dma_start3A_364 = tpu.memref_squeeze %dma_start3A_363 : memref<1x80x64xf32, #tpu.memory_space<vmem>> -> memref<80x64xf32, #tpu.memory_space<vmem>>
          %dma_start3A_365 = arith.constant 0 : i32
          %dma_start3A_366 = tpu.memref_slice %arg6[%add3A_359, %dma_start3A_365] : memref<125x80xi32, #tpu.memory_space<vmem>> -> memref<1x80xi32, #tpu.memory_space<vmem>>
          %dma_start3A_367 = tpu.memref_squeeze %dma_start3A_366 : memref<1x80xi32, #tpu.memory_space<vmem>> -> memref<80xi32, #tpu.memory_space<vmem>>
          %dma_start3A_368 = arith.constant 0 : i32
          %dma_start3A_369 = arith.constant 0 : i32
          %dma_start3A_370 = tpu.memref_slice %arg2[%dma_start3A_368, %dma_start3A_369] : memref<10000x64xf32, #tpu.memory_space<hbm>> -> memref<10000x64xf32, #tpu.memory_space<hbm>>
          tpu.enqueue_indirect_dma source(%dma_start3A_370 : memref<10000x64xf32, #tpu.memory_space<hbm>>) target(%dma_start3A_364 : memref<80x64xf32, #tpu.memory_space<vmem>>) offsets(%dma_start3A_367 : memref<80xi32, #tpu.memory_space<vmem>>) semaphore(%arg14 : memref<!tpu.dma_semaphore, #tpu.memory_space<semaphore_mem>>)
        } else {
        }
      } else {
      }
      %mul3A_208 = arith.constant 5 : i32
      %mul3A_209 = arith.muli %scan3A_176, %mul3A_208 : i32
      %add3A_210 = arith.constant 1 : i32
      %add3A_211 = arith.addi %mul3A_209, %add3A_210 : i32
      %dma_wait3A_212 = arith.constant 1 : i32
      %dma_wait3A_213 = arith.constant 0 : i32
      %dma_wait3A_214 = arith.constant 0 : i32
      %dma_wait3A_215 = tpu.memref_slice %arg8[%dma_wait3A_212, %dma_wait3A_213, %dma_wait3A_214] : memref<5x80x64xf32, #tpu.memory_space<vmem>> -> memref<1x80x64xf32, #tpu.memory_space<vmem>>
      %dma_wait3A_216 = tpu.memref_squeeze %dma_wait3A_215 : memref<1x80x64xf32, #tpu.memory_space<vmem>> -> memref<80x64xf32, #tpu.memory_space<vmem>>
      %dma_wait3A_217 = arith.constant 0 : i32
      %dma_wait3A_218 = tpu.memref_slice %arg6[%add3A_211, %dma_wait3A_217] : memref<125x80xi32, #tpu.memory_space<vmem>> -> memref<1x80xi32, #tpu.memory_space<vmem>>
      %dma_wait3A_219 = tpu.memref_squeeze %dma_wait3A_218 : memref<1x80xi32, #tpu.memory_space<vmem>> -> memref<80xi32, #tpu.memory_space<vmem>>
      %dma_wait3A_220 = arith.constant 0 : i32
      %dma_wait3A_221 = arith.constant 0 : i32
      %dma_wait3A_222 = tpu.memref_slice %arg2[%dma_wait3A_220, %dma_wait3A_221] : memref<10000x64xf32, #tpu.memory_space<hbm>> -> memref<10000x64xf32, #tpu.memory_space<hbm>>
      tpu.wait_indirect_dma semaphore(%arg11 : memref<!tpu.dma_semaphore, #tpu.memory_space<semaphore_mem>>) src(%dma_wait3A_222 : memref<10000x64xf32, #tpu.memory_space<hbm>>) dst(%dma_wait3A_216 : memref<80x64xf32, #tpu.memory_space<vmem>>)
      %dma_start3A_223 = arith.constant 1 : i32
      %dma_start3A_224 = arith.constant 0 : i32
      %dma_start3A_225 = arith.constant 0 : i32
      %dma_start3A_226 = tpu.memref_slice %arg8[%dma_start3A_223, %dma_start3A_224, %dma_start3A_225] : memref<5x80x64xf32, #tpu.memory_space<vmem>> -> memref<1x80x64xf32, #tpu.memory_space<vmem>>
      %dma_start3A_227 = tpu.memref_squeeze %dma_start3A_226 : memref<1x80x64xf32, #tpu.memory_space<vmem>> -> memref<80x64xf32, #tpu.memory_space<vmem>>
      %dma_start3A_228 = arith.constant 0 : i32
      %dma_start3A_229 = tpu.memref_slice %arg7[%add3A_211, %dma_start3A_228] : memref<125x80xi32, #tpu.memory_space<vmem>> -> memref<1x80xi32, #tpu.memory_space<vmem>>
      %dma_start3A_230 = tpu.memref_squeeze %dma_start3A_229 : memref<1x80xi32, #tpu.memory_space<vmem>> -> memref<80xi32, #tpu.memory_space<vmem>>
      %dma_start3A_231 = arith.constant 0 : i32
      %dma_start3A_232 = arith.constant 0 : i32
      %dma_start3A_233 = tpu.memref_slice %arg9[%dma_start3A_231, %dma_start3A_232] : memref<10400x64xf32, #tpu.memory_space<vmem_shared>> -> memref<10400x64xf32, #tpu.memory_space<vmem_shared>>
      tpu.enqueue_indirect_dma source(%dma_start3A_227 : memref<80x64xf32, #tpu.memory_space<vmem>>) target(%dma_start3A_233 : memref<10400x64xf32, #tpu.memory_space<vmem_shared>>) offsets(%dma_start3A_230 : memref<80xi32, #tpu.memory_space<vmem>>) semaphore(%arg16 : memref<!tpu.dma_semaphore, #tpu.memory_space<semaphore_mem>>) {add = true}
      %sub3A_234 = arith.constant 1 : i32
      %sub3A_235 = arith.subi %add3A_211, %sub3A_234 : i32
      %ge3A_236 = arith.constant 0 : i32
      %ge3A_237 = arith.cmpi sge, %sub3A_235, %ge3A_236 : i32
      %convert_element_type3A_238 = arith.extui %ge3A_237 : i1 to i32
      %cond3A_239 = arith.constant 0 : i32
      %cond3A_240 = arith.cmpi ne, %convert_element_type3A_238, %cond3A_239 : i32
      scf.if %cond3A_240 {
        %dma_wait3A_340 = arith.constant 0 : i32
        %dma_wait3A_341 = arith.constant 0 : i32
        %dma_wait3A_342 = arith.constant 0 : i32
        %dma_wait3A_343 = tpu.memref_slice %arg8[%dma_wait3A_340, %dma_wait3A_341, %dma_wait3A_342] : memref<5x80x64xf32, #tpu.memory_space<vmem>> -> memref<1x80x64xf32, #tpu.memory_space<vmem>>
        %dma_wait3A_344 = tpu.memref_squeeze %dma_wait3A_343 : memref<1x80x64xf32, #tpu.memory_space<vmem>> -> memref<80x64xf32, #tpu.memory_space<vmem>>
        %dma_wait3A_345 = arith.constant 0 : i32
        %dma_wait3A_346 = tpu.memref_slice %arg7[%sub3A_235, %dma_wait3A_345] : memref<125x80xi32, #tpu.memory_space<vmem>> -> memref<1x80xi32, #tpu.memory_space<vmem>>
        %dma_wait3A_347 = tpu.memref_squeeze %dma_wait3A_346 : memref<1x80xi32, #tpu.memory_space<vmem>> -> memref<80xi32, #tpu.memory_space<vmem>>
        %dma_wait3A_348 = arith.constant 0 : i32
        %dma_wait3A_349 = arith.constant 0 : i32
        %dma_wait3A_350 = tpu.memref_slice %arg9[%dma_wait3A_348, %dma_wait3A_349] : memref<10400x64xf32, #tpu.memory_space<vmem_shared>> -> memref<10400x64xf32, #tpu.memory_space<vmem_shared>>
        tpu.wait_indirect_dma semaphore(%arg15 : memref<!tpu.dma_semaphore, #tpu.memory_space<semaphore_mem>>) src(%dma_wait3A_344 : memref<80x64xf32, #tpu.memory_space<vmem>>) dst(%dma_wait3A_350 : memref<10400x64xf32, #tpu.memory_space<vmem_shared>>)
        %add3A_351 = arith.constant 5 : i32
        %add3A_352 = arith.addi %sub3A_235, %add3A_351 : i32
        %lt3A_353 = arith.constant 125 : i32
        %lt3A_354 = arith.cmpi slt, %add3A_352, %lt3A_353 : i32
        %convert_element_type3A_355 = arith.extui %lt3A_354 : i1 to i32
        %cond3A_356 = arith.constant 0 : i32
        %cond3A_357 = arith.cmpi ne, %convert_element_type3A_355, %cond3A_356 : i32
        scf.if %cond3A_357 {
          %add3A_358 = arith.constant 5 : i32
          %add3A_359 = arith.addi %sub3A_235, %add3A_358 : i32
          %dma_start3A_360 = arith.constant 0 : i32
          %dma_start3A_361 = arith.constant 0 : i32
          %dma_start3A_362 = arith.constant 0 : i32
          %dma_start3A_363 = tpu.memref_slice %arg8[%dma_start3A_360, %dma_start3A_361, %dma_start3A_362] : memref<5x80x64xf32, #tpu.memory_space<vmem>> -> memref<1x80x64xf32, #tpu.memory_space<vmem>>
          %dma_start3A_364 = tpu.memref_squeeze %dma_start3A_363 : memref<1x80x64xf32, #tpu.memory_space<vmem>> -> memref<80x64xf32, #tpu.memory_space<vmem>>
          %dma_start3A_365 = arith.constant 0 : i32
          %dma_start3A_366 = tpu.memref_slice %arg6[%add3A_359, %dma_start3A_365] : memref<125x80xi32, #tpu.memory_space<vmem>> -> memref<1x80xi32, #tpu.memory_space<vmem>>
          %dma_start3A_367 = tpu.memref_squeeze %dma_start3A_366 : memref<1x80xi32, #tpu.memory_space<vmem>> -> memref<80xi32, #tpu.memory_space<vmem>>
          %dma_start3A_368 = arith.constant 0 : i32
          %dma_start3A_369 = arith.constant 0 : i32
          %dma_start3A_370 = tpu.memref_slice %arg2[%dma_start3A_368, %dma_start3A_369] : memref<10000x64xf32, #tpu.memory_space<hbm>> -> memref<10000x64xf32, #tpu.memory_space<hbm>>
          tpu.enqueue_indirect_dma source(%dma_start3A_370 : memref<10000x64xf32, #tpu.memory_space<hbm>>) target(%dma_start3A_364 : memref<80x64xf32, #tpu.memory_space<vmem>>) offsets(%dma_start3A_367 : memref<80xi32, #tpu.memory_space<vmem>>) semaphore(%arg10 : memref<!tpu.dma_semaphore, #tpu.memory_space<semaphore_mem>>)
        } else {
        }
      } else {
      }
      %mul3A_241 = arith.constant 5 : i32
      %mul3A_242 = arith.muli %scan3A_176, %mul3A_241 : i32
      %add3A_243 = arith.constant 2 : i32
      %add3A_244 = arith.addi %mul3A_242, %add3A_243 : i32
      %dma_wait3A_245 = arith.constant 2 : i32
      %dma_wait3A_246 = arith.constant 0 : i32
      %dma_wait3A_247 = arith.constant 0 : i32
      %dma_wait3A_248 = tpu.memref_slice %arg8[%dma_wait3A_245, %dma_wait3A_246, %dma_wait3A_247] : memref<5x80x64xf32, #tpu.memory_space<vmem>> -> memref<1x80x64xf32, #tpu.memory_space<vmem>>
      %dma_wait3A_249 = tpu.memref_squeeze %dma_wait3A_248 : memref<1x80x64xf32, #tpu.memory_space<vmem>> -> memref<80x64xf32, #tpu.memory_space<vmem>>
      %dma_wait3A_250 = arith.constant 0 : i32
      %dma_wait3A_251 = tpu.memref_slice %arg6[%add3A_244, %dma_wait3A_250] : memref<125x80xi32, #tpu.memory_space<vmem>> -> memref<1x80xi32, #tpu.memory_space<vmem>>
      %dma_wait3A_252 = tpu.memref_squeeze %dma_wait3A_251 : memref<1x80xi32, #tpu.memory_space<vmem>> -> memref<80xi32, #tpu.memory_space<vmem>>
      %dma_wait3A_253 = arith.constant 0 : i32
      %dma_wait3A_254 = arith.constant 0 : i32
      %dma_wait3A_255 = tpu.memref_slice %arg2[%dma_wait3A_253, %dma_wait3A_254] : memref<10000x64xf32, #tpu.memory_space<hbm>> -> memref<10000x64xf32, #tpu.memory_space<hbm>>
      tpu.wait_indirect_dma semaphore(%arg12 : memref<!tpu.dma_semaphore, #tpu.memory_space<semaphore_mem>>) src(%dma_wait3A_255 : memref<10000x64xf32, #tpu.memory_space<hbm>>) dst(%dma_wait3A_249 : memref<80x64xf32, #tpu.memory_space<vmem>>)
      %dma_start3A_256 = arith.constant 2 : i32
      %dma_start3A_257 = arith.constant 0 : i32
      %dma_start3A_258 = arith.constant 0 : i32
      %dma_start3A_259 = tpu.memref_slice %arg8[%dma_start3A_256, %dma_start3A_257, %dma_start3A_258] : memref<5x80x64xf32, #tpu.memory_space<vmem>> -> memref<1x80x64xf32, #tpu.memory_space<vmem>>
      %dma_start3A_260 = tpu.memref_squeeze %dma_start3A_259 : memref<1x80x64xf32, #tpu.memory_space<vmem>> -> memref<80x64xf32, #tpu.memory_space<vmem>>
      %dma_start3A_261 = arith.constant 0 : i32
      %dma_start3A_262 = tpu.memref_slice %arg7[%add3A_244, %dma_start3A_261] : memref<125x80xi32, #tpu.memory_space<vmem>> -> memref<1x80xi32, #tpu.memory_space<vmem>>
      %dma_start3A_263 = tpu.memref_squeeze %dma_start3A_262 : memref<1x80xi32, #tpu.memory_space<vmem>> -> memref<80xi32, #tpu.memory_space<vmem>>
      %dma_start3A_264 = arith.constant 0 : i32
      %dma_start3A_265 = arith.constant 0 : i32
      %dma_start3A_266 = tpu.memref_slice %arg9[%dma_start3A_264, %dma_start3A_265] : memref<10400x64xf32, #tpu.memory_space<vmem_shared>> -> memref<10400x64xf32, #tpu.memory_space<vmem_shared>>
      tpu.enqueue_indirect_dma source(%dma_start3A_260 : memref<80x64xf32, #tpu.memory_space<vmem>>) target(%dma_start3A_266 : memref<10400x64xf32, #tpu.memory_space<vmem_shared>>) offsets(%dma_start3A_263 : memref<80xi32, #tpu.memory_space<vmem>>) semaphore(%arg17 : memref<!tpu.dma_semaphore, #tpu.memory_space<semaphore_mem>>) {add = true}
      %sub3A_267 = arith.constant 1 : i32
      %sub3A_268 = arith.subi %add3A_244, %sub3A_267 : i32
      %ge3A_269 = arith.constant 0 : i32
      %ge3A_270 = arith.cmpi sge, %sub3A_268, %ge3A_269 : i32
      %convert_element_type3A_271 = arith.extui %ge3A_270 : i1 to i32
      %cond3A_272 = arith.constant 0 : i32
      %cond3A_273 = arith.cmpi ne, %convert_element_type3A_271, %cond3A_272 : i32
      scf.if %cond3A_273 {
        %dma_wait3A_340 = arith.constant 1 : i32
        %dma_wait3A_341 = arith.constant 0 : i32
        %dma_wait3A_342 = arith.constant 0 : i32
        %dma_wait3A_343 = tpu.memref_slice %arg8[%dma_wait3A_340, %dma_wait3A_341, %dma_wait3A_342] : memref<5x80x64xf32, #tpu.memory_space<vmem>> -> memref<1x80x64xf32, #tpu.memory_space<vmem>>
        %dma_wait3A_344 = tpu.memref_squeeze %dma_wait3A_343 : memref<1x80x64xf32, #tpu.memory_space<vmem>> -> memref<80x64xf32, #tpu.memory_space<vmem>>
        %dma_wait3A_345 = arith.constant 0 : i32
        %dma_wait3A_346 = tpu.memref_slice %arg7[%sub3A_268, %dma_wait3A_345] : memref<125x80xi32, #tpu.memory_space<vmem>> -> memref<1x80xi32, #tpu.memory_space<vmem>>
        %dma_wait3A_347 = tpu.memref_squeeze %dma_wait3A_346 : memref<1x80xi32, #tpu.memory_space<vmem>> -> memref<80xi32, #tpu.memory_space<vmem>>
        %dma_wait3A_348 = arith.constant 0 : i32
        %dma_wait3A_349 = arith.constant 0 : i32
        %dma_wait3A_350 = tpu.memref_slice %arg9[%dma_wait3A_348, %dma_wait3A_349] : memref<10400x64xf32, #tpu.memory_space<vmem_shared>> -> memref<10400x64xf32, #tpu.memory_space<vmem_shared>>
        tpu.wait_indirect_dma semaphore(%arg16 : memref<!tpu.dma_semaphore, #tpu.memory_space<semaphore_mem>>) src(%dma_wait3A_344 : memref<80x64xf32, #tpu.memory_space<vmem>>) dst(%dma_wait3A_350 : memref<10400x64xf32, #tpu.memory_space<vmem_shared>>)
        %add3A_351 = arith.constant 5 : i32
        %add3A_352 = arith.addi %sub3A_268, %add3A_351 : i32
        %lt3A_353 = arith.constant 125 : i32
        %lt3A_354 = arith.cmpi slt, %add3A_352, %lt3A_353 : i32
        %convert_element_type3A_355 = arith.extui %lt3A_354 : i1 to i32
        %cond3A_356 = arith.constant 0 : i32
        %cond3A_357 = arith.cmpi ne, %convert_element_type3A_355, %cond3A_356 : i32
        scf.if %cond3A_357 {
          %add3A_358 = arith.constant 5 : i32
          %add3A_359 = arith.addi %sub3A_268, %add3A_358 : i32
          %dma_start3A_360 = arith.constant 1 : i32
          %dma_start3A_361 = arith.constant 0 : i32
          %dma_start3A_362 = arith.constant 0 : i32
          %dma_start3A_363 = tpu.memref_slice %arg8[%dma_start3A_360, %dma_start3A_361, %dma_start3A_362] : memref<5x80x64xf32, #tpu.memory_space<vmem>> -> memref<1x80x64xf32, #tpu.memory_space<vmem>>
          %dma_start3A_364 = tpu.memref_squeeze %dma_start3A_363 : memref<1x80x64xf32, #tpu.memory_space<vmem>> -> memref<80x64xf32, #tpu.memory_space<vmem>>
          %dma_start3A_365 = arith.constant 0 : i32
          %dma_start3A_366 = tpu.memref_slice %arg6[%add3A_359, %dma_start3A_365] : memref<125x80xi32, #tpu.memory_space<vmem>> -> memref<1x80xi32, #tpu.memory_space<vmem>>
          %dma_start3A_367 = tpu.memref_squeeze %dma_start3A_366 : memref<1x80xi32, #tpu.memory_space<vmem>> -> memref<80xi32, #tpu.memory_space<vmem>>
          %dma_start3A_368 = arith.constant 0 : i32
          %dma_start3A_369 = arith.constant 0 : i32
          %dma_start3A_370 = tpu.memref_slice %arg2[%dma_start3A_368, %dma_start3A_369] : memref<10000x64xf32, #tpu.memory_space<hbm>> -> memref<10000x64xf32, #tpu.memory_space<hbm>>
          tpu.enqueue_indirect_dma source(%dma_start3A_370 : memref<10000x64xf32, #tpu.memory_space<hbm>>) target(%dma_start3A_364 : memref<80x64xf32, #tpu.memory_space<vmem>>) offsets(%dma_start3A_367 : memref<80xi32, #tpu.memory_space<vmem>>) semaphore(%arg11 : memref<!tpu.dma_semaphore, #tpu.memory_space<semaphore_mem>>)
        } else {
        }
      } else {
      }
      %mul3A_274 = arith.constant 5 : i32
      %mul3A_275 = arith.muli %scan3A_176, %mul3A_274 : i32
      %add3A_276 = arith.constant 3 : i32
      %add3A_277 = arith.addi %mul3A_275, %add3A_276 : i32
      %dma_wait3A_278 = arith.constant 3 : i32
      %dma_wait3A_279 = arith.constant 0 : i32
      %dma_wait3A_280 = arith.constant 0 : i32
      %dma_wait3A_281 = tpu.memref_slice %arg8[%dma_wait3A_278, %dma_wait3A_279, %dma_wait3A_280] : memref<5x80x64xf32, #tpu.memory_space<vmem>> -> memref<1x80x64xf32, #tpu.memory_space<vmem>>
      %dma_wait3A_282 = tpu.memref_squeeze %dma_wait3A_281 : memref<1x80x64xf32, #tpu.memory_space<vmem>> -> memref<80x64xf32, #tpu.memory_space<vmem>>
      %dma_wait3A_283 = arith.constant 0 : i32
      %dma_wait3A_284 = tpu.memref_slice %arg6[%add3A_277, %dma_wait3A_283] : memref<125x80xi32, #tpu.memory_space<vmem>> -> memref<1x80xi32, #tpu.memory_space<vmem>>
      %dma_wait3A_285 = tpu.memref_squeeze %dma_wait3A_284 : memref<1x80xi32, #tpu.memory_space<vmem>> -> memref<80xi32, #tpu.memory_space<vmem>>
      %dma_wait3A_286 = arith.constant 0 : i32
      %dma_wait3A_287 = arith.constant 0 : i32
      %dma_wait3A_288 = tpu.memref_slice %arg2[%dma_wait3A_286, %dma_wait3A_287] : memref<10000x64xf32, #tpu.memory_space<hbm>> -> memref<10000x64xf32, #tpu.memory_space<hbm>>
      tpu.wait_indirect_dma semaphore(%arg13 : memref<!tpu.dma_semaphore, #tpu.memory_space<semaphore_mem>>) src(%dma_wait3A_288 : memref<10000x64xf32, #tpu.memory_space<hbm>>) dst(%dma_wait3A_282 : memref<80x64xf32, #tpu.memory_space<vmem>>)
      %dma_start3A_289 = arith.constant 3 : i32
      %dma_start3A_290 = arith.constant 0 : i32
      %dma_start3A_291 = arith.constant 0 : i32
      %dma_start3A_292 = tpu.memref_slice %arg8[%dma_start3A_289, %dma_start3A_290, %dma_start3A_291] : memref<5x80x64xf32, #tpu.memory_space<vmem>> -> memref<1x80x64xf32, #tpu.memory_space<vmem>>
      %dma_start3A_293 = tpu.memref_squeeze %dma_start3A_292 : memref<1x80x64xf32, #tpu.memory_space<vmem>> -> memref<80x64xf32, #tpu.memory_space<vmem>>
      %dma_start3A_294 = arith.constant 0 : i32
      %dma_start3A_295 = tpu.memref_slice %arg7[%add3A_277, %dma_start3A_294] : memref<125x80xi32, #tpu.memory_space<vmem>> -> memref<1x80xi32, #tpu.memory_space<vmem>>
      %dma_start3A_296 = tpu.memref_squeeze %dma_start3A_295 : memref<1x80xi32, #tpu.memory_space<vmem>> -> memref<80xi32, #tpu.memory_space<vmem>>
      %dma_start3A_297 = arith.constant 0 : i32
      %dma_start3A_298 = arith.constant 0 : i32
      %dma_start3A_299 = tpu.memref_slice %arg9[%dma_start3A_297, %dma_start3A_298] : memref<10400x64xf32, #tpu.memory_space<vmem_shared>> -> memref<10400x64xf32, #tpu.memory_space<vmem_shared>>
      tpu.enqueue_indirect_dma source(%dma_start3A_293 : memref<80x64xf32, #tpu.memory_space<vmem>>) target(%dma_start3A_299 : memref<10400x64xf32, #tpu.memory_space<vmem_shared>>) offsets(%dma_start3A_296 : memref<80xi32, #tpu.memory_space<vmem>>) semaphore(%arg18 : memref<!tpu.dma_semaphore, #tpu.memory_space<semaphore_mem>>) {add = true}
      %sub3A_300 = arith.constant 1 : i32
      %sub3A_301 = arith.subi %add3A_277, %sub3A_300 : i32
      %ge3A_302 = arith.constant 0 : i32
      %ge3A_303 = arith.cmpi sge, %sub3A_301, %ge3A_302 : i32
      %convert_element_type3A_304 = arith.extui %ge3A_303 : i1 to i32
      %cond3A_305 = arith.constant 0 : i32
      %cond3A_306 = arith.cmpi ne, %convert_element_type3A_304, %cond3A_305 : i32
      scf.if %cond3A_306 {
        %dma_wait3A_340 = arith.constant 2 : i32
        %dma_wait3A_341 = arith.constant 0 : i32
        %dma_wait3A_342 = arith.constant 0 : i32
        %dma_wait3A_343 = tpu.memref_slice %arg8[%dma_wait3A_340, %dma_wait3A_341, %dma_wait3A_342] : memref<5x80x64xf32, #tpu.memory_space<vmem>> -> memref<1x80x64xf32, #tpu.memory_space<vmem>>
        %dma_wait3A_344 = tpu.memref_squeeze %dma_wait3A_343 : memref<1x80x64xf32, #tpu.memory_space<vmem>> -> memref<80x64xf32, #tpu.memory_space<vmem>>
        %dma_wait3A_345 = arith.constant 0 : i32
        %dma_wait3A_346 = tpu.memref_slice %arg7[%sub3A_301, %dma_wait3A_345] : memref<125x80xi32, #tpu.memory_space<vmem>> -> memref<1x80xi32, #tpu.memory_space<vmem>>
        %dma_wait3A_347 = tpu.memref_squeeze %dma_wait3A_346 : memref<1x80xi32, #tpu.memory_space<vmem>> -> memref<80xi32, #tpu.memory_space<vmem>>
        %dma_wait3A_348 = arith.constant 0 : i32
        %dma_wait3A_349 = arith.constant 0 : i32
        %dma_wait3A_350 = tpu.memref_slice %arg9[%dma_wait3A_348, %dma_wait3A_349] : memref<10400x64xf32, #tpu.memory_space<vmem_shared>> -> memref<10400x64xf32, #tpu.memory_space<vmem_shared>>
        tpu.wait_indirect_dma semaphore(%arg17 : memref<!tpu.dma_semaphore, #tpu.memory_space<semaphore_mem>>) src(%dma_wait3A_344 : memref<80x64xf32, #tpu.memory_space<vmem>>) dst(%dma_wait3A_350 : memref<10400x64xf32, #tpu.memory_space<vmem_shared>>)
        %add3A_351 = arith.constant 5 : i32
        %add3A_352 = arith.addi %sub3A_301, %add3A_351 : i32
        %lt3A_353 = arith.constant 125 : i32
        %lt3A_354 = arith.cmpi slt, %add3A_352, %lt3A_353 : i32
        %convert_element_type3A_355 = arith.extui %lt3A_354 : i1 to i32
        %cond3A_356 = arith.constant 0 : i32
        %cond3A_357 = arith.cmpi ne, %convert_element_type3A_355, %cond3A_356 : i32
        scf.if %cond3A_357 {
          %add3A_358 = arith.constant 5 : i32
          %add3A_359 = arith.addi %sub3A_301, %add3A_358 : i32
          %dma_start3A_360 = arith.constant 2 : i32
          %dma_start3A_361 = arith.constant 0 : i32
          %dma_start3A_362 = arith.constant 0 : i32
          %dma_start3A_363 = tpu.memref_slice %arg8[%dma_start3A_360, %dma_start3A_361, %dma_start3A_362] : memref<5x80x64xf32, #tpu.memory_space<vmem>> -> memref<1x80x64xf32, #tpu.memory_space<vmem>>
          %dma_start3A_364 = tpu.memref_squeeze %dma_start3A_363 : memref<1x80x64xf32, #tpu.memory_space<vmem>> -> memref<80x64xf32, #tpu.memory_space<vmem>>
          %dma_start3A_365 = arith.constant 0 : i32
          %dma_start3A_366 = tpu.memref_slice %arg6[%add3A_359, %dma_start3A_365] : memref<125x80xi32, #tpu.memory_space<vmem>> -> memref<1x80xi32, #tpu.memory_space<vmem>>
          %dma_start3A_367 = tpu.memref_squeeze %dma_start3A_366 : memref<1x80xi32, #tpu.memory_space<vmem>> -> memref<80xi32, #tpu.memory_space<vmem>>
          %dma_start3A_368 = arith.constant 0 : i32
          %dma_start3A_369 = arith.constant 0 : i32
          %dma_start3A_370 = tpu.memref_slice %arg2[%dma_start3A_368, %dma_start3A_369] : memref<10000x64xf32, #tpu.memory_space<hbm>> -> memref<10000x64xf32, #tpu.memory_space<hbm>>
          tpu.enqueue_indirect_dma source(%dma_start3A_370 : memref<10000x64xf32, #tpu.memory_space<hbm>>) target(%dma_start3A_364 : memref<80x64xf32, #tpu.memory_space<vmem>>) offsets(%dma_start3A_367 : memref<80xi32, #tpu.memory_space<vmem>>) semaphore(%arg12 : memref<!tpu.dma_semaphore, #tpu.memory_space<semaphore_mem>>)
        } else {
        }
      } else {
      }
      %mul3A_307 = arith.constant 5 : i32
      %mul3A_308 = arith.muli %scan3A_176, %mul3A_307 : i32
      %add3A_309 = arith.constant 4 : i32
      %add3A_310 = arith.addi %mul3A_308, %add3A_309 : i32
      %dma_wait3A_311 = arith.constant 4 : i32
      %dma_wait3A_312 = arith.constant 0 : i32
      %dma_wait3A_313 = arith.constant 0 : i32
      %dma_wait3A_314 = tpu.memref_slice %arg8[%dma_wait3A_311, %dma_wait3A_312, %dma_wait3A_313] : memref<5x80x64xf32, #tpu.memory_space<vmem>> -> memref<1x80x64xf32, #tpu.memory_space<vmem>>
      %dma_wait3A_315 = tpu.memref_squeeze %dma_wait3A_314 : memref<1x80x64xf32, #tpu.memory_space<vmem>> -> memref<80x64xf32, #tpu.memory_space<vmem>>
      %dma_wait3A_316 = arith.constant 0 : i32
      %dma_wait3A_317 = tpu.memref_slice %arg6[%add3A_310, %dma_wait3A_316] : memref<125x80xi32, #tpu.memory_space<vmem>> -> memref<1x80xi32, #tpu.memory_space<vmem>>
      %dma_wait3A_318 = tpu.memref_squeeze %dma_wait3A_317 : memref<1x80xi32, #tpu.memory_space<vmem>> -> memref<80xi32, #tpu.memory_space<vmem>>
      %dma_wait3A_319 = arith.constant 0 : i32
      %dma_wait3A_320 = arith.constant 0 : i32
      %dma_wait3A_321 = tpu.memref_slice %arg2[%dma_wait3A_319, %dma_wait3A_320] : memref<10000x64xf32, #tpu.memory_space<hbm>> -> memref<10000x64xf32, #tpu.memory_space<hbm>>
      tpu.wait_indirect_dma semaphore(%arg14 : memref<!tpu.dma_semaphore, #tpu.memory_space<semaphore_mem>>) src(%dma_wait3A_321 : memref<10000x64xf32, #tpu.memory_space<hbm>>) dst(%dma_wait3A_315 : memref<80x64xf32, #tpu.memory_space<vmem>>)
      %dma_start3A_322 = arith.constant 4 : i32
      %dma_start3A_323 = arith.constant 0 : i32
      %dma_start3A_324 = arith.constant 0 : i32
      %dma_start3A_325 = tpu.memref_slice %arg8[%dma_start3A_322, %dma_start3A_323, %dma_start3A_324] : memref<5x80x64xf32, #tpu.memory_space<vmem>> -> memref<1x80x64xf32, #tpu.memory_space<vmem>>
      %dma_start3A_326 = tpu.memref_squeeze %dma_start3A_325 : memref<1x80x64xf32, #tpu.memory_space<vmem>> -> memref<80x64xf32, #tpu.memory_space<vmem>>
      %dma_start3A_327 = arith.constant 0 : i32
      %dma_start3A_328 = tpu.memref_slice %arg7[%add3A_310, %dma_start3A_327] : memref<125x80xi32, #tpu.memory_space<vmem>> -> memref<1x80xi32, #tpu.memory_space<vmem>>
      %dma_start3A_329 = tpu.memref_squeeze %dma_start3A_328 : memref<1x80xi32, #tpu.memory_space<vmem>> -> memref<80xi32, #tpu.memory_space<vmem>>
      %dma_start3A_330 = arith.constant 0 : i32
      %dma_start3A_331 = arith.constant 0 : i32
      %dma_start3A_332 = tpu.memref_slice %arg9[%dma_start3A_330, %dma_start3A_331] : memref<10400x64xf32, #tpu.memory_space<vmem_shared>> -> memref<10400x64xf32, #tpu.memory_space<vmem_shared>>
      tpu.enqueue_indirect_dma source(%dma_start3A_326 : memref<80x64xf32, #tpu.memory_space<vmem>>) target(%dma_start3A_332 : memref<10400x64xf32, #tpu.memory_space<vmem_shared>>) offsets(%dma_start3A_329 : memref<80xi32, #tpu.memory_space<vmem>>) semaphore(%arg19 : memref<!tpu.dma_semaphore, #tpu.memory_space<semaphore_mem>>) {add = true}
      %sub3A_333 = arith.constant 1 : i32
      %sub3A_334 = arith.subi %add3A_310, %sub3A_333 : i32
      %ge3A_335 = arith.constant 0 : i32
      %ge3A_336 = arith.cmpi sge, %sub3A_334, %ge3A_335 : i32
      %convert_element_type3A_337 = arith.extui %ge3A_336 : i1 to i32
      %cond3A_338 = arith.constant 0 : i32
      %cond3A_339 = arith.cmpi ne, %convert_element_type3A_337, %cond3A_338 : i32
      scf.if %cond3A_339 {
        %dma_wait3A_340 = arith.constant 3 : i32
        %dma_wait3A_341 = arith.constant 0 : i32
        %dma_wait3A_342 = arith.constant 0 : i32
        %dma_wait3A_343 = tpu.memref_slice %arg8[%dma_wait3A_340, %dma_wait3A_341, %dma_wait3A_342] : memref<5x80x64xf32, #tpu.memory_space<vmem>> -> memref<1x80x64xf32, #tpu.memory_space<vmem>>
        %dma_wait3A_344 = tpu.memref_squeeze %dma_wait3A_343 : memref<1x80x64xf32, #tpu.memory_space<vmem>> -> memref<80x64xf32, #tpu.memory_space<vmem>>
        %dma_wait3A_345 = arith.constant 0 : i32
        %dma_wait3A_346 = tpu.memref_slice %arg7[%sub3A_334, %dma_wait3A_345] : memref<125x80xi32, #tpu.memory_space<vmem>> -> memref<1x80xi32, #tpu.memory_space<vmem>>
        %dma_wait3A_347 = tpu.memref_squeeze %dma_wait3A_346 : memref<1x80xi32, #tpu.memory_space<vmem>> -> memref<80xi32, #tpu.memory_space<vmem>>
        %dma_wait3A_348 = arith.constant 0 : i32
        %dma_wait3A_349 = arith.constant 0 : i32
        %dma_wait3A_350 = tpu.memref_slice %arg9[%dma_wait3A_348, %dma_wait3A_349] : memref<10400x64xf32, #tpu.memory_space<vmem_shared>> -> memref<10400x64xf32, #tpu.memory_space<vmem_shared>>
        tpu.wait_indirect_dma semaphore(%arg18 : memref<!tpu.dma_semaphore, #tpu.memory_space<semaphore_mem>>) src(%dma_wait3A_344 : memref<80x64xf32, #tpu.memory_space<vmem>>) dst(%dma_wait3A_350 : memref<10400x64xf32, #tpu.memory_space<vmem_shared>>)
        %add3A_351 = arith.constant 5 : i32
        %add3A_352 = arith.addi %sub3A_334, %add3A_351 : i32
        %lt3A_353 = arith.constant 125 : i32
        %lt3A_354 = arith.cmpi slt, %add3A_352, %lt3A_353 : i32
        %convert_element_type3A_355 = arith.extui %lt3A_354 : i1 to i32
        %cond3A_356 = arith.constant 0 : i32
        %cond3A_357 = arith.cmpi ne, %convert_element_type3A_355, %cond3A_356 : i32
        scf.if %cond3A_357 {
          %add3A_358 = arith.constant 5 : i32
          %add3A_359 = arith.addi %sub3A_334, %add3A_358 : i32
          %dma_start3A_360 = arith.constant 3 : i32
          %dma_start3A_361 = arith.constant 0 : i32
          %dma_start3A_362 = arith.constant 0 : i32
          %dma_start3A_363 = tpu.memref_slice %arg8[%dma_start3A_360, %dma_start3A_361, %dma_start3A_362] : memref<5x80x64xf32, #tpu.memory_space<vmem>> -> memref<1x80x64xf32, #tpu.memory_space<vmem>>
          %dma_start3A_364 = tpu.memref_squeeze %dma_start3A_363 : memref<1x80x64xf32, #tpu.memory_space<vmem>> -> memref<80x64xf32, #tpu.memory_space<vmem>>
          %dma_start3A_365 = arith.constant 0 : i32
          %dma_start3A_366 = tpu.memref_slice %arg6[%add3A_359, %dma_start3A_365] : memref<125x80xi32, #tpu.memory_space<vmem>> -> memref<1x80xi32, #tpu.memory_space<vmem>>
          %dma_start3A_367 = tpu.memref_squeeze %dma_start3A_366 : memref<1x80xi32, #tpu.memory_space<vmem>> -> memref<80xi32, #tpu.memory_space<vmem>>
          %dma_start3A_368 = arith.constant 0 : i32
          %dma_start3A_369 = arith.constant 0 : i32
          %dma_start3A_370 = tpu.memref_slice %arg2[%dma_start3A_368, %dma_start3A_369] : memref<10000x64xf32, #tpu.memory_space<hbm>> -> memref<10000x64xf32, #tpu.memory_space<hbm>>
          tpu.enqueue_indirect_dma source(%dma_start3A_370 : memref<10000x64xf32, #tpu.memory_space<hbm>>) target(%dma_start3A_364 : memref<80x64xf32, #tpu.memory_space<vmem>>) offsets(%dma_start3A_367 : memref<80xi32, #tpu.memory_space<vmem>>) semaphore(%arg13 : memref<!tpu.dma_semaphore, #tpu.memory_space<semaphore_mem>>)
        } else {
        }
      } else {
      }
    }
    %scan3A_126 = arith.constant 25 : i32
    %dma_wait3A_127 = arith.constant 4 : i32
    %dma_wait3A_128 = arith.constant 124 : i32
    %dma_wait3A_129 = arith.constant 0 : i32
    %dma_wait3A_130 = arith.constant 0 : i32
    %dma_wait3A_131 = tpu.memref_slice %arg8[%dma_wait3A_127, %dma_wait3A_129, %dma_wait3A_130] : memref<5x80x64xf32, #tpu.memory_space<vmem>> -> memref<1x80x64xf32, #tpu.memory_space<vmem>>
    %dma_wait3A_132 = tpu.memref_squeeze %dma_wait3A_131 : memref<1x80x64xf32, #tpu.memory_space<vmem>> -> memref<80x64xf32, #tpu.memory_space<vmem>>
    %dma_wait3A_133 = arith.constant 0 : i32
    %dma_wait3A_134 = tpu.memref_slice %arg7[%dma_wait3A_128, %dma_wait3A_133] : memref<125x80xi32, #tpu.memory_space<vmem>> -> memref<1x80xi32, #tpu.memory_space<vmem>>
    %dma_wait3A_135 = tpu.memref_squeeze %dma_wait3A_134 : memref<1x80xi32, #tpu.memory_space<vmem>> -> memref<80xi32, #tpu.memory_space<vmem>>
    %dma_wait3A_136 = arith.constant 0 : i32
    %dma_wait3A_137 = arith.constant 0 : i32
    %dma_wait3A_138 = tpu.memref_slice %arg9[%dma_wait3A_136, %dma_wait3A_137] : memref<10400x64xf32, #tpu.memory_space<vmem_shared>> -> memref<10400x64xf32, #tpu.memory_space<vmem_shared>>
    tpu.wait_indirect_dma semaphore(%arg19 : memref<!tpu.dma_semaphore, #tpu.memory_space<semaphore_mem>>) src(%dma_wait3A_132 : memref<80x64xf32, #tpu.memory_space<vmem>>) dst(%dma_wait3A_138 : memref<10400x64xf32, #tpu.memory_space<vmem_shared>>)
    %barrier3A_139 = arith.constant 0 : index
    tpu.barrier barrier_id(%barrier3A_139)
    %add3A_140 = arith.constant 0 : i32
    %add3A_141 = arith.addi %arg1, %add3A_140 : i32
    %mul3A_142 = arith.constant 400 : i32
    %mul3A_143 = arith.muli %add3A_141, %mul3A_142 : i32
    %mul3A_144 = arith.constant 400 : i32
    %mul3A_145 = arith.muli %add3A_141, %mul3A_144 : i32
    %dma_start3A_146 = arith.constant 0 : i32
    %dma_start3A_147 = tpu.memref_slice %arg5[%arg0, %mul3A_145, %dma_start3A_146] : memref<2x10000x64xf32, #tpu.memory_space<hbm>> -> memref<1x400x64xf32, #tpu.memory_space<hbm>>
    %dma_start3A_148 = tpu.memref_squeeze %dma_start3A_147 : memref<1x400x64xf32, #tpu.memory_space<hbm>> -> memref<400x64xf32, #tpu.memory_space<hbm>>
    %dma_start3A_149 = arith.constant 0 : i32
    %dma_start3A_150 = tpu.memref_slice %arg9[%mul3A_143, %dma_start3A_149] : memref<10400x64xf32, #tpu.memory_space<vmem_shared>> -> memref<400x64xf32, #tpu.memory_space<vmem_shared>>
    tpu.enqueue_dma source(%dma_start3A_150 : memref<400x64xf32, #tpu.memory_space<vmem_shared>>) target(%dma_start3A_148 : memref<400x64xf32, #tpu.memory_space<hbm>>) target_semaphore(%arg17 : memref<!tpu.dma_semaphore, #tpu.memory_space<semaphore_mem>>)
    %add3A_151 = arith.constant 16 : i32
    %add3A_152 = arith.addi %arg1, %add3A_151 : i32
    %lt3A_153 = arith.constant 25 : i32
    %lt3A_154 = arith.cmpi slt, %add3A_152, %lt3A_153 : i32
    %convert_element_type3A_155 = arith.extui %lt3A_154 : i1 to i32
    %cond3A_156 = arith.constant 0 : i32
    %cond3A_157 = arith.cmpi ne, %convert_element_type3A_155, %cond3A_156 : i32
    scf.if %cond3A_157 {
      %mul3A_176 = arith.constant 400 : i32
      %mul3A_177 = arith.muli %add3A_152, %mul3A_176 : i32
      %mul3A_178 = arith.constant 400 : i32
      %mul3A_179 = arith.muli %add3A_152, %mul3A_178 : i32
      %dma_start3A_180 = arith.constant 0 : i32
      %dma_start3A_181 = tpu.memref_slice %arg5[%arg0, %mul3A_179, %dma_start3A_180] : memref<2x10000x64xf32, #tpu.memory_space<hbm>> -> memref<1x400x64xf32, #tpu.memory_space<hbm>>
      %dma_start3A_182 = tpu.memref_squeeze %dma_start3A_181 : memref<1x400x64xf32, #tpu.memory_space<hbm>> -> memref<400x64xf32, #tpu.memory_space<hbm>>
      %dma_start3A_183 = arith.constant 0 : i32
      %dma_start3A_184 = tpu.memref_slice %arg9[%mul3A_177, %dma_start3A_183] : memref<10400x64xf32, #tpu.memory_space<vmem_shared>> -> memref<400x64xf32, #tpu.memory_space<vmem_shared>>
      tpu.enqueue_dma source(%dma_start3A_184 : memref<400x64xf32, #tpu.memory_space<vmem_shared>>) target(%dma_start3A_182 : memref<400x64xf32, #tpu.memory_space<hbm>>) target_semaphore(%arg18 : memref<!tpu.dma_semaphore, #tpu.memory_space<semaphore_mem>>)
    } else {
    }
    %add3A_158 = arith.constant 0 : i32
    %add3A_159 = arith.addi %arg1, %add3A_158 : i32
    %mul3A_160 = arith.constant 400 : i32
    %mul3A_161 = arith.muli %add3A_159, %mul3A_160 : i32
    %mul3A_162 = arith.constant 400 : i32
    %mul3A_163 = arith.muli %add3A_159, %mul3A_162 : i32
    %dma_wait3A_164 = arith.constant 0 : i32
    %dma_wait3A_165 = tpu.memref_slice %arg5[%arg0, %mul3A_163, %dma_wait3A_164] : memref<2x10000x64xf32, #tpu.memory_space<hbm>> -> memref<1x400x64xf32, #tpu.memory_space<hbm>>
    %dma_wait3A_166 = tpu.memref_squeeze %dma_wait3A_165 : memref<1x400x64xf32, #tpu.memory_space<hbm>> -> memref<400x64xf32, #tpu.memory_space<hbm>>
    %dma_wait3A_167 = arith.constant 0 : i32
    %dma_wait3A_168 = tpu.memref_slice %arg9[%mul3A_161, %dma_wait3A_167] : memref<10400x64xf32, #tpu.memory_space<vmem_shared>> -> memref<400x64xf32, #tpu.memory_space<vmem_shared>>
    tpu.wait_dma2 semaphore(%arg17 : memref<!tpu.dma_semaphore, #tpu.memory_space<semaphore_mem>>) src(%dma_wait3A_168 : memref<400x64xf32, #tpu.memory_space<vmem_shared>>) dst(%dma_wait3A_166 : memref<400x64xf32, #tpu.memory_space<hbm>>)
    %add3A_169 = arith.constant 16 : i32
    %add3A_170 = arith.addi %arg1, %add3A_169 : i32
    %lt3A_171 = arith.constant 25 : i32
    %lt3A_172 = arith.cmpi slt, %add3A_170, %lt3A_171 : i32
    %convert_element_type3A_173 = arith.extui %lt3A_172 : i1 to i32
    %cond3A_174 = arith.constant 0 : i32
    %cond3A_175 = arith.cmpi ne, %convert_element_type3A_173, %cond3A_174 : i32
    scf.if %cond3A_175 {
      %mul3A_176 = arith.constant 400 : i32
      %mul3A_177 = arith.muli %add3A_170, %mul3A_176 : i32
      %mul3A_178 = arith.constant 400 : i32
      %mul3A_179 = arith.muli %add3A_170, %mul3A_178 : i32
      %dma_wait3A_180 = arith.constant 0 : i32
      %dma_wait3A_181 = tpu.memref_slice %arg5[%arg0, %mul3A_179, %dma_wait3A_180] : memref<2x10000x64xf32, #tpu.memory_space<hbm>> -> memref<1x400x64xf32, #tpu.memory_space<hbm>>
      %dma_wait3A_182 = tpu.memref_squeeze %dma_wait3A_181 : memref<1x400x64xf32, #tpu.memory_space<hbm>> -> memref<400x64xf32, #tpu.memory_space<hbm>>
      %dma_wait3A_183 = arith.constant 0 : i32
      %dma_wait3A_184 = tpu.memref_slice %arg9[%mul3A_177, %dma_wait3A_183] : memref<10400x64xf32, #tpu.memory_space<vmem_shared>> -> memref<400x64xf32, #tpu.memory_space<vmem_shared>>
      tpu.wait_dma2 semaphore(%arg18 : memref<!tpu.dma_semaphore, #tpu.memory_space<semaphore_mem>>) src(%dma_wait3A_184 : memref<400x64xf32, #tpu.memory_space<vmem_shared>>) dst(%dma_wait3A_182 : memref<400x64xf32, #tpu.memory_space<hbm>>)
    } else {
    }
    return
  }
}

#map = affine_map<(d0, d1) -> (0, 0)>
#map1 = affine_map<(d0, d1) -> (0, 0, 0)>
module attributes {stable_mosaic.version = 14 : i64} {
  func.func @agg(%arg0: i32, %arg1: i32, %arg2: memref<10000x64xf32, #tpu.memory_space<hbm>>, %arg3: memref<32x125x80xi32, #tpu.memory_space<hbm>>, %arg4: memref<32x125x80xi32, #tpu.memory_space<hbm>>, %arg5: memref<2x10000x64xf32, #tpu.memory_space<hbm>>, %arg6: memref<125x80xi32, #tpu.memory_space<vmem>>, %arg7: memref<125x80xi32, #tpu.memory_space<vmem>>, %arg8: memref<5x80x64xf32, #tpu.memory_space<vmem>>, %arg9: memref<10400x64xf32, #tpu.memory_space<vmem_shared>>, %arg10: memref<!tpu.dma_semaphore, #tpu.memory_space<semaphore_mem>>, %arg11: memref<!tpu.dma_semaphore, #tpu.memory_space<semaphore_mem>>, %arg12: memref<!tpu.dma_semaphore, #tpu.memory_space<semaphore_mem>>, %arg13: memref<!tpu.dma_semaphore, #tpu.memory_space<semaphore_mem>>, %arg14: memref<!tpu.dma_semaphore, #tpu.memory_space<semaphore_mem>>, %arg15: memref<!tpu.dma_semaphore, #tpu.memory_space<semaphore_mem>>, %arg16: memref<!tpu.dma_semaphore, #tpu.memory_space<semaphore_mem>>, %arg17: memref<!tpu.dma_semaphore, #tpu.memory_space<semaphore_mem>>, %arg18: memref<!tpu.dma_semaphore, #tpu.memory_space<semaphore_mem>>, %arg19: memref<!tpu.dma_semaphore, #tpu.memory_space<semaphore_mem>>) attributes {dimension_semantics = [#tpu.dimension_semantics<core_parallel>, #tpu.dimension_semantics<subcore_parallel>], iteration_bounds = array<i64: 2, 16>, scalar_prefetch = 0 : i64, scratch_operands = 14 : i64, tpu.core_type = #tpu.core_type<sc_vector_subcore>, window_params = [{transform_indices = #map}, {transform_indices = #map1}, {transform_indices = #map1}, {transform_indices = #map1}]} {
    %mul3A = arith.constant 16 : i32
    %mul3A_0 = arith.muli %arg0, %mul3A : i32
    %add3A = arith.addi %mul3A_0, %arg1 : i32
    %dma_start3A = arith.constant 0 : i32
    %dma_start3A_1 = arith.constant 0 : i32
    %dma_start3A_2 = tpu.memref_slice %arg3[%add3A, %dma_start3A, %dma_start3A_1] : memref<32x125x80xi32, #tpu.memory_space<hbm>> -> memref<1x125x80xi32, #tpu.memory_space<hbm>>
    %dma_start3A_3 = tpu.memref_squeeze %dma_start3A_2 : memref<1x125x80xi32, #tpu.memory_space<hbm>> -> memref<125x80xi32, #tpu.memory_space<hbm>>
    %dma_start3A_4 = arith.constant 0 : i32
    %dma_start3A_5 = arith.constant 0 : i32
    %dma_start3A_6 = tpu.memref_slice %arg3[%add3A, %dma_start3A_4, %dma_start3A_5] : memref<32x125x80xi32, #tpu.memory_space<hbm>> -> memref<1x125x80xi32, #tpu.memory_space<hbm>>
    %dma_start3A_7 = tpu.memref_squeeze %dma_start3A_6 : memref<1x125x80xi32, #tpu.memory_space<hbm>> -> memref<125x80xi32, #tpu.memory_space<hbm>>
    tpu.enqueue_dma source(%dma_start3A_7 : memref<125x80xi32, #tpu.memory_space<hbm>>) target(%arg6 : memref<125x80xi32, #tpu.memory_space<vmem>>) target_semaphore(%arg15 : memref<!tpu.dma_semaphore, #tpu.memory_space<semaphore_mem>>)
    %dma_start3A_8 = arith.constant 0 : i32
    %dma_start3A_9 = arith.constant 0 : i32
    %dma_start3A_10 = tpu.memref_slice %arg4[%add3A, %dma_start3A_8, %dma_start3A_9] : memref<32x125x80xi32, #tpu.memory_space<hbm>> -> memref<1x125x80xi32, #tpu.memory_space<hbm>>
    %dma_start3A_11 = tpu.memref_squeeze %dma_start3A_10 : memref<1x125x80xi32, #tpu.memory_space<hbm>> -> memref<125x80xi32, #tpu.memory_space<hbm>>
    %dma_start3A_12 = arith.constant 0 : i32
    %dma_start3A_13 = arith.constant 0 : i32
    %dma_start3A_14 = tpu.memref_slice %arg4[%add3A, %dma_start3A_12, %dma_start3A_13] : memref<32x125x80xi32, #tpu.memory_space<hbm>> -> memref<1x125x80xi32, #tpu.memory_space<hbm>>
    %dma_start3A_15 = tpu.memref_squeeze %dma_start3A_14 : memref<1x125x80xi32, #tpu.memory_space<hbm>> -> memref<125x80xi32, #tpu.memory_space<hbm>>
    tpu.enqueue_dma source(%dma_start3A_15 : memref<125x80xi32, #tpu.memory_space<hbm>>) target(%arg7 : memref<125x80xi32, #tpu.memory_space<vmem>>) target_semaphore(%arg16 : memref<!tpu.dma_semaphore, #tpu.memory_space<semaphore_mem>>)
    %add3A_16 = arith.constant 0 : i32
    %add3A_17 = arith.addi %arg1, %add3A_16 : i32
    %mul3A_18 = arith.constant 400 : i32
    %mul3A_19 = arith.muli %add3A_17, %mul3A_18 : i32
    %mul3A_20 = arith.constant 400 : i32
    %mul3A_21 = arith.muli %add3A_17, %mul3A_20 : i32
    %dma_start3A_22 = arith.constant 0 : i32
    %dma_start3A_23 = tpu.memref_slice %arg9[%mul3A_21, %dma_start3A_22] : memref<10400x64xf32, #tpu.memory_space<vmem_shared>> -> memref<400x64xf32, #tpu.memory_space<vmem_shared>>
    %dma_start3A_24 = arith.constant 0 : i32
    %dma_start3A_25 = tpu.memref_slice %arg2[%mul3A_19, %dma_start3A_24] : memref<10000x64xf32, #tpu.memory_space<hbm>> -> memref<400x64xf32, #tpu.memory_space<hbm>>
    tpu.enqueue_dma source(%dma_start3A_25 : memref<400x64xf32, #tpu.memory_space<hbm>>) target(%dma_start3A_23 : memref<400x64xf32, #tpu.memory_space<vmem_shared>>) target_semaphore(%arg17 : memref<!tpu.dma_semaphore, #tpu.memory_space<semaphore_mem>>)
    %add3A_26 = arith.constant 16 : i32
    %add3A_27 = arith.addi %arg1, %add3A_26 : i32
    %lt3A = arith.constant 25 : i32
    %lt3A_28 = arith.cmpi slt, %add3A_27, %lt3A : i32
    %convert_element_type3A = arith.extui %lt3A_28 : i1 to i32
    %cond3A = arith.constant 0 : i32
    %cond3A_29 = arith.cmpi ne, %convert_element_type3A, %cond3A : i32
    scf.if %cond3A_29 {
      %mul3A_176 = arith.constant 400 : i32
      %mul3A_177 = arith.muli %add3A_27, %mul3A_176 : i32
      %mul3A_178 = arith.constant 400 : i32
      %mul3A_179 = arith.muli %add3A_27, %mul3A_178 : i32
      %dma_start3A_180 = arith.constant 0 : i32
      %dma_start3A_181 = tpu.memref_slice %arg9[%mul3A_179, %dma_start3A_180] : memref<10400x64xf32, #tpu.memory_space<vmem_shared>> -> memref<400x64xf32, #tpu.memory_space<vmem_shared>>
      %dma_start3A_182 = arith.constant 0 : i32
      %dma_start3A_183 = tpu.memref_slice %arg2[%mul3A_177, %dma_start3A_182] : memref<10000x64xf32, #tpu.memory_space<hbm>> -> memref<400x64xf32, #tpu.memory_space<hbm>>
      tpu.enqueue_dma source(%dma_start3A_183 : memref<400x64xf32, #tpu.memory_space<hbm>>) target(%dma_start3A_181 : memref<400x64xf32, #tpu.memory_space<vmem_shared>>) target_semaphore(%arg18 : memref<!tpu.dma_semaphore, #tpu.memory_space<semaphore_mem>>)
    } else {
    }
    %dma_wait3A = arith.constant 0 : i32
    %dma_wait3A_30 = arith.constant 0 : i32
    %dma_wait3A_31 = tpu.memref_slice %arg3[%add3A, %dma_wait3A, %dma_wait3A_30] : memref<32x125x80xi32, #tpu.memory_space<hbm>> -> memref<1x125x80xi32, #tpu.memory_space<hbm>>
    %dma_wait3A_32 = tpu.memref_squeeze %dma_wait3A_31 : memref<1x125x80xi32, #tpu.memory_space<hbm>> -> memref<125x80xi32, #tpu.memory_space<hbm>>
    %dma_wait3A_33 = arith.constant 0 : i32
    %dma_wait3A_34 = arith.constant 0 : i32
    %dma_wait3A_35 = tpu.memref_slice %arg3[%add3A, %dma_wait3A_33, %dma_wait3A_34] : memref<32x125x80xi32, #tpu.memory_space<hbm>> -> memref<1x125x80xi32, #tpu.memory_space<hbm>>
    %dma_wait3A_36 = tpu.memref_squeeze %dma_wait3A_35 : memref<1x125x80xi32, #tpu.memory_space<hbm>> -> memref<125x80xi32, #tpu.memory_space<hbm>>
    tpu.wait_dma2 semaphore(%arg15 : memref<!tpu.dma_semaphore, #tpu.memory_space<semaphore_mem>>) src(%dma_wait3A_36 : memref<125x80xi32, #tpu.memory_space<hbm>>) dst(%arg6 : memref<125x80xi32, #tpu.memory_space<vmem>>)
    %dma_wait3A_37 = arith.constant 0 : i32
    %dma_wait3A_38 = arith.constant 0 : i32
    %dma_wait3A_39 = tpu.memref_slice %arg4[%add3A, %dma_wait3A_37, %dma_wait3A_38] : memref<32x125x80xi32, #tpu.memory_space<hbm>> -> memref<1x125x80xi32, #tpu.memory_space<hbm>>
    %dma_wait3A_40 = tpu.memref_squeeze %dma_wait3A_39 : memref<1x125x80xi32, #tpu.memory_space<hbm>> -> memref<125x80xi32, #tpu.memory_space<hbm>>
    %dma_wait3A_41 = arith.constant 0 : i32
    %dma_wait3A_42 = arith.constant 0 : i32
    %dma_wait3A_43 = tpu.memref_slice %arg4[%add3A, %dma_wait3A_41, %dma_wait3A_42] : memref<32x125x80xi32, #tpu.memory_space<hbm>> -> memref<1x125x80xi32, #tpu.memory_space<hbm>>
    %dma_wait3A_44 = tpu.memref_squeeze %dma_wait3A_43 : memref<1x125x80xi32, #tpu.memory_space<hbm>> -> memref<125x80xi32, #tpu.memory_space<hbm>>
    tpu.wait_dma2 semaphore(%arg16 : memref<!tpu.dma_semaphore, #tpu.memory_space<semaphore_mem>>) src(%dma_wait3A_44 : memref<125x80xi32, #tpu.memory_space<hbm>>) dst(%arg7 : memref<125x80xi32, #tpu.memory_space<vmem>>)
    %dma_start3A_45 = arith.constant 0 : i32
    %dma_start3A_46 = arith.constant 0 : i32
    %dma_start3A_47 = arith.constant 0 : i32
    %dma_start3A_48 = arith.constant 0 : i32
    %dma_start3A_49 = tpu.memref_slice %arg8[%dma_start3A_46, %dma_start3A_47, %dma_start3A_48] : memref<5x80x64xf32, #tpu.memory_space<vmem>> -> memref<1x80x64xf32, #tpu.memory_space<vmem>>
    %dma_start3A_50 = tpu.memref_squeeze %dma_start3A_49 : memref<1x80x64xf32, #tpu.memory_space<vmem>> -> memref<80x64xf32, #tpu.memory_space<vmem>>
    %dma_start3A_51 = arith.constant 0 : i32
    %dma_start3A_52 = tpu.memref_slice %arg6[%dma_start3A_45, %dma_start3A_51] : memref<125x80xi32, #tpu.memory_space<vmem>> -> memref<1x80xi32, #tpu.memory_space<vmem>>
    %dma_start3A_53 = tpu.memref_squeeze %dma_start3A_52 : memref<1x80xi32, #tpu.memory_space<vmem>> -> memref<80xi32, #tpu.memory_space<vmem>>
    %dma_start3A_54 = arith.constant 0 : i32
    %dma_start3A_55 = arith.constant 0 : i32
    %dma_start3A_56 = tpu.memref_slice %arg2[%dma_start3A_54, %dma_start3A_55] : memref<10000x64xf32, #tpu.memory_space<hbm>> -> memref<10000x64xf32, #tpu.memory_space<hbm>>
    tpu.enqueue_indirect_dma source(%dma_start3A_56 : memref<10000x64xf32, #tpu.memory_space<hbm>>) target(%dma_start3A_50 : memref<80x64xf32, #tpu.memory_space<vmem>>) offsets(%dma_start3A_53 : memref<80xi32, #tpu.memory_space<vmem>>) semaphore(%arg10 : memref<!tpu.dma_semaphore, #tpu.memory_space<semaphore_mem>>)
    %dma_start3A_57 = arith.constant 1 : i32
    %dma_start3A_58 = arith.constant 1 : i32
    %dma_start3A_59 = arith.constant 0 : i32
    %dma_start3A_60 = arith.constant 0 : i32
    %dma_start3A_61 = tpu.memref_slice %arg8[%dma_start3A_58, %dma_start3A_59, %dma_start3A_60] : memref<5x80x64xf32, #tpu.memory_space<vmem>> -> memref<1x80x64xf32, #tpu.memory_space<vmem>>
    %dma_start3A_62 = tpu.memref_squeeze %dma_start3A_61 : memref<1x80x64xf32, #tpu.memory_space<vmem>> -> memref<80x64xf32, #tpu.memory_space<vmem>>
    %dma_start3A_63 = arith.constant 0 : i32
    %dma_start3A_64 = tpu.memref_slice %arg6[%dma_start3A_57, %dma_start3A_63] : memref<125x80xi32, #tpu.memory_space<vmem>> -> memref<1x80xi32, #tpu.memory_space<vmem>>
    %dma_start3A_65 = tpu.memref_squeeze %dma_start3A_64 : memref<1x80xi32, #tpu.memory_space<vmem>> -> memref<80xi32, #tpu.memory_space<vmem>>
    %dma_start3A_66 = arith.constant 0 : i32
    %dma_start3A_67 = arith.constant 0 : i32
    %dma_start3A_68 = tpu.memref_slice %arg2[%dma_start3A_66, %dma_start3A_67] : memref<10000x64xf32, #tpu.memory_space<hbm>> -> memref<10000x64xf32, #tpu.memory_space<hbm>>
    tpu.enqueue_indirect_dma source(%dma_start3A_68 : memref<10000x64xf32, #tpu.memory_space<hbm>>) target(%dma_start3A_62 : memref<80x64xf32, #tpu.memory_space<vmem>>) offsets(%dma_start3A_65 : memref<80xi32, #tpu.memory_space<vmem>>) semaphore(%arg11 : memref<!tpu.dma_semaphore, #tpu.memory_space<semaphore_mem>>)
    %dma_start3A_69 = arith.constant 2 : i32
    %dma_start3A_70 = arith.constant 2 : i32
    %dma_start3A_71 = arith.constant 0 : i32
    %dma_start3A_72 = arith.constant 0 : i32
    %dma_start3A_73 = tpu.memref_slice %arg8[%dma_start3A_70, %dma_start3A_71, %dma_start3A_72] : memref<5x80x64xf32, #tpu.memory_space<vmem>> -> memref<1x80x64xf32, #tpu.memory_space<vmem>>
    %dma_start3A_74 = tpu.memref_squeeze %dma_start3A_73 : memref<1x80x64xf32, #tpu.memory_space<vmem>> -> memref<80x64xf32, #tpu.memory_space<vmem>>
    %dma_start3A_75 = arith.constant 0 : i32
    %dma_start3A_76 = tpu.memref_slice %arg6[%dma_start3A_69, %dma_start3A_75] : memref<125x80xi32, #tpu.memory_space<vmem>> -> memref<1x80xi32, #tpu.memory_space<vmem>>
    %dma_start3A_77 = tpu.memref_squeeze %dma_start3A_76 : memref<1x80xi32, #tpu.memory_space<vmem>> -> memref<80xi32, #tpu.memory_space<vmem>>
    %dma_start3A_78 = arith.constant 0 : i32
    %dma_start3A_79 = arith.constant 0 : i32
    %dma_start3A_80 = tpu.memref_slice %arg2[%dma_start3A_78, %dma_start3A_79] : memref<10000x64xf32, #tpu.memory_space<hbm>> -> memref<10000x64xf32, #tpu.memory_space<hbm>>
    tpu.enqueue_indirect_dma source(%dma_start3A_80 : memref<10000x64xf32, #tpu.memory_space<hbm>>) target(%dma_start3A_74 : memref<80x64xf32, #tpu.memory_space<vmem>>) offsets(%dma_start3A_77 : memref<80xi32, #tpu.memory_space<vmem>>) semaphore(%arg12 : memref<!tpu.dma_semaphore, #tpu.memory_space<semaphore_mem>>)
    %dma_start3A_81 = arith.constant 3 : i32
    %dma_start3A_82 = arith.constant 3 : i32
    %dma_start3A_83 = arith.constant 0 : i32
    %dma_start3A_84 = arith.constant 0 : i32
    %dma_start3A_85 = tpu.memref_slice %arg8[%dma_start3A_82, %dma_start3A_83, %dma_start3A_84] : memref<5x80x64xf32, #tpu.memory_space<vmem>> -> memref<1x80x64xf32, #tpu.memory_space<vmem>>
    %dma_start3A_86 = tpu.memref_squeeze %dma_start3A_85 : memref<1x80x64xf32, #tpu.memory_space<vmem>> -> memref<80x64xf32, #tpu.memory_space<vmem>>
    %dma_start3A_87 = arith.constant 0 : i32
    %dma_start3A_88 = tpu.memref_slice %arg6[%dma_start3A_81, %dma_start3A_87] : memref<125x80xi32, #tpu.memory_space<vmem>> -> memref<1x80xi32, #tpu.memory_space<vmem>>
    %dma_start3A_89 = tpu.memref_squeeze %dma_start3A_88 : memref<1x80xi32, #tpu.memory_space<vmem>> -> memref<80xi32, #tpu.memory_space<vmem>>
    %dma_start3A_90 = arith.constant 0 : i32
    %dma_start3A_91 = arith.constant 0 : i32
    %dma_start3A_92 = tpu.memref_slice %arg2[%dma_start3A_90, %dma_start3A_91] : memref<10000x64xf32, #tpu.memory_space<hbm>> -> memref<10000x64xf32, #tpu.memory_space<hbm>>
    tpu.enqueue_indirect_dma source(%dma_start3A_92 : memref<10000x64xf32, #tpu.memory_space<hbm>>) target(%dma_start3A_86 : memref<80x64xf32, #tpu.memory_space<vmem>>) offsets(%dma_start3A_89 : memref<80xi32, #tpu.memory_space<vmem>>) semaphore(%arg13 : memref<!tpu.dma_semaphore, #tpu.memory_space<semaphore_mem>>)
    %dma_start3A_93 = arith.constant 4 : i32
    %dma_start3A_94 = arith.constant 4 : i32
    %dma_start3A_95 = arith.constant 0 : i32
    %dma_start3A_96 = arith.constant 0 : i32
    %dma_start3A_97 = tpu.memref_slice %arg8[%dma_start3A_94, %dma_start3A_95, %dma_start3A_96] : memref<5x80x64xf32, #tpu.memory_space<vmem>> -> memref<1x80x64xf32, #tpu.memory_space<vmem>>
    %dma_start3A_98 = tpu.memref_squeeze %dma_start3A_97 : memref<1x80x64xf32, #tpu.memory_space<vmem>> -> memref<80x64xf32, #tpu.memory_space<vmem>>
    %dma_start3A_99 = arith.constant 0 : i32
    %dma_start3A_100 = tpu.memref_slice %arg6[%dma_start3A_93, %dma_start3A_99] : memref<125x80xi32, #tpu.memory_space<vmem>> -> memref<1x80xi32, #tpu.memory_space<vmem>>
    %dma_start3A_101 = tpu.memref_squeeze %dma_start3A_100 : memref<1x80xi32, #tpu.memory_space<vmem>> -> memref<80xi32, #tpu.memory_space<vmem>>
    %dma_start3A_102 = arith.constant 0 : i32
    %dma_start3A_103 = arith.constant 0 : i32
    %dma_start3A_104 = tpu.memref_slice %arg2[%dma_start3A_102, %dma_start3A_103] : memref<10000x64xf32, #tpu.memory_space<hbm>> -> memref<10000x64xf32, #tpu.memory_space<hbm>>
    tpu.enqueue_indirect_dma source(%dma_start3A_104 : memref<10000x64xf32, #tpu.memory_space<hbm>>) target(%dma_start3A_98 : memref<80x64xf32, #tpu.memory_space<vmem>>) offsets(%dma_start3A_101 : memref<80xi32, #tpu.memory_space<vmem>>) semaphore(%arg14 : memref<!tpu.dma_semaphore, #tpu.memory_space<semaphore_mem>>)
    %add3A_105 = arith.constant 0 : i32
    %add3A_106 = arith.addi %arg1, %add3A_105 : i32
    %mul3A_107 = arith.constant 400 : i32
    %mul3A_108 = arith.muli %add3A_106, %mul3A_107 : i32
    %mul3A_109 = arith.constant 400 : i32
    %mul3A_110 = arith.muli %add3A_106, %mul3A_109 : i32
    %dma_wait3A_111 = arith.constant 0 : i32
    %dma_wait3A_112 = tpu.memref_slice %arg9[%mul3A_110, %dma_wait3A_111] : memref<10400x64xf32, #tpu.memory_space<vmem_shared>> -> memref<400x64xf32, #tpu.memory_space<vmem_shared>>
    %dma_wait3A_113 = arith.constant 0 : i32
    %dma_wait3A_114 = tpu.memref_slice %arg2[%mul3A_108, %dma_wait3A_113] : memref<10000x64xf32, #tpu.memory_space<hbm>> -> memref<400x64xf32, #tpu.memory_space<hbm>>
    tpu.wait_dma2 semaphore(%arg17 : memref<!tpu.dma_semaphore, #tpu.memory_space<semaphore_mem>>) src(%dma_wait3A_114 : memref<400x64xf32, #tpu.memory_space<hbm>>) dst(%dma_wait3A_112 : memref<400x64xf32, #tpu.memory_space<vmem_shared>>)
    %add3A_115 = arith.constant 16 : i32
    %add3A_116 = arith.addi %arg1, %add3A_115 : i32
    %lt3A_117 = arith.constant 25 : i32
    %lt3A_118 = arith.cmpi slt, %add3A_116, %lt3A_117 : i32
    %convert_element_type3A_119 = arith.extui %lt3A_118 : i1 to i32
    %cond3A_120 = arith.constant 0 : i32
    %cond3A_121 = arith.cmpi ne, %convert_element_type3A_119, %cond3A_120 : i32
    scf.if %cond3A_121 {
      %mul3A_176 = arith.constant 400 : i32
      %mul3A_177 = arith.muli %add3A_116, %mul3A_176 : i32
      %mul3A_178 = arith.constant 400 : i32
      %mul3A_179 = arith.muli %add3A_116, %mul3A_178 : i32
      %dma_wait3A_180 = arith.constant 0 : i32
      %dma_wait3A_181 = tpu.memref_slice %arg9[%mul3A_179, %dma_wait3A_180] : memref<10400x64xf32, #tpu.memory_space<vmem_shared>> -> memref<400x64xf32, #tpu.memory_space<vmem_shared>>
      %dma_wait3A_182 = arith.constant 0 : i32
      %dma_wait3A_183 = tpu.memref_slice %arg2[%mul3A_177, %dma_wait3A_182] : memref<10000x64xf32, #tpu.memory_space<hbm>> -> memref<400x64xf32, #tpu.memory_space<hbm>>
      tpu.wait_dma2 semaphore(%arg18 : memref<!tpu.dma_semaphore, #tpu.memory_space<semaphore_mem>>) src(%dma_wait3A_183 : memref<400x64xf32, #tpu.memory_space<hbm>>) dst(%dma_wait3A_181 : memref<400x64xf32, #tpu.memory_space<vmem_shared>>)
    } else {
    }
    %barrier3A = arith.constant 0 : index
    tpu.barrier barrier_id(%barrier3A)
    %scan3A = arith.constant 0 : i32
    %scan3A_122 = arith.constant 0 : i32
    %scan3A_123 = arith.constant 25 : i32
    %scan3A_124 = arith.addi %scan3A_122, %scan3A_123 : i32
    %scan3A_125 = arith.constant 1 : i32
    scf.for %scan3A_176 = %scan3A_122 to %scan3A_124 step %scan3A_125  : i32 {
      %mul3A_177 = arith.constant 5 : i32
      %mul3A_178 = arith.muli %scan3A_176, %mul3A_177 : i32
      %add3A_179 = arith.constant 0 : i32
      %add3A_180 = arith.addi %mul3A_178, %add3A_179 : i32
      %dma_wait3A_181 = arith.constant 0 : i32
      %dma_wait3A_182 = arith.constant 0 : i32
      %dma_wait3A_183 = arith.constant 0 : i32
      %dma_wait3A_184 = tpu.memref_slice %arg8[%dma_wait3A_181, %dma_wait3A_182, %dma_wait3A_183] : memref<5x80x64xf32, #tpu.memory_space<vmem>> -> memref<1x80x64xf32, #tpu.memory_space<vmem>>
      %dma_wait3A_185 = tpu.memref_squeeze %dma_wait3A_184 : memref<1x80x64xf32, #tpu.memory_space<vmem>> -> memref<80x64xf32, #tpu.memory_space<vmem>>
      %dma_wait3A_186 = arith.constant 0 : i32
      %dma_wait3A_187 = tpu.memref_slice %arg6[%add3A_180, %dma_wait3A_186] : memref<125x80xi32, #tpu.memory_space<vmem>> -> memref<1x80xi32, #tpu.memory_space<vmem>>
      %dma_wait3A_188 = tpu.memref_squeeze %dma_wait3A_187 : memref<1x80xi32, #tpu.memory_space<vmem>> -> memref<80xi32, #tpu.memory_space<vmem>>
      %dma_wait3A_189 = arith.constant 0 : i32
      %dma_wait3A_190 = arith.constant 0 : i32
      %dma_wait3A_191 = tpu.memref_slice %arg2[%dma_wait3A_189, %dma_wait3A_190] : memref<10000x64xf32, #tpu.memory_space<hbm>> -> memref<10000x64xf32, #tpu.memory_space<hbm>>
      tpu.wait_indirect_dma semaphore(%arg10 : memref<!tpu.dma_semaphore, #tpu.memory_space<semaphore_mem>>) src(%dma_wait3A_191 : memref<10000x64xf32, #tpu.memory_space<hbm>>) dst(%dma_wait3A_185 : memref<80x64xf32, #tpu.memory_space<vmem>>)
      %dma_start3A_192 = arith.constant 0 : i32
      %dma_start3A_193 = arith.constant 0 : i32
      %dma_start3A_194 = arith.constant 0 : i32
      %dma_start3A_195 = tpu.memref_slice %arg8[%dma_start3A_192, %dma_start3A_193, %dma_start3A_194] : memref<5x80x64xf32, #tpu.memory_space<vmem>> -> memref<1x80x64xf32, #tpu.memory_space<vmem>>
      %dma_start3A_196 = tpu.memref_squeeze %dma_start3A_195 : memref<1x80x64xf32, #tpu.memory_space<vmem>> -> memref<80x64xf32, #tpu.memory_space<vmem>>
      %dma_start3A_197 = arith.constant 0 : i32
      %dma_start3A_198 = tpu.memref_slice %arg7[%add3A_180, %dma_start3A_197] : memref<125x80xi32, #tpu.memory_space<vmem>> -> memref<1x80xi32, #tpu.memory_space<vmem>>
      %dma_start3A_199 = tpu.memref_squeeze %dma_start3A_198 : memref<1x80xi32, #tpu.memory_space<vmem>> -> memref<80xi32, #tpu.memory_space<vmem>>
      %dma_start3A_200 = arith.constant 0 : i32
      %dma_start3A_201 = arith.constant 0 : i32
      %dma_start3A_202 = tpu.memref_slice %arg9[%dma_start3A_200, %dma_start3A_201] : memref<10400x64xf32, #tpu.memory_space<vmem_shared>> -> memref<10400x64xf32, #tpu.memory_space<vmem_shared>>
      tpu.enqueue_indirect_dma source(%dma_start3A_196 : memref<80x64xf32, #tpu.memory_space<vmem>>) target(%dma_start3A_202 : memref<10400x64xf32, #tpu.memory_space<vmem_shared>>) offsets(%dma_start3A_199 : memref<80xi32, #tpu.memory_space<vmem>>) semaphore(%arg15 : memref<!tpu.dma_semaphore, #tpu.memory_space<semaphore_mem>>) {add = true}
      %sub3A = arith.constant 1 : i32
      %sub3A_203 = arith.subi %add3A_180, %sub3A : i32
      %ge3A = arith.constant 0 : i32
      %ge3A_204 = arith.cmpi sge, %sub3A_203, %ge3A : i32
      %convert_element_type3A_205 = arith.extui %ge3A_204 : i1 to i32
      %cond3A_206 = arith.constant 0 : i32
      %cond3A_207 = arith.cmpi ne, %convert_element_type3A_205, %cond3A_206 : i32
      scf.if %cond3A_207 {
        %dma_wait3A_340 = arith.constant 4 : i32
        %dma_wait3A_341 = arith.constant 0 : i32
        %dma_wait3A_342 = arith.constant 0 : i32
        %dma_wait3A_343 = tpu.memref_slice %arg8[%dma_wait3A_340, %dma_wait3A_341, %dma_wait3A_342] : memref<5x80x64xf32, #tpu.memory_space<vmem>> -> memref<1x80x64xf32, #tpu.memory_space<vmem>>
        %dma_wait3A_344 = tpu.memref_squeeze %dma_wait3A_343 : memref<1x80x64xf32, #tpu.memory_space<vmem>> -> memref<80x64xf32, #tpu.memory_space<vmem>>
        %dma_wait3A_345 = arith.constant 0 : i32
        %dma_wait3A_346 = tpu.memref_slice %arg7[%sub3A_203, %dma_wait3A_345] : memref<125x80xi32, #tpu.memory_space<vmem>> -> memref<1x80xi32, #tpu.memory_space<vmem>>
        %dma_wait3A_347 = tpu.memref_squeeze %dma_wait3A_346 : memref<1x80xi32, #tpu.memory_space<vmem>> -> memref<80xi32, #tpu.memory_space<vmem>>
        %dma_wait3A_348 = arith.constant 0 : i32
        %dma_wait3A_349 = arith.constant 0 : i32
        %dma_wait3A_350 = tpu.memref_slice %arg9[%dma_wait3A_348, %dma_wait3A_349] : memref<10400x64xf32, #tpu.memory_space<vmem_shared>> -> memref<10400x64xf32, #tpu.memory_space<vmem_shared>>
        tpu.wait_indirect_dma semaphore(%arg19 : memref<!tpu.dma_semaphore, #tpu.memory_space<semaphore_mem>>) src(%dma_wait3A_344 : memref<80x64xf32, #tpu.memory_space<vmem>>) dst(%dma_wait3A_350 : memref<10400x64xf32, #tpu.memory_space<vmem_shared>>)
        %add3A_351 = arith.constant 5 : i32
        %add3A_352 = arith.addi %sub3A_203, %add3A_351 : i32
        %lt3A_353 = arith.constant 125 : i32
        %lt3A_354 = arith.cmpi slt, %add3A_352, %lt3A_353 : i32
        %convert_element_type3A_355 = arith.extui %lt3A_354 : i1 to i32
        %cond3A_356 = arith.constant 0 : i32
        %cond3A_357 = arith.cmpi ne, %convert_element_type3A_355, %cond3A_356 : i32
        scf.if %cond3A_357 {
          %add3A_358 = arith.constant 5 : i32
          %add3A_359 = arith.addi %sub3A_203, %add3A_358 : i32
          %dma_start3A_360 = arith.constant 4 : i32
          %dma_start3A_361 = arith.constant 0 : i32
          %dma_start3A_362 = arith.constant 0 : i32
          %dma_start3A_363 = tpu.memref_slice %arg8[%dma_start3A_360, %dma_start3A_361, %dma_start3A_362] : memref<5x80x64xf32, #tpu.memory_space<vmem>> -> memref<1x80x64xf32, #tpu.memory_space<vmem>>
          %dma_start3A_364 = tpu.memref_squeeze %dma_start3A_363 : memref<1x80x64xf32, #tpu.memory_space<vmem>> -> memref<80x64xf32, #tpu.memory_space<vmem>>
          %dma_start3A_365 = arith.constant 0 : i32
          %dma_start3A_366 = tpu.memref_slice %arg6[%add3A_359, %dma_start3A_365] : memref<125x80xi32, #tpu.memory_space<vmem>> -> memref<1x80xi32, #tpu.memory_space<vmem>>
          %dma_start3A_367 = tpu.memref_squeeze %dma_start3A_366 : memref<1x80xi32, #tpu.memory_space<vmem>> -> memref<80xi32, #tpu.memory_space<vmem>>
          %dma_start3A_368 = arith.constant 0 : i32
          %dma_start3A_369 = arith.constant 0 : i32
          %dma_start3A_370 = tpu.memref_slice %arg2[%dma_start3A_368, %dma_start3A_369] : memref<10000x64xf32, #tpu.memory_space<hbm>> -> memref<10000x64xf32, #tpu.memory_space<hbm>>
          tpu.enqueue_indirect_dma source(%dma_start3A_370 : memref<10000x64xf32, #tpu.memory_space<hbm>>) target(%dma_start3A_364 : memref<80x64xf32, #tpu.memory_space<vmem>>) offsets(%dma_start3A_367 : memref<80xi32, #tpu.memory_space<vmem>>) semaphore(%arg14 : memref<!tpu.dma_semaphore, #tpu.memory_space<semaphore_mem>>)
        } else {
        }
      } else {
      }
      %mul3A_208 = arith.constant 5 : i32
      %mul3A_209 = arith.muli %scan3A_176, %mul3A_208 : i32
      %add3A_210 = arith.constant 1 : i32
      %add3A_211 = arith.addi %mul3A_209, %add3A_210 : i32
      %dma_wait3A_212 = arith.constant 1 : i32
      %dma_wait3A_213 = arith.constant 0 : i32
      %dma_wait3A_214 = arith.constant 0 : i32
      %dma_wait3A_215 = tpu.memref_slice %arg8[%dma_wait3A_212, %dma_wait3A_213, %dma_wait3A_214] : memref<5x80x64xf32, #tpu.memory_space<vmem>> -> memref<1x80x64xf32, #tpu.memory_space<vmem>>
      %dma_wait3A_216 = tpu.memref_squeeze %dma_wait3A_215 : memref<1x80x64xf32, #tpu.memory_space<vmem>> -> memref<80x64xf32, #tpu.memory_space<vmem>>
      %dma_wait3A_217 = arith.constant 0 : i32
      %dma_wait3A_218 = tpu.memref_slice %arg6[%add3A_211, %dma_wait3A_217] : memref<125x80xi32, #tpu.memory_space<vmem>> -> memref<1x80xi32, #tpu.memory_space<vmem>>
      %dma_wait3A_219 = tpu.memref_squeeze %dma_wait3A_218 : memref<1x80xi32, #tpu.memory_space<vmem>> -> memref<80xi32, #tpu.memory_space<vmem>>
      %dma_wait3A_220 = arith.constant 0 : i32
      %dma_wait3A_221 = arith.constant 0 : i32
      %dma_wait3A_222 = tpu.memref_slice %arg2[%dma_wait3A_220, %dma_wait3A_221] : memref<10000x64xf32, #tpu.memory_space<hbm>> -> memref<10000x64xf32, #tpu.memory_space<hbm>>
      tpu.wait_indirect_dma semaphore(%arg11 : memref<!tpu.dma_semaphore, #tpu.memory_space<semaphore_mem>>) src(%dma_wait3A_222 : memref<10000x64xf32, #tpu.memory_space<hbm>>) dst(%dma_wait3A_216 : memref<80x64xf32, #tpu.memory_space<vmem>>)
      %dma_start3A_223 = arith.constant 1 : i32
      %dma_start3A_224 = arith.constant 0 : i32
      %dma_start3A_225 = arith.constant 0 : i32
      %dma_start3A_226 = tpu.memref_slice %arg8[%dma_start3A_223, %dma_start3A_224, %dma_start3A_225] : memref<5x80x64xf32, #tpu.memory_space<vmem>> -> memref<1x80x64xf32, #tpu.memory_space<vmem>>
      %dma_start3A_227 = tpu.memref_squeeze %dma_start3A_226 : memref<1x80x64xf32, #tpu.memory_space<vmem>> -> memref<80x64xf32, #tpu.memory_space<vmem>>
      %dma_start3A_228 = arith.constant 0 : i32
      %dma_start3A_229 = tpu.memref_slice %arg7[%add3A_211, %dma_start3A_228] : memref<125x80xi32, #tpu.memory_space<vmem>> -> memref<1x80xi32, #tpu.memory_space<vmem>>
      %dma_start3A_230 = tpu.memref_squeeze %dma_start3A_229 : memref<1x80xi32, #tpu.memory_space<vmem>> -> memref<80xi32, #tpu.memory_space<vmem>>
      %dma_start3A_231 = arith.constant 0 : i32
      %dma_start3A_232 = arith.constant 0 : i32
      %dma_start3A_233 = tpu.memref_slice %arg9[%dma_start3A_231, %dma_start3A_232] : memref<10400x64xf32, #tpu.memory_space<vmem_shared>> -> memref<10400x64xf32, #tpu.memory_space<vmem_shared>>
      tpu.enqueue_indirect_dma source(%dma_start3A_227 : memref<80x64xf32, #tpu.memory_space<vmem>>) target(%dma_start3A_233 : memref<10400x64xf32, #tpu.memory_space<vmem_shared>>) offsets(%dma_start3A_230 : memref<80xi32, #tpu.memory_space<vmem>>) semaphore(%arg16 : memref<!tpu.dma_semaphore, #tpu.memory_space<semaphore_mem>>) {add = true}
      %sub3A_234 = arith.constant 1 : i32
      %sub3A_235 = arith.subi %add3A_211, %sub3A_234 : i32
      %ge3A_236 = arith.constant 0 : i32
      %ge3A_237 = arith.cmpi sge, %sub3A_235, %ge3A_236 : i32
      %convert_element_type3A_238 = arith.extui %ge3A_237 : i1 to i32
      %cond3A_239 = arith.constant 0 : i32
      %cond3A_240 = arith.cmpi ne, %convert_element_type3A_238, %cond3A_239 : i32
      scf.if %cond3A_240 {
        %dma_wait3A_340 = arith.constant 0 : i32
        %dma_wait3A_341 = arith.constant 0 : i32
        %dma_wait3A_342 = arith.constant 0 : i32
        %dma_wait3A_343 = tpu.memref_slice %arg8[%dma_wait3A_340, %dma_wait3A_341, %dma_wait3A_342] : memref<5x80x64xf32, #tpu.memory_space<vmem>> -> memref<1x80x64xf32, #tpu.memory_space<vmem>>
        %dma_wait3A_344 = tpu.memref_squeeze %dma_wait3A_343 : memref<1x80x64xf32, #tpu.memory_space<vmem>> -> memref<80x64xf32, #tpu.memory_space<vmem>>
        %dma_wait3A_345 = arith.constant 0 : i32
        %dma_wait3A_346 = tpu.memref_slice %arg7[%sub3A_235, %dma_wait3A_345] : memref<125x80xi32, #tpu.memory_space<vmem>> -> memref<1x80xi32, #tpu.memory_space<vmem>>
        %dma_wait3A_347 = tpu.memref_squeeze %dma_wait3A_346 : memref<1x80xi32, #tpu.memory_space<vmem>> -> memref<80xi32, #tpu.memory_space<vmem>>
        %dma_wait3A_348 = arith.constant 0 : i32
        %dma_wait3A_349 = arith.constant 0 : i32
        %dma_wait3A_350 = tpu.memref_slice %arg9[%dma_wait3A_348, %dma_wait3A_349] : memref<10400x64xf32, #tpu.memory_space<vmem_shared>> -> memref<10400x64xf32, #tpu.memory_space<vmem_shared>>
        tpu.wait_indirect_dma semaphore(%arg15 : memref<!tpu.dma_semaphore, #tpu.memory_space<semaphore_mem>>) src(%dma_wait3A_344 : memref<80x64xf32, #tpu.memory_space<vmem>>) dst(%dma_wait3A_350 : memref<10400x64xf32, #tpu.memory_space<vmem_shared>>)
        %add3A_351 = arith.constant 5 : i32
        %add3A_352 = arith.addi %sub3A_235, %add3A_351 : i32
        %lt3A_353 = arith.constant 125 : i32
        %lt3A_354 = arith.cmpi slt, %add3A_352, %lt3A_353 : i32
        %convert_element_type3A_355 = arith.extui %lt3A_354 : i1 to i32
        %cond3A_356 = arith.constant 0 : i32
        %cond3A_357 = arith.cmpi ne, %convert_element_type3A_355, %cond3A_356 : i32
        scf.if %cond3A_357 {
          %add3A_358 = arith.constant 5 : i32
          %add3A_359 = arith.addi %sub3A_235, %add3A_358 : i32
          %dma_start3A_360 = arith.constant 0 : i32
          %dma_start3A_361 = arith.constant 0 : i32
          %dma_start3A_362 = arith.constant 0 : i32
          %dma_start3A_363 = tpu.memref_slice %arg8[%dma_start3A_360, %dma_start3A_361, %dma_start3A_362] : memref<5x80x64xf32, #tpu.memory_space<vmem>> -> memref<1x80x64xf32, #tpu.memory_space<vmem>>
          %dma_start3A_364 = tpu.memref_squeeze %dma_start3A_363 : memref<1x80x64xf32, #tpu.memory_space<vmem>> -> memref<80x64xf32, #tpu.memory_space<vmem>>
          %dma_start3A_365 = arith.constant 0 : i32
          %dma_start3A_366 = tpu.memref_slice %arg6[%add3A_359, %dma_start3A_365] : memref<125x80xi32, #tpu.memory_space<vmem>> -> memref<1x80xi32, #tpu.memory_space<vmem>>
          %dma_start3A_367 = tpu.memref_squeeze %dma_start3A_366 : memref<1x80xi32, #tpu.memory_space<vmem>> -> memref<80xi32, #tpu.memory_space<vmem>>
          %dma_start3A_368 = arith.constant 0 : i32
          %dma_start3A_369 = arith.constant 0 : i32
          %dma_start3A_370 = tpu.memref_slice %arg2[%dma_start3A_368, %dma_start3A_369] : memref<10000x64xf32, #tpu.memory_space<hbm>> -> memref<10000x64xf32, #tpu.memory_space<hbm>>
          tpu.enqueue_indirect_dma source(%dma_start3A_370 : memref<10000x64xf32, #tpu.memory_space<hbm>>) target(%dma_start3A_364 : memref<80x64xf32, #tpu.memory_space<vmem>>) offsets(%dma_start3A_367 : memref<80xi32, #tpu.memory_space<vmem>>) semaphore(%arg10 : memref<!tpu.dma_semaphore, #tpu.memory_space<semaphore_mem>>)
        } else {
        }
      } else {
      }
      %mul3A_241 = arith.constant 5 : i32
      %mul3A_242 = arith.muli %scan3A_176, %mul3A_241 : i32
      %add3A_243 = arith.constant 2 : i32
      %add3A_244 = arith.addi %mul3A_242, %add3A_243 : i32
      %dma_wait3A_245 = arith.constant 2 : i32
      %dma_wait3A_246 = arith.constant 0 : i32
      %dma_wait3A_247 = arith.constant 0 : i32
      %dma_wait3A_248 = tpu.memref_slice %arg8[%dma_wait3A_245, %dma_wait3A_246, %dma_wait3A_247] : memref<5x80x64xf32, #tpu.memory_space<vmem>> -> memref<1x80x64xf32, #tpu.memory_space<vmem>>
      %dma_wait3A_249 = tpu.memref_squeeze %dma_wait3A_248 : memref<1x80x64xf32, #tpu.memory_space<vmem>> -> memref<80x64xf32, #tpu.memory_space<vmem>>
      %dma_wait3A_250 = arith.constant 0 : i32
      %dma_wait3A_251 = tpu.memref_slice %arg6[%add3A_244, %dma_wait3A_250] : memref<125x80xi32, #tpu.memory_space<vmem>> -> memref<1x80xi32, #tpu.memory_space<vmem>>
      %dma_wait3A_252 = tpu.memref_squeeze %dma_wait3A_251 : memref<1x80xi32, #tpu.memory_space<vmem>> -> memref<80xi32, #tpu.memory_space<vmem>>
      %dma_wait3A_253 = arith.constant 0 : i32
      %dma_wait3A_254 = arith.constant 0 : i32
      %dma_wait3A_255 = tpu.memref_slice %arg2[%dma_wait3A_253, %dma_wait3A_254] : memref<10000x64xf32, #tpu.memory_space<hbm>> -> memref<10000x64xf32, #tpu.memory_space<hbm>>
      tpu.wait_indirect_dma semaphore(%arg12 : memref<!tpu.dma_semaphore, #tpu.memory_space<semaphore_mem>>) src(%dma_wait3A_255 : memref<10000x64xf32, #tpu.memory_space<hbm>>) dst(%dma_wait3A_249 : memref<80x64xf32, #tpu.memory_space<vmem>>)
      %dma_start3A_256 = arith.constant 2 : i32
      %dma_start3A_257 = arith.constant 0 : i32
      %dma_start3A_258 = arith.constant 0 : i32
      %dma_start3A_259 = tpu.memref_slice %arg8[%dma_start3A_256, %dma_start3A_257, %dma_start3A_258] : memref<5x80x64xf32, #tpu.memory_space<vmem>> -> memref<1x80x64xf32, #tpu.memory_space<vmem>>
      %dma_start3A_260 = tpu.memref_squeeze %dma_start3A_259 : memref<1x80x64xf32, #tpu.memory_space<vmem>> -> memref<80x64xf32, #tpu.memory_space<vmem>>
      %dma_start3A_261 = arith.constant 0 : i32
      %dma_start3A_262 = tpu.memref_slice %arg7[%add3A_244, %dma_start3A_261] : memref<125x80xi32, #tpu.memory_space<vmem>> -> memref<1x80xi32, #tpu.memory_space<vmem>>
      %dma_start3A_263 = tpu.memref_squeeze %dma_start3A_262 : memref<1x80xi32, #tpu.memory_space<vmem>> -> memref<80xi32, #tpu.memory_space<vmem>>
      %dma_start3A_264 = arith.constant 0 : i32
      %dma_start3A_265 = arith.constant 0 : i32
      %dma_start3A_266 = tpu.memref_slice %arg9[%dma_start3A_264, %dma_start3A_265] : memref<10400x64xf32, #tpu.memory_space<vmem_shared>> -> memref<10400x64xf32, #tpu.memory_space<vmem_shared>>
      tpu.enqueue_indirect_dma source(%dma_start3A_260 : memref<80x64xf32, #tpu.memory_space<vmem>>) target(%dma_start3A_266 : memref<10400x64xf32, #tpu.memory_space<vmem_shared>>) offsets(%dma_start3A_263 : memref<80xi32, #tpu.memory_space<vmem>>) semaphore(%arg17 : memref<!tpu.dma_semaphore, #tpu.memory_space<semaphore_mem>>) {add = true}
      %sub3A_267 = arith.constant 1 : i32
      %sub3A_268 = arith.subi %add3A_244, %sub3A_267 : i32
      %ge3A_269 = arith.constant 0 : i32
      %ge3A_270 = arith.cmpi sge, %sub3A_268, %ge3A_269 : i32
      %convert_element_type3A_271 = arith.extui %ge3A_270 : i1 to i32
      %cond3A_272 = arith.constant 0 : i32
      %cond3A_273 = arith.cmpi ne, %convert_element_type3A_271, %cond3A_272 : i32
      scf.if %cond3A_273 {
        %dma_wait3A_340 = arith.constant 1 : i32
        %dma_wait3A_341 = arith.constant 0 : i32
        %dma_wait3A_342 = arith.constant 0 : i32
        %dma_wait3A_343 = tpu.memref_slice %arg8[%dma_wait3A_340, %dma_wait3A_341, %dma_wait3A_342] : memref<5x80x64xf32, #tpu.memory_space<vmem>> -> memref<1x80x64xf32, #tpu.memory_space<vmem>>
        %dma_wait3A_344 = tpu.memref_squeeze %dma_wait3A_343 : memref<1x80x64xf32, #tpu.memory_space<vmem>> -> memref<80x64xf32, #tpu.memory_space<vmem>>
        %dma_wait3A_345 = arith.constant 0 : i32
        %dma_wait3A_346 = tpu.memref_slice %arg7[%sub3A_268, %dma_wait3A_345] : memref<125x80xi32, #tpu.memory_space<vmem>> -> memref<1x80xi32, #tpu.memory_space<vmem>>
        %dma_wait3A_347 = tpu.memref_squeeze %dma_wait3A_346 : memref<1x80xi32, #tpu.memory_space<vmem>> -> memref<80xi32, #tpu.memory_space<vmem>>
        %dma_wait3A_348 = arith.constant 0 : i32
        %dma_wait3A_349 = arith.constant 0 : i32
        %dma_wait3A_350 = tpu.memref_slice %arg9[%dma_wait3A_348, %dma_wait3A_349] : memref<10400x64xf32, #tpu.memory_space<vmem_shared>> -> memref<10400x64xf32, #tpu.memory_space<vmem_shared>>
        tpu.wait_indirect_dma semaphore(%arg16 : memref<!tpu.dma_semaphore, #tpu.memory_space<semaphore_mem>>) src(%dma_wait3A_344 : memref<80x64xf32, #tpu.memory_space<vmem>>) dst(%dma_wait3A_350 : memref<10400x64xf32, #tpu.memory_space<vmem_shared>>)
        %add3A_351 = arith.constant 5 : i32
        %add3A_352 = arith.addi %sub3A_268, %add3A_351 : i32
        %lt3A_353 = arith.constant 125 : i32
        %lt3A_354 = arith.cmpi slt, %add3A_352, %lt3A_353 : i32
        %convert_element_type3A_355 = arith.extui %lt3A_354 : i1 to i32
        %cond3A_356 = arith.constant 0 : i32
        %cond3A_357 = arith.cmpi ne, %convert_element_type3A_355, %cond3A_356 : i32
        scf.if %cond3A_357 {
          %add3A_358 = arith.constant 5 : i32
          %add3A_359 = arith.addi %sub3A_268, %add3A_358 : i32
          %dma_start3A_360 = arith.constant 1 : i32
          %dma_start3A_361 = arith.constant 0 : i32
          %dma_start3A_362 = arith.constant 0 : i32
          %dma_start3A_363 = tpu.memref_slice %arg8[%dma_start3A_360, %dma_start3A_361, %dma_start3A_362] : memref<5x80x64xf32, #tpu.memory_space<vmem>> -> memref<1x80x64xf32, #tpu.memory_space<vmem>>
          %dma_start3A_364 = tpu.memref_squeeze %dma_start3A_363 : memref<1x80x64xf32, #tpu.memory_space<vmem>> -> memref<80x64xf32, #tpu.memory_space<vmem>>
          %dma_start3A_365 = arith.constant 0 : i32
          %dma_start3A_366 = tpu.memref_slice %arg6[%add3A_359, %dma_start3A_365] : memref<125x80xi32, #tpu.memory_space<vmem>> -> memref<1x80xi32, #tpu.memory_space<vmem>>
          %dma_start3A_367 = tpu.memref_squeeze %dma_start3A_366 : memref<1x80xi32, #tpu.memory_space<vmem>> -> memref<80xi32, #tpu.memory_space<vmem>>
          %dma_start3A_368 = arith.constant 0 : i32
          %dma_start3A_369 = arith.constant 0 : i32
          %dma_start3A_370 = tpu.memref_slice %arg2[%dma_start3A_368, %dma_start3A_369] : memref<10000x64xf32, #tpu.memory_space<hbm>> -> memref<10000x64xf32, #tpu.memory_space<hbm>>
          tpu.enqueue_indirect_dma source(%dma_start3A_370 : memref<10000x64xf32, #tpu.memory_space<hbm>>) target(%dma_start3A_364 : memref<80x64xf32, #tpu.memory_space<vmem>>) offsets(%dma_start3A_367 : memref<80xi32, #tpu.memory_space<vmem>>) semaphore(%arg11 : memref<!tpu.dma_semaphore, #tpu.memory_space<semaphore_mem>>)
        } else {
        }
      } else {
      }
      %mul3A_274 = arith.constant 5 : i32
      %mul3A_275 = arith.muli %scan3A_176, %mul3A_274 : i32
      %add3A_276 = arith.constant 3 : i32
      %add3A_277 = arith.addi %mul3A_275, %add3A_276 : i32
      %dma_wait3A_278 = arith.constant 3 : i32
      %dma_wait3A_279 = arith.constant 0 : i32
      %dma_wait3A_280 = arith.constant 0 : i32
      %dma_wait3A_281 = tpu.memref_slice %arg8[%dma_wait3A_278, %dma_wait3A_279, %dma_wait3A_280] : memref<5x80x64xf32, #tpu.memory_space<vmem>> -> memref<1x80x64xf32, #tpu.memory_space<vmem>>
      %dma_wait3A_282 = tpu.memref_squeeze %dma_wait3A_281 : memref<1x80x64xf32, #tpu.memory_space<vmem>> -> memref<80x64xf32, #tpu.memory_space<vmem>>
      %dma_wait3A_283 = arith.constant 0 : i32
      %dma_wait3A_284 = tpu.memref_slice %arg6[%add3A_277, %dma_wait3A_283] : memref<125x80xi32, #tpu.memory_space<vmem>> -> memref<1x80xi32, #tpu.memory_space<vmem>>
      %dma_wait3A_285 = tpu.memref_squeeze %dma_wait3A_284 : memref<1x80xi32, #tpu.memory_space<vmem>> -> memref<80xi32, #tpu.memory_space<vmem>>
      %dma_wait3A_286 = arith.constant 0 : i32
      %dma_wait3A_287 = arith.constant 0 : i32
      %dma_wait3A_288 = tpu.memref_slice %arg2[%dma_wait3A_286, %dma_wait3A_287] : memref<10000x64xf32, #tpu.memory_space<hbm>> -> memref<10000x64xf32, #tpu.memory_space<hbm>>
      tpu.wait_indirect_dma semaphore(%arg13 : memref<!tpu.dma_semaphore, #tpu.memory_space<semaphore_mem>>) src(%dma_wait3A_288 : memref<10000x64xf32, #tpu.memory_space<hbm>>) dst(%dma_wait3A_282 : memref<80x64xf32, #tpu.memory_space<vmem>>)
      %dma_start3A_289 = arith.constant 3 : i32
      %dma_start3A_290 = arith.constant 0 : i32
      %dma_start3A_291 = arith.constant 0 : i32
      %dma_start3A_292 = tpu.memref_slice %arg8[%dma_start3A_289, %dma_start3A_290, %dma_start3A_291] : memref<5x80x64xf32, #tpu.memory_space<vmem>> -> memref<1x80x64xf32, #tpu.memory_space<vmem>>
      %dma_start3A_293 = tpu.memref_squeeze %dma_start3A_292 : memref<1x80x64xf32, #tpu.memory_space<vmem>> -> memref<80x64xf32, #tpu.memory_space<vmem>>
      %dma_start3A_294 = arith.constant 0 : i32
      %dma_start3A_295 = tpu.memref_slice %arg7[%add3A_277, %dma_start3A_294] : memref<125x80xi32, #tpu.memory_space<vmem>> -> memref<1x80xi32, #tpu.memory_space<vmem>>
      %dma_start3A_296 = tpu.memref_squeeze %dma_start3A_295 : memref<1x80xi32, #tpu.memory_space<vmem>> -> memref<80xi32, #tpu.memory_space<vmem>>
      %dma_start3A_297 = arith.constant 0 : i32
      %dma_start3A_298 = arith.constant 0 : i32
      %dma_start3A_299 = tpu.memref_slice %arg9[%dma_start3A_297, %dma_start3A_298] : memref<10400x64xf32, #tpu.memory_space<vmem_shared>> -> memref<10400x64xf32, #tpu.memory_space<vmem_shared>>
      tpu.enqueue_indirect_dma source(%dma_start3A_293 : memref<80x64xf32, #tpu.memory_space<vmem>>) target(%dma_start3A_299 : memref<10400x64xf32, #tpu.memory_space<vmem_shared>>) offsets(%dma_start3A_296 : memref<80xi32, #tpu.memory_space<vmem>>) semaphore(%arg18 : memref<!tpu.dma_semaphore, #tpu.memory_space<semaphore_mem>>) {add = true}
      %sub3A_300 = arith.constant 1 : i32
      %sub3A_301 = arith.subi %add3A_277, %sub3A_300 : i32
      %ge3A_302 = arith.constant 0 : i32
      %ge3A_303 = arith.cmpi sge, %sub3A_301, %ge3A_302 : i32
      %convert_element_type3A_304 = arith.extui %ge3A_303 : i1 to i32
      %cond3A_305 = arith.constant 0 : i32
      %cond3A_306 = arith.cmpi ne, %convert_element_type3A_304, %cond3A_305 : i32
      scf.if %cond3A_306 {
        %dma_wait3A_340 = arith.constant 2 : i32
        %dma_wait3A_341 = arith.constant 0 : i32
        %dma_wait3A_342 = arith.constant 0 : i32
        %dma_wait3A_343 = tpu.memref_slice %arg8[%dma_wait3A_340, %dma_wait3A_341, %dma_wait3A_342] : memref<5x80x64xf32, #tpu.memory_space<vmem>> -> memref<1x80x64xf32, #tpu.memory_space<vmem>>
        %dma_wait3A_344 = tpu.memref_squeeze %dma_wait3A_343 : memref<1x80x64xf32, #tpu.memory_space<vmem>> -> memref<80x64xf32, #tpu.memory_space<vmem>>
        %dma_wait3A_345 = arith.constant 0 : i32
        %dma_wait3A_346 = tpu.memref_slice %arg7[%sub3A_301, %dma_wait3A_345] : memref<125x80xi32, #tpu.memory_space<vmem>> -> memref<1x80xi32, #tpu.memory_space<vmem>>
        %dma_wait3A_347 = tpu.memref_squeeze %dma_wait3A_346 : memref<1x80xi32, #tpu.memory_space<vmem>> -> memref<80xi32, #tpu.memory_space<vmem>>
        %dma_wait3A_348 = arith.constant 0 : i32
        %dma_wait3A_349 = arith.constant 0 : i32
        %dma_wait3A_350 = tpu.memref_slice %arg9[%dma_wait3A_348, %dma_wait3A_349] : memref<10400x64xf32, #tpu.memory_space<vmem_shared>> -> memref<10400x64xf32, #tpu.memory_space<vmem_shared>>
        tpu.wait_indirect_dma semaphore(%arg17 : memref<!tpu.dma_semaphore, #tpu.memory_space<semaphore_mem>>) src(%dma_wait3A_344 : memref<80x64xf32, #tpu.memory_space<vmem>>) dst(%dma_wait3A_350 : memref<10400x64xf32, #tpu.memory_space<vmem_shared>>)
        %add3A_351 = arith.constant 5 : i32
        %add3A_352 = arith.addi %sub3A_301, %add3A_351 : i32
        %lt3A_353 = arith.constant 125 : i32
        %lt3A_354 = arith.cmpi slt, %add3A_352, %lt3A_353 : i32
        %convert_element_type3A_355 = arith.extui %lt3A_354 : i1 to i32
        %cond3A_356 = arith.constant 0 : i32
        %cond3A_357 = arith.cmpi ne, %convert_element_type3A_355, %cond3A_356 : i32
        scf.if %cond3A_357 {
          %add3A_358 = arith.constant 5 : i32
          %add3A_359 = arith.addi %sub3A_301, %add3A_358 : i32
          %dma_start3A_360 = arith.constant 2 : i32
          %dma_start3A_361 = arith.constant 0 : i32
          %dma_start3A_362 = arith.constant 0 : i32
          %dma_start3A_363 = tpu.memref_slice %arg8[%dma_start3A_360, %dma_start3A_361, %dma_start3A_362] : memref<5x80x64xf32, #tpu.memory_space<vmem>> -> memref<1x80x64xf32, #tpu.memory_space<vmem>>
          %dma_start3A_364 = tpu.memref_squeeze %dma_start3A_363 : memref<1x80x64xf32, #tpu.memory_space<vmem>> -> memref<80x64xf32, #tpu.memory_space<vmem>>
          %dma_start3A_365 = arith.constant 0 : i32
          %dma_start3A_366 = tpu.memref_slice %arg6[%add3A_359, %dma_start3A_365] : memref<125x80xi32, #tpu.memory_space<vmem>> -> memref<1x80xi32, #tpu.memory_space<vmem>>
          %dma_start3A_367 = tpu.memref_squeeze %dma_start3A_366 : memref<1x80xi32, #tpu.memory_space<vmem>> -> memref<80xi32, #tpu.memory_space<vmem>>
          %dma_start3A_368 = arith.constant 0 : i32
          %dma_start3A_369 = arith.constant 0 : i32
          %dma_start3A_370 = tpu.memref_slice %arg2[%dma_start3A_368, %dma_start3A_369] : memref<10000x64xf32, #tpu.memory_space<hbm>> -> memref<10000x64xf32, #tpu.memory_space<hbm>>
          tpu.enqueue_indirect_dma source(%dma_start3A_370 : memref<10000x64xf32, #tpu.memory_space<hbm>>) target(%dma_start3A_364 : memref<80x64xf32, #tpu.memory_space<vmem>>) offsets(%dma_start3A_367 : memref<80xi32, #tpu.memory_space<vmem>>) semaphore(%arg12 : memref<!tpu.dma_semaphore, #tpu.memory_space<semaphore_mem>>)
        } else {
        }
      } else {
      }
      %mul3A_307 = arith.constant 5 : i32
      %mul3A_308 = arith.muli %scan3A_176, %mul3A_307 : i32
      %add3A_309 = arith.constant 4 : i32
      %add3A_310 = arith.addi %mul3A_308, %add3A_309 : i32
      %dma_wait3A_311 = arith.constant 4 : i32
      %dma_wait3A_312 = arith.constant 0 : i32
      %dma_wait3A_313 = arith.constant 0 : i32
      %dma_wait3A_314 = tpu.memref_slice %arg8[%dma_wait3A_311, %dma_wait3A_312, %dma_wait3A_313] : memref<5x80x64xf32, #tpu.memory_space<vmem>> -> memref<1x80x64xf32, #tpu.memory_space<vmem>>
      %dma_wait3A_315 = tpu.memref_squeeze %dma_wait3A_314 : memref<1x80x64xf32, #tpu.memory_space<vmem>> -> memref<80x64xf32, #tpu.memory_space<vmem>>
      %dma_wait3A_316 = arith.constant 0 : i32
      %dma_wait3A_317 = tpu.memref_slice %arg6[%add3A_310, %dma_wait3A_316] : memref<125x80xi32, #tpu.memory_space<vmem>> -> memref<1x80xi32, #tpu.memory_space<vmem>>
      %dma_wait3A_318 = tpu.memref_squeeze %dma_wait3A_317 : memref<1x80xi32, #tpu.memory_space<vmem>> -> memref<80xi32, #tpu.memory_space<vmem>>
      %dma_wait3A_319 = arith.constant 0 : i32
      %dma_wait3A_320 = arith.constant 0 : i32
      %dma_wait3A_321 = tpu.memref_slice %arg2[%dma_wait3A_319, %dma_wait3A_320] : memref<10000x64xf32, #tpu.memory_space<hbm>> -> memref<10000x64xf32, #tpu.memory_space<hbm>>
      tpu.wait_indirect_dma semaphore(%arg14 : memref<!tpu.dma_semaphore, #tpu.memory_space<semaphore_mem>>) src(%dma_wait3A_321 : memref<10000x64xf32, #tpu.memory_space<hbm>>) dst(%dma_wait3A_315 : memref<80x64xf32, #tpu.memory_space<vmem>>)
      %dma_start3A_322 = arith.constant 4 : i32
      %dma_start3A_323 = arith.constant 0 : i32
      %dma_start3A_324 = arith.constant 0 : i32
      %dma_start3A_325 = tpu.memref_slice %arg8[%dma_start3A_322, %dma_start3A_323, %dma_start3A_324] : memref<5x80x64xf32, #tpu.memory_space<vmem>> -> memref<1x80x64xf32, #tpu.memory_space<vmem>>
      %dma_start3A_326 = tpu.memref_squeeze %dma_start3A_325 : memref<1x80x64xf32, #tpu.memory_space<vmem>> -> memref<80x64xf32, #tpu.memory_space<vmem>>
      %dma_start3A_327 = arith.constant 0 : i32
      %dma_start3A_328 = tpu.memref_slice %arg7[%add3A_310, %dma_start3A_327] : memref<125x80xi32, #tpu.memory_space<vmem>> -> memref<1x80xi32, #tpu.memory_space<vmem>>
      %dma_start3A_329 = tpu.memref_squeeze %dma_start3A_328 : memref<1x80xi32, #tpu.memory_space<vmem>> -> memref<80xi32, #tpu.memory_space<vmem>>
      %dma_start3A_330 = arith.constant 0 : i32
      %dma_start3A_331 = arith.constant 0 : i32
      %dma_start3A_332 = tpu.memref_slice %arg9[%dma_start3A_330, %dma_start3A_331] : memref<10400x64xf32, #tpu.memory_space<vmem_shared>> -> memref<10400x64xf32, #tpu.memory_space<vmem_shared>>
      tpu.enqueue_indirect_dma source(%dma_start3A_326 : memref<80x64xf32, #tpu.memory_space<vmem>>) target(%dma_start3A_332 : memref<10400x64xf32, #tpu.memory_space<vmem_shared>>) offsets(%dma_start3A_329 : memref<80xi32, #tpu.memory_space<vmem>>) semaphore(%arg19 : memref<!tpu.dma_semaphore, #tpu.memory_space<semaphore_mem>>) {add = true}
      %sub3A_333 = arith.constant 1 : i32
      %sub3A_334 = arith.subi %add3A_310, %sub3A_333 : i32
      %ge3A_335 = arith.constant 0 : i32
      %ge3A_336 = arith.cmpi sge, %sub3A_334, %ge3A_335 : i32
      %convert_element_type3A_337 = arith.extui %ge3A_336 : i1 to i32
      %cond3A_338 = arith.constant 0 : i32
      %cond3A_339 = arith.cmpi ne, %convert_element_type3A_337, %cond3A_338 : i32
      scf.if %cond3A_339 {
        %dma_wait3A_340 = arith.constant 3 : i32
        %dma_wait3A_341 = arith.constant 0 : i32
        %dma_wait3A_342 = arith.constant 0 : i32
        %dma_wait3A_343 = tpu.memref_slice %arg8[%dma_wait3A_340, %dma_wait3A_341, %dma_wait3A_342] : memref<5x80x64xf32, #tpu.memory_space<vmem>> -> memref<1x80x64xf32, #tpu.memory_space<vmem>>
        %dma_wait3A_344 = tpu.memref_squeeze %dma_wait3A_343 : memref<1x80x64xf32, #tpu.memory_space<vmem>> -> memref<80x64xf32, #tpu.memory_space<vmem>>
        %dma_wait3A_345 = arith.constant 0 : i32
        %dma_wait3A_346 = tpu.memref_slice %arg7[%sub3A_334, %dma_wait3A_345] : memref<125x80xi32, #tpu.memory_space<vmem>> -> memref<1x80xi32, #tpu.memory_space<vmem>>
        %dma_wait3A_347 = tpu.memref_squeeze %dma_wait3A_346 : memref<1x80xi32, #tpu.memory_space<vmem>> -> memref<80xi32, #tpu.memory_space<vmem>>
        %dma_wait3A_348 = arith.constant 0 : i32
        %dma_wait3A_349 = arith.constant 0 : i32
        %dma_wait3A_350 = tpu.memref_slice %arg9[%dma_wait3A_348, %dma_wait3A_349] : memref<10400x64xf32, #tpu.memory_space<vmem_shared>> -> memref<10400x64xf32, #tpu.memory_space<vmem_shared>>
        tpu.wait_indirect_dma semaphore(%arg18 : memref<!tpu.dma_semaphore, #tpu.memory_space<semaphore_mem>>) src(%dma_wait3A_344 : memref<80x64xf32, #tpu.memory_space<vmem>>) dst(%dma_wait3A_350 : memref<10400x64xf32, #tpu.memory_space<vmem_shared>>)
        %add3A_351 = arith.constant 5 : i32
        %add3A_352 = arith.addi %sub3A_334, %add3A_351 : i32
        %lt3A_353 = arith.constant 125 : i32
        %lt3A_354 = arith.cmpi slt, %add3A_352, %lt3A_353 : i32
        %convert_element_type3A_355 = arith.extui %lt3A_354 : i1 to i32
        %cond3A_356 = arith.constant 0 : i32
        %cond3A_357 = arith.cmpi ne, %convert_element_type3A_355, %cond3A_356 : i32
        scf.if %cond3A_357 {
          %add3A_358 = arith.constant 5 : i32
          %add3A_359 = arith.addi %sub3A_334, %add3A_358 : i32
          %dma_start3A_360 = arith.constant 3 : i32
          %dma_start3A_361 = arith.constant 0 : i32
          %dma_start3A_362 = arith.constant 0 : i32
          %dma_start3A_363 = tpu.memref_slice %arg8[%dma_start3A_360, %dma_start3A_361, %dma_start3A_362] : memref<5x80x64xf32, #tpu.memory_space<vmem>> -> memref<1x80x64xf32, #tpu.memory_space<vmem>>
          %dma_start3A_364 = tpu.memref_squeeze %dma_start3A_363 : memref<1x80x64xf32, #tpu.memory_space<vmem>> -> memref<80x64xf32, #tpu.memory_space<vmem>>
          %dma_start3A_365 = arith.constant 0 : i32
          %dma_start3A_366 = tpu.memref_slice %arg6[%add3A_359, %dma_start3A_365] : memref<125x80xi32, #tpu.memory_space<vmem>> -> memref<1x80xi32, #tpu.memory_space<vmem>>
          %dma_start3A_367 = tpu.memref_squeeze %dma_start3A_366 : memref<1x80xi32, #tpu.memory_space<vmem>> -> memref<80xi32, #tpu.memory_space<vmem>>
          %dma_start3A_368 = arith.constant 0 : i32
          %dma_start3A_369 = arith.constant 0 : i32
          %dma_start3A_370 = tpu.memref_slice %arg2[%dma_start3A_368, %dma_start3A_369] : memref<10000x64xf32, #tpu.memory_space<hbm>> -> memref<10000x64xf32, #tpu.memory_space<hbm>>
          tpu.enqueue_indirect_dma source(%dma_start3A_370 : memref<10000x64xf32, #tpu.memory_space<hbm>>) target(%dma_start3A_364 : memref<80x64xf32, #tpu.memory_space<vmem>>) offsets(%dma_start3A_367 : memref<80xi32, #tpu.memory_space<vmem>>) semaphore(%arg13 : memref<!tpu.dma_semaphore, #tpu.memory_space<semaphore_mem>>)
        } else {
        }
      } else {
      }
    }
    %scan3A_126 = arith.constant 25 : i32
    %dma_wait3A_127 = arith.constant 4 : i32
    %dma_wait3A_128 = arith.constant 124 : i32
    %dma_wait3A_129 = arith.constant 0 : i32
    %dma_wait3A_130 = arith.constant 0 : i32
    %dma_wait3A_131 = tpu.memref_slice %arg8[%dma_wait3A_127, %dma_wait3A_129, %dma_wait3A_130] : memref<5x80x64xf32, #tpu.memory_space<vmem>> -> memref<1x80x64xf32, #tpu.memory_space<vmem>>
    %dma_wait3A_132 = tpu.memref_squeeze %dma_wait3A_131 : memref<1x80x64xf32, #tpu.memory_space<vmem>> -> memref<80x64xf32, #tpu.memory_space<vmem>>
    %dma_wait3A_133 = arith.constant 0 : i32
    %dma_wait3A_134 = tpu.memref_slice %arg7[%dma_wait3A_128, %dma_wait3A_133] : memref<125x80xi32, #tpu.memory_space<vmem>> -> memref<1x80xi32, #tpu.memory_space<vmem>>
    %dma_wait3A_135 = tpu.memref_squeeze %dma_wait3A_134 : memref<1x80xi32, #tpu.memory_space<vmem>> -> memref<80xi32, #tpu.memory_space<vmem>>
    %dma_wait3A_136 = arith.constant 0 : i32
    %dma_wait3A_137 = arith.constant 0 : i32
    %dma_wait3A_138 = tpu.memref_slice %arg9[%dma_wait3A_136, %dma_wait3A_137] : memref<10400x64xf32, #tpu.memory_space<vmem_shared>> -> memref<10400x64xf32, #tpu.memory_space<vmem_shared>>
    tpu.wait_indirect_dma semaphore(%arg19 : memref<!tpu.dma_semaphore, #tpu.memory_space<semaphore_mem>>) src(%dma_wait3A_132 : memref<80x64xf32, #tpu.memory_space<vmem>>) dst(%dma_wait3A_138 : memref<10400x64xf32, #tpu.memory_space<vmem_shared>>)
    %barrier3A_139 = arith.constant 0 : index
    tpu.barrier barrier_id(%barrier3A_139)
    %add3A_140 = arith.constant 0 : i32
    %add3A_141 = arith.addi %arg1, %add3A_140 : i32
    %mul3A_142 = arith.constant 400 : i32
    %mul3A_143 = arith.muli %add3A_141, %mul3A_142 : i32
    %mul3A_144 = arith.constant 400 : i32
    %mul3A_145 = arith.muli %add3A_141, %mul3A_144 : i32
    %dma_start3A_146 = arith.constant 0 : i32
    %dma_start3A_147 = tpu.memref_slice %arg5[%arg0, %mul3A_145, %dma_start3A_146] : memref<2x10000x64xf32, #tpu.memory_space<hbm>> -> memref<1x400x64xf32, #tpu.memory_space<hbm>>
    %dma_start3A_148 = tpu.memref_squeeze %dma_start3A_147 : memref<1x400x64xf32, #tpu.memory_space<hbm>> -> memref<400x64xf32, #tpu.memory_space<hbm>>
    %dma_start3A_149 = arith.constant 0 : i32
    %dma_start3A_150 = tpu.memref_slice %arg9[%mul3A_143, %dma_start3A_149] : memref<10400x64xf32, #tpu.memory_space<vmem_shared>> -> memref<400x64xf32, #tpu.memory_space<vmem_shared>>
    tpu.enqueue_dma source(%dma_start3A_150 : memref<400x64xf32, #tpu.memory_space<vmem_shared>>) target(%dma_start3A_148 : memref<400x64xf32, #tpu.memory_space<hbm>>) target_semaphore(%arg17 : memref<!tpu.dma_semaphore, #tpu.memory_space<semaphore_mem>>)
    %add3A_151 = arith.constant 16 : i32
    %add3A_152 = arith.addi %arg1, %add3A_151 : i32
    %lt3A_153 = arith.constant 25 : i32
    %lt3A_154 = arith.cmpi slt, %add3A_152, %lt3A_153 : i32
    %convert_element_type3A_155 = arith.extui %lt3A_154 : i1 to i32
    %cond3A_156 = arith.constant 0 : i32
    %cond3A_157 = arith.cmpi ne, %convert_element_type3A_155, %cond3A_156 : i32
    scf.if %cond3A_157 {
      %mul3A_176 = arith.constant 400 : i32
      %mul3A_177 = arith.muli %add3A_152, %mul3A_176 : i32
      %mul3A_178 = arith.constant 400 : i32
      %mul3A_179 = arith.muli %add3A_152, %mul3A_178 : i32
      %dma_start3A_180 = arith.constant 0 : i32
      %dma_start3A_181 = tpu.memref_slice %arg5[%arg0, %mul3A_179, %dma_start3A_180] : memref<2x10000x64xf32, #tpu.memory_space<hbm>> -> memref<1x400x64xf32, #tpu.memory_space<hbm>>
      %dma_start3A_182 = tpu.memref_squeeze %dma_start3A_181 : memref<1x400x64xf32, #tpu.memory_space<hbm>> -> memref<400x64xf32, #tpu.memory_space<hbm>>
      %dma_start3A_183 = arith.constant 0 : i32
      %dma_start3A_184 = tpu.memref_slice %arg9[%mul3A_177, %dma_start3A_183] : memref<10400x64xf32, #tpu.memory_space<vmem_shared>> -> memref<400x64xf32, #tpu.memory_space<vmem_shared>>
      tpu.enqueue_dma source(%dma_start3A_184 : memref<400x64xf32, #tpu.memory_space<vmem_shared>>) target(%dma_start3A_182 : memref<400x64xf32, #tpu.memory_space<hbm>>) target_semaphore(%arg18 : memref<!tpu.dma_semaphore, #tpu.memory_space<semaphore_mem>>)
    } else {
    }
    %add3A_158 = arith.constant 0 : i32
    %add3A_159 = arith.addi %arg1, %add3A_158 : i32
    %mul3A_160 = arith.constant 400 : i32
    %mul3A_161 = arith.muli %add3A_159, %mul3A_160 : i32
    %mul3A_162 = arith.constant 400 : i32
    %mul3A_163 = arith.muli %add3A_159, %mul3A_162 : i32
    %dma_wait3A_164 = arith.constant 0 : i32
    %dma_wait3A_165 = tpu.memref_slice %arg5[%arg0, %mul3A_163, %dma_wait3A_164] : memref<2x10000x64xf32, #tpu.memory_space<hbm>> -> memref<1x400x64xf32, #tpu.memory_space<hbm>>
    %dma_wait3A_166 = tpu.memref_squeeze %dma_wait3A_165 : memref<1x400x64xf32, #tpu.memory_space<hbm>> -> memref<400x64xf32, #tpu.memory_space<hbm>>
    %dma_wait3A_167 = arith.constant 0 : i32
    %dma_wait3A_168 = tpu.memref_slice %arg9[%mul3A_161, %dma_wait3A_167] : memref<10400x64xf32, #tpu.memory_space<vmem_shared>> -> memref<400x64xf32, #tpu.memory_space<vmem_shared>>
    tpu.wait_dma2 semaphore(%arg17 : memref<!tpu.dma_semaphore, #tpu.memory_space<semaphore_mem>>) src(%dma_wait3A_168 : memref<400x64xf32, #tpu.memory_space<vmem_shared>>) dst(%dma_wait3A_166 : memref<400x64xf32, #tpu.memory_space<hbm>>)
    %add3A_169 = arith.constant 16 : i32
    %add3A_170 = arith.addi %arg1, %add3A_169 : i32
    %lt3A_171 = arith.constant 25 : i32
    %lt3A_172 = arith.cmpi slt, %add3A_170, %lt3A_171 : i32
    %convert_element_type3A_173 = arith.extui %lt3A_172 : i1 to i32
    %cond3A_174 = arith.constant 0 : i32
    %cond3A_175 = arith.cmpi ne, %convert_element_type3A_173, %cond3A_174 : i32
    scf.if %cond3A_175 {
      %mul3A_176 = arith.constant 400 : i32
      %mul3A_177 = arith.muli %add3A_170, %mul3A_176 : i32
      %mul3A_178 = arith.constant 400 : i32
      %mul3A_179 = arith.muli %add3A_170, %mul3A_178 : i32
      %dma_wait3A_180 = arith.constant 0 : i32
      %dma_wait3A_181 = tpu.memref_slice %arg5[%arg0, %mul3A_179, %dma_wait3A_180] : memref<2x10000x64xf32, #tpu.memory_space<hbm>> -> memref<1x400x64xf32, #tpu.memory_space<hbm>>
      %dma_wait3A_182 = tpu.memref_squeeze %dma_wait3A_181 : memref<1x400x64xf32, #tpu.memory_space<hbm>> -> memref<400x64xf32, #tpu.memory_space<hbm>>
      %dma_wait3A_183 = arith.constant 0 : i32
      %dma_wait3A_184 = tpu.memref_slice %arg9[%mul3A_177, %dma_wait3A_183] : memref<10400x64xf32, #tpu.memory_space<vmem_shared>> -> memref<400x64xf32, #tpu.memory_space<vmem_shared>>
      tpu.wait_dma2 semaphore(%arg18 : memref<!tpu.dma_semaphore, #tpu.memory_space<semaphore_mem>>) src(%dma_wait3A_184 : memref<400x64xf32, #tpu.memory_space<vmem_shared>>) dst(%dma_wait3A_182 : memref<400x64xf32, #tpu.memory_space<hbm>>)
    } else {
    }
    return
  }
}

#map = affine_map<(d0, d1) -> (0, 0)>
#map1 = affine_map<(d0, d1) -> (0, 0, 0)>
module attributes {stable_mosaic.version = 14 : i64} {
  func.func @agg(%arg0: i32, %arg1: i32, %arg2: memref<10000x64xf32, #tpu.memory_space<hbm>>, %arg3: memref<32x125x80xi32, #tpu.memory_space<hbm>>, %arg4: memref<32x125x80xi32, #tpu.memory_space<hbm>>, %arg5: memref<2x10000x64xf32, #tpu.memory_space<hbm>>, %arg6: memref<125x80xi32, #tpu.memory_space<vmem>>, %arg7: memref<125x80xi32, #tpu.memory_space<vmem>>, %arg8: memref<5x80x64xf32, #tpu.memory_space<vmem>>, %arg9: memref<10400x64xf32, #tpu.memory_space<vmem_shared>>, %arg10: memref<!tpu.dma_semaphore, #tpu.memory_space<semaphore_mem>>, %arg11: memref<!tpu.dma_semaphore, #tpu.memory_space<semaphore_mem>>, %arg12: memref<!tpu.dma_semaphore, #tpu.memory_space<semaphore_mem>>, %arg13: memref<!tpu.dma_semaphore, #tpu.memory_space<semaphore_mem>>, %arg14: memref<!tpu.dma_semaphore, #tpu.memory_space<semaphore_mem>>, %arg15: memref<!tpu.dma_semaphore, #tpu.memory_space<semaphore_mem>>, %arg16: memref<!tpu.dma_semaphore, #tpu.memory_space<semaphore_mem>>, %arg17: memref<!tpu.dma_semaphore, #tpu.memory_space<semaphore_mem>>, %arg18: memref<!tpu.dma_semaphore, #tpu.memory_space<semaphore_mem>>, %arg19: memref<!tpu.dma_semaphore, #tpu.memory_space<semaphore_mem>>) attributes {dimension_semantics = [#tpu.dimension_semantics<core_parallel>, #tpu.dimension_semantics<subcore_parallel>], iteration_bounds = array<i64: 2, 16>, scalar_prefetch = 0 : i64, scratch_operands = 14 : i64, tpu.core_type = #tpu.core_type<sc_vector_subcore>, window_params = [{transform_indices = #map}, {transform_indices = #map1}, {transform_indices = #map1}, {transform_indices = #map1}]} {
    %mul3A = arith.constant 16 : i32
    %mul3A_0 = arith.muli %arg0, %mul3A : i32
    %add3A = arith.addi %mul3A_0, %arg1 : i32
    %dma_start3A = arith.constant 0 : i32
    %dma_start3A_1 = arith.constant 0 : i32
    %dma_start3A_2 = tpu.memref_slice %arg3[%add3A, %dma_start3A, %dma_start3A_1] : memref<32x125x80xi32, #tpu.memory_space<hbm>> -> memref<1x125x80xi32, #tpu.memory_space<hbm>>
    %dma_start3A_3 = tpu.memref_squeeze %dma_start3A_2 : memref<1x125x80xi32, #tpu.memory_space<hbm>> -> memref<125x80xi32, #tpu.memory_space<hbm>>
    %dma_start3A_4 = arith.constant 0 : i32
    %dma_start3A_5 = arith.constant 0 : i32
    %dma_start3A_6 = tpu.memref_slice %arg3[%add3A, %dma_start3A_4, %dma_start3A_5] : memref<32x125x80xi32, #tpu.memory_space<hbm>> -> memref<1x125x80xi32, #tpu.memory_space<hbm>>
    %dma_start3A_7 = tpu.memref_squeeze %dma_start3A_6 : memref<1x125x80xi32, #tpu.memory_space<hbm>> -> memref<125x80xi32, #tpu.memory_space<hbm>>
    tpu.enqueue_dma source(%dma_start3A_7 : memref<125x80xi32, #tpu.memory_space<hbm>>) target(%arg6 : memref<125x80xi32, #tpu.memory_space<vmem>>) target_semaphore(%arg15 : memref<!tpu.dma_semaphore, #tpu.memory_space<semaphore_mem>>)
    %dma_start3A_8 = arith.constant 0 : i32
    %dma_start3A_9 = arith.constant 0 : i32
    %dma_start3A_10 = tpu.memref_slice %arg4[%add3A, %dma_start3A_8, %dma_start3A_9] : memref<32x125x80xi32, #tpu.memory_space<hbm>> -> memref<1x125x80xi32, #tpu.memory_space<hbm>>
    %dma_start3A_11 = tpu.memref_squeeze %dma_start3A_10 : memref<1x125x80xi32, #tpu.memory_space<hbm>> -> memref<125x80xi32, #tpu.memory_space<hbm>>
    %dma_start3A_12 = arith.constant 0 : i32
    %dma_start3A_13 = arith.constant 0 : i32
    %dma_start3A_14 = tpu.memref_slice %arg4[%add3A, %dma_start3A_12, %dma_start3A_13] : memref<32x125x80xi32, #tpu.memory_space<hbm>> -> memref<1x125x80xi32, #tpu.memory_space<hbm>>
    %dma_start3A_15 = tpu.memref_squeeze %dma_start3A_14 : memref<1x125x80xi32, #tpu.memory_space<hbm>> -> memref<125x80xi32, #tpu.memory_space<hbm>>
    tpu.enqueue_dma source(%dma_start3A_15 : memref<125x80xi32, #tpu.memory_space<hbm>>) target(%arg7 : memref<125x80xi32, #tpu.memory_space<vmem>>) target_semaphore(%arg16 : memref<!tpu.dma_semaphore, #tpu.memory_space<semaphore_mem>>)
    %add3A_16 = arith.constant 0 : i32
    %add3A_17 = arith.addi %arg1, %add3A_16 : i32
    %mul3A_18 = arith.constant 400 : i32
    %mul3A_19 = arith.muli %add3A_17, %mul3A_18 : i32
    %mul3A_20 = arith.constant 400 : i32
    %mul3A_21 = arith.muli %add3A_17, %mul3A_20 : i32
    %dma_start3A_22 = arith.constant 0 : i32
    %dma_start3A_23 = tpu.memref_slice %arg9[%mul3A_21, %dma_start3A_22] : memref<10400x64xf32, #tpu.memory_space<vmem_shared>> -> memref<400x64xf32, #tpu.memory_space<vmem_shared>>
    %dma_start3A_24 = arith.constant 0 : i32
    %dma_start3A_25 = tpu.memref_slice %arg2[%mul3A_19, %dma_start3A_24] : memref<10000x64xf32, #tpu.memory_space<hbm>> -> memref<400x64xf32, #tpu.memory_space<hbm>>
    tpu.enqueue_dma source(%dma_start3A_25 : memref<400x64xf32, #tpu.memory_space<hbm>>) target(%dma_start3A_23 : memref<400x64xf32, #tpu.memory_space<vmem_shared>>) target_semaphore(%arg17 : memref<!tpu.dma_semaphore, #tpu.memory_space<semaphore_mem>>)
    %add3A_26 = arith.constant 16 : i32
    %add3A_27 = arith.addi %arg1, %add3A_26 : i32
    %lt3A = arith.constant 25 : i32
    %lt3A_28 = arith.cmpi slt, %add3A_27, %lt3A : i32
    %convert_element_type3A = arith.extui %lt3A_28 : i1 to i32
    %cond3A = arith.constant 0 : i32
    %cond3A_29 = arith.cmpi ne, %convert_element_type3A, %cond3A : i32
    scf.if %cond3A_29 {
      %mul3A_176 = arith.constant 400 : i32
      %mul3A_177 = arith.muli %add3A_27, %mul3A_176 : i32
      %mul3A_178 = arith.constant 400 : i32
      %mul3A_179 = arith.muli %add3A_27, %mul3A_178 : i32
      %dma_start3A_180 = arith.constant 0 : i32
      %dma_start3A_181 = tpu.memref_slice %arg9[%mul3A_179, %dma_start3A_180] : memref<10400x64xf32, #tpu.memory_space<vmem_shared>> -> memref<400x64xf32, #tpu.memory_space<vmem_shared>>
      %dma_start3A_182 = arith.constant 0 : i32
      %dma_start3A_183 = tpu.memref_slice %arg2[%mul3A_177, %dma_start3A_182] : memref<10000x64xf32, #tpu.memory_space<hbm>> -> memref<400x64xf32, #tpu.memory_space<hbm>>
      tpu.enqueue_dma source(%dma_start3A_183 : memref<400x64xf32, #tpu.memory_space<hbm>>) target(%dma_start3A_181 : memref<400x64xf32, #tpu.memory_space<vmem_shared>>) target_semaphore(%arg18 : memref<!tpu.dma_semaphore, #tpu.memory_space<semaphore_mem>>)
    } else {
    }
    %dma_wait3A = arith.constant 0 : i32
    %dma_wait3A_30 = arith.constant 0 : i32
    %dma_wait3A_31 = tpu.memref_slice %arg3[%add3A, %dma_wait3A, %dma_wait3A_30] : memref<32x125x80xi32, #tpu.memory_space<hbm>> -> memref<1x125x80xi32, #tpu.memory_space<hbm>>
    %dma_wait3A_32 = tpu.memref_squeeze %dma_wait3A_31 : memref<1x125x80xi32, #tpu.memory_space<hbm>> -> memref<125x80xi32, #tpu.memory_space<hbm>>
    %dma_wait3A_33 = arith.constant 0 : i32
    %dma_wait3A_34 = arith.constant 0 : i32
    %dma_wait3A_35 = tpu.memref_slice %arg3[%add3A, %dma_wait3A_33, %dma_wait3A_34] : memref<32x125x80xi32, #tpu.memory_space<hbm>> -> memref<1x125x80xi32, #tpu.memory_space<hbm>>
    %dma_wait3A_36 = tpu.memref_squeeze %dma_wait3A_35 : memref<1x125x80xi32, #tpu.memory_space<hbm>> -> memref<125x80xi32, #tpu.memory_space<hbm>>
    tpu.wait_dma2 semaphore(%arg15 : memref<!tpu.dma_semaphore, #tpu.memory_space<semaphore_mem>>) src(%dma_wait3A_36 : memref<125x80xi32, #tpu.memory_space<hbm>>) dst(%arg6 : memref<125x80xi32, #tpu.memory_space<vmem>>)
    %dma_wait3A_37 = arith.constant 0 : i32
    %dma_wait3A_38 = arith.constant 0 : i32
    %dma_wait3A_39 = tpu.memref_slice %arg4[%add3A, %dma_wait3A_37, %dma_wait3A_38] : memref<32x125x80xi32, #tpu.memory_space<hbm>> -> memref<1x125x80xi32, #tpu.memory_space<hbm>>
    %dma_wait3A_40 = tpu.memref_squeeze %dma_wait3A_39 : memref<1x125x80xi32, #tpu.memory_space<hbm>> -> memref<125x80xi32, #tpu.memory_space<hbm>>
    %dma_wait3A_41 = arith.constant 0 : i32
    %dma_wait3A_42 = arith.constant 0 : i32
    %dma_wait3A_43 = tpu.memref_slice %arg4[%add3A, %dma_wait3A_41, %dma_wait3A_42] : memref<32x125x80xi32, #tpu.memory_space<hbm>> -> memref<1x125x80xi32, #tpu.memory_space<hbm>>
    %dma_wait3A_44 = tpu.memref_squeeze %dma_wait3A_43 : memref<1x125x80xi32, #tpu.memory_space<hbm>> -> memref<125x80xi32, #tpu.memory_space<hbm>>
    tpu.wait_dma2 semaphore(%arg16 : memref<!tpu.dma_semaphore, #tpu.memory_space<semaphore_mem>>) src(%dma_wait3A_44 : memref<125x80xi32, #tpu.memory_space<hbm>>) dst(%arg7 : memref<125x80xi32, #tpu.memory_space<vmem>>)
    %dma_start3A_45 = arith.constant 0 : i32
    %dma_start3A_46 = arith.constant 0 : i32
    %dma_start3A_47 = arith.constant 0 : i32
    %dma_start3A_48 = arith.constant 0 : i32
    %dma_start3A_49 = tpu.memref_slice %arg8[%dma_start3A_46, %dma_start3A_47, %dma_start3A_48] : memref<5x80x64xf32, #tpu.memory_space<vmem>> -> memref<1x80x64xf32, #tpu.memory_space<vmem>>
    %dma_start3A_50 = tpu.memref_squeeze %dma_start3A_49 : memref<1x80x64xf32, #tpu.memory_space<vmem>> -> memref<80x64xf32, #tpu.memory_space<vmem>>
    %dma_start3A_51 = arith.constant 0 : i32
    %dma_start3A_52 = tpu.memref_slice %arg6[%dma_start3A_45, %dma_start3A_51] : memref<125x80xi32, #tpu.memory_space<vmem>> -> memref<1x80xi32, #tpu.memory_space<vmem>>
    %dma_start3A_53 = tpu.memref_squeeze %dma_start3A_52 : memref<1x80xi32, #tpu.memory_space<vmem>> -> memref<80xi32, #tpu.memory_space<vmem>>
    %dma_start3A_54 = arith.constant 0 : i32
    %dma_start3A_55 = arith.constant 0 : i32
    %dma_start3A_56 = tpu.memref_slice %arg2[%dma_start3A_54, %dma_start3A_55] : memref<10000x64xf32, #tpu.memory_space<hbm>> -> memref<10000x64xf32, #tpu.memory_space<hbm>>
    tpu.enqueue_indirect_dma source(%dma_start3A_56 : memref<10000x64xf32, #tpu.memory_space<hbm>>) target(%dma_start3A_50 : memref<80x64xf32, #tpu.memory_space<vmem>>) offsets(%dma_start3A_53 : memref<80xi32, #tpu.memory_space<vmem>>) semaphore(%arg10 : memref<!tpu.dma_semaphore, #tpu.memory_space<semaphore_mem>>)
    %dma_start3A_57 = arith.constant 1 : i32
    %dma_start3A_58 = arith.constant 1 : i32
    %dma_start3A_59 = arith.constant 0 : i32
    %dma_start3A_60 = arith.constant 0 : i32
    %dma_start3A_61 = tpu.memref_slice %arg8[%dma_start3A_58, %dma_start3A_59, %dma_start3A_60] : memref<5x80x64xf32, #tpu.memory_space<vmem>> -> memref<1x80x64xf32, #tpu.memory_space<vmem>>
    %dma_start3A_62 = tpu.memref_squeeze %dma_start3A_61 : memref<1x80x64xf32, #tpu.memory_space<vmem>> -> memref<80x64xf32, #tpu.memory_space<vmem>>
    %dma_start3A_63 = arith.constant 0 : i32
    %dma_start3A_64 = tpu.memref_slice %arg6[%dma_start3A_57, %dma_start3A_63] : memref<125x80xi32, #tpu.memory_space<vmem>> -> memref<1x80xi32, #tpu.memory_space<vmem>>
    %dma_start3A_65 = tpu.memref_squeeze %dma_start3A_64 : memref<1x80xi32, #tpu.memory_space<vmem>> -> memref<80xi32, #tpu.memory_space<vmem>>
    %dma_start3A_66 = arith.constant 0 : i32
    %dma_start3A_67 = arith.constant 0 : i32
    %dma_start3A_68 = tpu.memref_slice %arg2[%dma_start3A_66, %dma_start3A_67] : memref<10000x64xf32, #tpu.memory_space<hbm>> -> memref<10000x64xf32, #tpu.memory_space<hbm>>
    tpu.enqueue_indirect_dma source(%dma_start3A_68 : memref<10000x64xf32, #tpu.memory_space<hbm>>) target(%dma_start3A_62 : memref<80x64xf32, #tpu.memory_space<vmem>>) offsets(%dma_start3A_65 : memref<80xi32, #tpu.memory_space<vmem>>) semaphore(%arg11 : memref<!tpu.dma_semaphore, #tpu.memory_space<semaphore_mem>>)
    %dma_start3A_69 = arith.constant 2 : i32
    %dma_start3A_70 = arith.constant 2 : i32
    %dma_start3A_71 = arith.constant 0 : i32
    %dma_start3A_72 = arith.constant 0 : i32
    %dma_start3A_73 = tpu.memref_slice %arg8[%dma_start3A_70, %dma_start3A_71, %dma_start3A_72] : memref<5x80x64xf32, #tpu.memory_space<vmem>> -> memref<1x80x64xf32, #tpu.memory_space<vmem>>
    %dma_start3A_74 = tpu.memref_squeeze %dma_start3A_73 : memref<1x80x64xf32, #tpu.memory_space<vmem>> -> memref<80x64xf32, #tpu.memory_space<vmem>>
    %dma_start3A_75 = arith.constant 0 : i32
    %dma_start3A_76 = tpu.memref_slice %arg6[%dma_start3A_69, %dma_start3A_75] : memref<125x80xi32, #tpu.memory_space<vmem>> -> memref<1x80xi32, #tpu.memory_space<vmem>>
    %dma_start3A_77 = tpu.memref_squeeze %dma_start3A_76 : memref<1x80xi32, #tpu.memory_space<vmem>> -> memref<80xi32, #tpu.memory_space<vmem>>
    %dma_start3A_78 = arith.constant 0 : i32
    %dma_start3A_79 = arith.constant 0 : i32
    %dma_start3A_80 = tpu.memref_slice %arg2[%dma_start3A_78, %dma_start3A_79] : memref<10000x64xf32, #tpu.memory_space<hbm>> -> memref<10000x64xf32, #tpu.memory_space<hbm>>
    tpu.enqueue_indirect_dma source(%dma_start3A_80 : memref<10000x64xf32, #tpu.memory_space<hbm>>) target(%dma_start3A_74 : memref<80x64xf32, #tpu.memory_space<vmem>>) offsets(%dma_start3A_77 : memref<80xi32, #tpu.memory_space<vmem>>) semaphore(%arg12 : memref<!tpu.dma_semaphore, #tpu.memory_space<semaphore_mem>>)
    %dma_start3A_81 = arith.constant 3 : i32
    %dma_start3A_82 = arith.constant 3 : i32
    %dma_start3A_83 = arith.constant 0 : i32
    %dma_start3A_84 = arith.constant 0 : i32
    %dma_start3A_85 = tpu.memref_slice %arg8[%dma_start3A_82, %dma_start3A_83, %dma_start3A_84] : memref<5x80x64xf32, #tpu.memory_space<vmem>> -> memref<1x80x64xf32, #tpu.memory_space<vmem>>
    %dma_start3A_86 = tpu.memref_squeeze %dma_start3A_85 : memref<1x80x64xf32, #tpu.memory_space<vmem>> -> memref<80x64xf32, #tpu.memory_space<vmem>>
    %dma_start3A_87 = arith.constant 0 : i32
    %dma_start3A_88 = tpu.memref_slice %arg6[%dma_start3A_81, %dma_start3A_87] : memref<125x80xi32, #tpu.memory_space<vmem>> -> memref<1x80xi32, #tpu.memory_space<vmem>>
    %dma_start3A_89 = tpu.memref_squeeze %dma_start3A_88 : memref<1x80xi32, #tpu.memory_space<vmem>> -> memref<80xi32, #tpu.memory_space<vmem>>
    %dma_start3A_90 = arith.constant 0 : i32
    %dma_start3A_91 = arith.constant 0 : i32
    %dma_start3A_92 = tpu.memref_slice %arg2[%dma_start3A_90, %dma_start3A_91] : memref<10000x64xf32, #tpu.memory_space<hbm>> -> memref<10000x64xf32, #tpu.memory_space<hbm>>
    tpu.enqueue_indirect_dma source(%dma_start3A_92 : memref<10000x64xf32, #tpu.memory_space<hbm>>) target(%dma_start3A_86 : memref<80x64xf32, #tpu.memory_space<vmem>>) offsets(%dma_start3A_89 : memref<80xi32, #tpu.memory_space<vmem>>) semaphore(%arg13 : memref<!tpu.dma_semaphore, #tpu.memory_space<semaphore_mem>>)
    %dma_start3A_93 = arith.constant 4 : i32
    %dma_start3A_94 = arith.constant 4 : i32
    %dma_start3A_95 = arith.constant 0 : i32
    %dma_start3A_96 = arith.constant 0 : i32
    %dma_start3A_97 = tpu.memref_slice %arg8[%dma_start3A_94, %dma_start3A_95, %dma_start3A_96] : memref<5x80x64xf32, #tpu.memory_space<vmem>> -> memref<1x80x64xf32, #tpu.memory_space<vmem>>
    %dma_start3A_98 = tpu.memref_squeeze %dma_start3A_97 : memref<1x80x64xf32, #tpu.memory_space<vmem>> -> memref<80x64xf32, #tpu.memory_space<vmem>>
    %dma_start3A_99 = arith.constant 0 : i32
    %dma_start3A_100 = tpu.memref_slice %arg6[%dma_start3A_93, %dma_start3A_99] : memref<125x80xi32, #tpu.memory_space<vmem>> -> memref<1x80xi32, #tpu.memory_space<vmem>>
    %dma_start3A_101 = tpu.memref_squeeze %dma_start3A_100 : memref<1x80xi32, #tpu.memory_space<vmem>> -> memref<80xi32, #tpu.memory_space<vmem>>
    %dma_start3A_102 = arith.constant 0 : i32
    %dma_start3A_103 = arith.constant 0 : i32
    %dma_start3A_104 = tpu.memref_slice %arg2[%dma_start3A_102, %dma_start3A_103] : memref<10000x64xf32, #tpu.memory_space<hbm>> -> memref<10000x64xf32, #tpu.memory_space<hbm>>
    tpu.enqueue_indirect_dma source(%dma_start3A_104 : memref<10000x64xf32, #tpu.memory_space<hbm>>) target(%dma_start3A_98 : memref<80x64xf32, #tpu.memory_space<vmem>>) offsets(%dma_start3A_101 : memref<80xi32, #tpu.memory_space<vmem>>) semaphore(%arg14 : memref<!tpu.dma_semaphore, #tpu.memory_space<semaphore_mem>>)
    %add3A_105 = arith.constant 0 : i32
    %add3A_106 = arith.addi %arg1, %add3A_105 : i32
    %mul3A_107 = arith.constant 400 : i32
    %mul3A_108 = arith.muli %add3A_106, %mul3A_107 : i32
    %mul3A_109 = arith.constant 400 : i32
    %mul3A_110 = arith.muli %add3A_106, %mul3A_109 : i32
    %dma_wait3A_111 = arith.constant 0 : i32
    %dma_wait3A_112 = tpu.memref_slice %arg9[%mul3A_110, %dma_wait3A_111] : memref<10400x64xf32, #tpu.memory_space<vmem_shared>> -> memref<400x64xf32, #tpu.memory_space<vmem_shared>>
    %dma_wait3A_113 = arith.constant 0 : i32
    %dma_wait3A_114 = tpu.memref_slice %arg2[%mul3A_108, %dma_wait3A_113] : memref<10000x64xf32, #tpu.memory_space<hbm>> -> memref<400x64xf32, #tpu.memory_space<hbm>>
    tpu.wait_dma2 semaphore(%arg17 : memref<!tpu.dma_semaphore, #tpu.memory_space<semaphore_mem>>) src(%dma_wait3A_114 : memref<400x64xf32, #tpu.memory_space<hbm>>) dst(%dma_wait3A_112 : memref<400x64xf32, #tpu.memory_space<vmem_shared>>)
    %add3A_115 = arith.constant 16 : i32
    %add3A_116 = arith.addi %arg1, %add3A_115 : i32
    %lt3A_117 = arith.constant 25 : i32
    %lt3A_118 = arith.cmpi slt, %add3A_116, %lt3A_117 : i32
    %convert_element_type3A_119 = arith.extui %lt3A_118 : i1 to i32
    %cond3A_120 = arith.constant 0 : i32
    %cond3A_121 = arith.cmpi ne, %convert_element_type3A_119, %cond3A_120 : i32
    scf.if %cond3A_121 {
      %mul3A_176 = arith.constant 400 : i32
      %mul3A_177 = arith.muli %add3A_116, %mul3A_176 : i32
      %mul3A_178 = arith.constant 400 : i32
      %mul3A_179 = arith.muli %add3A_116, %mul3A_178 : i32
      %dma_wait3A_180 = arith.constant 0 : i32
      %dma_wait3A_181 = tpu.memref_slice %arg9[%mul3A_179, %dma_wait3A_180] : memref<10400x64xf32, #tpu.memory_space<vmem_shared>> -> memref<400x64xf32, #tpu.memory_space<vmem_shared>>
      %dma_wait3A_182 = arith.constant 0 : i32
      %dma_wait3A_183 = tpu.memref_slice %arg2[%mul3A_177, %dma_wait3A_182] : memref<10000x64xf32, #tpu.memory_space<hbm>> -> memref<400x64xf32, #tpu.memory_space<hbm>>
      tpu.wait_dma2 semaphore(%arg18 : memref<!tpu.dma_semaphore, #tpu.memory_space<semaphore_mem>>) src(%dma_wait3A_183 : memref<400x64xf32, #tpu.memory_space<hbm>>) dst(%dma_wait3A_181 : memref<400x64xf32, #tpu.memory_space<vmem_shared>>)
    } else {
    }
    %barrier3A = arith.constant 0 : index
    tpu.barrier barrier_id(%barrier3A)
    %scan3A = arith.constant 0 : i32
    %scan3A_122 = arith.constant 0 : i32
    %scan3A_123 = arith.constant 25 : i32
    %scan3A_124 = arith.addi %scan3A_122, %scan3A_123 : i32
    %scan3A_125 = arith.constant 1 : i32
    scf.for %scan3A_176 = %scan3A_122 to %scan3A_124 step %scan3A_125  : i32 {
      %mul3A_177 = arith.constant 5 : i32
      %mul3A_178 = arith.muli %scan3A_176, %mul3A_177 : i32
      %add3A_179 = arith.constant 0 : i32
      %add3A_180 = arith.addi %mul3A_178, %add3A_179 : i32
      %dma_wait3A_181 = arith.constant 0 : i32
      %dma_wait3A_182 = arith.constant 0 : i32
      %dma_wait3A_183 = arith.constant 0 : i32
      %dma_wait3A_184 = tpu.memref_slice %arg8[%dma_wait3A_181, %dma_wait3A_182, %dma_wait3A_183] : memref<5x80x64xf32, #tpu.memory_space<vmem>> -> memref<1x80x64xf32, #tpu.memory_space<vmem>>
      %dma_wait3A_185 = tpu.memref_squeeze %dma_wait3A_184 : memref<1x80x64xf32, #tpu.memory_space<vmem>> -> memref<80x64xf32, #tpu.memory_space<vmem>>
      %dma_wait3A_186 = arith.constant 0 : i32
      %dma_wait3A_187 = tpu.memref_slice %arg6[%add3A_180, %dma_wait3A_186] : memref<125x80xi32, #tpu.memory_space<vmem>> -> memref<1x80xi32, #tpu.memory_space<vmem>>
      %dma_wait3A_188 = tpu.memref_squeeze %dma_wait3A_187 : memref<1x80xi32, #tpu.memory_space<vmem>> -> memref<80xi32, #tpu.memory_space<vmem>>
      %dma_wait3A_189 = arith.constant 0 : i32
      %dma_wait3A_190 = arith.constant 0 : i32
      %dma_wait3A_191 = tpu.memref_slice %arg2[%dma_wait3A_189, %dma_wait3A_190] : memref<10000x64xf32, #tpu.memory_space<hbm>> -> memref<10000x64xf32, #tpu.memory_space<hbm>>
      tpu.wait_indirect_dma semaphore(%arg10 : memref<!tpu.dma_semaphore, #tpu.memory_space<semaphore_mem>>) src(%dma_wait3A_191 : memref<10000x64xf32, #tpu.memory_space<hbm>>) dst(%dma_wait3A_185 : memref<80x64xf32, #tpu.memory_space<vmem>>)
      %dma_start3A_192 = arith.constant 0 : i32
      %dma_start3A_193 = arith.constant 0 : i32
      %dma_start3A_194 = arith.constant 0 : i32
      %dma_start3A_195 = tpu.memref_slice %arg8[%dma_start3A_192, %dma_start3A_193, %dma_start3A_194] : memref<5x80x64xf32, #tpu.memory_space<vmem>> -> memref<1x80x64xf32, #tpu.memory_space<vmem>>
      %dma_start3A_196 = tpu.memref_squeeze %dma_start3A_195 : memref<1x80x64xf32, #tpu.memory_space<vmem>> -> memref<80x64xf32, #tpu.memory_space<vmem>>
      %dma_start3A_197 = arith.constant 0 : i32
      %dma_start3A_198 = tpu.memref_slice %arg7[%add3A_180, %dma_start3A_197] : memref<125x80xi32, #tpu.memory_space<vmem>> -> memref<1x80xi32, #tpu.memory_space<vmem>>
      %dma_start3A_199 = tpu.memref_squeeze %dma_start3A_198 : memref<1x80xi32, #tpu.memory_space<vmem>> -> memref<80xi32, #tpu.memory_space<vmem>>
      %dma_start3A_200 = arith.constant 0 : i32
      %dma_start3A_201 = arith.constant 0 : i32
      %dma_start3A_202 = tpu.memref_slice %arg9[%dma_start3A_200, %dma_start3A_201] : memref<10400x64xf32, #tpu.memory_space<vmem_shared>> -> memref<10400x64xf32, #tpu.memory_space<vmem_shared>>
      tpu.enqueue_indirect_dma source(%dma_start3A_196 : memref<80x64xf32, #tpu.memory_space<vmem>>) target(%dma_start3A_202 : memref<10400x64xf32, #tpu.memory_space<vmem_shared>>) offsets(%dma_start3A_199 : memref<80xi32, #tpu.memory_space<vmem>>) semaphore(%arg15 : memref<!tpu.dma_semaphore, #tpu.memory_space<semaphore_mem>>) {add = true}
      %sub3A = arith.constant 1 : i32
      %sub3A_203 = arith.subi %add3A_180, %sub3A : i32
      %ge3A = arith.constant 0 : i32
      %ge3A_204 = arith.cmpi sge, %sub3A_203, %ge3A : i32
      %convert_element_type3A_205 = arith.extui %ge3A_204 : i1 to i32
      %cond3A_206 = arith.constant 0 : i32
      %cond3A_207 = arith.cmpi ne, %convert_element_type3A_205, %cond3A_206 : i32
      scf.if %cond3A_207 {
        %dma_wait3A_340 = arith.constant 4 : i32
        %dma_wait3A_341 = arith.constant 0 : i32
        %dma_wait3A_342 = arith.constant 0 : i32
        %dma_wait3A_343 = tpu.memref_slice %arg8[%dma_wait3A_340, %dma_wait3A_341, %dma_wait3A_342] : memref<5x80x64xf32, #tpu.memory_space<vmem>> -> memref<1x80x64xf32, #tpu.memory_space<vmem>>
        %dma_wait3A_344 = tpu.memref_squeeze %dma_wait3A_343 : memref<1x80x64xf32, #tpu.memory_space<vmem>> -> memref<80x64xf32, #tpu.memory_space<vmem>>
        %dma_wait3A_345 = arith.constant 0 : i32
        %dma_wait3A_346 = tpu.memref_slice %arg7[%sub3A_203, %dma_wait3A_345] : memref<125x80xi32, #tpu.memory_space<vmem>> -> memref<1x80xi32, #tpu.memory_space<vmem>>
        %dma_wait3A_347 = tpu.memref_squeeze %dma_wait3A_346 : memref<1x80xi32, #tpu.memory_space<vmem>> -> memref<80xi32, #tpu.memory_space<vmem>>
        %dma_wait3A_348 = arith.constant 0 : i32
        %dma_wait3A_349 = arith.constant 0 : i32
        %dma_wait3A_350 = tpu.memref_slice %arg9[%dma_wait3A_348, %dma_wait3A_349] : memref<10400x64xf32, #tpu.memory_space<vmem_shared>> -> memref<10400x64xf32, #tpu.memory_space<vmem_shared>>
        tpu.wait_indirect_dma semaphore(%arg19 : memref<!tpu.dma_semaphore, #tpu.memory_space<semaphore_mem>>) src(%dma_wait3A_344 : memref<80x64xf32, #tpu.memory_space<vmem>>) dst(%dma_wait3A_350 : memref<10400x64xf32, #tpu.memory_space<vmem_shared>>)
        %add3A_351 = arith.constant 5 : i32
        %add3A_352 = arith.addi %sub3A_203, %add3A_351 : i32
        %lt3A_353 = arith.constant 125 : i32
        %lt3A_354 = arith.cmpi slt, %add3A_352, %lt3A_353 : i32
        %convert_element_type3A_355 = arith.extui %lt3A_354 : i1 to i32
        %cond3A_356 = arith.constant 0 : i32
        %cond3A_357 = arith.cmpi ne, %convert_element_type3A_355, %cond3A_356 : i32
        scf.if %cond3A_357 {
          %add3A_358 = arith.constant 5 : i32
          %add3A_359 = arith.addi %sub3A_203, %add3A_358 : i32
          %dma_start3A_360 = arith.constant 4 : i32
          %dma_start3A_361 = arith.constant 0 : i32
          %dma_start3A_362 = arith.constant 0 : i32
          %dma_start3A_363 = tpu.memref_slice %arg8[%dma_start3A_360, %dma_start3A_361, %dma_start3A_362] : memref<5x80x64xf32, #tpu.memory_space<vmem>> -> memref<1x80x64xf32, #tpu.memory_space<vmem>>
          %dma_start3A_364 = tpu.memref_squeeze %dma_start3A_363 : memref<1x80x64xf32, #tpu.memory_space<vmem>> -> memref<80x64xf32, #tpu.memory_space<vmem>>
          %dma_start3A_365 = arith.constant 0 : i32
          %dma_start3A_366 = tpu.memref_slice %arg6[%add3A_359, %dma_start3A_365] : memref<125x80xi32, #tpu.memory_space<vmem>> -> memref<1x80xi32, #tpu.memory_space<vmem>>
          %dma_start3A_367 = tpu.memref_squeeze %dma_start3A_366 : memref<1x80xi32, #tpu.memory_space<vmem>> -> memref<80xi32, #tpu.memory_space<vmem>>
          %dma_start3A_368 = arith.constant 0 : i32
          %dma_start3A_369 = arith.constant 0 : i32
          %dma_start3A_370 = tpu.memref_slice %arg2[%dma_start3A_368, %dma_start3A_369] : memref<10000x64xf32, #tpu.memory_space<hbm>> -> memref<10000x64xf32, #tpu.memory_space<hbm>>
          tpu.enqueue_indirect_dma source(%dma_start3A_370 : memref<10000x64xf32, #tpu.memory_space<hbm>>) target(%dma_start3A_364 : memref<80x64xf32, #tpu.memory_space<vmem>>) offsets(%dma_start3A_367 : memref<80xi32, #tpu.memory_space<vmem>>) semaphore(%arg14 : memref<!tpu.dma_semaphore, #tpu.memory_space<semaphore_mem>>)
        } else {
        }
      } else {
      }
      %mul3A_208 = arith.constant 5 : i32
      %mul3A_209 = arith.muli %scan3A_176, %mul3A_208 : i32
      %add3A_210 = arith.constant 1 : i32
      %add3A_211 = arith.addi %mul3A_209, %add3A_210 : i32
      %dma_wait3A_212 = arith.constant 1 : i32
      %dma_wait3A_213 = arith.constant 0 : i32
      %dma_wait3A_214 = arith.constant 0 : i32
      %dma_wait3A_215 = tpu.memref_slice %arg8[%dma_wait3A_212, %dma_wait3A_213, %dma_wait3A_214] : memref<5x80x64xf32, #tpu.memory_space<vmem>> -> memref<1x80x64xf32, #tpu.memory_space<vmem>>
      %dma_wait3A_216 = tpu.memref_squeeze %dma_wait3A_215 : memref<1x80x64xf32, #tpu.memory_space<vmem>> -> memref<80x64xf32, #tpu.memory_space<vmem>>
      %dma_wait3A_217 = arith.constant 0 : i32
      %dma_wait3A_218 = tpu.memref_slice %arg6[%add3A_211, %dma_wait3A_217] : memref<125x80xi32, #tpu.memory_space<vmem>> -> memref<1x80xi32, #tpu.memory_space<vmem>>
      %dma_wait3A_219 = tpu.memref_squeeze %dma_wait3A_218 : memref<1x80xi32, #tpu.memory_space<vmem>> -> memref<80xi32, #tpu.memory_space<vmem>>
      %dma_wait3A_220 = arith.constant 0 : i32
      %dma_wait3A_221 = arith.constant 0 : i32
      %dma_wait3A_222 = tpu.memref_slice %arg2[%dma_wait3A_220, %dma_wait3A_221] : memref<10000x64xf32, #tpu.memory_space<hbm>> -> memref<10000x64xf32, #tpu.memory_space<hbm>>
      tpu.wait_indirect_dma semaphore(%arg11 : memref<!tpu.dma_semaphore, #tpu.memory_space<semaphore_mem>>) src(%dma_wait3A_222 : memref<10000x64xf32, #tpu.memory_space<hbm>>) dst(%dma_wait3A_216 : memref<80x64xf32, #tpu.memory_space<vmem>>)
      %dma_start3A_223 = arith.constant 1 : i32
      %dma_start3A_224 = arith.constant 0 : i32
      %dma_start3A_225 = arith.constant 0 : i32
      %dma_start3A_226 = tpu.memref_slice %arg8[%dma_start3A_223, %dma_start3A_224, %dma_start3A_225] : memref<5x80x64xf32, #tpu.memory_space<vmem>> -> memref<1x80x64xf32, #tpu.memory_space<vmem>>
      %dma_start3A_227 = tpu.memref_squeeze %dma_start3A_226 : memref<1x80x64xf32, #tpu.memory_space<vmem>> -> memref<80x64xf32, #tpu.memory_space<vmem>>
      %dma_start3A_228 = arith.constant 0 : i32
      %dma_start3A_229 = tpu.memref_slice %arg7[%add3A_211, %dma_start3A_228] : memref<125x80xi32, #tpu.memory_space<vmem>> -> memref<1x80xi32, #tpu.memory_space<vmem>>
      %dma_start3A_230 = tpu.memref_squeeze %dma_start3A_229 : memref<1x80xi32, #tpu.memory_space<vmem>> -> memref<80xi32, #tpu.memory_space<vmem>>
      %dma_start3A_231 = arith.constant 0 : i32
      %dma_start3A_232 = arith.constant 0 : i32
      %dma_start3A_233 = tpu.memref_slice %arg9[%dma_start3A_231, %dma_start3A_232] : memref<10400x64xf32, #tpu.memory_space<vmem_shared>> -> memref<10400x64xf32, #tpu.memory_space<vmem_shared>>
      tpu.enqueue_indirect_dma source(%dma_start3A_227 : memref<80x64xf32, #tpu.memory_space<vmem>>) target(%dma_start3A_233 : memref<10400x64xf32, #tpu.memory_space<vmem_shared>>) offsets(%dma_start3A_230 : memref<80xi32, #tpu.memory_space<vmem>>) semaphore(%arg16 : memref<!tpu.dma_semaphore, #tpu.memory_space<semaphore_mem>>) {add = true}
      %sub3A_234 = arith.constant 1 : i32
      %sub3A_235 = arith.subi %add3A_211, %sub3A_234 : i32
      %ge3A_236 = arith.constant 0 : i32
      %ge3A_237 = arith.cmpi sge, %sub3A_235, %ge3A_236 : i32
      %convert_element_type3A_238 = arith.extui %ge3A_237 : i1 to i32
      %cond3A_239 = arith.constant 0 : i32
      %cond3A_240 = arith.cmpi ne, %convert_element_type3A_238, %cond3A_239 : i32
      scf.if %cond3A_240 {
        %dma_wait3A_340 = arith.constant 0 : i32
        %dma_wait3A_341 = arith.constant 0 : i32
        %dma_wait3A_342 = arith.constant 0 : i32
        %dma_wait3A_343 = tpu.memref_slice %arg8[%dma_wait3A_340, %dma_wait3A_341, %dma_wait3A_342] : memref<5x80x64xf32, #tpu.memory_space<vmem>> -> memref<1x80x64xf32, #tpu.memory_space<vmem>>
        %dma_wait3A_344 = tpu.memref_squeeze %dma_wait3A_343 : memref<1x80x64xf32, #tpu.memory_space<vmem>> -> memref<80x64xf32, #tpu.memory_space<vmem>>
        %dma_wait3A_345 = arith.constant 0 : i32
        %dma_wait3A_346 = tpu.memref_slice %arg7[%sub3A_235, %dma_wait3A_345] : memref<125x80xi32, #tpu.memory_space<vmem>> -> memref<1x80xi32, #tpu.memory_space<vmem>>
        %dma_wait3A_347 = tpu.memref_squeeze %dma_wait3A_346 : memref<1x80xi32, #tpu.memory_space<vmem>> -> memref<80xi32, #tpu.memory_space<vmem>>
        %dma_wait3A_348 = arith.constant 0 : i32
        %dma_wait3A_349 = arith.constant 0 : i32
        %dma_wait3A_350 = tpu.memref_slice %arg9[%dma_wait3A_348, %dma_wait3A_349] : memref<10400x64xf32, #tpu.memory_space<vmem_shared>> -> memref<10400x64xf32, #tpu.memory_space<vmem_shared>>
        tpu.wait_indirect_dma semaphore(%arg15 : memref<!tpu.dma_semaphore, #tpu.memory_space<semaphore_mem>>) src(%dma_wait3A_344 : memref<80x64xf32, #tpu.memory_space<vmem>>) dst(%dma_wait3A_350 : memref<10400x64xf32, #tpu.memory_space<vmem_shared>>)
        %add3A_351 = arith.constant 5 : i32
        %add3A_352 = arith.addi %sub3A_235, %add3A_351 : i32
        %lt3A_353 = arith.constant 125 : i32
        %lt3A_354 = arith.cmpi slt, %add3A_352, %lt3A_353 : i32
        %convert_element_type3A_355 = arith.extui %lt3A_354 : i1 to i32
        %cond3A_356 = arith.constant 0 : i32
        %cond3A_357 = arith.cmpi ne, %convert_element_type3A_355, %cond3A_356 : i32
        scf.if %cond3A_357 {
          %add3A_358 = arith.constant 5 : i32
          %add3A_359 = arith.addi %sub3A_235, %add3A_358 : i32
          %dma_start3A_360 = arith.constant 0 : i32
          %dma_start3A_361 = arith.constant 0 : i32
          %dma_start3A_362 = arith.constant 0 : i32
          %dma_start3A_363 = tpu.memref_slice %arg8[%dma_start3A_360, %dma_start3A_361, %dma_start3A_362] : memref<5x80x64xf32, #tpu.memory_space<vmem>> -> memref<1x80x64xf32, #tpu.memory_space<vmem>>
          %dma_start3A_364 = tpu.memref_squeeze %dma_start3A_363 : memref<1x80x64xf32, #tpu.memory_space<vmem>> -> memref<80x64xf32, #tpu.memory_space<vmem>>
          %dma_start3A_365 = arith.constant 0 : i32
          %dma_start3A_366 = tpu.memref_slice %arg6[%add3A_359, %dma_start3A_365] : memref<125x80xi32, #tpu.memory_space<vmem>> -> memref<1x80xi32, #tpu.memory_space<vmem>>
          %dma_start3A_367 = tpu.memref_squeeze %dma_start3A_366 : memref<1x80xi32, #tpu.memory_space<vmem>> -> memref<80xi32, #tpu.memory_space<vmem>>
          %dma_start3A_368 = arith.constant 0 : i32
          %dma_start3A_369 = arith.constant 0 : i32
          %dma_start3A_370 = tpu.memref_slice %arg2[%dma_start3A_368, %dma_start3A_369] : memref<10000x64xf32, #tpu.memory_space<hbm>> -> memref<10000x64xf32, #tpu.memory_space<hbm>>
          tpu.enqueue_indirect_dma source(%dma_start3A_370 : memref<10000x64xf32, #tpu.memory_space<hbm>>) target(%dma_start3A_364 : memref<80x64xf32, #tpu.memory_space<vmem>>) offsets(%dma_start3A_367 : memref<80xi32, #tpu.memory_space<vmem>>) semaphore(%arg10 : memref<!tpu.dma_semaphore, #tpu.memory_space<semaphore_mem>>)
        } else {
        }
      } else {
      }
      %mul3A_241 = arith.constant 5 : i32
      %mul3A_242 = arith.muli %scan3A_176, %mul3A_241 : i32
      %add3A_243 = arith.constant 2 : i32
      %add3A_244 = arith.addi %mul3A_242, %add3A_243 : i32
      %dma_wait3A_245 = arith.constant 2 : i32
      %dma_wait3A_246 = arith.constant 0 : i32
      %dma_wait3A_247 = arith.constant 0 : i32
      %dma_wait3A_248 = tpu.memref_slice %arg8[%dma_wait3A_245, %dma_wait3A_246, %dma_wait3A_247] : memref<5x80x64xf32, #tpu.memory_space<vmem>> -> memref<1x80x64xf32, #tpu.memory_space<vmem>>
      %dma_wait3A_249 = tpu.memref_squeeze %dma_wait3A_248 : memref<1x80x64xf32, #tpu.memory_space<vmem>> -> memref<80x64xf32, #tpu.memory_space<vmem>>
      %dma_wait3A_250 = arith.constant 0 : i32
      %dma_wait3A_251 = tpu.memref_slice %arg6[%add3A_244, %dma_wait3A_250] : memref<125x80xi32, #tpu.memory_space<vmem>> -> memref<1x80xi32, #tpu.memory_space<vmem>>
      %dma_wait3A_252 = tpu.memref_squeeze %dma_wait3A_251 : memref<1x80xi32, #tpu.memory_space<vmem>> -> memref<80xi32, #tpu.memory_space<vmem>>
      %dma_wait3A_253 = arith.constant 0 : i32
      %dma_wait3A_254 = arith.constant 0 : i32
      %dma_wait3A_255 = tpu.memref_slice %arg2[%dma_wait3A_253, %dma_wait3A_254] : memref<10000x64xf32, #tpu.memory_space<hbm>> -> memref<10000x64xf32, #tpu.memory_space<hbm>>
      tpu.wait_indirect_dma semaphore(%arg12 : memref<!tpu.dma_semaphore, #tpu.memory_space<semaphore_mem>>) src(%dma_wait3A_255 : memref<10000x64xf32, #tpu.memory_space<hbm>>) dst(%dma_wait3A_249 : memref<80x64xf32, #tpu.memory_space<vmem>>)
      %dma_start3A_256 = arith.constant 2 : i32
      %dma_start3A_257 = arith.constant 0 : i32
      %dma_start3A_258 = arith.constant 0 : i32
      %dma_start3A_259 = tpu.memref_slice %arg8[%dma_start3A_256, %dma_start3A_257, %dma_start3A_258] : memref<5x80x64xf32, #tpu.memory_space<vmem>> -> memref<1x80x64xf32, #tpu.memory_space<vmem>>
      %dma_start3A_260 = tpu.memref_squeeze %dma_start3A_259 : memref<1x80x64xf32, #tpu.memory_space<vmem>> -> memref<80x64xf32, #tpu.memory_space<vmem>>
      %dma_start3A_261 = arith.constant 0 : i32
      %dma_start3A_262 = tpu.memref_slice %arg7[%add3A_244, %dma_start3A_261] : memref<125x80xi32, #tpu.memory_space<vmem>> -> memref<1x80xi32, #tpu.memory_space<vmem>>
      %dma_start3A_263 = tpu.memref_squeeze %dma_start3A_262 : memref<1x80xi32, #tpu.memory_space<vmem>> -> memref<80xi32, #tpu.memory_space<vmem>>
      %dma_start3A_264 = arith.constant 0 : i32
      %dma_start3A_265 = arith.constant 0 : i32
      %dma_start3A_266 = tpu.memref_slice %arg9[%dma_start3A_264, %dma_start3A_265] : memref<10400x64xf32, #tpu.memory_space<vmem_shared>> -> memref<10400x64xf32, #tpu.memory_space<vmem_shared>>
      tpu.enqueue_indirect_dma source(%dma_start3A_260 : memref<80x64xf32, #tpu.memory_space<vmem>>) target(%dma_start3A_266 : memref<10400x64xf32, #tpu.memory_space<vmem_shared>>) offsets(%dma_start3A_263 : memref<80xi32, #tpu.memory_space<vmem>>) semaphore(%arg17 : memref<!tpu.dma_semaphore, #tpu.memory_space<semaphore_mem>>) {add = true}
      %sub3A_267 = arith.constant 1 : i32
      %sub3A_268 = arith.subi %add3A_244, %sub3A_267 : i32
      %ge3A_269 = arith.constant 0 : i32
      %ge3A_270 = arith.cmpi sge, %sub3A_268, %ge3A_269 : i32
      %convert_element_type3A_271 = arith.extui %ge3A_270 : i1 to i32
      %cond3A_272 = arith.constant 0 : i32
      %cond3A_273 = arith.cmpi ne, %convert_element_type3A_271, %cond3A_272 : i32
      scf.if %cond3A_273 {
        %dma_wait3A_340 = arith.constant 1 : i32
        %dma_wait3A_341 = arith.constant 0 : i32
        %dma_wait3A_342 = arith.constant 0 : i32
        %dma_wait3A_343 = tpu.memref_slice %arg8[%dma_wait3A_340, %dma_wait3A_341, %dma_wait3A_342] : memref<5x80x64xf32, #tpu.memory_space<vmem>> -> memref<1x80x64xf32, #tpu.memory_space<vmem>>
        %dma_wait3A_344 = tpu.memref_squeeze %dma_wait3A_343 : memref<1x80x64xf32, #tpu.memory_space<vmem>> -> memref<80x64xf32, #tpu.memory_space<vmem>>
        %dma_wait3A_345 = arith.constant 0 : i32
        %dma_wait3A_346 = tpu.memref_slice %arg7[%sub3A_268, %dma_wait3A_345] : memref<125x80xi32, #tpu.memory_space<vmem>> -> memref<1x80xi32, #tpu.memory_space<vmem>>
        %dma_wait3A_347 = tpu.memref_squeeze %dma_wait3A_346 : memref<1x80xi32, #tpu.memory_space<vmem>> -> memref<80xi32, #tpu.memory_space<vmem>>
        %dma_wait3A_348 = arith.constant 0 : i32
        %dma_wait3A_349 = arith.constant 0 : i32
        %dma_wait3A_350 = tpu.memref_slice %arg9[%dma_wait3A_348, %dma_wait3A_349] : memref<10400x64xf32, #tpu.memory_space<vmem_shared>> -> memref<10400x64xf32, #tpu.memory_space<vmem_shared>>
        tpu.wait_indirect_dma semaphore(%arg16 : memref<!tpu.dma_semaphore, #tpu.memory_space<semaphore_mem>>) src(%dma_wait3A_344 : memref<80x64xf32, #tpu.memory_space<vmem>>) dst(%dma_wait3A_350 : memref<10400x64xf32, #tpu.memory_space<vmem_shared>>)
        %add3A_351 = arith.constant 5 : i32
        %add3A_352 = arith.addi %sub3A_268, %add3A_351 : i32
        %lt3A_353 = arith.constant 125 : i32
        %lt3A_354 = arith.cmpi slt, %add3A_352, %lt3A_353 : i32
        %convert_element_type3A_355 = arith.extui %lt3A_354 : i1 to i32
        %cond3A_356 = arith.constant 0 : i32
        %cond3A_357 = arith.cmpi ne, %convert_element_type3A_355, %cond3A_356 : i32
        scf.if %cond3A_357 {
          %add3A_358 = arith.constant 5 : i32
          %add3A_359 = arith.addi %sub3A_268, %add3A_358 : i32
          %dma_start3A_360 = arith.constant 1 : i32
          %dma_start3A_361 = arith.constant 0 : i32
          %dma_start3A_362 = arith.constant 0 : i32
          %dma_start3A_363 = tpu.memref_slice %arg8[%dma_start3A_360, %dma_start3A_361, %dma_start3A_362] : memref<5x80x64xf32, #tpu.memory_space<vmem>> -> memref<1x80x64xf32, #tpu.memory_space<vmem>>
          %dma_start3A_364 = tpu.memref_squeeze %dma_start3A_363 : memref<1x80x64xf32, #tpu.memory_space<vmem>> -> memref<80x64xf32, #tpu.memory_space<vmem>>
          %dma_start3A_365 = arith.constant 0 : i32
          %dma_start3A_366 = tpu.memref_slice %arg6[%add3A_359, %dma_start3A_365] : memref<125x80xi32, #tpu.memory_space<vmem>> -> memref<1x80xi32, #tpu.memory_space<vmem>>
          %dma_start3A_367 = tpu.memref_squeeze %dma_start3A_366 : memref<1x80xi32, #tpu.memory_space<vmem>> -> memref<80xi32, #tpu.memory_space<vmem>>
          %dma_start3A_368 = arith.constant 0 : i32
          %dma_start3A_369 = arith.constant 0 : i32
          %dma_start3A_370 = tpu.memref_slice %arg2[%dma_start3A_368, %dma_start3A_369] : memref<10000x64xf32, #tpu.memory_space<hbm>> -> memref<10000x64xf32, #tpu.memory_space<hbm>>
          tpu.enqueue_indirect_dma source(%dma_start3A_370 : memref<10000x64xf32, #tpu.memory_space<hbm>>) target(%dma_start3A_364 : memref<80x64xf32, #tpu.memory_space<vmem>>) offsets(%dma_start3A_367 : memref<80xi32, #tpu.memory_space<vmem>>) semaphore(%arg11 : memref<!tpu.dma_semaphore, #tpu.memory_space<semaphore_mem>>)
        } else {
        }
      } else {
      }
      %mul3A_274 = arith.constant 5 : i32
      %mul3A_275 = arith.muli %scan3A_176, %mul3A_274 : i32
      %add3A_276 = arith.constant 3 : i32
      %add3A_277 = arith.addi %mul3A_275, %add3A_276 : i32
      %dma_wait3A_278 = arith.constant 3 : i32
      %dma_wait3A_279 = arith.constant 0 : i32
      %dma_wait3A_280 = arith.constant 0 : i32
      %dma_wait3A_281 = tpu.memref_slice %arg8[%dma_wait3A_278, %dma_wait3A_279, %dma_wait3A_280] : memref<5x80x64xf32, #tpu.memory_space<vmem>> -> memref<1x80x64xf32, #tpu.memory_space<vmem>>
      %dma_wait3A_282 = tpu.memref_squeeze %dma_wait3A_281 : memref<1x80x64xf32, #tpu.memory_space<vmem>> -> memref<80x64xf32, #tpu.memory_space<vmem>>
      %dma_wait3A_283 = arith.constant 0 : i32
      %dma_wait3A_284 = tpu.memref_slice %arg6[%add3A_277, %dma_wait3A_283] : memref<125x80xi32, #tpu.memory_space<vmem>> -> memref<1x80xi32, #tpu.memory_space<vmem>>
      %dma_wait3A_285 = tpu.memref_squeeze %dma_wait3A_284 : memref<1x80xi32, #tpu.memory_space<vmem>> -> memref<80xi32, #tpu.memory_space<vmem>>
      %dma_wait3A_286 = arith.constant 0 : i32
      %dma_wait3A_287 = arith.constant 0 : i32
      %dma_wait3A_288 = tpu.memref_slice %arg2[%dma_wait3A_286, %dma_wait3A_287] : memref<10000x64xf32, #tpu.memory_space<hbm>> -> memref<10000x64xf32, #tpu.memory_space<hbm>>
      tpu.wait_indirect_dma semaphore(%arg13 : memref<!tpu.dma_semaphore, #tpu.memory_space<semaphore_mem>>) src(%dma_wait3A_288 : memref<10000x64xf32, #tpu.memory_space<hbm>>) dst(%dma_wait3A_282 : memref<80x64xf32, #tpu.memory_space<vmem>>)
      %dma_start3A_289 = arith.constant 3 : i32
      %dma_start3A_290 = arith.constant 0 : i32
      %dma_start3A_291 = arith.constant 0 : i32
      %dma_start3A_292 = tpu.memref_slice %arg8[%dma_start3A_289, %dma_start3A_290, %dma_start3A_291] : memref<5x80x64xf32, #tpu.memory_space<vmem>> -> memref<1x80x64xf32, #tpu.memory_space<vmem>>
      %dma_start3A_293 = tpu.memref_squeeze %dma_start3A_292 : memref<1x80x64xf32, #tpu.memory_space<vmem>> -> memref<80x64xf32, #tpu.memory_space<vmem>>
      %dma_start3A_294 = arith.constant 0 : i32
      %dma_start3A_295 = tpu.memref_slice %arg7[%add3A_277, %dma_start3A_294] : memref<125x80xi32, #tpu.memory_space<vmem>> -> memref<1x80xi32, #tpu.memory_space<vmem>>
      %dma_start3A_296 = tpu.memref_squeeze %dma_start3A_295 : memref<1x80xi32, #tpu.memory_space<vmem>> -> memref<80xi32, #tpu.memory_space<vmem>>
      %dma_start3A_297 = arith.constant 0 : i32
      %dma_start3A_298 = arith.constant 0 : i32
      %dma_start3A_299 = tpu.memref_slice %arg9[%dma_start3A_297, %dma_start3A_298] : memref<10400x64xf32, #tpu.memory_space<vmem_shared>> -> memref<10400x64xf32, #tpu.memory_space<vmem_shared>>
      tpu.enqueue_indirect_dma source(%dma_start3A_293 : memref<80x64xf32, #tpu.memory_space<vmem>>) target(%dma_start3A_299 : memref<10400x64xf32, #tpu.memory_space<vmem_shared>>) offsets(%dma_start3A_296 : memref<80xi32, #tpu.memory_space<vmem>>) semaphore(%arg18 : memref<!tpu.dma_semaphore, #tpu.memory_space<semaphore_mem>>) {add = true}
      %sub3A_300 = arith.constant 1 : i32
      %sub3A_301 = arith.subi %add3A_277, %sub3A_300 : i32
      %ge3A_302 = arith.constant 0 : i32
      %ge3A_303 = arith.cmpi sge, %sub3A_301, %ge3A_302 : i32
      %convert_element_type3A_304 = arith.extui %ge3A_303 : i1 to i32
      %cond3A_305 = arith.constant 0 : i32
      %cond3A_306 = arith.cmpi ne, %convert_element_type3A_304, %cond3A_305 : i32
      scf.if %cond3A_306 {
        %dma_wait3A_340 = arith.constant 2 : i32
        %dma_wait3A_341 = arith.constant 0 : i32
        %dma_wait3A_342 = arith.constant 0 : i32
        %dma_wait3A_343 = tpu.memref_slice %arg8[%dma_wait3A_340, %dma_wait3A_341, %dma_wait3A_342] : memref<5x80x64xf32, #tpu.memory_space<vmem>> -> memref<1x80x64xf32, #tpu.memory_space<vmem>>
        %dma_wait3A_344 = tpu.memref_squeeze %dma_wait3A_343 : memref<1x80x64xf32, #tpu.memory_space<vmem>> -> memref<80x64xf32, #tpu.memory_space<vmem>>
        %dma_wait3A_345 = arith.constant 0 : i32
        %dma_wait3A_346 = tpu.memref_slice %arg7[%sub3A_301, %dma_wait3A_345] : memref<125x80xi32, #tpu.memory_space<vmem>> -> memref<1x80xi32, #tpu.memory_space<vmem>>
        %dma_wait3A_347 = tpu.memref_squeeze %dma_wait3A_346 : memref<1x80xi32, #tpu.memory_space<vmem>> -> memref<80xi32, #tpu.memory_space<vmem>>
        %dma_wait3A_348 = arith.constant 0 : i32
        %dma_wait3A_349 = arith.constant 0 : i32
        %dma_wait3A_350 = tpu.memref_slice %arg9[%dma_wait3A_348, %dma_wait3A_349] : memref<10400x64xf32, #tpu.memory_space<vmem_shared>> -> memref<10400x64xf32, #tpu.memory_space<vmem_shared>>
        tpu.wait_indirect_dma semaphore(%arg17 : memref<!tpu.dma_semaphore, #tpu.memory_space<semaphore_mem>>) src(%dma_wait3A_344 : memref<80x64xf32, #tpu.memory_space<vmem>>) dst(%dma_wait3A_350 : memref<10400x64xf32, #tpu.memory_space<vmem_shared>>)
        %add3A_351 = arith.constant 5 : i32
        %add3A_352 = arith.addi %sub3A_301, %add3A_351 : i32
        %lt3A_353 = arith.constant 125 : i32
        %lt3A_354 = arith.cmpi slt, %add3A_352, %lt3A_353 : i32
        %convert_element_type3A_355 = arith.extui %lt3A_354 : i1 to i32
        %cond3A_356 = arith.constant 0 : i32
        %cond3A_357 = arith.cmpi ne, %convert_element_type3A_355, %cond3A_356 : i32
        scf.if %cond3A_357 {
          %add3A_358 = arith.constant 5 : i32
          %add3A_359 = arith.addi %sub3A_301, %add3A_358 : i32
          %dma_start3A_360 = arith.constant 2 : i32
          %dma_start3A_361 = arith.constant 0 : i32
          %dma_start3A_362 = arith.constant 0 : i32
          %dma_start3A_363 = tpu.memref_slice %arg8[%dma_start3A_360, %dma_start3A_361, %dma_start3A_362] : memref<5x80x64xf32, #tpu.memory_space<vmem>> -> memref<1x80x64xf32, #tpu.memory_space<vmem>>
          %dma_start3A_364 = tpu.memref_squeeze %dma_start3A_363 : memref<1x80x64xf32, #tpu.memory_space<vmem>> -> memref<80x64xf32, #tpu.memory_space<vmem>>
          %dma_start3A_365 = arith.constant 0 : i32
          %dma_start3A_366 = tpu.memref_slice %arg6[%add3A_359, %dma_start3A_365] : memref<125x80xi32, #tpu.memory_space<vmem>> -> memref<1x80xi32, #tpu.memory_space<vmem>>
          %dma_start3A_367 = tpu.memref_squeeze %dma_start3A_366 : memref<1x80xi32, #tpu.memory_space<vmem>> -> memref<80xi32, #tpu.memory_space<vmem>>
          %dma_start3A_368 = arith.constant 0 : i32
          %dma_start3A_369 = arith.constant 0 : i32
          %dma_start3A_370 = tpu.memref_slice %arg2[%dma_start3A_368, %dma_start3A_369] : memref<10000x64xf32, #tpu.memory_space<hbm>> -> memref<10000x64xf32, #tpu.memory_space<hbm>>
          tpu.enqueue_indirect_dma source(%dma_start3A_370 : memref<10000x64xf32, #tpu.memory_space<hbm>>) target(%dma_start3A_364 : memref<80x64xf32, #tpu.memory_space<vmem>>) offsets(%dma_start3A_367 : memref<80xi32, #tpu.memory_space<vmem>>) semaphore(%arg12 : memref<!tpu.dma_semaphore, #tpu.memory_space<semaphore_mem>>)
        } else {
        }
      } else {
      }
      %mul3A_307 = arith.constant 5 : i32
      %mul3A_308 = arith.muli %scan3A_176, %mul3A_307 : i32
      %add3A_309 = arith.constant 4 : i32
      %add3A_310 = arith.addi %mul3A_308, %add3A_309 : i32
      %dma_wait3A_311 = arith.constant 4 : i32
      %dma_wait3A_312 = arith.constant 0 : i32
      %dma_wait3A_313 = arith.constant 0 : i32
      %dma_wait3A_314 = tpu.memref_slice %arg8[%dma_wait3A_311, %dma_wait3A_312, %dma_wait3A_313] : memref<5x80x64xf32, #tpu.memory_space<vmem>> -> memref<1x80x64xf32, #tpu.memory_space<vmem>>
      %dma_wait3A_315 = tpu.memref_squeeze %dma_wait3A_314 : memref<1x80x64xf32, #tpu.memory_space<vmem>> -> memref<80x64xf32, #tpu.memory_space<vmem>>
      %dma_wait3A_316 = arith.constant 0 : i32
      %dma_wait3A_317 = tpu.memref_slice %arg6[%add3A_310, %dma_wait3A_316] : memref<125x80xi32, #tpu.memory_space<vmem>> -> memref<1x80xi32, #tpu.memory_space<vmem>>
      %dma_wait3A_318 = tpu.memref_squeeze %dma_wait3A_317 : memref<1x80xi32, #tpu.memory_space<vmem>> -> memref<80xi32, #tpu.memory_space<vmem>>
      %dma_wait3A_319 = arith.constant 0 : i32
      %dma_wait3A_320 = arith.constant 0 : i32
      %dma_wait3A_321 = tpu.memref_slice %arg2[%dma_wait3A_319, %dma_wait3A_320] : memref<10000x64xf32, #tpu.memory_space<hbm>> -> memref<10000x64xf32, #tpu.memory_space<hbm>>
      tpu.wait_indirect_dma semaphore(%arg14 : memref<!tpu.dma_semaphore, #tpu.memory_space<semaphore_mem>>) src(%dma_wait3A_321 : memref<10000x64xf32, #tpu.memory_space<hbm>>) dst(%dma_wait3A_315 : memref<80x64xf32, #tpu.memory_space<vmem>>)
      %dma_start3A_322 = arith.constant 4 : i32
      %dma_start3A_323 = arith.constant 0 : i32
      %dma_start3A_324 = arith.constant 0 : i32
      %dma_start3A_325 = tpu.memref_slice %arg8[%dma_start3A_322, %dma_start3A_323, %dma_start3A_324] : memref<5x80x64xf32, #tpu.memory_space<vmem>> -> memref<1x80x64xf32, #tpu.memory_space<vmem>>
      %dma_start3A_326 = tpu.memref_squeeze %dma_start3A_325 : memref<1x80x64xf32, #tpu.memory_space<vmem>> -> memref<80x64xf32, #tpu.memory_space<vmem>>
      %dma_start3A_327 = arith.constant 0 : i32
      %dma_start3A_328 = tpu.memref_slice %arg7[%add3A_310, %dma_start3A_327] : memref<125x80xi32, #tpu.memory_space<vmem>> -> memref<1x80xi32, #tpu.memory_space<vmem>>
      %dma_start3A_329 = tpu.memref_squeeze %dma_start3A_328 : memref<1x80xi32, #tpu.memory_space<vmem>> -> memref<80xi32, #tpu.memory_space<vmem>>
      %dma_start3A_330 = arith.constant 0 : i32
      %dma_start3A_331 = arith.constant 0 : i32
      %dma_start3A_332 = tpu.memref_slice %arg9[%dma_start3A_330, %dma_start3A_331] : memref<10400x64xf32, #tpu.memory_space<vmem_shared>> -> memref<10400x64xf32, #tpu.memory_space<vmem_shared>>
      tpu.enqueue_indirect_dma source(%dma_start3A_326 : memref<80x64xf32, #tpu.memory_space<vmem>>) target(%dma_start3A_332 : memref<10400x64xf32, #tpu.memory_space<vmem_shared>>) offsets(%dma_start3A_329 : memref<80xi32, #tpu.memory_space<vmem>>) semaphore(%arg19 : memref<!tpu.dma_semaphore, #tpu.memory_space<semaphore_mem>>) {add = true}
      %sub3A_333 = arith.constant 1 : i32
      %sub3A_334 = arith.subi %add3A_310, %sub3A_333 : i32
      %ge3A_335 = arith.constant 0 : i32
      %ge3A_336 = arith.cmpi sge, %sub3A_334, %ge3A_335 : i32
      %convert_element_type3A_337 = arith.extui %ge3A_336 : i1 to i32
      %cond3A_338 = arith.constant 0 : i32
      %cond3A_339 = arith.cmpi ne, %convert_element_type3A_337, %cond3A_338 : i32
      scf.if %cond3A_339 {
        %dma_wait3A_340 = arith.constant 3 : i32
        %dma_wait3A_341 = arith.constant 0 : i32
        %dma_wait3A_342 = arith.constant 0 : i32
        %dma_wait3A_343 = tpu.memref_slice %arg8[%dma_wait3A_340, %dma_wait3A_341, %dma_wait3A_342] : memref<5x80x64xf32, #tpu.memory_space<vmem>> -> memref<1x80x64xf32, #tpu.memory_space<vmem>>
        %dma_wait3A_344 = tpu.memref_squeeze %dma_wait3A_343 : memref<1x80x64xf32, #tpu.memory_space<vmem>> -> memref<80x64xf32, #tpu.memory_space<vmem>>
        %dma_wait3A_345 = arith.constant 0 : i32
        %dma_wait3A_346 = tpu.memref_slice %arg7[%sub3A_334, %dma_wait3A_345] : memref<125x80xi32, #tpu.memory_space<vmem>> -> memref<1x80xi32, #tpu.memory_space<vmem>>
        %dma_wait3A_347 = tpu.memref_squeeze %dma_wait3A_346 : memref<1x80xi32, #tpu.memory_space<vmem>> -> memref<80xi32, #tpu.memory_space<vmem>>
        %dma_wait3A_348 = arith.constant 0 : i32
        %dma_wait3A_349 = arith.constant 0 : i32
        %dma_wait3A_350 = tpu.memref_slice %arg9[%dma_wait3A_348, %dma_wait3A_349] : memref<10400x64xf32, #tpu.memory_space<vmem_shared>> -> memref<10400x64xf32, #tpu.memory_space<vmem_shared>>
        tpu.wait_indirect_dma semaphore(%arg18 : memref<!tpu.dma_semaphore, #tpu.memory_space<semaphore_mem>>) src(%dma_wait3A_344 : memref<80x64xf32, #tpu.memory_space<vmem>>) dst(%dma_wait3A_350 : memref<10400x64xf32, #tpu.memory_space<vmem_shared>>)
        %add3A_351 = arith.constant 5 : i32
        %add3A_352 = arith.addi %sub3A_334, %add3A_351 : i32
        %lt3A_353 = arith.constant 125 : i32
        %lt3A_354 = arith.cmpi slt, %add3A_352, %lt3A_353 : i32
        %convert_element_type3A_355 = arith.extui %lt3A_354 : i1 to i32
        %cond3A_356 = arith.constant 0 : i32
        %cond3A_357 = arith.cmpi ne, %convert_element_type3A_355, %cond3A_356 : i32
        scf.if %cond3A_357 {
          %add3A_358 = arith.constant 5 : i32
          %add3A_359 = arith.addi %sub3A_334, %add3A_358 : i32
          %dma_start3A_360 = arith.constant 3 : i32
          %dma_start3A_361 = arith.constant 0 : i32
          %dma_start3A_362 = arith.constant 0 : i32
          %dma_start3A_363 = tpu.memref_slice %arg8[%dma_start3A_360, %dma_start3A_361, %dma_start3A_362] : memref<5x80x64xf32, #tpu.memory_space<vmem>> -> memref<1x80x64xf32, #tpu.memory_space<vmem>>
          %dma_start3A_364 = tpu.memref_squeeze %dma_start3A_363 : memref<1x80x64xf32, #tpu.memory_space<vmem>> -> memref<80x64xf32, #tpu.memory_space<vmem>>
          %dma_start3A_365 = arith.constant 0 : i32
          %dma_start3A_366 = tpu.memref_slice %arg6[%add3A_359, %dma_start3A_365] : memref<125x80xi32, #tpu.memory_space<vmem>> -> memref<1x80xi32, #tpu.memory_space<vmem>>
          %dma_start3A_367 = tpu.memref_squeeze %dma_start3A_366 : memref<1x80xi32, #tpu.memory_space<vmem>> -> memref<80xi32, #tpu.memory_space<vmem>>
          %dma_start3A_368 = arith.constant 0 : i32
          %dma_start3A_369 = arith.constant 0 : i32
          %dma_start3A_370 = tpu.memref_slice %arg2[%dma_start3A_368, %dma_start3A_369] : memref<10000x64xf32, #tpu.memory_space<hbm>> -> memref<10000x64xf32, #tpu.memory_space<hbm>>
          tpu.enqueue_indirect_dma source(%dma_start3A_370 : memref<10000x64xf32, #tpu.memory_space<hbm>>) target(%dma_start3A_364 : memref<80x64xf32, #tpu.memory_space<vmem>>) offsets(%dma_start3A_367 : memref<80xi32, #tpu.memory_space<vmem>>) semaphore(%arg13 : memref<!tpu.dma_semaphore, #tpu.memory_space<semaphore_mem>>)
        } else {
        }
      } else {
      }
    }
    %scan3A_126 = arith.constant 25 : i32
    %dma_wait3A_127 = arith.constant 4 : i32
    %dma_wait3A_128 = arith.constant 124 : i32
    %dma_wait3A_129 = arith.constant 0 : i32
    %dma_wait3A_130 = arith.constant 0 : i32
    %dma_wait3A_131 = tpu.memref_slice %arg8[%dma_wait3A_127, %dma_wait3A_129, %dma_wait3A_130] : memref<5x80x64xf32, #tpu.memory_space<vmem>> -> memref<1x80x64xf32, #tpu.memory_space<vmem>>
    %dma_wait3A_132 = tpu.memref_squeeze %dma_wait3A_131 : memref<1x80x64xf32, #tpu.memory_space<vmem>> -> memref<80x64xf32, #tpu.memory_space<vmem>>
    %dma_wait3A_133 = arith.constant 0 : i32
    %dma_wait3A_134 = tpu.memref_slice %arg7[%dma_wait3A_128, %dma_wait3A_133] : memref<125x80xi32, #tpu.memory_space<vmem>> -> memref<1x80xi32, #tpu.memory_space<vmem>>
    %dma_wait3A_135 = tpu.memref_squeeze %dma_wait3A_134 : memref<1x80xi32, #tpu.memory_space<vmem>> -> memref<80xi32, #tpu.memory_space<vmem>>
    %dma_wait3A_136 = arith.constant 0 : i32
    %dma_wait3A_137 = arith.constant 0 : i32
    %dma_wait3A_138 = tpu.memref_slice %arg9[%dma_wait3A_136, %dma_wait3A_137] : memref<10400x64xf32, #tpu.memory_space<vmem_shared>> -> memref<10400x64xf32, #tpu.memory_space<vmem_shared>>
    tpu.wait_indirect_dma semaphore(%arg19 : memref<!tpu.dma_semaphore, #tpu.memory_space<semaphore_mem>>) src(%dma_wait3A_132 : memref<80x64xf32, #tpu.memory_space<vmem>>) dst(%dma_wait3A_138 : memref<10400x64xf32, #tpu.memory_space<vmem_shared>>)
    %barrier3A_139 = arith.constant 0 : index
    tpu.barrier barrier_id(%barrier3A_139)
    %add3A_140 = arith.constant 0 : i32
    %add3A_141 = arith.addi %arg1, %add3A_140 : i32
    %mul3A_142 = arith.constant 400 : i32
    %mul3A_143 = arith.muli %add3A_141, %mul3A_142 : i32
    %mul3A_144 = arith.constant 400 : i32
    %mul3A_145 = arith.muli %add3A_141, %mul3A_144 : i32
    %dma_start3A_146 = arith.constant 0 : i32
    %dma_start3A_147 = tpu.memref_slice %arg5[%arg0, %mul3A_145, %dma_start3A_146] : memref<2x10000x64xf32, #tpu.memory_space<hbm>> -> memref<1x400x64xf32, #tpu.memory_space<hbm>>
    %dma_start3A_148 = tpu.memref_squeeze %dma_start3A_147 : memref<1x400x64xf32, #tpu.memory_space<hbm>> -> memref<400x64xf32, #tpu.memory_space<hbm>>
    %dma_start3A_149 = arith.constant 0 : i32
    %dma_start3A_150 = tpu.memref_slice %arg9[%mul3A_143, %dma_start3A_149] : memref<10400x64xf32, #tpu.memory_space<vmem_shared>> -> memref<400x64xf32, #tpu.memory_space<vmem_shared>>
    tpu.enqueue_dma source(%dma_start3A_150 : memref<400x64xf32, #tpu.memory_space<vmem_shared>>) target(%dma_start3A_148 : memref<400x64xf32, #tpu.memory_space<hbm>>) target_semaphore(%arg17 : memref<!tpu.dma_semaphore, #tpu.memory_space<semaphore_mem>>)
    %add3A_151 = arith.constant 16 : i32
    %add3A_152 = arith.addi %arg1, %add3A_151 : i32
    %lt3A_153 = arith.constant 25 : i32
    %lt3A_154 = arith.cmpi slt, %add3A_152, %lt3A_153 : i32
    %convert_element_type3A_155 = arith.extui %lt3A_154 : i1 to i32
    %cond3A_156 = arith.constant 0 : i32
    %cond3A_157 = arith.cmpi ne, %convert_element_type3A_155, %cond3A_156 : i32
    scf.if %cond3A_157 {
      %mul3A_176 = arith.constant 400 : i32
      %mul3A_177 = arith.muli %add3A_152, %mul3A_176 : i32
      %mul3A_178 = arith.constant 400 : i32
      %mul3A_179 = arith.muli %add3A_152, %mul3A_178 : i32
      %dma_start3A_180 = arith.constant 0 : i32
      %dma_start3A_181 = tpu.memref_slice %arg5[%arg0, %mul3A_179, %dma_start3A_180] : memref<2x10000x64xf32, #tpu.memory_space<hbm>> -> memref<1x400x64xf32, #tpu.memory_space<hbm>>
      %dma_start3A_182 = tpu.memref_squeeze %dma_start3A_181 : memref<1x400x64xf32, #tpu.memory_space<hbm>> -> memref<400x64xf32, #tpu.memory_space<hbm>>
      %dma_start3A_183 = arith.constant 0 : i32
      %dma_start3A_184 = tpu.memref_slice %arg9[%mul3A_177, %dma_start3A_183] : memref<10400x64xf32, #tpu.memory_space<vmem_shared>> -> memref<400x64xf32, #tpu.memory_space<vmem_shared>>
      tpu.enqueue_dma source(%dma_start3A_184 : memref<400x64xf32, #tpu.memory_space<vmem_shared>>) target(%dma_start3A_182 : memref<400x64xf32, #tpu.memory_space<hbm>>) target_semaphore(%arg18 : memref<!tpu.dma_semaphore, #tpu.memory_space<semaphore_mem>>)
    } else {
    }
    %add3A_158 = arith.constant 0 : i32
    %add3A_159 = arith.addi %arg1, %add3A_158 : i32
    %mul3A_160 = arith.constant 400 : i32
    %mul3A_161 = arith.muli %add3A_159, %mul3A_160 : i32
    %mul3A_162 = arith.constant 400 : i32
    %mul3A_163 = arith.muli %add3A_159, %mul3A_162 : i32
    %dma_wait3A_164 = arith.constant 0 : i32
    %dma_wait3A_165 = tpu.memref_slice %arg5[%arg0, %mul3A_163, %dma_wait3A_164] : memref<2x10000x64xf32, #tpu.memory_space<hbm>> -> memref<1x400x64xf32, #tpu.memory_space<hbm>>
    %dma_wait3A_166 = tpu.memref_squeeze %dma_wait3A_165 : memref<1x400x64xf32, #tpu.memory_space<hbm>> -> memref<400x64xf32, #tpu.memory_space<hbm>>
    %dma_wait3A_167 = arith.constant 0 : i32
    %dma_wait3A_168 = tpu.memref_slice %arg9[%mul3A_161, %dma_wait3A_167] : memref<10400x64xf32, #tpu.memory_space<vmem_shared>> -> memref<400x64xf32, #tpu.memory_space<vmem_shared>>
    tpu.wait_dma2 semaphore(%arg17 : memref<!tpu.dma_semaphore, #tpu.memory_space<semaphore_mem>>) src(%dma_wait3A_168 : memref<400x64xf32, #tpu.memory_space<vmem_shared>>) dst(%dma_wait3A_166 : memref<400x64xf32, #tpu.memory_space<hbm>>)
    %add3A_169 = arith.constant 16 : i32
    %add3A_170 = arith.addi %arg1, %add3A_169 : i32
    %lt3A_171 = arith.constant 25 : i32
    %lt3A_172 = arith.cmpi slt, %add3A_170, %lt3A_171 : i32
    %convert_element_type3A_173 = arith.extui %lt3A_172 : i1 to i32
    %cond3A_174 = arith.constant 0 : i32
    %cond3A_175 = arith.cmpi ne, %convert_element_type3A_173, %cond3A_174 : i32
    scf.if %cond3A_175 {
      %mul3A_176 = arith.constant 400 : i32
      %mul3A_177 = arith.muli %add3A_170, %mul3A_176 : i32
      %mul3A_178 = arith.constant 400 : i32
      %mul3A_179 = arith.muli %add3A_170, %mul3A_178 : i32
      %dma_wait3A_180 = arith.constant 0 : i32
      %dma_wait3A_181 = tpu.memref_slice %arg5[%arg0, %mul3A_179, %dma_wait3A_180] : memref<2x10000x64xf32, #tpu.memory_space<hbm>> -> memref<1x400x64xf32, #tpu.memory_space<hbm>>
      %dma_wait3A_182 = tpu.memref_squeeze %dma_wait3A_181 : memref<1x400x64xf32, #tpu.memory_space<hbm>> -> memref<400x64xf32, #tpu.memory_space<hbm>>
      %dma_wait3A_183 = arith.constant 0 : i32
      %dma_wait3A_184 = tpu.memref_slice %arg9[%mul3A_177, %dma_wait3A_183] : memref<10400x64xf32, #tpu.memory_space<vmem_shared>> -> memref<400x64xf32, #tpu.memory_space<vmem_shared>>
      tpu.wait_dma2 semaphore(%arg18 : memref<!tpu.dma_semaphore, #tpu.memory_space<semaphore_mem>>) src(%dma_wait3A_184 : memref<400x64xf32, #tpu.memory_space<vmem_shared>>) dst(%dma_wait3A_182 : memref<400x64xf32, #tpu.memory_space<hbm>>)
    } else {
    }
    return
  }
}

#map = affine_map<(d0, d1) -> (0, 0)>
#map1 = affine_map<(d0, d1) -> (0, 0, 0)>
module attributes {stable_mosaic.version = 14 : i64} {
  func.func @agg(%arg0: i32, %arg1: i32, %arg2: memref<10000x64xf32, #tpu.memory_space<hbm>>, %arg3: memref<32x125x80xi32, #tpu.memory_space<hbm>>, %arg4: memref<32x125x80xi32, #tpu.memory_space<hbm>>, %arg5: memref<2x10000x64xf32, #tpu.memory_space<hbm>>, %arg6: memref<125x80xi32, #tpu.memory_space<vmem>>, %arg7: memref<125x80xi32, #tpu.memory_space<vmem>>, %arg8: memref<5x80x64xf32, #tpu.memory_space<vmem>>, %arg9: memref<10400x64xf32, #tpu.memory_space<vmem_shared>>, %arg10: memref<!tpu.dma_semaphore, #tpu.memory_space<semaphore_mem>>, %arg11: memref<!tpu.dma_semaphore, #tpu.memory_space<semaphore_mem>>, %arg12: memref<!tpu.dma_semaphore, #tpu.memory_space<semaphore_mem>>, %arg13: memref<!tpu.dma_semaphore, #tpu.memory_space<semaphore_mem>>, %arg14: memref<!tpu.dma_semaphore, #tpu.memory_space<semaphore_mem>>, %arg15: memref<!tpu.dma_semaphore, #tpu.memory_space<semaphore_mem>>, %arg16: memref<!tpu.dma_semaphore, #tpu.memory_space<semaphore_mem>>, %arg17: memref<!tpu.dma_semaphore, #tpu.memory_space<semaphore_mem>>, %arg18: memref<!tpu.dma_semaphore, #tpu.memory_space<semaphore_mem>>, %arg19: memref<!tpu.dma_semaphore, #tpu.memory_space<semaphore_mem>>) attributes {dimension_semantics = [#tpu.dimension_semantics<core_parallel>, #tpu.dimension_semantics<subcore_parallel>], iteration_bounds = array<i64: 2, 16>, scalar_prefetch = 0 : i64, scratch_operands = 14 : i64, tpu.core_type = #tpu.core_type<sc_vector_subcore>, window_params = [{transform_indices = #map}, {transform_indices = #map1}, {transform_indices = #map1}, {transform_indices = #map1}]} {
    %mul3A = arith.constant 16 : i32
    %mul3A_0 = arith.muli %arg0, %mul3A : i32
    %add3A = arith.addi %mul3A_0, %arg1 : i32
    %dma_start3A = arith.constant 0 : i32
    %dma_start3A_1 = arith.constant 0 : i32
    %dma_start3A_2 = tpu.memref_slice %arg3[%add3A, %dma_start3A, %dma_start3A_1] : memref<32x125x80xi32, #tpu.memory_space<hbm>> -> memref<1x125x80xi32, #tpu.memory_space<hbm>>
    %dma_start3A_3 = tpu.memref_squeeze %dma_start3A_2 : memref<1x125x80xi32, #tpu.memory_space<hbm>> -> memref<125x80xi32, #tpu.memory_space<hbm>>
    %dma_start3A_4 = arith.constant 0 : i32
    %dma_start3A_5 = arith.constant 0 : i32
    %dma_start3A_6 = tpu.memref_slice %arg3[%add3A, %dma_start3A_4, %dma_start3A_5] : memref<32x125x80xi32, #tpu.memory_space<hbm>> -> memref<1x125x80xi32, #tpu.memory_space<hbm>>
    %dma_start3A_7 = tpu.memref_squeeze %dma_start3A_6 : memref<1x125x80xi32, #tpu.memory_space<hbm>> -> memref<125x80xi32, #tpu.memory_space<hbm>>
    tpu.enqueue_dma source(%dma_start3A_7 : memref<125x80xi32, #tpu.memory_space<hbm>>) target(%arg6 : memref<125x80xi32, #tpu.memory_space<vmem>>) target_semaphore(%arg15 : memref<!tpu.dma_semaphore, #tpu.memory_space<semaphore_mem>>)
    %dma_start3A_8 = arith.constant 0 : i32
    %dma_start3A_9 = arith.constant 0 : i32
    %dma_start3A_10 = tpu.memref_slice %arg4[%add3A, %dma_start3A_8, %dma_start3A_9] : memref<32x125x80xi32, #tpu.memory_space<hbm>> -> memref<1x125x80xi32, #tpu.memory_space<hbm>>
    %dma_start3A_11 = tpu.memref_squeeze %dma_start3A_10 : memref<1x125x80xi32, #tpu.memory_space<hbm>> -> memref<125x80xi32, #tpu.memory_space<hbm>>
    %dma_start3A_12 = arith.constant 0 : i32
    %dma_start3A_13 = arith.constant 0 : i32
    %dma_start3A_14 = tpu.memref_slice %arg4[%add3A, %dma_start3A_12, %dma_start3A_13] : memref<32x125x80xi32, #tpu.memory_space<hbm>> -> memref<1x125x80xi32, #tpu.memory_space<hbm>>
    %dma_start3A_15 = tpu.memref_squeeze %dma_start3A_14 : memref<1x125x80xi32, #tpu.memory_space<hbm>> -> memref<125x80xi32, #tpu.memory_space<hbm>>
    tpu.enqueue_dma source(%dma_start3A_15 : memref<125x80xi32, #tpu.memory_space<hbm>>) target(%arg7 : memref<125x80xi32, #tpu.memory_space<vmem>>) target_semaphore(%arg16 : memref<!tpu.dma_semaphore, #tpu.memory_space<semaphore_mem>>)
    %add3A_16 = arith.constant 0 : i32
    %add3A_17 = arith.addi %arg1, %add3A_16 : i32
    %mul3A_18 = arith.constant 400 : i32
    %mul3A_19 = arith.muli %add3A_17, %mul3A_18 : i32
    %mul3A_20 = arith.constant 400 : i32
    %mul3A_21 = arith.muli %add3A_17, %mul3A_20 : i32
    %dma_start3A_22 = arith.constant 0 : i32
    %dma_start3A_23 = tpu.memref_slice %arg9[%mul3A_21, %dma_start3A_22] : memref<10400x64xf32, #tpu.memory_space<vmem_shared>> -> memref<400x64xf32, #tpu.memory_space<vmem_shared>>
    %dma_start3A_24 = arith.constant 0 : i32
    %dma_start3A_25 = tpu.memref_slice %arg2[%mul3A_19, %dma_start3A_24] : memref<10000x64xf32, #tpu.memory_space<hbm>> -> memref<400x64xf32, #tpu.memory_space<hbm>>
    tpu.enqueue_dma source(%dma_start3A_25 : memref<400x64xf32, #tpu.memory_space<hbm>>) target(%dma_start3A_23 : memref<400x64xf32, #tpu.memory_space<vmem_shared>>) target_semaphore(%arg17 : memref<!tpu.dma_semaphore, #tpu.memory_space<semaphore_mem>>)
    %add3A_26 = arith.constant 16 : i32
    %add3A_27 = arith.addi %arg1, %add3A_26 : i32
    %lt3A = arith.constant 25 : i32
    %lt3A_28 = arith.cmpi slt, %add3A_27, %lt3A : i32
    %convert_element_type3A = arith.extui %lt3A_28 : i1 to i32
    %cond3A = arith.constant 0 : i32
    %cond3A_29 = arith.cmpi ne, %convert_element_type3A, %cond3A : i32
    scf.if %cond3A_29 {
      %mul3A_176 = arith.constant 400 : i32
      %mul3A_177 = arith.muli %add3A_27, %mul3A_176 : i32
      %mul3A_178 = arith.constant 400 : i32
      %mul3A_179 = arith.muli %add3A_27, %mul3A_178 : i32
      %dma_start3A_180 = arith.constant 0 : i32
      %dma_start3A_181 = tpu.memref_slice %arg9[%mul3A_179, %dma_start3A_180] : memref<10400x64xf32, #tpu.memory_space<vmem_shared>> -> memref<400x64xf32, #tpu.memory_space<vmem_shared>>
      %dma_start3A_182 = arith.constant 0 : i32
      %dma_start3A_183 = tpu.memref_slice %arg2[%mul3A_177, %dma_start3A_182] : memref<10000x64xf32, #tpu.memory_space<hbm>> -> memref<400x64xf32, #tpu.memory_space<hbm>>
      tpu.enqueue_dma source(%dma_start3A_183 : memref<400x64xf32, #tpu.memory_space<hbm>>) target(%dma_start3A_181 : memref<400x64xf32, #tpu.memory_space<vmem_shared>>) target_semaphore(%arg18 : memref<!tpu.dma_semaphore, #tpu.memory_space<semaphore_mem>>)
    } else {
    }
    %dma_wait3A = arith.constant 0 : i32
    %dma_wait3A_30 = arith.constant 0 : i32
    %dma_wait3A_31 = tpu.memref_slice %arg3[%add3A, %dma_wait3A, %dma_wait3A_30] : memref<32x125x80xi32, #tpu.memory_space<hbm>> -> memref<1x125x80xi32, #tpu.memory_space<hbm>>
    %dma_wait3A_32 = tpu.memref_squeeze %dma_wait3A_31 : memref<1x125x80xi32, #tpu.memory_space<hbm>> -> memref<125x80xi32, #tpu.memory_space<hbm>>
    %dma_wait3A_33 = arith.constant 0 : i32
    %dma_wait3A_34 = arith.constant 0 : i32
    %dma_wait3A_35 = tpu.memref_slice %arg3[%add3A, %dma_wait3A_33, %dma_wait3A_34] : memref<32x125x80xi32, #tpu.memory_space<hbm>> -> memref<1x125x80xi32, #tpu.memory_space<hbm>>
    %dma_wait3A_36 = tpu.memref_squeeze %dma_wait3A_35 : memref<1x125x80xi32, #tpu.memory_space<hbm>> -> memref<125x80xi32, #tpu.memory_space<hbm>>
    tpu.wait_dma2 semaphore(%arg15 : memref<!tpu.dma_semaphore, #tpu.memory_space<semaphore_mem>>) src(%dma_wait3A_36 : memref<125x80xi32, #tpu.memory_space<hbm>>) dst(%arg6 : memref<125x80xi32, #tpu.memory_space<vmem>>)
    %dma_wait3A_37 = arith.constant 0 : i32
    %dma_wait3A_38 = arith.constant 0 : i32
    %dma_wait3A_39 = tpu.memref_slice %arg4[%add3A, %dma_wait3A_37, %dma_wait3A_38] : memref<32x125x80xi32, #tpu.memory_space<hbm>> -> memref<1x125x80xi32, #tpu.memory_space<hbm>>
    %dma_wait3A_40 = tpu.memref_squeeze %dma_wait3A_39 : memref<1x125x80xi32, #tpu.memory_space<hbm>> -> memref<125x80xi32, #tpu.memory_space<hbm>>
    %dma_wait3A_41 = arith.constant 0 : i32
    %dma_wait3A_42 = arith.constant 0 : i32
    %dma_wait3A_43 = tpu.memref_slice %arg4[%add3A, %dma_wait3A_41, %dma_wait3A_42] : memref<32x125x80xi32, #tpu.memory_space<hbm>> -> memref<1x125x80xi32, #tpu.memory_space<hbm>>
    %dma_wait3A_44 = tpu.memref_squeeze %dma_wait3A_43 : memref<1x125x80xi32, #tpu.memory_space<hbm>> -> memref<125x80xi32, #tpu.memory_space<hbm>>
    tpu.wait_dma2 semaphore(%arg16 : memref<!tpu.dma_semaphore, #tpu.memory_space<semaphore_mem>>) src(%dma_wait3A_44 : memref<125x80xi32, #tpu.memory_space<hbm>>) dst(%arg7 : memref<125x80xi32, #tpu.memory_space<vmem>>)
    %dma_start3A_45 = arith.constant 0 : i32
    %dma_start3A_46 = arith.constant 0 : i32
    %dma_start3A_47 = arith.constant 0 : i32
    %dma_start3A_48 = arith.constant 0 : i32
    %dma_start3A_49 = tpu.memref_slice %arg8[%dma_start3A_46, %dma_start3A_47, %dma_start3A_48] : memref<5x80x64xf32, #tpu.memory_space<vmem>> -> memref<1x80x64xf32, #tpu.memory_space<vmem>>
    %dma_start3A_50 = tpu.memref_squeeze %dma_start3A_49 : memref<1x80x64xf32, #tpu.memory_space<vmem>> -> memref<80x64xf32, #tpu.memory_space<vmem>>
    %dma_start3A_51 = arith.constant 0 : i32
    %dma_start3A_52 = tpu.memref_slice %arg6[%dma_start3A_45, %dma_start3A_51] : memref<125x80xi32, #tpu.memory_space<vmem>> -> memref<1x80xi32, #tpu.memory_space<vmem>>
    %dma_start3A_53 = tpu.memref_squeeze %dma_start3A_52 : memref<1x80xi32, #tpu.memory_space<vmem>> -> memref<80xi32, #tpu.memory_space<vmem>>
    %dma_start3A_54 = arith.constant 0 : i32
    %dma_start3A_55 = arith.constant 0 : i32
    %dma_start3A_56 = tpu.memref_slice %arg2[%dma_start3A_54, %dma_start3A_55] : memref<10000x64xf32, #tpu.memory_space<hbm>> -> memref<10000x64xf32, #tpu.memory_space<hbm>>
    tpu.enqueue_indirect_dma source(%dma_start3A_56 : memref<10000x64xf32, #tpu.memory_space<hbm>>) target(%dma_start3A_50 : memref<80x64xf32, #tpu.memory_space<vmem>>) offsets(%dma_start3A_53 : memref<80xi32, #tpu.memory_space<vmem>>) semaphore(%arg10 : memref<!tpu.dma_semaphore, #tpu.memory_space<semaphore_mem>>)
    %dma_start3A_57 = arith.constant 1 : i32
    %dma_start3A_58 = arith.constant 1 : i32
    %dma_start3A_59 = arith.constant 0 : i32
    %dma_start3A_60 = arith.constant 0 : i32
    %dma_start3A_61 = tpu.memref_slice %arg8[%dma_start3A_58, %dma_start3A_59, %dma_start3A_60] : memref<5x80x64xf32, #tpu.memory_space<vmem>> -> memref<1x80x64xf32, #tpu.memory_space<vmem>>
    %dma_start3A_62 = tpu.memref_squeeze %dma_start3A_61 : memref<1x80x64xf32, #tpu.memory_space<vmem>> -> memref<80x64xf32, #tpu.memory_space<vmem>>
    %dma_start3A_63 = arith.constant 0 : i32
    %dma_start3A_64 = tpu.memref_slice %arg6[%dma_start3A_57, %dma_start3A_63] : memref<125x80xi32, #tpu.memory_space<vmem>> -> memref<1x80xi32, #tpu.memory_space<vmem>>
    %dma_start3A_65 = tpu.memref_squeeze %dma_start3A_64 : memref<1x80xi32, #tpu.memory_space<vmem>> -> memref<80xi32, #tpu.memory_space<vmem>>
    %dma_start3A_66 = arith.constant 0 : i32
    %dma_start3A_67 = arith.constant 0 : i32
    %dma_start3A_68 = tpu.memref_slice %arg2[%dma_start3A_66, %dma_start3A_67] : memref<10000x64xf32, #tpu.memory_space<hbm>> -> memref<10000x64xf32, #tpu.memory_space<hbm>>
    tpu.enqueue_indirect_dma source(%dma_start3A_68 : memref<10000x64xf32, #tpu.memory_space<hbm>>) target(%dma_start3A_62 : memref<80x64xf32, #tpu.memory_space<vmem>>) offsets(%dma_start3A_65 : memref<80xi32, #tpu.memory_space<vmem>>) semaphore(%arg11 : memref<!tpu.dma_semaphore, #tpu.memory_space<semaphore_mem>>)
    %dma_start3A_69 = arith.constant 2 : i32
    %dma_start3A_70 = arith.constant 2 : i32
    %dma_start3A_71 = arith.constant 0 : i32
    %dma_start3A_72 = arith.constant 0 : i32
    %dma_start3A_73 = tpu.memref_slice %arg8[%dma_start3A_70, %dma_start3A_71, %dma_start3A_72] : memref<5x80x64xf32, #tpu.memory_space<vmem>> -> memref<1x80x64xf32, #tpu.memory_space<vmem>>
    %dma_start3A_74 = tpu.memref_squeeze %dma_start3A_73 : memref<1x80x64xf32, #tpu.memory_space<vmem>> -> memref<80x64xf32, #tpu.memory_space<vmem>>
    %dma_start3A_75 = arith.constant 0 : i32
    %dma_start3A_76 = tpu.memref_slice %arg6[%dma_start3A_69, %dma_start3A_75] : memref<125x80xi32, #tpu.memory_space<vmem>> -> memref<1x80xi32, #tpu.memory_space<vmem>>
    %dma_start3A_77 = tpu.memref_squeeze %dma_start3A_76 : memref<1x80xi32, #tpu.memory_space<vmem>> -> memref<80xi32, #tpu.memory_space<vmem>>
    %dma_start3A_78 = arith.constant 0 : i32
    %dma_start3A_79 = arith.constant 0 : i32
    %dma_start3A_80 = tpu.memref_slice %arg2[%dma_start3A_78, %dma_start3A_79] : memref<10000x64xf32, #tpu.memory_space<hbm>> -> memref<10000x64xf32, #tpu.memory_space<hbm>>
    tpu.enqueue_indirect_dma source(%dma_start3A_80 : memref<10000x64xf32, #tpu.memory_space<hbm>>) target(%dma_start3A_74 : memref<80x64xf32, #tpu.memory_space<vmem>>) offsets(%dma_start3A_77 : memref<80xi32, #tpu.memory_space<vmem>>) semaphore(%arg12 : memref<!tpu.dma_semaphore, #tpu.memory_space<semaphore_mem>>)
    %dma_start3A_81 = arith.constant 3 : i32
    %dma_start3A_82 = arith.constant 3 : i32
    %dma_start3A_83 = arith.constant 0 : i32
    %dma_start3A_84 = arith.constant 0 : i32
    %dma_start3A_85 = tpu.memref_slice %arg8[%dma_start3A_82, %dma_start3A_83, %dma_start3A_84] : memref<5x80x64xf32, #tpu.memory_space<vmem>> -> memref<1x80x64xf32, #tpu.memory_space<vmem>>
    %dma_start3A_86 = tpu.memref_squeeze %dma_start3A_85 : memref<1x80x64xf32, #tpu.memory_space<vmem>> -> memref<80x64xf32, #tpu.memory_space<vmem>>
    %dma_start3A_87 = arith.constant 0 : i32
    %dma_start3A_88 = tpu.memref_slice %arg6[%dma_start3A_81, %dma_start3A_87] : memref<125x80xi32, #tpu.memory_space<vmem>> -> memref<1x80xi32, #tpu.memory_space<vmem>>
    %dma_start3A_89 = tpu.memref_squeeze %dma_start3A_88 : memref<1x80xi32, #tpu.memory_space<vmem>> -> memref<80xi32, #tpu.memory_space<vmem>>
    %dma_start3A_90 = arith.constant 0 : i32
    %dma_start3A_91 = arith.constant 0 : i32
    %dma_start3A_92 = tpu.memref_slice %arg2[%dma_start3A_90, %dma_start3A_91] : memref<10000x64xf32, #tpu.memory_space<hbm>> -> memref<10000x64xf32, #tpu.memory_space<hbm>>
    tpu.enqueue_indirect_dma source(%dma_start3A_92 : memref<10000x64xf32, #tpu.memory_space<hbm>>) target(%dma_start3A_86 : memref<80x64xf32, #tpu.memory_space<vmem>>) offsets(%dma_start3A_89 : memref<80xi32, #tpu.memory_space<vmem>>) semaphore(%arg13 : memref<!tpu.dma_semaphore, #tpu.memory_space<semaphore_mem>>)
    %dma_start3A_93 = arith.constant 4 : i32
    %dma_start3A_94 = arith.constant 4 : i32
    %dma_start3A_95 = arith.constant 0 : i32
    %dma_start3A_96 = arith.constant 0 : i32
    %dma_start3A_97 = tpu.memref_slice %arg8[%dma_start3A_94, %dma_start3A_95, %dma_start3A_96] : memref<5x80x64xf32, #tpu.memory_space<vmem>> -> memref<1x80x64xf32, #tpu.memory_space<vmem>>
    %dma_start3A_98 = tpu.memref_squeeze %dma_start3A_97 : memref<1x80x64xf32, #tpu.memory_space<vmem>> -> memref<80x64xf32, #tpu.memory_space<vmem>>
    %dma_start3A_99 = arith.constant 0 : i32
    %dma_start3A_100 = tpu.memref_slice %arg6[%dma_start3A_93, %dma_start3A_99] : memref<125x80xi32, #tpu.memory_space<vmem>> -> memref<1x80xi32, #tpu.memory_space<vmem>>
    %dma_start3A_101 = tpu.memref_squeeze %dma_start3A_100 : memref<1x80xi32, #tpu.memory_space<vmem>> -> memref<80xi32, #tpu.memory_space<vmem>>
    %dma_start3A_102 = arith.constant 0 : i32
    %dma_start3A_103 = arith.constant 0 : i32
    %dma_start3A_104 = tpu.memref_slice %arg2[%dma_start3A_102, %dma_start3A_103] : memref<10000x64xf32, #tpu.memory_space<hbm>> -> memref<10000x64xf32, #tpu.memory_space<hbm>>
    tpu.enqueue_indirect_dma source(%dma_start3A_104 : memref<10000x64xf32, #tpu.memory_space<hbm>>) target(%dma_start3A_98 : memref<80x64xf32, #tpu.memory_space<vmem>>) offsets(%dma_start3A_101 : memref<80xi32, #tpu.memory_space<vmem>>) semaphore(%arg14 : memref<!tpu.dma_semaphore, #tpu.memory_space<semaphore_mem>>)
    %add3A_105 = arith.constant 0 : i32
    %add3A_106 = arith.addi %arg1, %add3A_105 : i32
    %mul3A_107 = arith.constant 400 : i32
    %mul3A_108 = arith.muli %add3A_106, %mul3A_107 : i32
    %mul3A_109 = arith.constant 400 : i32
    %mul3A_110 = arith.muli %add3A_106, %mul3A_109 : i32
    %dma_wait3A_111 = arith.constant 0 : i32
    %dma_wait3A_112 = tpu.memref_slice %arg9[%mul3A_110, %dma_wait3A_111] : memref<10400x64xf32, #tpu.memory_space<vmem_shared>> -> memref<400x64xf32, #tpu.memory_space<vmem_shared>>
    %dma_wait3A_113 = arith.constant 0 : i32
    %dma_wait3A_114 = tpu.memref_slice %arg2[%mul3A_108, %dma_wait3A_113] : memref<10000x64xf32, #tpu.memory_space<hbm>> -> memref<400x64xf32, #tpu.memory_space<hbm>>
    tpu.wait_dma2 semaphore(%arg17 : memref<!tpu.dma_semaphore, #tpu.memory_space<semaphore_mem>>) src(%dma_wait3A_114 : memref<400x64xf32, #tpu.memory_space<hbm>>) dst(%dma_wait3A_112 : memref<400x64xf32, #tpu.memory_space<vmem_shared>>)
    %add3A_115 = arith.constant 16 : i32
    %add3A_116 = arith.addi %arg1, %add3A_115 : i32
    %lt3A_117 = arith.constant 25 : i32
    %lt3A_118 = arith.cmpi slt, %add3A_116, %lt3A_117 : i32
    %convert_element_type3A_119 = arith.extui %lt3A_118 : i1 to i32
    %cond3A_120 = arith.constant 0 : i32
    %cond3A_121 = arith.cmpi ne, %convert_element_type3A_119, %cond3A_120 : i32
    scf.if %cond3A_121 {
      %mul3A_176 = arith.constant 400 : i32
      %mul3A_177 = arith.muli %add3A_116, %mul3A_176 : i32
      %mul3A_178 = arith.constant 400 : i32
      %mul3A_179 = arith.muli %add3A_116, %mul3A_178 : i32
      %dma_wait3A_180 = arith.constant 0 : i32
      %dma_wait3A_181 = tpu.memref_slice %arg9[%mul3A_179, %dma_wait3A_180] : memref<10400x64xf32, #tpu.memory_space<vmem_shared>> -> memref<400x64xf32, #tpu.memory_space<vmem_shared>>
      %dma_wait3A_182 = arith.constant 0 : i32
      %dma_wait3A_183 = tpu.memref_slice %arg2[%mul3A_177, %dma_wait3A_182] : memref<10000x64xf32, #tpu.memory_space<hbm>> -> memref<400x64xf32, #tpu.memory_space<hbm>>
      tpu.wait_dma2 semaphore(%arg18 : memref<!tpu.dma_semaphore, #tpu.memory_space<semaphore_mem>>) src(%dma_wait3A_183 : memref<400x64xf32, #tpu.memory_space<hbm>>) dst(%dma_wait3A_181 : memref<400x64xf32, #tpu.memory_space<vmem_shared>>)
    } else {
    }
    %barrier3A = arith.constant 0 : index
    tpu.barrier barrier_id(%barrier3A)
    %scan3A = arith.constant 0 : i32
    %scan3A_122 = arith.constant 0 : i32
    %scan3A_123 = arith.constant 25 : i32
    %scan3A_124 = arith.addi %scan3A_122, %scan3A_123 : i32
    %scan3A_125 = arith.constant 1 : i32
    scf.for %scan3A_176 = %scan3A_122 to %scan3A_124 step %scan3A_125  : i32 {
      %mul3A_177 = arith.constant 5 : i32
      %mul3A_178 = arith.muli %scan3A_176, %mul3A_177 : i32
      %add3A_179 = arith.constant 0 : i32
      %add3A_180 = arith.addi %mul3A_178, %add3A_179 : i32
      %dma_wait3A_181 = arith.constant 0 : i32
      %dma_wait3A_182 = arith.constant 0 : i32
      %dma_wait3A_183 = arith.constant 0 : i32
      %dma_wait3A_184 = tpu.memref_slice %arg8[%dma_wait3A_181, %dma_wait3A_182, %dma_wait3A_183] : memref<5x80x64xf32, #tpu.memory_space<vmem>> -> memref<1x80x64xf32, #tpu.memory_space<vmem>>
      %dma_wait3A_185 = tpu.memref_squeeze %dma_wait3A_184 : memref<1x80x64xf32, #tpu.memory_space<vmem>> -> memref<80x64xf32, #tpu.memory_space<vmem>>
      %dma_wait3A_186 = arith.constant 0 : i32
      %dma_wait3A_187 = tpu.memref_slice %arg6[%add3A_180, %dma_wait3A_186] : memref<125x80xi32, #tpu.memory_space<vmem>> -> memref<1x80xi32, #tpu.memory_space<vmem>>
      %dma_wait3A_188 = tpu.memref_squeeze %dma_wait3A_187 : memref<1x80xi32, #tpu.memory_space<vmem>> -> memref<80xi32, #tpu.memory_space<vmem>>
      %dma_wait3A_189 = arith.constant 0 : i32
      %dma_wait3A_190 = arith.constant 0 : i32
      %dma_wait3A_191 = tpu.memref_slice %arg2[%dma_wait3A_189, %dma_wait3A_190] : memref<10000x64xf32, #tpu.memory_space<hbm>> -> memref<10000x64xf32, #tpu.memory_space<hbm>>
      tpu.wait_indirect_dma semaphore(%arg10 : memref<!tpu.dma_semaphore, #tpu.memory_space<semaphore_mem>>) src(%dma_wait3A_191 : memref<10000x64xf32, #tpu.memory_space<hbm>>) dst(%dma_wait3A_185 : memref<80x64xf32, #tpu.memory_space<vmem>>)
      %dma_start3A_192 = arith.constant 0 : i32
      %dma_start3A_193 = arith.constant 0 : i32
      %dma_start3A_194 = arith.constant 0 : i32
      %dma_start3A_195 = tpu.memref_slice %arg8[%dma_start3A_192, %dma_start3A_193, %dma_start3A_194] : memref<5x80x64xf32, #tpu.memory_space<vmem>> -> memref<1x80x64xf32, #tpu.memory_space<vmem>>
      %dma_start3A_196 = tpu.memref_squeeze %dma_start3A_195 : memref<1x80x64xf32, #tpu.memory_space<vmem>> -> memref<80x64xf32, #tpu.memory_space<vmem>>
      %dma_start3A_197 = arith.constant 0 : i32
      %dma_start3A_198 = tpu.memref_slice %arg7[%add3A_180, %dma_start3A_197] : memref<125x80xi32, #tpu.memory_space<vmem>> -> memref<1x80xi32, #tpu.memory_space<vmem>>
      %dma_start3A_199 = tpu.memref_squeeze %dma_start3A_198 : memref<1x80xi32, #tpu.memory_space<vmem>> -> memref<80xi32, #tpu.memory_space<vmem>>
      %dma_start3A_200 = arith.constant 0 : i32
      %dma_start3A_201 = arith.constant 0 : i32
      %dma_start3A_202 = tpu.memref_slice %arg9[%dma_start3A_200, %dma_start3A_201] : memref<10400x64xf32, #tpu.memory_space<vmem_shared>> -> memref<10400x64xf32, #tpu.memory_space<vmem_shared>>
      tpu.enqueue_indirect_dma source(%dma_start3A_196 : memref<80x64xf32, #tpu.memory_space<vmem>>) target(%dma_start3A_202 : memref<10400x64xf32, #tpu.memory_space<vmem_shared>>) offsets(%dma_start3A_199 : memref<80xi32, #tpu.memory_space<vmem>>) semaphore(%arg15 : memref<!tpu.dma_semaphore, #tpu.memory_space<semaphore_mem>>) {add = true}
      %sub3A = arith.constant 1 : i32
      %sub3A_203 = arith.subi %add3A_180, %sub3A : i32
      %ge3A = arith.constant 0 : i32
      %ge3A_204 = arith.cmpi sge, %sub3A_203, %ge3A : i32
      %convert_element_type3A_205 = arith.extui %ge3A_204 : i1 to i32
      %cond3A_206 = arith.constant 0 : i32
      %cond3A_207 = arith.cmpi ne, %convert_element_type3A_205, %cond3A_206 : i32
      scf.if %cond3A_207 {
        %dma_wait3A_340 = arith.constant 4 : i32
        %dma_wait3A_341 = arith.constant 0 : i32
        %dma_wait3A_342 = arith.constant 0 : i32
        %dma_wait3A_343 = tpu.memref_slice %arg8[%dma_wait3A_340, %dma_wait3A_341, %dma_wait3A_342] : memref<5x80x64xf32, #tpu.memory_space<vmem>> -> memref<1x80x64xf32, #tpu.memory_space<vmem>>
        %dma_wait3A_344 = tpu.memref_squeeze %dma_wait3A_343 : memref<1x80x64xf32, #tpu.memory_space<vmem>> -> memref<80x64xf32, #tpu.memory_space<vmem>>
        %dma_wait3A_345 = arith.constant 0 : i32
        %dma_wait3A_346 = tpu.memref_slice %arg7[%sub3A_203, %dma_wait3A_345] : memref<125x80xi32, #tpu.memory_space<vmem>> -> memref<1x80xi32, #tpu.memory_space<vmem>>
        %dma_wait3A_347 = tpu.memref_squeeze %dma_wait3A_346 : memref<1x80xi32, #tpu.memory_space<vmem>> -> memref<80xi32, #tpu.memory_space<vmem>>
        %dma_wait3A_348 = arith.constant 0 : i32
        %dma_wait3A_349 = arith.constant 0 : i32
        %dma_wait3A_350 = tpu.memref_slice %arg9[%dma_wait3A_348, %dma_wait3A_349] : memref<10400x64xf32, #tpu.memory_space<vmem_shared>> -> memref<10400x64xf32, #tpu.memory_space<vmem_shared>>
        tpu.wait_indirect_dma semaphore(%arg19 : memref<!tpu.dma_semaphore, #tpu.memory_space<semaphore_mem>>) src(%dma_wait3A_344 : memref<80x64xf32, #tpu.memory_space<vmem>>) dst(%dma_wait3A_350 : memref<10400x64xf32, #tpu.memory_space<vmem_shared>>)
        %add3A_351 = arith.constant 5 : i32
        %add3A_352 = arith.addi %sub3A_203, %add3A_351 : i32
        %lt3A_353 = arith.constant 125 : i32
        %lt3A_354 = arith.cmpi slt, %add3A_352, %lt3A_353 : i32
        %convert_element_type3A_355 = arith.extui %lt3A_354 : i1 to i32
        %cond3A_356 = arith.constant 0 : i32
        %cond3A_357 = arith.cmpi ne, %convert_element_type3A_355, %cond3A_356 : i32
        scf.if %cond3A_357 {
          %add3A_358 = arith.constant 5 : i32
          %add3A_359 = arith.addi %sub3A_203, %add3A_358 : i32
          %dma_start3A_360 = arith.constant 4 : i32
          %dma_start3A_361 = arith.constant 0 : i32
          %dma_start3A_362 = arith.constant 0 : i32
          %dma_start3A_363 = tpu.memref_slice %arg8[%dma_start3A_360, %dma_start3A_361, %dma_start3A_362] : memref<5x80x64xf32, #tpu.memory_space<vmem>> -> memref<1x80x64xf32, #tpu.memory_space<vmem>>
          %dma_start3A_364 = tpu.memref_squeeze %dma_start3A_363 : memref<1x80x64xf32, #tpu.memory_space<vmem>> -> memref<80x64xf32, #tpu.memory_space<vmem>>
          %dma_start3A_365 = arith.constant 0 : i32
          %dma_start3A_366 = tpu.memref_slice %arg6[%add3A_359, %dma_start3A_365] : memref<125x80xi32, #tpu.memory_space<vmem>> -> memref<1x80xi32, #tpu.memory_space<vmem>>
          %dma_start3A_367 = tpu.memref_squeeze %dma_start3A_366 : memref<1x80xi32, #tpu.memory_space<vmem>> -> memref<80xi32, #tpu.memory_space<vmem>>
          %dma_start3A_368 = arith.constant 0 : i32
          %dma_start3A_369 = arith.constant 0 : i32
          %dma_start3A_370 = tpu.memref_slice %arg2[%dma_start3A_368, %dma_start3A_369] : memref<10000x64xf32, #tpu.memory_space<hbm>> -> memref<10000x64xf32, #tpu.memory_space<hbm>>
          tpu.enqueue_indirect_dma source(%dma_start3A_370 : memref<10000x64xf32, #tpu.memory_space<hbm>>) target(%dma_start3A_364 : memref<80x64xf32, #tpu.memory_space<vmem>>) offsets(%dma_start3A_367 : memref<80xi32, #tpu.memory_space<vmem>>) semaphore(%arg14 : memref<!tpu.dma_semaphore, #tpu.memory_space<semaphore_mem>>)
        } else {
        }
      } else {
      }
      %mul3A_208 = arith.constant 5 : i32
      %mul3A_209 = arith.muli %scan3A_176, %mul3A_208 : i32
      %add3A_210 = arith.constant 1 : i32
      %add3A_211 = arith.addi %mul3A_209, %add3A_210 : i32
      %dma_wait3A_212 = arith.constant 1 : i32
      %dma_wait3A_213 = arith.constant 0 : i32
      %dma_wait3A_214 = arith.constant 0 : i32
      %dma_wait3A_215 = tpu.memref_slice %arg8[%dma_wait3A_212, %dma_wait3A_213, %dma_wait3A_214] : memref<5x80x64xf32, #tpu.memory_space<vmem>> -> memref<1x80x64xf32, #tpu.memory_space<vmem>>
      %dma_wait3A_216 = tpu.memref_squeeze %dma_wait3A_215 : memref<1x80x64xf32, #tpu.memory_space<vmem>> -> memref<80x64xf32, #tpu.memory_space<vmem>>
      %dma_wait3A_217 = arith.constant 0 : i32
      %dma_wait3A_218 = tpu.memref_slice %arg6[%add3A_211, %dma_wait3A_217] : memref<125x80xi32, #tpu.memory_space<vmem>> -> memref<1x80xi32, #tpu.memory_space<vmem>>
      %dma_wait3A_219 = tpu.memref_squeeze %dma_wait3A_218 : memref<1x80xi32, #tpu.memory_space<vmem>> -> memref<80xi32, #tpu.memory_space<vmem>>
      %dma_wait3A_220 = arith.constant 0 : i32
      %dma_wait3A_221 = arith.constant 0 : i32
      %dma_wait3A_222 = tpu.memref_slice %arg2[%dma_wait3A_220, %dma_wait3A_221] : memref<10000x64xf32, #tpu.memory_space<hbm>> -> memref<10000x64xf32, #tpu.memory_space<hbm>>
      tpu.wait_indirect_dma semaphore(%arg11 : memref<!tpu.dma_semaphore, #tpu.memory_space<semaphore_mem>>) src(%dma_wait3A_222 : memref<10000x64xf32, #tpu.memory_space<hbm>>) dst(%dma_wait3A_216 : memref<80x64xf32, #tpu.memory_space<vmem>>)
      %dma_start3A_223 = arith.constant 1 : i32
      %dma_start3A_224 = arith.constant 0 : i32
      %dma_start3A_225 = arith.constant 0 : i32
      %dma_start3A_226 = tpu.memref_slice %arg8[%dma_start3A_223, %dma_start3A_224, %dma_start3A_225] : memref<5x80x64xf32, #tpu.memory_space<vmem>> -> memref<1x80x64xf32, #tpu.memory_space<vmem>>
      %dma_start3A_227 = tpu.memref_squeeze %dma_start3A_226 : memref<1x80x64xf32, #tpu.memory_space<vmem>> -> memref<80x64xf32, #tpu.memory_space<vmem>>
      %dma_start3A_228 = arith.constant 0 : i32
      %dma_start3A_229 = tpu.memref_slice %arg7[%add3A_211, %dma_start3A_228] : memref<125x80xi32, #tpu.memory_space<vmem>> -> memref<1x80xi32, #tpu.memory_space<vmem>>
      %dma_start3A_230 = tpu.memref_squeeze %dma_start3A_229 : memref<1x80xi32, #tpu.memory_space<vmem>> -> memref<80xi32, #tpu.memory_space<vmem>>
      %dma_start3A_231 = arith.constant 0 : i32
      %dma_start3A_232 = arith.constant 0 : i32
      %dma_start3A_233 = tpu.memref_slice %arg9[%dma_start3A_231, %dma_start3A_232] : memref<10400x64xf32, #tpu.memory_space<vmem_shared>> -> memref<10400x64xf32, #tpu.memory_space<vmem_shared>>
      tpu.enqueue_indirect_dma source(%dma_start3A_227 : memref<80x64xf32, #tpu.memory_space<vmem>>) target(%dma_start3A_233 : memref<10400x64xf32, #tpu.memory_space<vmem_shared>>) offsets(%dma_start3A_230 : memref<80xi32, #tpu.memory_space<vmem>>) semaphore(%arg16 : memref<!tpu.dma_semaphore, #tpu.memory_space<semaphore_mem>>) {add = true}
      %sub3A_234 = arith.constant 1 : i32
      %sub3A_235 = arith.subi %add3A_211, %sub3A_234 : i32
      %ge3A_236 = arith.constant 0 : i32
      %ge3A_237 = arith.cmpi sge, %sub3A_235, %ge3A_236 : i32
      %convert_element_type3A_238 = arith.extui %ge3A_237 : i1 to i32
      %cond3A_239 = arith.constant 0 : i32
      %cond3A_240 = arith.cmpi ne, %convert_element_type3A_238, %cond3A_239 : i32
      scf.if %cond3A_240 {
        %dma_wait3A_340 = arith.constant 0 : i32
        %dma_wait3A_341 = arith.constant 0 : i32
        %dma_wait3A_342 = arith.constant 0 : i32
        %dma_wait3A_343 = tpu.memref_slice %arg8[%dma_wait3A_340, %dma_wait3A_341, %dma_wait3A_342] : memref<5x80x64xf32, #tpu.memory_space<vmem>> -> memref<1x80x64xf32, #tpu.memory_space<vmem>>
        %dma_wait3A_344 = tpu.memref_squeeze %dma_wait3A_343 : memref<1x80x64xf32, #tpu.memory_space<vmem>> -> memref<80x64xf32, #tpu.memory_space<vmem>>
        %dma_wait3A_345 = arith.constant 0 : i32
        %dma_wait3A_346 = tpu.memref_slice %arg7[%sub3A_235, %dma_wait3A_345] : memref<125x80xi32, #tpu.memory_space<vmem>> -> memref<1x80xi32, #tpu.memory_space<vmem>>
        %dma_wait3A_347 = tpu.memref_squeeze %dma_wait3A_346 : memref<1x80xi32, #tpu.memory_space<vmem>> -> memref<80xi32, #tpu.memory_space<vmem>>
        %dma_wait3A_348 = arith.constant 0 : i32
        %dma_wait3A_349 = arith.constant 0 : i32
        %dma_wait3A_350 = tpu.memref_slice %arg9[%dma_wait3A_348, %dma_wait3A_349] : memref<10400x64xf32, #tpu.memory_space<vmem_shared>> -> memref<10400x64xf32, #tpu.memory_space<vmem_shared>>
        tpu.wait_indirect_dma semaphore(%arg15 : memref<!tpu.dma_semaphore, #tpu.memory_space<semaphore_mem>>) src(%dma_wait3A_344 : memref<80x64xf32, #tpu.memory_space<vmem>>) dst(%dma_wait3A_350 : memref<10400x64xf32, #tpu.memory_space<vmem_shared>>)
        %add3A_351 = arith.constant 5 : i32
        %add3A_352 = arith.addi %sub3A_235, %add3A_351 : i32
        %lt3A_353 = arith.constant 125 : i32
        %lt3A_354 = arith.cmpi slt, %add3A_352, %lt3A_353 : i32
        %convert_element_type3A_355 = arith.extui %lt3A_354 : i1 to i32
        %cond3A_356 = arith.constant 0 : i32
        %cond3A_357 = arith.cmpi ne, %convert_element_type3A_355, %cond3A_356 : i32
        scf.if %cond3A_357 {
          %add3A_358 = arith.constant 5 : i32
          %add3A_359 = arith.addi %sub3A_235, %add3A_358 : i32
          %dma_start3A_360 = arith.constant 0 : i32
          %dma_start3A_361 = arith.constant 0 : i32
          %dma_start3A_362 = arith.constant 0 : i32
          %dma_start3A_363 = tpu.memref_slice %arg8[%dma_start3A_360, %dma_start3A_361, %dma_start3A_362] : memref<5x80x64xf32, #tpu.memory_space<vmem>> -> memref<1x80x64xf32, #tpu.memory_space<vmem>>
          %dma_start3A_364 = tpu.memref_squeeze %dma_start3A_363 : memref<1x80x64xf32, #tpu.memory_space<vmem>> -> memref<80x64xf32, #tpu.memory_space<vmem>>
          %dma_start3A_365 = arith.constant 0 : i32
          %dma_start3A_366 = tpu.memref_slice %arg6[%add3A_359, %dma_start3A_365] : memref<125x80xi32, #tpu.memory_space<vmem>> -> memref<1x80xi32, #tpu.memory_space<vmem>>
          %dma_start3A_367 = tpu.memref_squeeze %dma_start3A_366 : memref<1x80xi32, #tpu.memory_space<vmem>> -> memref<80xi32, #tpu.memory_space<vmem>>
          %dma_start3A_368 = arith.constant 0 : i32
          %dma_start3A_369 = arith.constant 0 : i32
          %dma_start3A_370 = tpu.memref_slice %arg2[%dma_start3A_368, %dma_start3A_369] : memref<10000x64xf32, #tpu.memory_space<hbm>> -> memref<10000x64xf32, #tpu.memory_space<hbm>>
          tpu.enqueue_indirect_dma source(%dma_start3A_370 : memref<10000x64xf32, #tpu.memory_space<hbm>>) target(%dma_start3A_364 : memref<80x64xf32, #tpu.memory_space<vmem>>) offsets(%dma_start3A_367 : memref<80xi32, #tpu.memory_space<vmem>>) semaphore(%arg10 : memref<!tpu.dma_semaphore, #tpu.memory_space<semaphore_mem>>)
        } else {
        }
      } else {
      }
      %mul3A_241 = arith.constant 5 : i32
      %mul3A_242 = arith.muli %scan3A_176, %mul3A_241 : i32
      %add3A_243 = arith.constant 2 : i32
      %add3A_244 = arith.addi %mul3A_242, %add3A_243 : i32
      %dma_wait3A_245 = arith.constant 2 : i32
      %dma_wait3A_246 = arith.constant 0 : i32
      %dma_wait3A_247 = arith.constant 0 : i32
      %dma_wait3A_248 = tpu.memref_slice %arg8[%dma_wait3A_245, %dma_wait3A_246, %dma_wait3A_247] : memref<5x80x64xf32, #tpu.memory_space<vmem>> -> memref<1x80x64xf32, #tpu.memory_space<vmem>>
      %dma_wait3A_249 = tpu.memref_squeeze %dma_wait3A_248 : memref<1x80x64xf32, #tpu.memory_space<vmem>> -> memref<80x64xf32, #tpu.memory_space<vmem>>
      %dma_wait3A_250 = arith.constant 0 : i32
      %dma_wait3A_251 = tpu.memref_slice %arg6[%add3A_244, %dma_wait3A_250] : memref<125x80xi32, #tpu.memory_space<vmem>> -> memref<1x80xi32, #tpu.memory_space<vmem>>
      %dma_wait3A_252 = tpu.memref_squeeze %dma_wait3A_251 : memref<1x80xi32, #tpu.memory_space<vmem>> -> memref<80xi32, #tpu.memory_space<vmem>>
      %dma_wait3A_253 = arith.constant 0 : i32
      %dma_wait3A_254 = arith.constant 0 : i32
      %dma_wait3A_255 = tpu.memref_slice %arg2[%dma_wait3A_253, %dma_wait3A_254] : memref<10000x64xf32, #tpu.memory_space<hbm>> -> memref<10000x64xf32, #tpu.memory_space<hbm>>
      tpu.wait_indirect_dma semaphore(%arg12 : memref<!tpu.dma_semaphore, #tpu.memory_space<semaphore_mem>>) src(%dma_wait3A_255 : memref<10000x64xf32, #tpu.memory_space<hbm>>) dst(%dma_wait3A_249 : memref<80x64xf32, #tpu.memory_space<vmem>>)
      %dma_start3A_256 = arith.constant 2 : i32
      %dma_start3A_257 = arith.constant 0 : i32
      %dma_start3A_258 = arith.constant 0 : i32
      %dma_start3A_259 = tpu.memref_slice %arg8[%dma_start3A_256, %dma_start3A_257, %dma_start3A_258] : memref<5x80x64xf32, #tpu.memory_space<vmem>> -> memref<1x80x64xf32, #tpu.memory_space<vmem>>
      %dma_start3A_260 = tpu.memref_squeeze %dma_start3A_259 : memref<1x80x64xf32, #tpu.memory_space<vmem>> -> memref<80x64xf32, #tpu.memory_space<vmem>>
      %dma_start3A_261 = arith.constant 0 : i32
      %dma_start3A_262 = tpu.memref_slice %arg7[%add3A_244, %dma_start3A_261] : memref<125x80xi32, #tpu.memory_space<vmem>> -> memref<1x80xi32, #tpu.memory_space<vmem>>
      %dma_start3A_263 = tpu.memref_squeeze %dma_start3A_262 : memref<1x80xi32, #tpu.memory_space<vmem>> -> memref<80xi32, #tpu.memory_space<vmem>>
      %dma_start3A_264 = arith.constant 0 : i32
      %dma_start3A_265 = arith.constant 0 : i32
      %dma_start3A_266 = tpu.memref_slice %arg9[%dma_start3A_264, %dma_start3A_265] : memref<10400x64xf32, #tpu.memory_space<vmem_shared>> -> memref<10400x64xf32, #tpu.memory_space<vmem_shared>>
      tpu.enqueue_indirect_dma source(%dma_start3A_260 : memref<80x64xf32, #tpu.memory_space<vmem>>) target(%dma_start3A_266 : memref<10400x64xf32, #tpu.memory_space<vmem_shared>>) offsets(%dma_start3A_263 : memref<80xi32, #tpu.memory_space<vmem>>) semaphore(%arg17 : memref<!tpu.dma_semaphore, #tpu.memory_space<semaphore_mem>>) {add = true}
      %sub3A_267 = arith.constant 1 : i32
      %sub3A_268 = arith.subi %add3A_244, %sub3A_267 : i32
      %ge3A_269 = arith.constant 0 : i32
      %ge3A_270 = arith.cmpi sge, %sub3A_268, %ge3A_269 : i32
      %convert_element_type3A_271 = arith.extui %ge3A_270 : i1 to i32
      %cond3A_272 = arith.constant 0 : i32
      %cond3A_273 = arith.cmpi ne, %convert_element_type3A_271, %cond3A_272 : i32
      scf.if %cond3A_273 {
        %dma_wait3A_340 = arith.constant 1 : i32
        %dma_wait3A_341 = arith.constant 0 : i32
        %dma_wait3A_342 = arith.constant 0 : i32
        %dma_wait3A_343 = tpu.memref_slice %arg8[%dma_wait3A_340, %dma_wait3A_341, %dma_wait3A_342] : memref<5x80x64xf32, #tpu.memory_space<vmem>> -> memref<1x80x64xf32, #tpu.memory_space<vmem>>
        %dma_wait3A_344 = tpu.memref_squeeze %dma_wait3A_343 : memref<1x80x64xf32, #tpu.memory_space<vmem>> -> memref<80x64xf32, #tpu.memory_space<vmem>>
        %dma_wait3A_345 = arith.constant 0 : i32
        %dma_wait3A_346 = tpu.memref_slice %arg7[%sub3A_268, %dma_wait3A_345] : memref<125x80xi32, #tpu.memory_space<vmem>> -> memref<1x80xi32, #tpu.memory_space<vmem>>
        %dma_wait3A_347 = tpu.memref_squeeze %dma_wait3A_346 : memref<1x80xi32, #tpu.memory_space<vmem>> -> memref<80xi32, #tpu.memory_space<vmem>>
        %dma_wait3A_348 = arith.constant 0 : i32
        %dma_wait3A_349 = arith.constant 0 : i32
        %dma_wait3A_350 = tpu.memref_slice %arg9[%dma_wait3A_348, %dma_wait3A_349] : memref<10400x64xf32, #tpu.memory_space<vmem_shared>> -> memref<10400x64xf32, #tpu.memory_space<vmem_shared>>
        tpu.wait_indirect_dma semaphore(%arg16 : memref<!tpu.dma_semaphore, #tpu.memory_space<semaphore_mem>>) src(%dma_wait3A_344 : memref<80x64xf32, #tpu.memory_space<vmem>>) dst(%dma_wait3A_350 : memref<10400x64xf32, #tpu.memory_space<vmem_shared>>)
        %add3A_351 = arith.constant 5 : i32
        %add3A_352 = arith.addi %sub3A_268, %add3A_351 : i32
        %lt3A_353 = arith.constant 125 : i32
        %lt3A_354 = arith.cmpi slt, %add3A_352, %lt3A_353 : i32
        %convert_element_type3A_355 = arith.extui %lt3A_354 : i1 to i32
        %cond3A_356 = arith.constant 0 : i32
        %cond3A_357 = arith.cmpi ne, %convert_element_type3A_355, %cond3A_356 : i32
        scf.if %cond3A_357 {
          %add3A_358 = arith.constant 5 : i32
          %add3A_359 = arith.addi %sub3A_268, %add3A_358 : i32
          %dma_start3A_360 = arith.constant 1 : i32
          %dma_start3A_361 = arith.constant 0 : i32
          %dma_start3A_362 = arith.constant 0 : i32
          %dma_start3A_363 = tpu.memref_slice %arg8[%dma_start3A_360, %dma_start3A_361, %dma_start3A_362] : memref<5x80x64xf32, #tpu.memory_space<vmem>> -> memref<1x80x64xf32, #tpu.memory_space<vmem>>
          %dma_start3A_364 = tpu.memref_squeeze %dma_start3A_363 : memref<1x80x64xf32, #tpu.memory_space<vmem>> -> memref<80x64xf32, #tpu.memory_space<vmem>>
          %dma_start3A_365 = arith.constant 0 : i32
          %dma_start3A_366 = tpu.memref_slice %arg6[%add3A_359, %dma_start3A_365] : memref<125x80xi32, #tpu.memory_space<vmem>> -> memref<1x80xi32, #tpu.memory_space<vmem>>
          %dma_start3A_367 = tpu.memref_squeeze %dma_start3A_366 : memref<1x80xi32, #tpu.memory_space<vmem>> -> memref<80xi32, #tpu.memory_space<vmem>>
          %dma_start3A_368 = arith.constant 0 : i32
          %dma_start3A_369 = arith.constant 0 : i32
          %dma_start3A_370 = tpu.memref_slice %arg2[%dma_start3A_368, %dma_start3A_369] : memref<10000x64xf32, #tpu.memory_space<hbm>> -> memref<10000x64xf32, #tpu.memory_space<hbm>>
          tpu.enqueue_indirect_dma source(%dma_start3A_370 : memref<10000x64xf32, #tpu.memory_space<hbm>>) target(%dma_start3A_364 : memref<80x64xf32, #tpu.memory_space<vmem>>) offsets(%dma_start3A_367 : memref<80xi32, #tpu.memory_space<vmem>>) semaphore(%arg11 : memref<!tpu.dma_semaphore, #tpu.memory_space<semaphore_mem>>)
        } else {
        }
      } else {
      }
      %mul3A_274 = arith.constant 5 : i32
      %mul3A_275 = arith.muli %scan3A_176, %mul3A_274 : i32
      %add3A_276 = arith.constant 3 : i32
      %add3A_277 = arith.addi %mul3A_275, %add3A_276 : i32
      %dma_wait3A_278 = arith.constant 3 : i32
      %dma_wait3A_279 = arith.constant 0 : i32
      %dma_wait3A_280 = arith.constant 0 : i32
      %dma_wait3A_281 = tpu.memref_slice %arg8[%dma_wait3A_278, %dma_wait3A_279, %dma_wait3A_280] : memref<5x80x64xf32, #tpu.memory_space<vmem>> -> memref<1x80x64xf32, #tpu.memory_space<vmem>>
      %dma_wait3A_282 = tpu.memref_squeeze %dma_wait3A_281 : memref<1x80x64xf32, #tpu.memory_space<vmem>> -> memref<80x64xf32, #tpu.memory_space<vmem>>
      %dma_wait3A_283 = arith.constant 0 : i32
      %dma_wait3A_284 = tpu.memref_slice %arg6[%add3A_277, %dma_wait3A_283] : memref<125x80xi32, #tpu.memory_space<vmem>> -> memref<1x80xi32, #tpu.memory_space<vmem>>
      %dma_wait3A_285 = tpu.memref_squeeze %dma_wait3A_284 : memref<1x80xi32, #tpu.memory_space<vmem>> -> memref<80xi32, #tpu.memory_space<vmem>>
      %dma_wait3A_286 = arith.constant 0 : i32
      %dma_wait3A_287 = arith.constant 0 : i32
      %dma_wait3A_288 = tpu.memref_slice %arg2[%dma_wait3A_286, %dma_wait3A_287] : memref<10000x64xf32, #tpu.memory_space<hbm>> -> memref<10000x64xf32, #tpu.memory_space<hbm>>
      tpu.wait_indirect_dma semaphore(%arg13 : memref<!tpu.dma_semaphore, #tpu.memory_space<semaphore_mem>>) src(%dma_wait3A_288 : memref<10000x64xf32, #tpu.memory_space<hbm>>) dst(%dma_wait3A_282 : memref<80x64xf32, #tpu.memory_space<vmem>>)
      %dma_start3A_289 = arith.constant 3 : i32
      %dma_start3A_290 = arith.constant 0 : i32
      %dma_start3A_291 = arith.constant 0 : i32
      %dma_start3A_292 = tpu.memref_slice %arg8[%dma_start3A_289, %dma_start3A_290, %dma_start3A_291] : memref<5x80x64xf32, #tpu.memory_space<vmem>> -> memref<1x80x64xf32, #tpu.memory_space<vmem>>
      %dma_start3A_293 = tpu.memref_squeeze %dma_start3A_292 : memref<1x80x64xf32, #tpu.memory_space<vmem>> -> memref<80x64xf32, #tpu.memory_space<vmem>>
      %dma_start3A_294 = arith.constant 0 : i32
      %dma_start3A_295 = tpu.memref_slice %arg7[%add3A_277, %dma_start3A_294] : memref<125x80xi32, #tpu.memory_space<vmem>> -> memref<1x80xi32, #tpu.memory_space<vmem>>
      %dma_start3A_296 = tpu.memref_squeeze %dma_start3A_295 : memref<1x80xi32, #tpu.memory_space<vmem>> -> memref<80xi32, #tpu.memory_space<vmem>>
      %dma_start3A_297 = arith.constant 0 : i32
      %dma_start3A_298 = arith.constant 0 : i32
      %dma_start3A_299 = tpu.memref_slice %arg9[%dma_start3A_297, %dma_start3A_298] : memref<10400x64xf32, #tpu.memory_space<vmem_shared>> -> memref<10400x64xf32, #tpu.memory_space<vmem_shared>>
      tpu.enqueue_indirect_dma source(%dma_start3A_293 : memref<80x64xf32, #tpu.memory_space<vmem>>) target(%dma_start3A_299 : memref<10400x64xf32, #tpu.memory_space<vmem_shared>>) offsets(%dma_start3A_296 : memref<80xi32, #tpu.memory_space<vmem>>) semaphore(%arg18 : memref<!tpu.dma_semaphore, #tpu.memory_space<semaphore_mem>>) {add = true}
      %sub3A_300 = arith.constant 1 : i32
      %sub3A_301 = arith.subi %add3A_277, %sub3A_300 : i32
      %ge3A_302 = arith.constant 0 : i32
      %ge3A_303 = arith.cmpi sge, %sub3A_301, %ge3A_302 : i32
      %convert_element_type3A_304 = arith.extui %ge3A_303 : i1 to i32
      %cond3A_305 = arith.constant 0 : i32
      %cond3A_306 = arith.cmpi ne, %convert_element_type3A_304, %cond3A_305 : i32
      scf.if %cond3A_306 {
        %dma_wait3A_340 = arith.constant 2 : i32
        %dma_wait3A_341 = arith.constant 0 : i32
        %dma_wait3A_342 = arith.constant 0 : i32
        %dma_wait3A_343 = tpu.memref_slice %arg8[%dma_wait3A_340, %dma_wait3A_341, %dma_wait3A_342] : memref<5x80x64xf32, #tpu.memory_space<vmem>> -> memref<1x80x64xf32, #tpu.memory_space<vmem>>
        %dma_wait3A_344 = tpu.memref_squeeze %dma_wait3A_343 : memref<1x80x64xf32, #tpu.memory_space<vmem>> -> memref<80x64xf32, #tpu.memory_space<vmem>>
        %dma_wait3A_345 = arith.constant 0 : i32
        %dma_wait3A_346 = tpu.memref_slice %arg7[%sub3A_301, %dma_wait3A_345] : memref<125x80xi32, #tpu.memory_space<vmem>> -> memref<1x80xi32, #tpu.memory_space<vmem>>
        %dma_wait3A_347 = tpu.memref_squeeze %dma_wait3A_346 : memref<1x80xi32, #tpu.memory_space<vmem>> -> memref<80xi32, #tpu.memory_space<vmem>>
        %dma_wait3A_348 = arith.constant 0 : i32
        %dma_wait3A_349 = arith.constant 0 : i32
        %dma_wait3A_350 = tpu.memref_slice %arg9[%dma_wait3A_348, %dma_wait3A_349] : memref<10400x64xf32, #tpu.memory_space<vmem_shared>> -> memref<10400x64xf32, #tpu.memory_space<vmem_shared>>
        tpu.wait_indirect_dma semaphore(%arg17 : memref<!tpu.dma_semaphore, #tpu.memory_space<semaphore_mem>>) src(%dma_wait3A_344 : memref<80x64xf32, #tpu.memory_space<vmem>>) dst(%dma_wait3A_350 : memref<10400x64xf32, #tpu.memory_space<vmem_shared>>)
        %add3A_351 = arith.constant 5 : i32
        %add3A_352 = arith.addi %sub3A_301, %add3A_351 : i32
        %lt3A_353 = arith.constant 125 : i32
        %lt3A_354 = arith.cmpi slt, %add3A_352, %lt3A_353 : i32
        %convert_element_type3A_355 = arith.extui %lt3A_354 : i1 to i32
        %cond3A_356 = arith.constant 0 : i32
        %cond3A_357 = arith.cmpi ne, %convert_element_type3A_355, %cond3A_356 : i32
        scf.if %cond3A_357 {
          %add3A_358 = arith.constant 5 : i32
          %add3A_359 = arith.addi %sub3A_301, %add3A_358 : i32
          %dma_start3A_360 = arith.constant 2 : i32
          %dma_start3A_361 = arith.constant 0 : i32
          %dma_start3A_362 = arith.constant 0 : i32
          %dma_start3A_363 = tpu.memref_slice %arg8[%dma_start3A_360, %dma_start3A_361, %dma_start3A_362] : memref<5x80x64xf32, #tpu.memory_space<vmem>> -> memref<1x80x64xf32, #tpu.memory_space<vmem>>
          %dma_start3A_364 = tpu.memref_squeeze %dma_start3A_363 : memref<1x80x64xf32, #tpu.memory_space<vmem>> -> memref<80x64xf32, #tpu.memory_space<vmem>>
          %dma_start3A_365 = arith.constant 0 : i32
          %dma_start3A_366 = tpu.memref_slice %arg6[%add3A_359, %dma_start3A_365] : memref<125x80xi32, #tpu.memory_space<vmem>> -> memref<1x80xi32, #tpu.memory_space<vmem>>
          %dma_start3A_367 = tpu.memref_squeeze %dma_start3A_366 : memref<1x80xi32, #tpu.memory_space<vmem>> -> memref<80xi32, #tpu.memory_space<vmem>>
          %dma_start3A_368 = arith.constant 0 : i32
          %dma_start3A_369 = arith.constant 0 : i32
          %dma_start3A_370 = tpu.memref_slice %arg2[%dma_start3A_368, %dma_start3A_369] : memref<10000x64xf32, #tpu.memory_space<hbm>> -> memref<10000x64xf32, #tpu.memory_space<hbm>>
          tpu.enqueue_indirect_dma source(%dma_start3A_370 : memref<10000x64xf32, #tpu.memory_space<hbm>>) target(%dma_start3A_364 : memref<80x64xf32, #tpu.memory_space<vmem>>) offsets(%dma_start3A_367 : memref<80xi32, #tpu.memory_space<vmem>>) semaphore(%arg12 : memref<!tpu.dma_semaphore, #tpu.memory_space<semaphore_mem>>)
        } else {
        }
      } else {
      }
      %mul3A_307 = arith.constant 5 : i32
      %mul3A_308 = arith.muli %scan3A_176, %mul3A_307 : i32
      %add3A_309 = arith.constant 4 : i32
      %add3A_310 = arith.addi %mul3A_308, %add3A_309 : i32
      %dma_wait3A_311 = arith.constant 4 : i32
      %dma_wait3A_312 = arith.constant 0 : i32
      %dma_wait3A_313 = arith.constant 0 : i32
      %dma_wait3A_314 = tpu.memref_slice %arg8[%dma_wait3A_311, %dma_wait3A_312, %dma_wait3A_313] : memref<5x80x64xf32, #tpu.memory_space<vmem>> -> memref<1x80x64xf32, #tpu.memory_space<vmem>>
      %dma_wait3A_315 = tpu.memref_squeeze %dma_wait3A_314 : memref<1x80x64xf32, #tpu.memory_space<vmem>> -> memref<80x64xf32, #tpu.memory_space<vmem>>
      %dma_wait3A_316 = arith.constant 0 : i32
      %dma_wait3A_317 = tpu.memref_slice %arg6[%add3A_310, %dma_wait3A_316] : memref<125x80xi32, #tpu.memory_space<vmem>> -> memref<1x80xi32, #tpu.memory_space<vmem>>
      %dma_wait3A_318 = tpu.memref_squeeze %dma_wait3A_317 : memref<1x80xi32, #tpu.memory_space<vmem>> -> memref<80xi32, #tpu.memory_space<vmem>>
      %dma_wait3A_319 = arith.constant 0 : i32
      %dma_wait3A_320 = arith.constant 0 : i32
      %dma_wait3A_321 = tpu.memref_slice %arg2[%dma_wait3A_319, %dma_wait3A_320] : memref<10000x64xf32, #tpu.memory_space<hbm>> -> memref<10000x64xf32, #tpu.memory_space<hbm>>
      tpu.wait_indirect_dma semaphore(%arg14 : memref<!tpu.dma_semaphore, #tpu.memory_space<semaphore_mem>>) src(%dma_wait3A_321 : memref<10000x64xf32, #tpu.memory_space<hbm>>) dst(%dma_wait3A_315 : memref<80x64xf32, #tpu.memory_space<vmem>>)
      %dma_start3A_322 = arith.constant 4 : i32
      %dma_start3A_323 = arith.constant 0 : i32
      %dma_start3A_324 = arith.constant 0 : i32
      %dma_start3A_325 = tpu.memref_slice %arg8[%dma_start3A_322, %dma_start3A_323, %dma_start3A_324] : memref<5x80x64xf32, #tpu.memory_space<vmem>> -> memref<1x80x64xf32, #tpu.memory_space<vmem>>
      %dma_start3A_326 = tpu.memref_squeeze %dma_start3A_325 : memref<1x80x64xf32, #tpu.memory_space<vmem>> -> memref<80x64xf32, #tpu.memory_space<vmem>>
      %dma_start3A_327 = arith.constant 0 : i32
      %dma_start3A_328 = tpu.memref_slice %arg7[%add3A_310, %dma_start3A_327] : memref<125x80xi32, #tpu.memory_space<vmem>> -> memref<1x80xi32, #tpu.memory_space<vmem>>
      %dma_start3A_329 = tpu.memref_squeeze %dma_start3A_328 : memref<1x80xi32, #tpu.memory_space<vmem>> -> memref<80xi32, #tpu.memory_space<vmem>>
      %dma_start3A_330 = arith.constant 0 : i32
      %dma_start3A_331 = arith.constant 0 : i32
      %dma_start3A_332 = tpu.memref_slice %arg9[%dma_start3A_330, %dma_start3A_331] : memref<10400x64xf32, #tpu.memory_space<vmem_shared>> -> memref<10400x64xf32, #tpu.memory_space<vmem_shared>>
      tpu.enqueue_indirect_dma source(%dma_start3A_326 : memref<80x64xf32, #tpu.memory_space<vmem>>) target(%dma_start3A_332 : memref<10400x64xf32, #tpu.memory_space<vmem_shared>>) offsets(%dma_start3A_329 : memref<80xi32, #tpu.memory_space<vmem>>) semaphore(%arg19 : memref<!tpu.dma_semaphore, #tpu.memory_space<semaphore_mem>>) {add = true}
      %sub3A_333 = arith.constant 1 : i32
      %sub3A_334 = arith.subi %add3A_310, %sub3A_333 : i32
      %ge3A_335 = arith.constant 0 : i32
      %ge3A_336 = arith.cmpi sge, %sub3A_334, %ge3A_335 : i32
      %convert_element_type3A_337 = arith.extui %ge3A_336 : i1 to i32
      %cond3A_338 = arith.constant 0 : i32
      %cond3A_339 = arith.cmpi ne, %convert_element_type3A_337, %cond3A_338 : i32
      scf.if %cond3A_339 {
        %dma_wait3A_340 = arith.constant 3 : i32
        %dma_wait3A_341 = arith.constant 0 : i32
        %dma_wait3A_342 = arith.constant 0 : i32
        %dma_wait3A_343 = tpu.memref_slice %arg8[%dma_wait3A_340, %dma_wait3A_341, %dma_wait3A_342] : memref<5x80x64xf32, #tpu.memory_space<vmem>> -> memref<1x80x64xf32, #tpu.memory_space<vmem>>
        %dma_wait3A_344 = tpu.memref_squeeze %dma_wait3A_343 : memref<1x80x64xf32, #tpu.memory_space<vmem>> -> memref<80x64xf32, #tpu.memory_space<vmem>>
        %dma_wait3A_345 = arith.constant 0 : i32
        %dma_wait3A_346 = tpu.memref_slice %arg7[%sub3A_334, %dma_wait3A_345] : memref<125x80xi32, #tpu.memory_space<vmem>> -> memref<1x80xi32, #tpu.memory_space<vmem>>
        %dma_wait3A_347 = tpu.memref_squeeze %dma_wait3A_346 : memref<1x80xi32, #tpu.memory_space<vmem>> -> memref<80xi32, #tpu.memory_space<vmem>>
        %dma_wait3A_348 = arith.constant 0 : i32
        %dma_wait3A_349 = arith.constant 0 : i32
        %dma_wait3A_350 = tpu.memref_slice %arg9[%dma_wait3A_348, %dma_wait3A_349] : memref<10400x64xf32, #tpu.memory_space<vmem_shared>> -> memref<10400x64xf32, #tpu.memory_space<vmem_shared>>
        tpu.wait_indirect_dma semaphore(%arg18 : memref<!tpu.dma_semaphore, #tpu.memory_space<semaphore_mem>>) src(%dma_wait3A_344 : memref<80x64xf32, #tpu.memory_space<vmem>>) dst(%dma_wait3A_350 : memref<10400x64xf32, #tpu.memory_space<vmem_shared>>)
        %add3A_351 = arith.constant 5 : i32
        %add3A_352 = arith.addi %sub3A_334, %add3A_351 : i32
        %lt3A_353 = arith.constant 125 : i32
        %lt3A_354 = arith.cmpi slt, %add3A_352, %lt3A_353 : i32
        %convert_element_type3A_355 = arith.extui %lt3A_354 : i1 to i32
        %cond3A_356 = arith.constant 0 : i32
        %cond3A_357 = arith.cmpi ne, %convert_element_type3A_355, %cond3A_356 : i32
        scf.if %cond3A_357 {
          %add3A_358 = arith.constant 5 : i32
          %add3A_359 = arith.addi %sub3A_334, %add3A_358 : i32
          %dma_start3A_360 = arith.constant 3 : i32
          %dma_start3A_361 = arith.constant 0 : i32
          %dma_start3A_362 = arith.constant 0 : i32
          %dma_start3A_363 = tpu.memref_slice %arg8[%dma_start3A_360, %dma_start3A_361, %dma_start3A_362] : memref<5x80x64xf32, #tpu.memory_space<vmem>> -> memref<1x80x64xf32, #tpu.memory_space<vmem>>
          %dma_start3A_364 = tpu.memref_squeeze %dma_start3A_363 : memref<1x80x64xf32, #tpu.memory_space<vmem>> -> memref<80x64xf32, #tpu.memory_space<vmem>>
          %dma_start3A_365 = arith.constant 0 : i32
          %dma_start3A_366 = tpu.memref_slice %arg6[%add3A_359, %dma_start3A_365] : memref<125x80xi32, #tpu.memory_space<vmem>> -> memref<1x80xi32, #tpu.memory_space<vmem>>
          %dma_start3A_367 = tpu.memref_squeeze %dma_start3A_366 : memref<1x80xi32, #tpu.memory_space<vmem>> -> memref<80xi32, #tpu.memory_space<vmem>>
          %dma_start3A_368 = arith.constant 0 : i32
          %dma_start3A_369 = arith.constant 0 : i32
          %dma_start3A_370 = tpu.memref_slice %arg2[%dma_start3A_368, %dma_start3A_369] : memref<10000x64xf32, #tpu.memory_space<hbm>> -> memref<10000x64xf32, #tpu.memory_space<hbm>>
          tpu.enqueue_indirect_dma source(%dma_start3A_370 : memref<10000x64xf32, #tpu.memory_space<hbm>>) target(%dma_start3A_364 : memref<80x64xf32, #tpu.memory_space<vmem>>) offsets(%dma_start3A_367 : memref<80xi32, #tpu.memory_space<vmem>>) semaphore(%arg13 : memref<!tpu.dma_semaphore, #tpu.memory_space<semaphore_mem>>)
        } else {
        }
      } else {
      }
    }
    %scan3A_126 = arith.constant 25 : i32
    %dma_wait3A_127 = arith.constant 4 : i32
    %dma_wait3A_128 = arith.constant 124 : i32
    %dma_wait3A_129 = arith.constant 0 : i32
    %dma_wait3A_130 = arith.constant 0 : i32
    %dma_wait3A_131 = tpu.memref_slice %arg8[%dma_wait3A_127, %dma_wait3A_129, %dma_wait3A_130] : memref<5x80x64xf32, #tpu.memory_space<vmem>> -> memref<1x80x64xf32, #tpu.memory_space<vmem>>
    %dma_wait3A_132 = tpu.memref_squeeze %dma_wait3A_131 : memref<1x80x64xf32, #tpu.memory_space<vmem>> -> memref<80x64xf32, #tpu.memory_space<vmem>>
    %dma_wait3A_133 = arith.constant 0 : i32
    %dma_wait3A_134 = tpu.memref_slice %arg7[%dma_wait3A_128, %dma_wait3A_133] : memref<125x80xi32, #tpu.memory_space<vmem>> -> memref<1x80xi32, #tpu.memory_space<vmem>>
    %dma_wait3A_135 = tpu.memref_squeeze %dma_wait3A_134 : memref<1x80xi32, #tpu.memory_space<vmem>> -> memref<80xi32, #tpu.memory_space<vmem>>
    %dma_wait3A_136 = arith.constant 0 : i32
    %dma_wait3A_137 = arith.constant 0 : i32
    %dma_wait3A_138 = tpu.memref_slice %arg9[%dma_wait3A_136, %dma_wait3A_137] : memref<10400x64xf32, #tpu.memory_space<vmem_shared>> -> memref<10400x64xf32, #tpu.memory_space<vmem_shared>>
    tpu.wait_indirect_dma semaphore(%arg19 : memref<!tpu.dma_semaphore, #tpu.memory_space<semaphore_mem>>) src(%dma_wait3A_132 : memref<80x64xf32, #tpu.memory_space<vmem>>) dst(%dma_wait3A_138 : memref<10400x64xf32, #tpu.memory_space<vmem_shared>>)
    %barrier3A_139 = arith.constant 0 : index
    tpu.barrier barrier_id(%barrier3A_139)
    %add3A_140 = arith.constant 0 : i32
    %add3A_141 = arith.addi %arg1, %add3A_140 : i32
    %mul3A_142 = arith.constant 400 : i32
    %mul3A_143 = arith.muli %add3A_141, %mul3A_142 : i32
    %mul3A_144 = arith.constant 400 : i32
    %mul3A_145 = arith.muli %add3A_141, %mul3A_144 : i32
    %dma_start3A_146 = arith.constant 0 : i32
    %dma_start3A_147 = tpu.memref_slice %arg5[%arg0, %mul3A_145, %dma_start3A_146] : memref<2x10000x64xf32, #tpu.memory_space<hbm>> -> memref<1x400x64xf32, #tpu.memory_space<hbm>>
    %dma_start3A_148 = tpu.memref_squeeze %dma_start3A_147 : memref<1x400x64xf32, #tpu.memory_space<hbm>> -> memref<400x64xf32, #tpu.memory_space<hbm>>
    %dma_start3A_149 = arith.constant 0 : i32
    %dma_start3A_150 = tpu.memref_slice %arg9[%mul3A_143, %dma_start3A_149] : memref<10400x64xf32, #tpu.memory_space<vmem_shared>> -> memref<400x64xf32, #tpu.memory_space<vmem_shared>>
    tpu.enqueue_dma source(%dma_start3A_150 : memref<400x64xf32, #tpu.memory_space<vmem_shared>>) target(%dma_start3A_148 : memref<400x64xf32, #tpu.memory_space<hbm>>) target_semaphore(%arg17 : memref<!tpu.dma_semaphore, #tpu.memory_space<semaphore_mem>>)
    %add3A_151 = arith.constant 16 : i32
    %add3A_152 = arith.addi %arg1, %add3A_151 : i32
    %lt3A_153 = arith.constant 25 : i32
    %lt3A_154 = arith.cmpi slt, %add3A_152, %lt3A_153 : i32
    %convert_element_type3A_155 = arith.extui %lt3A_154 : i1 to i32
    %cond3A_156 = arith.constant 0 : i32
    %cond3A_157 = arith.cmpi ne, %convert_element_type3A_155, %cond3A_156 : i32
    scf.if %cond3A_157 {
      %mul3A_176 = arith.constant 400 : i32
      %mul3A_177 = arith.muli %add3A_152, %mul3A_176 : i32
      %mul3A_178 = arith.constant 400 : i32
      %mul3A_179 = arith.muli %add3A_152, %mul3A_178 : i32
      %dma_start3A_180 = arith.constant 0 : i32
      %dma_start3A_181 = tpu.memref_slice %arg5[%arg0, %mul3A_179, %dma_start3A_180] : memref<2x10000x64xf32, #tpu.memory_space<hbm>> -> memref<1x400x64xf32, #tpu.memory_space<hbm>>
      %dma_start3A_182 = tpu.memref_squeeze %dma_start3A_181 : memref<1x400x64xf32, #tpu.memory_space<hbm>> -> memref<400x64xf32, #tpu.memory_space<hbm>>
      %dma_start3A_183 = arith.constant 0 : i32
      %dma_start3A_184 = tpu.memref_slice %arg9[%mul3A_177, %dma_start3A_183] : memref<10400x64xf32, #tpu.memory_space<vmem_shared>> -> memref<400x64xf32, #tpu.memory_space<vmem_shared>>
      tpu.enqueue_dma source(%dma_start3A_184 : memref<400x64xf32, #tpu.memory_space<vmem_shared>>) target(%dma_start3A_182 : memref<400x64xf32, #tpu.memory_space<hbm>>) target_semaphore(%arg18 : memref<!tpu.dma_semaphore, #tpu.memory_space<semaphore_mem>>)
    } else {
    }
    %add3A_158 = arith.constant 0 : i32
    %add3A_159 = arith.addi %arg1, %add3A_158 : i32
    %mul3A_160 = arith.constant 400 : i32
    %mul3A_161 = arith.muli %add3A_159, %mul3A_160 : i32
    %mul3A_162 = arith.constant 400 : i32
    %mul3A_163 = arith.muli %add3A_159, %mul3A_162 : i32
    %dma_wait3A_164 = arith.constant 0 : i32
    %dma_wait3A_165 = tpu.memref_slice %arg5[%arg0, %mul3A_163, %dma_wait3A_164] : memref<2x10000x64xf32, #tpu.memory_space<hbm>> -> memref<1x400x64xf32, #tpu.memory_space<hbm>>
    %dma_wait3A_166 = tpu.memref_squeeze %dma_wait3A_165 : memref<1x400x64xf32, #tpu.memory_space<hbm>> -> memref<400x64xf32, #tpu.memory_space<hbm>>
    %dma_wait3A_167 = arith.constant 0 : i32
    %dma_wait3A_168 = tpu.memref_slice %arg9[%mul3A_161, %dma_wait3A_167] : memref<10400x64xf32, #tpu.memory_space<vmem_shared>> -> memref<400x64xf32, #tpu.memory_space<vmem_shared>>
    tpu.wait_dma2 semaphore(%arg17 : memref<!tpu.dma_semaphore, #tpu.memory_space<semaphore_mem>>) src(%dma_wait3A_168 : memref<400x64xf32, #tpu.memory_space<vmem_shared>>) dst(%dma_wait3A_166 : memref<400x64xf32, #tpu.memory_space<hbm>>)
    %add3A_169 = arith.constant 16 : i32
    %add3A_170 = arith.addi %arg1, %add3A_169 : i32
    %lt3A_171 = arith.constant 25 : i32
    %lt3A_172 = arith.cmpi slt, %add3A_170, %lt3A_171 : i32
    %convert_element_type3A_173 = arith.extui %lt3A_172 : i1 to i32
    %cond3A_174 = arith.constant 0 : i32
    %cond3A_175 = arith.cmpi ne, %convert_element_type3A_173, %cond3A_174 : i32
    scf.if %cond3A_175 {
      %mul3A_176 = arith.constant 400 : i32
      %mul3A_177 = arith.muli %add3A_170, %mul3A_176 : i32
      %mul3A_178 = arith.constant 400 : i32
      %mul3A_179 = arith.muli %add3A_170, %mul3A_178 : i32
      %dma_wait3A_180 = arith.constant 0 : i32
      %dma_wait3A_181 = tpu.memref_slice %arg5[%arg0, %mul3A_179, %dma_wait3A_180] : memref<2x10000x64xf32, #tpu.memory_space<hbm>> -> memref<1x400x64xf32, #tpu.memory_space<hbm>>
      %dma_wait3A_182 = tpu.memref_squeeze %dma_wait3A_181 : memref<1x400x64xf32, #tpu.memory_space<hbm>> -> memref<400x64xf32, #tpu.memory_space<hbm>>
      %dma_wait3A_183 = arith.constant 0 : i32
      %dma_wait3A_184 = tpu.memref_slice %arg9[%mul3A_177, %dma_wait3A_183] : memref<10400x64xf32, #tpu.memory_space<vmem_shared>> -> memref<400x64xf32, #tpu.memory_space<vmem_shared>>
      tpu.wait_dma2 semaphore(%arg18 : memref<!tpu.dma_semaphore, #tpu.memory_space<semaphore_mem>>) src(%dma_wait3A_184 : memref<400x64xf32, #tpu.memory_space<vmem_shared>>) dst(%dma_wait3A_182 : memref<400x64xf32, #tpu.memory_space<hbm>>)
    } else {
    }
    return
  }
}

module attributes {stable_mosaic.version = 14 : i64} {
  func.func @kfn(%arg0: i32, %arg1: memref<2x2000x8xf32, #tpu.memory_space<vmem>>, %arg2: memref<2000x128xf32, #tpu.memory_space<vmem>>, %arg3: memref<128x64xf32, #tpu.memory_space<vmem>>, %arg4: memref<2000x1xf32, #tpu.memory_space<vmem>>, %arg5: memref<2000x64xf32, #tpu.memory_space<vmem>>) attributes {dimension_semantics = [#tpu.dimension_semantics<arbitrary>], iteration_bounds = array<i64: 5>, scalar_prefetch = 0 : i64, scratch_operands = 0 : i64, tpu.core_type = #tpu.core_type<tc>, window_params = [{transform_indices = @transform_0, window_bounds = array<i64: 2, 2000, 8>}, {transform_indices = @transform_1, window_bounds = array<i64: 2000, 128>}, {pipeline_mode = #tpu.pipeline_mode<synchronous>, transform_indices = @transform_2, window_bounds = array<i64: 128, 64>}, {transform_indices = @transform_3, window_bounds = array<i64: 2000, 1>}, {transform_indices = @transform_4, window_bounds = array<i64: 2000, 64>}]} {
    %get3A = arith.constant 0 : index
    %get3A_0 = arith.constant 0 : index
    %get3A_1 = arith.constant 0 : index
    %get3A_2 = vector.load %arg1[%get3A, %get3A_0, %get3A_1] : memref<2x2000x8xf32, #tpu.memory_space<vmem>>, vector<1x2000x8xf32>
    %get3A_3 = vector.shape_cast %get3A_2 : vector<1x2000x8xf32> to vector<2000x8xf32>
    %get3A_4 = arith.constant 1 : index
    %get3A_5 = arith.constant 0 : index
    %get3A_6 = arith.constant 0 : index
    %get3A_7 = vector.load %arg1[%get3A_4, %get3A_5, %get3A_6] : memref<2x2000x8xf32, #tpu.memory_space<vmem>>, vector<1x2000x8xf32>
    %get3A_8 = vector.shape_cast %get3A_7 : vector<1x2000x8xf32> to vector<2000x8xf32>
    %add3A = arith.addf %get3A_3, %get3A_8 : vector<2000x8xf32>
    %reduce_sum3A = arith.constant dense<0.000000e+00> : vector<2000xf32>
    %reduce_sum3A_9 = vector.multi_reduction <add>, %add3A, %reduce_sum3A [1] : vector<2000x8xf32> to vector<2000xf32>
    %broadcast_in_dim3A = vector.shape_cast %reduce_sum3A_9 : vector<2000xf32> to vector<2000x1xf32>
    %add3A_10 = arith.constant 1.000000e+00 : f32
    %add3A_11 = vector.broadcast %add3A_10 : f32 to vector<2000x1xf32>
    %add3A_12 = arith.addf %broadcast_in_dim3A, %add3A_11 : vector<2000x1xf32>
    %rsqrt3A = math.rsqrt %add3A_12 : vector<2000x1xf32>
    %swap3A = arith.constant 0 : index
    %swap3A_13 = arith.constant 0 : index
    %swap3A_14 = vector.load %arg4[%swap3A, %swap3A_13] : memref<2000x1xf32, #tpu.memory_space<vmem>>, vector<2000x1xf32>
    tpu.vector_store %arg4[%swap3A, %swap3A_13], %rsqrt3A {strides = array<i32>} : memref<2000x1xf32, #tpu.memory_space<vmem>>, vector<2000x1xf32>,
    %get3A_15 = arith.constant 0 : index
    %get3A_16 = arith.constant 0 : index
    %get3A_17 = vector.load %arg2[%get3A_15, %get3A_16] : memref<2000x128xf32, #tpu.memory_space<vmem>>, vector<2000x128xf32>
    %bitcast_convert_type3A = tpu.bitcast %get3A_17 : vector<2000x128xf32> -> vector<2000x128xi32>
    %add3A_18 = arith.constant 32767 : i32
    %add3A_19 = vector.broadcast %add3A_18 : i32 to vector<2000x128xi32>
    %add3A_20 = arith.addi %bitcast_convert_type3A, %add3A_19 : vector<2000x128xi32>
    %shift_right_logical3A = arith.constant 16 : i32
    %shift_right_logical3A_21 = vector.broadcast %shift_right_logical3A : i32 to vector<2000x128xi32>
    %shift_right_logical3A_22 = arith.shrui %bitcast_convert_type3A, %shift_right_logical3A_21 : vector<2000x128xi32>
    %and3A = arith.constant 1 : i32
    %and3A_23 = vector.broadcast %and3A : i32 to vector<2000x128xi32>
    %and3A_24 = arith.andi %shift_right_logical3A_22, %and3A_23 : vector<2000x128xi32>
    %add3A_25 = arith.addi %add3A_20, %and3A_24 : vector<2000x128xi32>
    %and3A_26 = arith.constant -65536 : i32
    %and3A_27 = vector.broadcast %and3A_26 : i32 to vector<2000x128xi32>
    %and3A_28 = arith.andi %add3A_25, %and3A_27 : vector<2000x128xi32>
    %bitcast_convert_type3A_29 = tpu.bitcast %and3A_28 : vector<2000x128xi32> -> vector<2000x128xf32>
    %get3A_30 = arith.constant 0 : index
    %get3A_31 = arith.constant 0 : index
    %get3A_32 = vector.load %arg3[%get3A_30, %get3A_31] : memref<128x64xf32, #tpu.memory_space<vmem>>, vector<128x64xf32>
    %bitcast_convert_type3A_33 = tpu.bitcast %get3A_32 : vector<128x64xf32> -> vector<128x64xi32>
    %add3A_34 = arith.constant 32767 : i32
    %add3A_35 = vector.broadcast %add3A_34 : i32 to vector<128x64xi32>
    %add3A_36 = arith.addi %bitcast_convert_type3A_33, %add3A_35 : vector<128x64xi32>
    %shift_right_logical3A_37 = arith.constant 16 : i32
    %shift_right_logical3A_38 = vector.broadcast %shift_right_logical3A_37 : i32 to vector<128x64xi32>
    %shift_right_logical3A_39 = arith.shrui %bitcast_convert_type3A_33, %shift_right_logical3A_38 : vector<128x64xi32>
    %and3A_40 = arith.constant 1 : i32
    %and3A_41 = vector.broadcast %and3A_40 : i32 to vector<128x64xi32>
    %and3A_42 = arith.andi %shift_right_logical3A_39, %and3A_41 : vector<128x64xi32>
    %add3A_43 = arith.addi %add3A_36, %and3A_42 : vector<128x64xi32>
    %and3A_44 = arith.constant -65536 : i32
    %and3A_45 = vector.broadcast %and3A_44 : i32 to vector<128x64xi32>
    %and3A_46 = arith.andi %add3A_43, %and3A_45 : vector<128x64xi32>
    %bitcast_convert_type3A_47 = tpu.bitcast %and3A_46 : vector<128x64xi32> -> vector<128x64xf32>
    %dot_general3A = arith.constant dense<0.000000e+00> : vector<2000x64xf32>
    %dot_general3A_48 = tpu.matmul %bitcast_convert_type3A_29, %bitcast_convert_type3A_47, %dot_general3A {dimension_numbers = #tpu.dot_dimension_numbers<[1], [0], [0], [1], [0, 0, 1, 1], [], []>, precision = #tpu.contract_precision<fp32>, transpose_lhs_hint = false} : vector<2000x128xf32>, vector<128x64xf32>, vector<2000x64xf32> -> vector<2000x64xf32>
    %mul3A = vector.broadcast %rsqrt3A : vector<2000x1xf32> to vector<2000x64xf32>
    %mul3A_49 = arith.mulf %mul3A, %dot_general3A_48 : vector<2000x64xf32>
    %swap3A_50 = arith.constant 0 : index
    %swap3A_51 = arith.constant 0 : index
    %swap3A_52 = vector.load %arg5[%swap3A_50, %swap3A_51] : memref<2000x64xf32, #tpu.memory_space<vmem>>, vector<2000x64xf32>
    tpu.vector_store %arg5[%swap3A_50, %swap3A_51], %mul3A_49 {strides = array<i32>} : memref<2000x64xf32, #tpu.memory_space<vmem>>, vector<2000x64xf32>,
    return
  }
  func.func @transform_0(%arg0: i32) -> (i32, i32, i32) {
    %c0_i32 = arith.constant 0 : i32
    %c0_i32_0 = arith.constant 0 : i32
    %c0_i32_1 = arith.constant 0 : i32
    return %c0_i32, %arg0, %c0_i32_0 : i32, i32, i32
  }
  func.func @transform_1(%arg0: i32) -> (i32, i32) {
    %c0_i32 = arith.constant 0 : i32
    %c0_i32_0 = arith.constant 0 : i32
    return %arg0, %c0_i32 : i32, i32
  }
  func.func @transform_2(%arg0: i32) -> (i32, i32) {
    %c0_i32 = arith.constant 0 : i32
    %c0_i32_0 = arith.constant 0 : i32
    %c0_i32_1 = arith.constant 0 : i32
    return %c0_i32, %c0_i32_0 : i32, i32
  }
  func.func @transform_3(%arg0: i32) -> (i32, i32) {
    %c0_i32 = arith.constant 0 : i32
    %c0_i32_0 = arith.constant 0 : i32
    return %arg0, %c0_i32 : i32, i32
  }
  func.func @transform_4(%arg0: i32) -> (i32, i32) {
    %c0_i32 = arith.constant 0 : i32
    %c0_i32_0 = arith.constant 0 : i32
    return %arg0, %c0_i32 : i32, i32
  }
}

module attributes {stable_mosaic.version = 14 : i64} {
  func.func @kfn(%arg0: i32, %arg1: memref<2x2000x64xf32, #tpu.memory_space<vmem>>, %arg2: memref<2000x64xf32, #tpu.memory_space<vmem>>, %arg3: memref<2000x1xf32, #tpu.memory_space<vmem>>, %arg4: memref<64x64xf32, #tpu.memory_space<vmem>>, %arg5: memref<1x64xf32, #tpu.memory_space<vmem>>, %arg6: memref<2000x64xf32, #tpu.memory_space<vmem>>) attributes {dimension_semantics = [#tpu.dimension_semantics<arbitrary>], iteration_bounds = array<i64: 5>, scalar_prefetch = 0 : i64, scratch_operands = 0 : i64, tpu.core_type = #tpu.core_type<tc>, window_params = [{transform_indices = @transform_0, window_bounds = array<i64: 2, 2000, 64>}, {transform_indices = @transform_1, window_bounds = array<i64: 2000, 64>}, {transform_indices = @transform_2, window_bounds = array<i64: 2000, 1>}, {pipeline_mode = #tpu.pipeline_mode<synchronous>, transform_indices = @transform_3, window_bounds = array<i64: 64, 64>}, {pipeline_mode = #tpu.pipeline_mode<synchronous>, transform_indices = @transform_4, window_bounds = array<i64: 1, 64>}, {transform_indices = @transform_5, window_bounds = array<i64: 2000, 64>}]} {
    %get3A = arith.constant 0 : index
    %get3A_0 = arith.constant 0 : index
    %get3A_1 = arith.constant 0 : index
    %get3A_2 = vector.load %arg1[%get3A, %get3A_0, %get3A_1] : memref<2x2000x64xf32, #tpu.memory_space<vmem>>, vector<1x2000x64xf32>
    %get3A_3 = vector.shape_cast %get3A_2 : vector<1x2000x64xf32> to vector<2000x64xf32>
    %get3A_4 = arith.constant 1 : index
    %get3A_5 = arith.constant 0 : index
    %get3A_6 = arith.constant 0 : index
    %get3A_7 = vector.load %arg1[%get3A_4, %get3A_5, %get3A_6] : memref<2x2000x64xf32, #tpu.memory_space<vmem>>, vector<1x2000x64xf32>
    %get3A_8 = vector.shape_cast %get3A_7 : vector<1x2000x64xf32> to vector<2000x64xf32>
    %add3A = arith.addf %get3A_3, %get3A_8 : vector<2000x64xf32>
    %get3A_9 = arith.constant 0 : index
    %get3A_10 = arith.constant 0 : index
    %get3A_11 = vector.load %arg2[%get3A_9, %get3A_10] : memref<2000x64xf32, #tpu.memory_space<vmem>>, vector<2000x64xf32>
    %sub3A = arith.subf %add3A, %get3A_11 : vector<2000x64xf32>
    %get3A_12 = arith.constant 0 : index
    %get3A_13 = arith.constant 0 : index
    %get3A_14 = vector.load %arg3[%get3A_12, %get3A_13] : memref<2000x1xf32, #tpu.memory_space<vmem>>, vector<2000x1xf32>
    %mul3A = vector.broadcast %get3A_14 : vector<2000x1xf32> to vector<2000x64xf32>
    %mul3A_15 = arith.mulf %mul3A, %sub3A : vector<2000x64xf32>
    %get3A_16 = arith.constant 0 : index
    %get3A_17 = arith.constant 0 : index
    %get3A_18 = vector.load %arg5[%get3A_16, %get3A_17] : memref<1x64xf32, #tpu.memory_space<vmem>>, vector<1x64xf32>
    %add3A_19 = vector.broadcast %get3A_18 : vector<1x64xf32> to vector<2000x64xf32>
    %add3A_20 = arith.addf %mul3A_15, %add3A_19 : vector<2000x64xf32>
    %max3A = arith.constant 0.000000e+00 : f32
    %max3A_21 = vector.broadcast %max3A : f32 to vector<2000x64xf32>
    %max3A_22 = arith.maximumf %add3A_20, %max3A_21 : vector<2000x64xf32>
    %bitcast_convert_type3A = tpu.bitcast %max3A_22 : vector<2000x64xf32> -> vector<2000x64xi32>
    %add3A_23 = arith.constant 32767 : i32
    %add3A_24 = vector.broadcast %add3A_23 : i32 to vector<2000x64xi32>
    %add3A_25 = arith.addi %bitcast_convert_type3A, %add3A_24 : vector<2000x64xi32>
    %shift_right_logical3A = arith.constant 16 : i32
    %shift_right_logical3A_26 = vector.broadcast %shift_right_logical3A : i32 to vector<2000x64xi32>
    %shift_right_logical3A_27 = arith.shrui %bitcast_convert_type3A, %shift_right_logical3A_26 : vector<2000x64xi32>
    %and3A = arith.constant 1 : i32
    %and3A_28 = vector.broadcast %and3A : i32 to vector<2000x64xi32>
    %and3A_29 = arith.andi %shift_right_logical3A_27, %and3A_28 : vector<2000x64xi32>
    %add3A_30 = arith.addi %add3A_25, %and3A_29 : vector<2000x64xi32>
    %and3A_31 = arith.constant -65536 : i32
    %and3A_32 = vector.broadcast %and3A_31 : i32 to vector<2000x64xi32>
    %and3A_33 = arith.andi %add3A_30, %and3A_32 : vector<2000x64xi32>
    %bitcast_convert_type3A_34 = tpu.bitcast %and3A_33 : vector<2000x64xi32> -> vector<2000x64xf32>
    %get3A_35 = arith.constant 0 : index
    %get3A_36 = arith.constant 0 : index
    %get3A_37 = vector.load %arg4[%get3A_35, %get3A_36] : memref<64x64xf32, #tpu.memory_space<vmem>>, vector<64x64xf32>
    %bitcast_convert_type3A_38 = tpu.bitcast %get3A_37 : vector<64x64xf32> -> vector<64x64xi32>
    %add3A_39 = arith.constant 32767 : i32
    %add3A_40 = vector.broadcast %add3A_39 : i32 to vector<64x64xi32>
    %add3A_41 = arith.addi %bitcast_convert_type3A_38, %add3A_40 : vector<64x64xi32>
    %shift_right_logical3A_42 = arith.constant 16 : i32
    %shift_right_logical3A_43 = vector.broadcast %shift_right_logical3A_42 : i32 to vector<64x64xi32>
    %shift_right_logical3A_44 = arith.shrui %bitcast_convert_type3A_38, %shift_right_logical3A_43 : vector<64x64xi32>
    %and3A_45 = arith.constant 1 : i32
    %and3A_46 = vector.broadcast %and3A_45 : i32 to vector<64x64xi32>
    %and3A_47 = arith.andi %shift_right_logical3A_44, %and3A_46 : vector<64x64xi32>
    %add3A_48 = arith.addi %add3A_41, %and3A_47 : vector<64x64xi32>
    %and3A_49 = arith.constant -65536 : i32
    %and3A_50 = vector.broadcast %and3A_49 : i32 to vector<64x64xi32>
    %and3A_51 = arith.andi %add3A_48, %and3A_50 : vector<64x64xi32>
    %bitcast_convert_type3A_52 = tpu.bitcast %and3A_51 : vector<64x64xi32> -> vector<64x64xf32>
    %dot_general3A = arith.constant dense<0.000000e+00> : vector<2000x64xf32>
    %dot_general3A_53 = tpu.matmul %bitcast_convert_type3A_34, %bitcast_convert_type3A_52, %dot_general3A {dimension_numbers = #tpu.dot_dimension_numbers<[1], [0], [0], [1], [0, 0, 1, 1], [], []>, precision = #tpu.contract_precision<fp32>, transpose_lhs_hint = false} : vector<2000x64xf32>, vector<64x64xf32>, vector<2000x64xf32> -> vector<2000x64xf32>
    %mul3A_54 = vector.broadcast %get3A_14 : vector<2000x1xf32> to vector<2000x64xf32>
    %mul3A_55 = arith.mulf %mul3A_54, %dot_general3A_53 : vector<2000x64xf32>
    %swap3A = arith.constant 0 : index
    %swap3A_56 = arith.constant 0 : index
    %swap3A_57 = vector.load %arg6[%swap3A, %swap3A_56] : memref<2000x64xf32, #tpu.memory_space<vmem>>, vector<2000x64xf32>
    tpu.vector_store %arg6[%swap3A, %swap3A_56], %mul3A_55 {strides = array<i32>} : memref<2000x64xf32, #tpu.memory_space<vmem>>, vector<2000x64xf32>,
    return
  }
  func.func @transform_0(%arg0: i32) -> (i32, i32, i32) {
    %c0_i32 = arith.constant 0 : i32
    %c0_i32_0 = arith.constant 0 : i32
    %c0_i32_1 = arith.constant 0 : i32
    return %c0_i32, %arg0, %c0_i32_0 : i32, i32, i32
  }
  func.func @transform_1(%arg0: i32) -> (i32, i32) {
    %c0_i32 = arith.constant 0 : i32
    %c0_i32_0 = arith.constant 0 : i32
    return %arg0, %c0_i32 : i32, i32
  }
  func.func @transform_2(%arg0: i32) -> (i32, i32) {
    %c0_i32 = arith.constant 0 : i32
    %c0_i32_0 = arith.constant 0 : i32
    return %arg0, %c0_i32 : i32, i32
  }
  func.func @transform_3(%arg0: i32) -> (i32, i32) {
    %c0_i32 = arith.constant 0 : i32
    %c0_i32_0 = arith.constant 0 : i32
    %c0_i32_1 = arith.constant 0 : i32
    return %c0_i32, %c0_i32_0 : i32, i32
  }
  func.func @transform_4(%arg0: i32) -> (i32, i32) {
    %c0_i32 = arith.constant 0 : i32
    %c0_i32_0 = arith.constant 0 : i32
    %c0_i32_1 = arith.constant 0 : i32
    return %c0_i32, %c0_i32_0 : i32, i32
  }
  func.func @transform_5(%arg0: i32) -> (i32, i32) {
    %c0_i32 = arith.constant 0 : i32
    %c0_i32_0 = arith.constant 0 : i32
    return %arg0, %c0_i32 : i32, i32
  }
}

module attributes {stable_mosaic.version = 14 : i64} {
  func.func @kfn(%arg0: i32, %arg1: memref<2x2000x64xf32, #tpu.memory_space<vmem>>, %arg2: memref<2000x64xf32, #tpu.memory_space<vmem>>, %arg3: memref<2000x1xf32, #tpu.memory_space<vmem>>, %arg4: memref<1x64xf32, #tpu.memory_space<vmem>>, %arg5: memref<2000x64xf32, #tpu.memory_space<vmem>>) attributes {dimension_semantics = [#tpu.dimension_semantics<arbitrary>], iteration_bounds = array<i64: 5>, scalar_prefetch = 0 : i64, scratch_operands = 0 : i64, tpu.core_type = #tpu.core_type<tc>, window_params = [{transform_indices = @transform_0, window_bounds = array<i64: 2, 2000, 64>}, {transform_indices = @transform_1, window_bounds = array<i64: 2000, 64>}, {transform_indices = @transform_2, window_bounds = array<i64: 2000, 1>}, {pipeline_mode = #tpu.pipeline_mode<synchronous>, transform_indices = @transform_3, window_bounds = array<i64: 1, 64>}, {transform_indices = @transform_4, window_bounds = array<i64: 2000, 64>}]} {
    %get3A = arith.constant 0 : index
    %get3A_0 = arith.constant 0 : index
    %get3A_1 = arith.constant 0 : index
    %get3A_2 = vector.load %arg1[%get3A, %get3A_0, %get3A_1] : memref<2x2000x64xf32, #tpu.memory_space<vmem>>, vector<1x2000x64xf32>
    %get3A_3 = vector.shape_cast %get3A_2 : vector<1x2000x64xf32> to vector<2000x64xf32>
    %get3A_4 = arith.constant 1 : index
    %get3A_5 = arith.constant 0 : index
    %get3A_6 = arith.constant 0 : index
    %get3A_7 = vector.load %arg1[%get3A_4, %get3A_5, %get3A_6] : memref<2x2000x64xf32, #tpu.memory_space<vmem>>, vector<1x2000x64xf32>
    %get3A_8 = vector.shape_cast %get3A_7 : vector<1x2000x64xf32> to vector<2000x64xf32>
    %add3A = arith.addf %get3A_3, %get3A_8 : vector<2000x64xf32>
    %get3A_9 = arith.constant 0 : index
    %get3A_10 = arith.constant 0 : index
    %get3A_11 = vector.load %arg2[%get3A_9, %get3A_10] : memref<2000x64xf32, #tpu.memory_space<vmem>>, vector<2000x64xf32>
    %sub3A = arith.subf %add3A, %get3A_11 : vector<2000x64xf32>
    %get3A_12 = arith.constant 0 : index
    %get3A_13 = arith.constant 0 : index
    %get3A_14 = vector.load %arg3[%get3A_12, %get3A_13] : memref<2000x1xf32, #tpu.memory_space<vmem>>, vector<2000x1xf32>
    %mul3A = vector.broadcast %get3A_14 : vector<2000x1xf32> to vector<2000x64xf32>
    %mul3A_15 = arith.mulf %mul3A, %sub3A : vector<2000x64xf32>
    %get3A_16 = arith.constant 0 : index
    %get3A_17 = arith.constant 0 : index
    %get3A_18 = vector.load %arg4[%get3A_16, %get3A_17] : memref<1x64xf32, #tpu.memory_space<vmem>>, vector<1x64xf32>
    %add3A_19 = vector.broadcast %get3A_18 : vector<1x64xf32> to vector<2000x64xf32>
    %add3A_20 = arith.addf %mul3A_15, %add3A_19 : vector<2000x64xf32>
    %max3A = arith.constant 0.000000e+00 : f32
    %max3A_21 = vector.broadcast %max3A : f32 to vector<2000x64xf32>
    %max3A_22 = arith.maximumf %add3A_20, %max3A_21 : vector<2000x64xf32>
    %bitcast_convert_type3A = tpu.bitcast %max3A_22 : vector<2000x64xf32> -> vector<2000x64xi32>
    %add3A_23 = arith.constant 32767 : i32
    %add3A_24 = vector.broadcast %add3A_23 : i32 to vector<2000x64xi32>
    %add3A_25 = arith.addi %bitcast_convert_type3A, %add3A_24 : vector<2000x64xi32>
    %shift_right_logical3A = arith.constant 16 : i32
    %shift_right_logical3A_26 = vector.broadcast %shift_right_logical3A : i32 to vector<2000x64xi32>
    %shift_right_logical3A_27 = arith.shrui %bitcast_convert_type3A, %shift_right_logical3A_26 : vector<2000x64xi32>
    %and3A = arith.constant 1 : i32
    %and3A_28 = vector.broadcast %and3A : i32 to vector<2000x64xi32>
    %and3A_29 = arith.andi %shift_right_logical3A_27, %and3A_28 : vector<2000x64xi32>
    %add3A_30 = arith.addi %add3A_25, %and3A_29 : vector<2000x64xi32>
    %and3A_31 = arith.constant -65536 : i32
    %and3A_32 = vector.broadcast %and3A_31 : i32 to vector<2000x64xi32>
    %and3A_33 = arith.andi %add3A_30, %and3A_32 : vector<2000x64xi32>
    %bitcast_convert_type3A_34 = tpu.bitcast %and3A_33 : vector<2000x64xi32> -> vector<2000x64xf32>
    %mul3A_35 = vector.broadcast %get3A_14 : vector<2000x1xf32> to vector<2000x64xf32>
    %mul3A_36 = arith.mulf %mul3A_35, %bitcast_convert_type3A_34 : vector<2000x64xf32>
    %swap3A = arith.constant 0 : index
    %swap3A_37 = arith.constant 0 : index
    %swap3A_38 = vector.load %arg5[%swap3A, %swap3A_37] : memref<2000x64xf32, #tpu.memory_space<vmem>>, vector<2000x64xf32>
    tpu.vector_store %arg5[%swap3A, %swap3A_37], %mul3A_36 {strides = array<i32>} : memref<2000x64xf32, #tpu.memory_space<vmem>>, vector<2000x64xf32>,
    return
  }
  func.func @transform_0(%arg0: i32) -> (i32, i32, i32) {
    %c0_i32 = arith.constant 0 : i32
    %c0_i32_0 = arith.constant 0 : i32
    %c0_i32_1 = arith.constant 0 : i32
    return %c0_i32, %arg0, %c0_i32_0 : i32, i32, i32
  }
  func.func @transform_1(%arg0: i32) -> (i32, i32) {
    %c0_i32 = arith.constant 0 : i32
    %c0_i32_0 = arith.constant 0 : i32
    return %arg0, %c0_i32 : i32, i32
  }
  func.func @transform_2(%arg0: i32) -> (i32, i32) {
    %c0_i32 = arith.constant 0 : i32
    %c0_i32_0 = arith.constant 0 : i32
    return %arg0, %c0_i32 : i32, i32
  }
  func.func @transform_3(%arg0: i32) -> (i32, i32) {
    %c0_i32 = arith.constant 0 : i32
    %c0_i32_0 = arith.constant 0 : i32
    %c0_i32_1 = arith.constant 0 : i32
    return %c0_i32, %c0_i32_0 : i32, i32
  }
  func.func @transform_4(%arg0: i32) -> (i32, i32) {
    %c0_i32 = arith.constant 0 : i32
    %c0_i32_0 = arith.constant 0 : i32
    return %arg0, %c0_i32 : i32, i32
  }
}

module attributes {stable_mosaic.version = 14 : i64} {
  func.func @kfn(%arg0: i32, %arg1: memref<2x2000x64xf32, #tpu.memory_space<vmem>>, %arg2: memref<2000x64xf32, #tpu.memory_space<vmem>>, %arg3: memref<2000x1xf32, #tpu.memory_space<vmem>>, %arg4: memref<64x128xf32, #tpu.memory_space<vmem>>, %arg5: memref<1x128xf32, #tpu.memory_space<vmem>>, %arg6: memref<1x1x2000xi32, #tpu.memory_space<vmem>>, %arg7: memref<64x128xf32, #tpu.memory_space<vmem>>, %arg8: memref<64x128xf32, #tpu.memory_space<vmem>>, %arg9: memref<64x1xf32, #tpu.memory_space<vmem>>) attributes {dimension_semantics = [#tpu.dimension_semantics<arbitrary>], iteration_bounds = array<i64: 5>, scalar_prefetch = 0 : i64, scratch_operands = 2 : i64, tpu.core_type = #tpu.core_type<tc>, window_params = [{transform_indices = @transform_0, window_bounds = array<i64: 2, 2000, 64>}, {transform_indices = @transform_1, window_bounds = array<i64: 2000, 64>}, {transform_indices = @transform_2, window_bounds = array<i64: 2000, 1>}, {pipeline_mode = #tpu.pipeline_mode<synchronous>, transform_indices = @transform_3, window_bounds = array<i64: 64, 128>}, {pipeline_mode = #tpu.pipeline_mode<synchronous>, transform_indices = @transform_4, window_bounds = array<i64: 1, 128>}, {transform_indices = @transform_5, window_bounds = array<i64: 1, 1, 2000>}, {pipeline_mode = #tpu.pipeline_mode<synchronous>, transform_indices = @transform_6, window_bounds = array<i64: 64, 128>}]} {
    %eq3A = arith.constant 0 : i32
    %eq3A_0 = arith.cmpi eq, %arg0, %eq3A : i32
    %convert_element_type3A = arith.extui %eq3A_0 : i1 to i32
    %cond3A = arith.constant 0 : i32
    %cond3A_1 = arith.cmpi ne, %convert_element_type3A, %cond3A : i32
    scf.if %cond3A_1 {
      %broadcast_in_dim3A_108 = arith.constant 0.000000e+00 : f32
      %broadcast_in_dim3A_109 = vector.broadcast %broadcast_in_dim3A_108 : f32 to vector<64x128xf32>
      %swap3A_110 = arith.constant 0 : index
      %swap3A_111 = arith.constant 0 : index
      %swap3A_112 = vector.load %arg8[%swap3A_110, %swap3A_111] : memref<64x128xf32, #tpu.memory_space<vmem>>, vector<64x128xf32>
      tpu.vector_store %arg8[%swap3A_110, %swap3A_111], %broadcast_in_dim3A_109 {strides = array<i32>} : memref<64x128xf32, #tpu.memory_space<vmem>>, vector<64x128xf32>,
      %broadcast_in_dim3A_113 = arith.constant 0.000000e+00 : f32
      %broadcast_in_dim3A_114 = vector.broadcast %broadcast_in_dim3A_113 : f32 to vector<64x1xf32>
      %swap3A_115 = arith.constant 0 : index
      %swap3A_116 = arith.constant 0 : index
      %swap3A_117 = vector.load %arg9[%swap3A_115, %swap3A_116] : memref<64x1xf32, #tpu.memory_space<vmem>>, vector<64x1xf32>
      tpu.vector_store %arg9[%swap3A_115, %swap3A_116], %broadcast_in_dim3A_114 {strides = array<i32>} : memref<64x1xf32, #tpu.memory_space<vmem>>, vector<64x1xf32>,
    } else {
    }
    %get3A = arith.constant 0 : index
    %get3A_2 = arith.constant 0 : index
    %get3A_3 = vector.load %arg3[%get3A, %get3A_2] : memref<2000x1xf32, #tpu.memory_space<vmem>>, vector<2000x1xf32>
    %get3A_4 = arith.constant 0 : index
    %get3A_5 = arith.constant 0 : index
    %get3A_6 = arith.constant 0 : index
    %get3A_7 = vector.load %arg1[%get3A_4, %get3A_5, %get3A_6] : memref<2x2000x64xf32, #tpu.memory_space<vmem>>, vector<1x2000x64xf32>
    %get3A_8 = vector.shape_cast %get3A_7 : vector<1x2000x64xf32> to vector<2000x64xf32>
    %get3A_9 = arith.constant 1 : index
    %get3A_10 = arith.constant 0 : index
    %get3A_11 = arith.constant 0 : index
    %get3A_12 = vector.load %arg1[%get3A_9, %get3A_10, %get3A_11] : memref<2x2000x64xf32, #tpu.memory_space<vmem>>, vector<1x2000x64xf32>
    %get3A_13 = vector.shape_cast %get3A_12 : vector<1x2000x64xf32> to vector<2000x64xf32>
    %add3A = arith.addf %get3A_8, %get3A_13 : vector<2000x64xf32>
    %get3A_14 = arith.constant 0 : index
    %get3A_15 = arith.constant 0 : index
    %get3A_16 = vector.load %arg2[%get3A_14, %get3A_15] : memref<2000x64xf32, #tpu.memory_space<vmem>>, vector<2000x64xf32>
    %sub3A = arith.subf %add3A, %get3A_16 : vector<2000x64xf32>
    %mul3A = vector.broadcast %get3A_3 : vector<2000x1xf32> to vector<2000x64xf32>
    %mul3A_17 = arith.mulf %mul3A, %sub3A : vector<2000x64xf32>
    %bitcast_convert_type3A = tpu.bitcast %mul3A_17 : vector<2000x64xf32> -> vector<2000x64xi32>
    %add3A_18 = arith.constant 32767 : i32
    %add3A_19 = vector.broadcast %add3A_18 : i32 to vector<2000x64xi32>
    %add3A_20 = arith.addi %bitcast_convert_type3A, %add3A_19 : vector<2000x64xi32>
    %shift_right_logical3A = arith.constant 16 : i32
    %shift_right_logical3A_21 = vector.broadcast %shift_right_logical3A : i32 to vector<2000x64xi32>
    %shift_right_logical3A_22 = arith.shrui %bitcast_convert_type3A, %shift_right_logical3A_21 : vector<2000x64xi32>
    %and3A = arith.constant 1 : i32
    %and3A_23 = vector.broadcast %and3A : i32 to vector<2000x64xi32>
    %and3A_24 = arith.andi %shift_right_logical3A_22, %and3A_23 : vector<2000x64xi32>
    %add3A_25 = arith.addi %add3A_20, %and3A_24 : vector<2000x64xi32>
    %and3A_26 = arith.constant -65536 : i32
    %and3A_27 = vector.broadcast %and3A_26 : i32 to vector<2000x64xi32>
    %and3A_28 = arith.andi %add3A_25, %and3A_27 : vector<2000x64xi32>
    %bitcast_convert_type3A_29 = tpu.bitcast %and3A_28 : vector<2000x64xi32> -> vector<2000x64xf32>
    %get3A_30 = arith.constant 0 : index
    %get3A_31 = arith.constant 0 : index
    %get3A_32 = vector.load %arg4[%get3A_30, %get3A_31] : memref<64x128xf32, #tpu.memory_space<vmem>>, vector<64x128xf32>
    %bitcast_convert_type3A_33 = tpu.bitcast %get3A_32 : vector<64x128xf32> -> vector<64x128xi32>
    %add3A_34 = arith.constant 32767 : i32
    %add3A_35 = vector.broadcast %add3A_34 : i32 to vector<64x128xi32>
    %add3A_36 = arith.addi %bitcast_convert_type3A_33, %add3A_35 : vector<64x128xi32>
    %shift_right_logical3A_37 = arith.constant 16 : i32
    %shift_right_logical3A_38 = vector.broadcast %shift_right_logical3A_37 : i32 to vector<64x128xi32>
    %shift_right_logical3A_39 = arith.shrui %bitcast_convert_type3A_33, %shift_right_logical3A_38 : vector<64x128xi32>
    %and3A_40 = arith.constant 1 : i32
    %and3A_41 = vector.broadcast %and3A_40 : i32 to vector<64x128xi32>
    %and3A_42 = arith.andi %shift_right_logical3A_39, %and3A_41 : vector<64x128xi32>
    %add3A_43 = arith.addi %add3A_36, %and3A_42 : vector<64x128xi32>
    %and3A_44 = arith.constant -65536 : i32
    %and3A_45 = vector.broadcast %and3A_44 : i32 to vector<64x128xi32>
    %and3A_46 = arith.andi %add3A_43, %and3A_45 : vector<64x128xi32>
    %bitcast_convert_type3A_47 = tpu.bitcast %and3A_46 : vector<64x128xi32> -> vector<64x128xf32>
    %dot_general3A = arith.constant dense<0.000000e+00> : vector<2000x128xf32>
    %dot_general3A_48 = tpu.matmul %bitcast_convert_type3A_29, %bitcast_convert_type3A_47, %dot_general3A {dimension_numbers = #tpu.dot_dimension_numbers<[1], [0], [0], [1], [0, 0, 1, 1], [], []>, precision = #tpu.contract_precision<fp32>, transpose_lhs_hint = false} : vector<2000x64xf32>, vector<64x128xf32>, vector<2000x128xf32> -> vector<2000x128xf32>
    %sub3A_49 = arith.subf %mul3A_17, %bitcast_convert_type3A_29 : vector<2000x64xf32>
    %dot_general3A_50 = arith.constant dense<0.000000e+00> : vector<2000x128xf32>
    %dot_general3A_51 = tpu.matmul %sub3A_49, %bitcast_convert_type3A_47, %dot_general3A_50 {dimension_numbers = #tpu.dot_dimension_numbers<[1], [0], [0], [1], [0, 0, 1, 1], [], []>, precision = #tpu.contract_precision<fp32>, transpose_lhs_hint = false} : vector<2000x64xf32>, vector<64x128xf32>, vector<2000x128xf32> -> vector<2000x128xf32>
    %add3A_52 = arith.addf %dot_general3A_48, %dot_general3A_51 : vector<2000x128xf32>
    %get3A_53 = arith.constant 0 : index
    %get3A_54 = arith.constant 0 : index
    %get3A_55 = vector.load %arg5[%get3A_53, %get3A_54] : memref<1x128xf32, #tpu.memory_space<vmem>>, vector<1x128xf32>
    %add3A_56 = vector.broadcast %get3A_55 : vector<1x128xf32> to vector<2000x128xf32>
    %add3A_57 = arith.addf %add3A_52, %add3A_56 : vector<2000x128xf32>
    %get3A_58 = arith.constant 0 : index
    %get3A_59 = arith.constant 0 : index
    %get3A_60 = arith.constant 0 : index
    %get3A_61 = vector.load %arg6[%get3A_58, %get3A_59, %get3A_60] : memref<1x1x2000xi32, #tpu.memory_space<vmem>>, vector<1x1x2000xi32>
    %get3A_62 = vector.shape_cast %get3A_61 : vector<1x1x2000xi32> to vector<1x2000xi32>
    %iota3A = tpu.iota {dimensions = array<i32: 0>} : vector<64x2000xi32>
    %eq3A_63 = vector.broadcast %get3A_62 : vector<1x2000xi32> to vector<64x2000xi32>
    %eq3A_64 = arith.cmpi eq, %iota3A, %eq3A_63 : vector<64x2000xi32>
    %jit3A = arith.constant 1.000000e+00 : f32
    %jit3A_65 = arith.constant 0.000000e+00 : f32
    %broadcast_in_dim3A = vector.broadcast %jit3A : f32 to vector<64x2000xf32>
    %broadcast_in_dim3A_66 = vector.broadcast %jit3A_65 : f32 to vector<64x2000xf32>
    %select_n3A = arith.select %eq3A_64, %broadcast_in_dim3A, %broadcast_in_dim3A_66 : vector<64x2000xi1>, vector<64x2000xf32>
    %bitcast_convert_type3A_67 = tpu.bitcast %add3A_57 : vector<2000x128xf32> -> vector<2000x128xi32>
    %add3A_68 = arith.constant 32767 : i32
    %add3A_69 = vector.broadcast %add3A_68 : i32 to vector<2000x128xi32>
    %add3A_70 = arith.addi %bitcast_convert_type3A_67, %add3A_69 : vector<2000x128xi32>
    %shift_right_logical3A_71 = arith.constant 16 : i32
    %shift_right_logical3A_72 = vector.broadcast %shift_right_logical3A_71 : i32 to vector<2000x128xi32>
    %shift_right_logical3A_73 = arith.shrui %bitcast_convert_type3A_67, %shift_right_logical3A_72 : vector<2000x128xi32>
    %and3A_74 = arith.constant 1 : i32
    %and3A_75 = vector.broadcast %and3A_74 : i32 to vector<2000x128xi32>
    %and3A_76 = arith.andi %shift_right_logical3A_73, %and3A_75 : vector<2000x128xi32>
    %add3A_77 = arith.addi %add3A_70, %and3A_76 : vector<2000x128xi32>
    %and3A_78 = arith.constant -65536 : i32
    %and3A_79 = vector.broadcast %and3A_78 : i32 to vector<2000x128xi32>
    %and3A_80 = arith.andi %add3A_77, %and3A_79 : vector<2000x128xi32>
    %bitcast_convert_type3A_81 = tpu.bitcast %and3A_80 : vector<2000x128xi32> -> vector<2000x128xf32>
    %get3A_82 = arith.constant 0 : index
    %get3A_83 = arith.constant 0 : index
    %get3A_84 = vector.load %arg8[%get3A_82, %get3A_83] : memref<64x128xf32, #tpu.memory_space<vmem>>, vector<64x128xf32>
    %dot_general3A_85 = arith.constant dense<0.000000e+00> : vector<64x128xf32>
    %dot_general3A_86 = tpu.matmul %select_n3A, %bitcast_convert_type3A_81, %dot_general3A_85 {dimension_numbers = #tpu.dot_dimension_numbers<[1], [0], [0], [1], [0, 0, 1, 1], [], []>, precision = #tpu.contract_precision<fp32>, transpose_lhs_hint = false} : vector<64x2000xf32>, vector<2000x128xf32>, vector<64x128xf32> -> vector<64x128xf32>
    %sub3A_87 = arith.subf %add3A_57, %bitcast_convert_type3A_81 : vector<2000x128xf32>
    %dot_general3A_88 = arith.constant dense<0.000000e+00> : vector<64x128xf32>
    %dot_general3A_89 = tpu.matmul %select_n3A, %sub3A_87, %dot_general3A_88 {dimension_numbers = #tpu.dot_dimension_numbers<[1], [0], [0], [1], [0, 0, 1, 1], [], []>, precision = #tpu.contract_precision<fp32>, transpose_lhs_hint = false} : vector<64x2000xf32>, vector<2000x128xf32>, vector<64x128xf32> -> vector<64x128xf32>
    %add3A_90 = arith.addf %dot_general3A_86, %dot_general3A_89 : vector<64x128xf32>
    %add3A_91 = arith.addf %get3A_84, %add3A_90 : vector<64x128xf32>
    %swap3A = arith.constant 0 : index
    %swap3A_92 = arith.constant 0 : index
    %swap3A_93 = vector.load %arg8[%swap3A, %swap3A_92] : memref<64x128xf32, #tpu.memory_space<vmem>>, vector<64x128xf32>
    tpu.vector_store %arg8[%swap3A, %swap3A_92], %add3A_91 {strides = array<i32>} : memref<64x128xf32, #tpu.memory_space<vmem>>, vector<64x128xf32>,
    %get3A_94 = arith.constant 0 : index
    %get3A_95 = arith.constant 0 : index
    %get3A_96 = vector.load %arg9[%get3A_94, %get3A_95] : memref<64x1xf32, #tpu.memory_space<vmem>>, vector<64x1xf32>
    %reduce_sum3A = arith.constant dense<0.000000e+00> : vector<64xf32>
    %reduce_sum3A_97 = vector.multi_reduction <add>, %select_n3A, %reduce_sum3A [1] : vector<64x2000xf32> to vector<64xf32>
    %broadcast_in_dim3A_98 = vector.shape_cast %reduce_sum3A_97 : vector<64xf32> to vector<64x1xf32>
    %add3A_99 = arith.addf %get3A_96, %broadcast_in_dim3A_98 : vector<64x1xf32>
    %swap3A_100 = arith.constant 0 : index
    %swap3A_101 = arith.constant 0 : index
    %swap3A_102 = vector.load %arg9[%swap3A_100, %swap3A_101] : memref<64x1xf32, #tpu.memory_space<vmem>>, vector<64x1xf32>
    tpu.vector_store %arg9[%swap3A_100, %swap3A_101], %add3A_99 {strides = array<i32>} : memref<64x1xf32, #tpu.memory_space<vmem>>, vector<64x1xf32>,
    %eq3A_103 = arith.constant 4 : i32
    %eq3A_104 = arith.cmpi eq, %arg0, %eq3A_103 : i32
    %convert_element_type3A_105 = arith.extui %eq3A_104 : i1 to i32
    %cond3A_106 = arith.constant 0 : i32
    %cond3A_107 = arith.cmpi ne, %convert_element_type3A_105, %cond3A_106 : i32
    scf.if %cond3A_107 {
      %get3A_108 = arith.constant 0 : index
      %get3A_109 = arith.constant 0 : index
      %get3A_110 = vector.load %arg8[%get3A_108, %get3A_109] : memref<64x128xf32, #tpu.memory_space<vmem>>, vector<64x128xf32>
      %get3A_111 = arith.constant 0 : index
      %get3A_112 = arith.constant 0 : index
      %get3A_113 = vector.load %arg9[%get3A_111, %get3A_112] : memref<64x1xf32, #tpu.memory_space<vmem>>, vector<64x1xf32>
      %max3A = arith.constant 1.000000e+00 : f32
      %max3A_114 = vector.broadcast %max3A : f32 to vector<64x1xf32>
      %max3A_115 = arith.maximumf %get3A_113, %max3A_114 : vector<64x1xf32>
      %div3A = vector.broadcast %max3A_115 : vector<64x1xf32> to vector<64x128xf32>
      %div3A_116 = arith.divf %get3A_110, %div3A : vector<64x128xf32>
      %reduce_max3A = arith.constant dense<0xFF800000> : vector<64xf32>
      %reduce_max3A_117 = vector.multi_reduction <maximumf>, %div3A_116, %reduce_max3A [1] : vector<64x128xf32> to vector<64xf32>
      %broadcast_in_dim3A_118 = vector.shape_cast %reduce_max3A_117 : vector<64xf32> to vector<64x1xf32>
      %sub3A_119 = vector.broadcast %broadcast_in_dim3A_118 : vector<64x1xf32> to vector<64x128xf32>
      %sub3A_120 = arith.subf %div3A_116, %sub3A_119 : vector<64x128xf32>
      %exp3A = math.exp %sub3A_120 : vector<64x128xf32>
      %reduce_sum3A_121 = arith.constant dense<0.000000e+00> : vector<64xf32>
      %reduce_sum3A_122 = vector.multi_reduction <add>, %exp3A, %reduce_sum3A_121 [1] : vector<64x128xf32> to vector<64xf32>
      %broadcast_in_dim3A_123 = vector.shape_cast %reduce_sum3A_122 : vector<64xf32> to vector<64x1xf32>
      %log3A = math.log %broadcast_in_dim3A_123 : vector<64x1xf32>
      %add3A_124 = arith.addf %log3A, %broadcast_in_dim3A_118 : vector<64x1xf32>
      %sub3A_125 = vector.broadcast %add3A_124 : vector<64x1xf32> to vector<64x128xf32>
      %sub3A_126 = arith.subf %div3A_116, %sub3A_125 : vector<64x128xf32>
      %swap3A_127 = arith.constant 0 : index
      %swap3A_128 = arith.constant 0 : index
      %swap3A_129 = vector.load %arg7[%swap3A_127, %swap3A_128] : memref<64x128xf32, #tpu.memory_space<vmem>>, vector<64x128xf32>
      tpu.vector_store %arg7[%swap3A_127, %swap3A_128], %sub3A_126 {strides = array<i32>} : memref<64x128xf32, #tpu.memory_space<vmem>>, vector<64x128xf32>,
    } else {
    }
    return
  }
  func.func @transform_0(%arg0: i32) -> (i32, i32, i32) {
    %c0_i32 = arith.constant 0 : i32
    %c0_i32_0 = arith.constant 0 : i32
    %c0_i32_1 = arith.constant 0 : i32
    return %c0_i32, %arg0, %c0_i32_0 : i32, i32, i32
  }
  func.func @transform_1(%arg0: i32) -> (i32, i32) {
    %c0_i32 = arith.constant 0 : i32
    %c0_i32_0 = arith.constant 0 : i32
    return %arg0, %c0_i32 : i32, i32
  }
  func.func @transform_2(%arg0: i32) -> (i32, i32) {
    %c0_i32 = arith.constant 0 : i32
    %c0_i32_0 = arith.constant 0 : i32
    return %arg0, %c0_i32 : i32, i32
  }
  func.func @transform_3(%arg0: i32) -> (i32, i32) {
    %c0_i32 = arith.constant 0 : i32
    %c0_i32_0 = arith.constant 0 : i32
    %c0_i32_1 = arith.constant 0 : i32
    return %c0_i32, %c0_i32_0 : i32, i32
  }
  func.func @transform_4(%arg0: i32) -> (i32, i32) {
    %c0_i32 = arith.constant 0 : i32
    %c0_i32_0 = arith.constant 0 : i32
    %c0_i32_1 = arith.constant 0 : i32
    return %c0_i32, %c0_i32_0 : i32, i32
  }
  func.func @transform_5(%arg0: i32) -> (i32, i32, i32) {
    %c0_i32 = arith.constant 0 : i32
    %c0_i32_0 = arith.constant 0 : i32
    %c0_i32_1 = arith.constant 0 : i32
    return %arg0, %c0_i32, %c0_i32_0 : i32, i32, i32
  }
  func.func @transform_6(%arg0: i32) -> (i32, i32) {
    %c0_i32 = arith.constant 0 : i32
    %c0_i32_0 = arith.constant 0 : i32
    %c0_i32_1 = arith.constant 0 : i32
    return %c0_i32, %c0_i32_0 : i32, i32
  }
}

</mosaic_0001>

<sc_bundles>
// kernel: kernel.12.cloned.1.call-start
scs
__scs_entry_jumppad:
0x0: {  	(pc) =	sbr.rel $0x88, $3  }
0x1: {  	(tag) =	ssettag $0x0;
	lr =	simm.s32 $0x1  }
0x2: {  	[smem:$0x3F96] =	sst lr;
	_ =	strace $0xD0000000  }
0x3: {  	_ = 	snop  }
0x4: {  	_ = 	snop  }
0x5: {  	_ = 	snop  }
0x6: {  	_ = 	snop  }
0x7: {  	_ = 	snop  }
__scs_overlays_trampoline_lowered:
0x8: {  	[smem:$0x3FA5] =	sst s0  }
0x9: {  	[smem:$0x3FA6] =	sst s1  }
0xa: {  	[smem:$0x3FA7] =	sst s2  }
0xb: {  	[smem:$0x3FA8] =	sst s3  }
0xc: {  	[smem:$0x3FA9] =	sst s4  }
0xd: {  	[smem:$0x3FAA] =	sst s5  }
0xe: {  	[smem:$0x3FAB] =	sst s6  }
0xf: {  	[smem:$0x3FAC] =	sst s7  }
0x10: {  	[smem:$0x3FAD] =	sst s8  }
0x11: {  	[smem:$0x3FAE] =	sst s9;
	s0 =	simm.s32 @!p0 $0x0  }
0x12: {  	s1 =	sld [smem:$0x3F94];
	s0 =	simm.s32 @p0 $0x1  }
0x13: {  	[smem:$0x3FAF] =	sst s0;
	s0 =	simm.s32 @!p1 $0x0  }
0x14: {  	s2 =	sld [smem:$0x3F93];
	s0 =	simm.s32 @p1 $0x1  }
0x15: {  	[smem:$0x3FB0] =	sst s0;
	s0 =	simm.s32 @!p2 $0x0  }
0x16: {  	s3 =	sld [smem:$0x3FDB];
	s0 =	simm.s32 @p2 $0x1  }
0x17: {  	s4 =	simm.s32 $0x1BF5;
	[smem:$0x3FB2] =	sst s0  }
0x18: {  	s0 =	sld [smem:$0x3F95];
	_ =	swait.ge [sflag:s4], $0x0  }
0x19: {  	s7 =	sld [smem:$0x3F96]  }
0x1a: {  	s8 =	sadd.s32 $0xFFFFE003, lr  }
0x1b: {  	s9 =	sadd.s32 $0xFFFFFEF7, lr;
	s5 =	simm.s32 $0xFFFFFFFF;
	p2 =	slt.u32 s8, $0xFFFFF086  }
0x1c: {  	p1 =	slt.u32 s9, $0xF7A;
	s5 =	simm.s32 @!p2 $0x0  }
0x1d: {  	s5 =	simm.s32 @p1 $0x1;
	p0 =	seq.s32 s7, s2  }
0x1e: {  	s7 =	smul.u32 @!p0 $0xF7A, s2;
	p2 =	seq.s32 @!p0 s5, $0x0  }
0x1f: {  	s9 =	smul.u32 $0xF7A, s1;
	s8 =	simm.s32 @!p0 $0x1BF5;
	p2 =	por !p2, p0  }
0x20: {  	[sflag:s8] =	ssyncset.s32 @!p0 $0xFFFFF086;
	s6 =	sadd.s32 @!p0 s3, s7;
	s7 =	simm.s32 @!p0 $0x108  }
0x21: {  	s3 =	sadd.s32 s3, s9;
	s6 =	sadd.s32 @!p0 $0x88, s6;
	s7 =	simm.s32 @p2 $0x1082  }
0x22: {  	[simem:s7], [sflag:s8] =	dma.local @!p0 [hbm:s6], $0xF7A  }
0x23: {  	s9 =	sor.u32 $0xD0000000, s2;
	s6 =	simm.s32 $0x108;
	_ =	swait.ge @!p0 [sflag:s8], $0x0  }
0x24: {  	s3 =	sadd.s32 $0x88, s3;
	s6 =	simm.s32 @!p1 $0x1082;
	[sflag:s4] =	ssyncset.s32 $0xFFFFF086  }
0x25: {  	[simem:s6], [sflag:s4] =	dma.local [hbm:s3], $0xF7A  }
0x26: {  	[smem:$0x3F96] =	sst s1;
	(tag) =	ssettag s2;
	_ =	strace s9  }
0x27: {  	s1 =	sld [smem:$0x3FA6]  }
0x28: {  	s2 =	sld [smem:$0x3FA7]  }
0x29: {  	s4 =	sld [smem:$0x3FA9]  }
0x2a: {  	p0 =	seq.s32 s5, $0x0;
	s5 =	sld [smem:$0x3FAA]  }
0x2b: {  	s6 =	sld [smem:$0x3FAB]  }
0x2c: {  	s7 =	sld [smem:$0x3FAC]  }
0x2d: {  	s3 =	simm.s32 $0x108;
	s8 =	sld [smem:$0x3FAD]  }
0x2e: {  	s3 =	simm.s32 @!p0 $0x1082;
	s9 =	sld [smem:$0x3FAE]  }
0x2f: {  	lr =	sadd.s32 s0, s3;
	s0 =	sld [smem:$0x3FA5]  }
0x30: {  	s3 =	sld [smem:$0x3FA8]  }
0x31: {  	[smem:$0x3FB1] =	sst s10  }
0x32: {  	s10 =	sld [smem:$0x3FAF];
	_ =	sdelay $0x3  }
0x33: {  	p0 =	seq.s32 s10, $0x1;
	s10 =	sld [smem:$0x3FB1];
	_ =	sdelay $0x3  }
0x34: {  	[smem:$0x3FB1] =	sst s10  }
0x35: {  	s10 =	sld [smem:$0x3FB0];
	_ =	sdelay $0x3  }
0x36: {  	p1 =	seq.s32 s10, $0x1;
	s10 =	sld [smem:$0x3FB1];
	_ =	sdelay $0x3  }
0x37: {  	[smem:$0x3FB1] =	sst s10  }
0x38: {  	s10 =	sld [smem:$0x3FB2]  }
0x39: {  	_ = 	snop;
	(pc) =	sbr.ind lr, $3  }
0x3a: {  	_ = 	snop  }
0x3b: {  	_ = 	snop  }
0x3c: {  	p2 =	seq.s32 s10, $0x1;
	s10 =	sld [smem:$0x3FB1]  }
0x3d: {  	_ =	shalt  }
0x3e: {  	_ =	shalt  }
0x3f: {  	_ =	shalt  }
0x40: {  	_ =	shalt  }
0x41: {  	_ =	shalt  }
0x42: {  	_ =	shalt  }
0x43: {  	_ =	shalt  }
0x44: {  	_ =	shalt  }
0x45: {  	_ =	shalt  }
0x46: {  	_ =	shalt  }
0x47: {  	_ =	shalt  }
0x48: {  	_ =	shalt  }
0x49: {  	_ =	shalt  }
0x4a: {  	_ =	shalt  }
0x4b: {  	_ =	shalt  }
0x4c: {  	_ =	shalt  }
0x4d: {  	_ =	shalt  }
0x4e: {  	_ =	shalt  }
0x4f: {  	_ =	shalt  }
0x50: {  	_ =	shalt  }
0x51: {  	_ =	shalt  }
0x52: {  	_ =	shalt  }
0x53: {  	_ =	shalt  }
0x54: {  	_ =	shalt  }
0x55: {  	_ =	shalt  }
0x56: {  	_ =	shalt  }
0x57: {  	_ =	shalt  }
0x58: {  	_ =	shalt  }
0x59: {  	_ =	shalt  }
0x5a: {  	_ =	shalt  }
0x5b: {  	_ =	shalt  }
0x5c: {  	_ =	shalt  }
0x5d: {  	_ =	shalt  }
0x5e: {  	_ =	shalt  }
0x5f: {  	_ =	shalt  }
0x60: {  	_ =	shalt  }
0x61: {  	_ =	shalt  }
0x62: {  	_ =	shalt  }
0x63: {  	_ =	shalt  }
0x64: {  	_ =	shalt  }
0x65: {  	_ =	shalt  }
0x66: {  	_ =	shalt  }
0x67: {  	_ =	shalt  }
0x68: {  	_ =	shalt  }
0x69: {  	_ =	shalt  }
0x6a: {  	_ =	shalt  }
0x6b: {  	_ =	shalt  }
0x6c: {  	_ =	shalt  }
0x6d: {  	_ =	shalt  }
0x6e: {  	_ =	shalt  }
0x6f: {  	_ =	shalt  }
0x70: {  	_ =	shalt  }
0x71: {  	_ =	shalt  }
0x72: {  	_ =	shalt  }
0x73: {  	_ =	shalt  }
0x74: {  	_ =	shalt  }
0x75: {  	_ =	shalt  }
0x76: {  	_ =	shalt  }
0x77: {  	_ =	shalt  }
0x78: {  	_ =	shalt  }
0x79: {  	_ =	shalt  }
0x7a: {  	_ =	shalt  }
0x7b: {  	_ =	shalt  }
0x7c: {  	_ =	shalt  }
0x7d: {  	_ =	shalt  }
0x7e: {  	_ =	shalt  }
0x7f: {  	_ =	shalt  }
0x80: {  	_ =	shalt  }
0x81: {  	_ =	shalt  }
0x82: {  	_ =	shalt  }
0x83: {  	_ =	shalt  }
0x84: {  	_ =	shalt  }
0x85: {  	_ =	shalt  }
0x86: {  	_ =	shalt  }
0x87: {  	_ =	shalt  }
.Lfunc_end0:
.L_simem_size_0:
called_computation_lowered:
.L_overlay_start_0:
0x88: {  	s2 =	sld [smem:$0x3FD9]  }
0x89: {  	s3 =	sld [smem:$0x3FFE];
	_ =	sdelay $0x1  }
0x8a: {  	s1 =	srdreg.scid  }
0x8b: {  	s0 =	sand.u32 $0x1, s1  }
0x8c: {  	s17 =	sshll.u32 s0, $0xA;
	s2 =	sadd.s32 s3, s2  }
0x8d: {  	s2 =	sadd.s32 s2, s17  }
0x8e: {  	[smem:$0x3FBD] =	sst s2  }
0x8f: {  	_ = 	snop  }
0x90: {  	s2 =	sld [smem:$0x3FD0];
	(tm) =	ssettm $0x1  }
0x91: {  	s18 =	sld [smem:$0x3FFB];
	_ =	sdelay $0x3  }
0x92: {  	_ =	strace s18  }
0x93: {  	s3 =	sld [smem:$0x3FFC];
	_ =	sdelay $0x3  }
0x94: {  	_ =	strace s3  }
0x95: {  	s3 =	sld [smem:$0x3FFD];
	_ =	sdelay $0x3  }
0x96: {  	_ =	strace s3  }
0x97: {  	_ =	strace $0x8FFFFFFF  }
0x98: {  	s19 =	sld [smem:$0x3FDB];
	_ =	sdelay $0x1  }
0x99: {  	s4 =	simm.s32 $_scs_section_size  }
0x9a: {  	s5 =	simm.s32 $_size__tile_overlayer_lowered;
	s6 =	simm.s32 $_tile_overlayer_lowered  }
0x9b: {  	s22 =	simm.s32 $0x1BFF;
	s21 =	sshll.u32 s6, $0x1;
	s3 =	sadd.s32 s4, s19  }
0x9c: {  	s7 =	simm.s32 $0x0;
	s20 =	sshll.u32 s5, $0x1;
	s5 =	sadd.s32 s21, s3  }
0x9d: {  	[timem:s7], [sflag:s22] =	dma.local [hbm:s5], s20  }
0x9e: {  	_ =	swait.ge [sflag:s22], s20  }
0x9f: {  	s4 =	ssub.s32 $0x0, s20;
	[sflag:s22] =	ssyncset.done $0x0  }
0xa0: {  	[sflag:s22] =	ssyncadd.s32 s4;
	_ =	sdelay $0x1  }
0xa1: {  	s23 =	simm.s32 $0x1B8B  }
0xa2: {  	_ =	swait.ge [sflag:s23], $0x1  }
0xa3: {  	[sflag:s23] =	ssyncset.done $0x0  }
0xa4: {  	s25 =	simm.s32 $0x1B8E;
	s24 =	sld [smem:$0x3FFE];
	[sflag:s23] =	ssyncadd.s32 $0xFFFFFFFF  }
0xa5: {  	s26 =	simm.s32 $execute0_lowered;
	[smem:$0x3FD2] =	sst s25  }
0xa6: {  	s5 =	sshll.u32 s26, $0x1;
	_ =	strace $0x80000046;
	[dreg:$0x1] =	wrdreg $0xFFFFFFFF  }
0xa7: {  	s28 =	simm.s32 $_size_execute0_lowered;
	s3 =	sadd.s32 s3, s5;
	[dreg:$0x0] =	wrdreg $0x0  }
0xa8: {  	s5 =	sshll.u32 s28, $0x1;
	[dreg:$0x2] =	wrdreg s3  }
0xa9: {  	[dreg:$0x3] =	wrdreg s5  }
0xaa: {  	[dreg:$0x4] =	wrdreg $0xC0  }
0xab: {  	_ =	task [dreg:s7], $0x5FFFF  }
0xac: {  	[dreg:$0x1] =	wrdreg $0xFFFFFFFF  }
0xad: {  	[dreg:$0x0] =	wrdreg $0x60  }
0xae: {  	[dreg:$0x2] =	wrdreg s24  }
0xaf: {  	[dreg:$0x3] =	wrdreg s2  }
0xb0: {  	[dreg:$0x4] =	wrdreg $0x29900  }
0xb1: {  	[dreg:$0x5] =	wrdreg $0x9  }
0xb2: {  	_ =	task.clear_ibuf [dreg:s7], $0x6FFFF;
	_ =	strace $0x90000046  }
0xb3: {  	s29 =	simm.s32 $0x9;
	_ =	strace $0x80000048  }
0xb4: {  	_ =	swait.ge [sflag:s29], $0x1  }
0xb5: {  	[sflag:s29] =	ssyncadd.s32 $0xFFFFFFFF  }
0xb6: {  	_ =	strace $0x90000048  }
0xb7: {  	_ =	sfence  }
0xb8: {  	s30 =	sld [smem:$0x0];
	_ =	sdelay $0x2  }
0xb9: {  	s31 =	sshll.u32 s1, $0xD;
	s1 =	sshrl.u32 s1, $0x2  }
0xba: {  	s3 =	sand.u32 $0x4000, s31;
	s1 =	sadd.s32 s1, s30  }
0xbb: {  	s0 =	sor.u32 s3, s0;
	s1 =	sshll.u32 s1, $0x11  }
0xbc: {  	s0 =	sor.u32 s1, s0  }
0xbd: {  	s0 =	sadd.s32 $0x8F2B, s0  }
0xbe: {  	[sflag:s0] =	ssyncadd.remote.s32 $0x1  }
0xbf: {  	_ =	sfence.sel $0xFFFF  }
0xc0: {  	[dreg:$0x0] =	wrdreg $0xFFFFFFFF;
	(pc) =	sbr.abs _section_cstart, $3  }
0xc1: {  	[dreg:$0x1] =	wrdreg $0xFFFFFFFF  }
0xc2: {  	_ =	task.clear_ibuf [dreg:s7], $0x2FFFF;
	_ =	strace $0x9FFFFFFF  }
0xc3: {  	(tm) =	ssettm $0x7FFFFFFF  }
tec
execute0_lowered:
.L_overlay_start_1:
0x0: {  	(tag) =	ssettag $0x1  }
0x1: {  	s6 =	rddreg [dreg:$0x0]  }
0x2: {  	s1 =	rddreg [dreg:$0x1]  }
0x3: {  	s2 =	rddreg [dreg:$0x2];
	s3 =	srdreg.scid  }
0x4: {  	s0 =	rddreg [dreg:$0x3];
	s4 =	simm.s32 $0x0;
	s16 =	simm.s32 $0xA0  }
0x5: {  	s17 =	simm.s32 $0xF0;
	s18 =	simm.s32 $0x140;
	s19 =	simm.s32 $0x1  }
0x6: {  	s20 =	simm.s32 $0x2;
	s21 =	simm.s32 $0x3;
	s22 =	simm.s32 $0x4  }
0x7: {  	s23 =	simm.s32 $0x5;
	s7 =	sand.u32 $0x1, s3;
	s3 =	stileid.u32  }
0x8: {  	[smem:$0x7FF] =	sst s4;
	s13 =	sadd.s32 $0x16600, s6;
	s5 =	sshll.u32 s7, $0x4  }
0x9: {  	_ =	strace $0x80000047;
	s9 =	smul.u32 $0xC80, s3;
	s10 =	sor.u32 $0x10, s3  }
0xa: {  	s11 =	ssub.s32 $0x2, s7;
	s14 =	smul.u32 $0x13880, s7;
	s26 =	sshll.u32 s3, $0x6  }
0xb: {  	p0 =	sgt.u32 s3, $0x8;
	s5 =	sor.u32 s3, s5;
	s12 =	smul.u32 $0x3200, s10  }
0xc: {  	s25 =	sshrl.u32 s11, $0x1;
	s10 =	smul.u32 $0xC80, s10;
	s7 =	sor.u32 $0x1C03, s26  }
0xd: {  	s8 =	smul.u32 $0x4E2, s5;
	s5 =	sadd.s32 $0x16400, s6;
	s11 =	ssub.s32 s11, s25  }
0xe: {  	s15 =	sadd.s32 s9, s2;
	s9 =	sadd.s32 s9, s14;
	s25 =	simm.s32 $0x0  }
0xf: {  	s28 =	sshrl.u32 s12, $0x2;
	s29 =	sadd.s32 s14, s10;
	s30 =	sshrl.u32 s9, $0x3  }
0x10: {  	s24 =	sadd.s32 s10, s2;
	s10 =	smax.u32 s11, $0x1;
	s11 =	simm.s32 $0x2710  }
0x11: {  	s12 =	sshrl.u32 s15, $0x3;
	s15 =	simm.s32 $0x50;
	s8 =	sadd.s32 s8, s6  }
0x12: {  	s14 =	sadd.s32 s28, s2;
	s31 =	sshrl.u32 s29, $0x3;
	s6 =	sadd.s32 $0xC600, s8  }
0x13: {  	s8 =	sadd.s32 s13, s30;
	s9 =	sadd.s32 s13, s31;
	s13 =	sshll.u32 @!p0 s3, $0x6  }
0x14: {  	s24 =	sshrl.u32 @!p0 s24, $0x3;
	s14 =	sshrl.u32 @!p0 s14, $0x3;
	s13 =	sor.u32 @!p0 $0x1C04, s13  }
.LBB2_1:
0x15: {  	[tilespmem:s4], [sflag:$0x1] =	stream.linear.gather [hbm4b:s6+s4], $0x2710, $0x38;
	[tilespmem:$0x3DE0] =	vst v63  }
0x16: {  	s26 =	simm.s32 @p0 $0x1  }
0x17: {  	[tilespmem:s11], [sflag:$0x2] =	stream.linear.gather [hbm4b:s5+s4], $0x280, $0x38;
	[tilespmem:$0x3DE0] =	vst v63  }
0x18: {  	[spmem:s12], [sflag:s7] =	dma.local [hbm:s1], $0x190  }
0x19: {  	_ =	swait.ge @p0 [sflag:s26], $0x2710  }
0x1a: {  	[sflag:s26] =	ssyncset.done @p0 $0x0  }
0x1b: {  	[sflag:s26] =	ssyncadd.s32 @p0 $0xFFFFD8F0;
	s26 =	simm.s32 @p0 $0x2  }
0x1c: {  	_ =	swait.ge @p0 [sflag:s26], $0x280  }
0x1d: {  	[sflag:s26] =	ssyncset.done @p0 $0x0  }
0x1e: {  	[sflag:s26] =	ssyncadd.s32 @p0 $0xFFFFFD80;
	s26 =	simm.s32 @!p0 $0x1  }
0x1f: {  	[spmem:s14], [sflag:s13] =	dma.local @!p0 [hbm:s1], $0x190  }
0x20: {  	_ =	swait.ge @!p0 [sflag:s26], $0x2710  }
0x21: {  	[sflag:s26] =	ssyncset.done @!p0 $0x0  }
0x22: {  	[sflag:s26] =	ssyncadd.s32 @!p0 $0xFFFFD8F0;
	s26 =	simm.s32 @!p0 $0x2  }
0x23: {  	_ =	swait.ge @!p0 [sflag:s26], $0x280  }
0x24: {  	[sflag:s26] =	ssyncset.done @!p0 $0x0  }
0x25: {  	[sflag:s26] =	ssyncadd.s32 @!p0 $0xFFFFFD80;
	s26 =	simm.s32 @!p0 $0x3  }
0x26: {  	_ =	swait.ge @!p0 [sflag:s26], $0x190  }
0x27: {  	s28 =	simm.s32 @!p0 $0x4;
	[sflag:s26] =	ssyncset.done @!p0 $0x0  }
0x28: {  	s28 =	simm.s32 @p0 $0x3;
	[sflag:s26] =	ssyncadd.s32 @!p0 $0xFFFFFE70  }
0x29: {  	_ =	swait.ge [sflag:s28], $0x190  }
0x2a: {  	[sflag:s28] =	ssyncset.done $0x0  }
0x2b: {  	[sflag:s28] =	ssyncadd.s32 $0xFFFFFE70  }
0x2c: {  	[bflag:$0x0] =	sbarrier.arrive $0xFFFF  }
0x2d: {  	[spmem:s2] =	stream.indirect.scatter.add.f32 [tilespmem:s11], [sflag:$0x1], $0x8, s4, s15, $0xb8;
	[tilespmem:$0x3DE0] =	vst v63  }
0x2e: {  	_ = 	snop  }
0x2f: {  	[spmem:s2] =	stream.indirect.scatter.add.f32 [tilespmem:s11], [sflag:$0x2], $0x8, s15, s15, $0xb8;
	[tilespmem:$0x3DE0] =	vst v63  }
0x30: {  	_ = 	snop  }
0x31: {  	[spmem:s2] =	stream.indirect.scatter.add.f32 [tilespmem:s11], [sflag:$0x3], $0x8, s16, s15, $0xb8;
	[tilespmem:$0x3DE0] =	vst v63  }
0x32: {  	_ = 	snop  }
0x33: {  	[spmem:s2] =	stream.indirect.scatter.add.f32 [tilespmem:s11], [sflag:$0x4], $0x8, s17, s15, $0xb8;
	[tilespmem:$0x3DE0] =	vst v63  }
0x34: {  	_ = 	snop  }
0x35: {  	[spmem:s2] =	stream.indirect.scatter.add.f32 [tilespmem:s11], [sflag:$0x5], $0x8, s18, s15, $0xb8;
	[tilespmem:$0x3DE0] =	vst v63  }
0x36: {  	_ =	swait.ge [sflag:s19], $0x280  }
0x37: {  	[sflag:s19] =	ssyncset.done $0x0  }
0x38: {  	s31 =	simm.s32 $0x190;
	[sflag:s19] =	ssyncadd.s32 $0xFFFFFD80  }
0x39: {  	[spmem:s2] =	stream.indirect.scatter.add.f32 [tilespmem:s11], [sflag:$0x1], $0x8, s31, s15, $0xb8;
	[tilespmem:$0x3DE0] =	vst v63  }
0x3a: {  	_ =	swait.ge [sflag:s20], $0x280  }
0x3b: {  	[sflag:s20] =	ssyncset.done $0x0  }
0x3c: {  	s29 =	simm.s32 $0x1E0;
	[sflag:s20] =	ssyncadd.s32 $0xFFFFFD80  }
0x3d: {  	[spmem:s2] =	stream.indirect.scatter.add.f32 [tilespmem:s11], [sflag:$0x2], $0x8, s29, s15, $0xb8;
	[tilespmem:$0x3DE0] =	vst v63  }
0x3e: {  	_ =	swait.ge [sflag:s21], $0x280  }
0x3f: {  	[sflag:s21] =	ssyncset.done $0x0  }
0x40: {  	s30 =	simm.s32 $0x230;
	[sflag:s21] =	ssyncadd.s32 $0xFFFFFD80  }
0x41: {  	[spmem:s2] =	stream.indirect.scatter.add.f32 [tilespmem:s11], [sflag:$0x3], $0x8, s30, s15, $0xb8;
	[tilespmem:$0x3DE0] =	vst v63  }
0x42: {  	_ =	swait.ge [sflag:s22], $0x280  }
0x43: {  	[sflag:s22] =	ssyncset.done $0x0  }
0x44: {  	s31 =	simm.s32 $0x280;
	[sflag:s22] =	ssyncadd.s32 $0xFFFFFD80  }
0x45: {  	[spmem:s2] =	stream.indirect.scatter.add.f32 [tilespmem:s11], [sflag:$0x4], $0x8, s31, s15, $0xb8;
	[tilespmem:$0x3DE0] =	vst v63  }
0x46: {  	_ =	swait.ge [sflag:s23], $0x280  }
0x47: {  	[sflag:s23] =	ssyncset.done $0x0  }
0x48: {  	s26 =	simm.s32 $0xFFFF7040;
	s28 =	simm.s32 $0x2D0;
	[sflag:s23] =	ssyncadd.s32 $0xFFFFFD80  }
.LBB2_2:
0x49: {  	[spmem:s2] =	stream.indirect.scatter.add.f32 [tilespmem:s11], [sflag:$0x5], $0x8, s28, s15, $0xb8;
	[tilespmem:$0x3DE0] =	vst v63  }
0x4a: {  	s28 =	smov.u32 s26  }
0x4b: {  	p1 =	sne.s32 s26, $0xFFFFF9C0;
	s26 =	sadd.s32 $0x640, s26;
	_ =	swait.ge [sflag:s19], $0x280  }
0x4c: {  	s28 =	sshra.s32 s28, $0x2;
	[sflag:s19] =	ssyncset.done $0x0  }
0x4d: {  	s29 =	sadd.s32 $0x2710, s28;
	[sflag:s19] =	ssyncadd.s32 $0xFFFFFD80  }
0x4e: {  	[spmem:s2] =	stream.indirect.scatter.add.f32 [tilespmem:s11], [sflag:$0x1], $0x8, s29, s15, $0xb8;
	[tilespmem:$0x3DE0] =	vst v63  }
0x4f: {  	_ =	swait.ge [sflag:s20], $0x280  }
0x50: {  	[sflag:s20] =	ssyncset.done $0x0  }
0x51: {  	s29 =	sadd.s32 $0x2760, s28;
	[sflag:s20] =	ssyncadd.s32 $0xFFFFFD80  }
0x52: {  	[spmem:s2] =	stream.indirect.scatter.add.f32 [tilespmem:s11], [sflag:$0x2], $0x8, s29, s15, $0xb8;
	[tilespmem:$0x3DE0] =	vst v63  }
0x53: {  	_ =	swait.ge [sflag:s21], $0x280  }
0x54: {  	[sflag:s21] =	ssyncset.done $0x0  }
0x55: {  	s29 =	sadd.s32 $0x27B0, s28;
	[sflag:s21] =	ssyncadd.s32 $0xFFFFFD80  }
0x56: {  	[spmem:s2] =	stream.indirect.scatter.add.f32 [tilespmem:s11], [sflag:$0x3], $0x8, s29, s15, $0xb8;
	[tilespmem:$0x3DE0] =	vst v63  }
0x57: {  	_ =	swait.ge [sflag:s22], $0x280  }
0x58: {  	[sflag:s22] =	ssyncset.done $0x0  }
.Ltmp0:
0x59: {  	s29 =	sadd.s32 $0x2800, s28;
	[sflag:s22] =	ssyncadd.s32 $0xFFFFFD80;
	(pc) =	sbr.rel @p1 .LBB2_2-.Ltmp0, $4  }
0x5a: {  	[spmem:s2] =	stream.indirect.scatter.add.f32 [tilespmem:s11], [sflag:$0x4], $0x8, s29, s15, $0xb8;
	[tilespmem:$0x3DE0] =	vst v63  }
0x5b: {  	_ =	swait.ge [sflag:s23], $0x280  }
0x5c: {  	[sflag:s23] =	ssyncset.done $0x0  }
0x5d: {  	s28 =	sadd.s32 $0x2850, s28;
	[sflag:s23] =	ssyncadd.s32 $0xFFFFFD80  }
0x5e: {  	[spmem:s2] =	stream.indirect.scatter.add.f32 [tilespmem:s11], [sflag:$0x5], $0x8, s28, s15, $0xb8;
	[tilespmem:$0x3DE0] =	vst v63  }
0x5f: {  	_ =	swait.ge [sflag:s19], $0x280  }
0x60: {  	[sflag:s19] =	ssyncset.done $0x0  }
0x61: {  	[sflag:s19] =	ssyncadd.s32 $0xFFFFFD80  }
0x62: {  	_ =	swait.ge [sflag:s20], $0x280  }
0x63: {  	[sflag:s20] =	ssyncset.done $0x0  }
0x64: {  	[sflag:s20] =	ssyncadd.s32 $0xFFFFFD80  }
0x65: {  	_ =	swait.ge [sflag:s21], $0x280  }
0x66: {  	[sflag:s21] =	ssyncset.done $0x0  }
0x67: {  	[sflag:s21] =	ssyncadd.s32 $0xFFFFFD80  }
0x68: {  	_ =	swait.ge [sflag:s22], $0x280  }
0x69: {  	[sflag:s22] =	ssyncset.done $0x0  }
0x6a: {  	[sflag:s22] =	ssyncadd.s32 $0xFFFFFD80  }
0x6b: {  	_ =	swait.ge [sflag:s23], $0x280  }
0x6c: {  	[sflag:s23] =	ssyncset.done $0x0  }
0x6d: {  	[sflag:s23] =	ssyncadd.s32 $0xFFFFFD80  }
0x6e: {  	s26 =	simm.s32 @!p0 $0x3;
	s25 =	sadd.s32 $0x1, s25;
	[bflag:$0x0] =	sbarrier.arrive $0xFFFF  }
0x6f: {  	[hbm:s8], [sflag:s7] =	dma.local [spmem:s12], $0x190  }
0x70: {  	[hbm:s9], [sflag:s13] =	dma.local @!p0 [spmem:s24], $0x190  }
0x71: {  	p1 =	sne.s32 s25, s10;
	_ =	swait.ge @!p0 [sflag:s26], $0x190  }
.Ltmp1:
0x72: {  	s28 =	simm.s32 @!p0 $0x4;
	[sflag:s26] =	ssyncset.done @!p0 $0x0;
	(pc) =	sbr.rel @p1 .LBB2_1-.Ltmp1, $4  }
0x73: {  	s28 =	simm.s32 @p0 $0x3;
	[sflag:s26] =	ssyncadd.s32 @!p0 $0xFFFFFE70  }
0x74: {  	_ =	swait.ge [sflag:s28], $0x190  }
0x75: {  	[sflag:s28] =	ssyncset.done $0x0  }
0x76: {  	[sflag:s28] =	ssyncadd.s32 $0xFFFFFE70  }
0x77: {  	_ =	sfence.sel $0x180000  }
0x78: {  	[bflag:$0x0] =	sbarrier.arrive $0xFFFF  }
0x79: {  	p0 =	sne.s32 s3, $0x0;
	_ =	strace $0x90000047  }
0x7a: {  	s0 =	sadd.s32 @!p0 $0x100000, s0;
	[bflag:$0x2] =	sbarrier.arrive $0xFFFF  }
0x7b: {  	[sflag:s0] =	ssyncadd.tile.s32 @!p0 $0x1;
	_ =	shalt  }
.Lfunc_end2:
_tile_overlayer_lowered:
.L_overlay_start_2:
0x7c: {  	(tag) =	ssettag $0x2  }
0x7d: {  	s0 =	rddreg [dreg:$0x0];
	s2 =	stileid.u32  }
0x7e: {  	s1 =	rddreg [dreg:$0x1];
	p0 =	sne.s32 s2, $0x0  }
0x7f: {  	s3 =	rddreg [dreg:$0x2];
	[bflag:$0x3] =	sbarrier.arrive $0xFFFF;
	s2 =	simm.s32 @!p0 $0x1C06  }
0x80: {  	[timem:s3], [sflag:s2] =	dma.local @!p0 [hbm:s0], s1  }
0x81: {  	s0 =	simm.s32 @!p0 $0x6  }
0x82: {  	_ =	swait.ge @!p0 [sflag:s0], s1  }
0x83: {  	s1 =	ssub.s32 @!p0 $0x0, s1;
	[sflag:s0] =	ssyncset.done @!p0 $0x0  }
0x84: {  	[sflag:s0] =	ssyncadd.s32 @!p0 s1  }
0x85: {  	[bflag:$0x3] =	sbarrier.arrive $0xFFFF  }
0x86: {  	_ =	shalt  }

// kernel: kernel.15.cloned.1.call-start
scs
__scs_entry_jumppad:
0x0: {  	(pc) =	sbr.rel $0x88, $3  }
0x1: {  	(tag) =	ssettag $0x0;
	lr =	simm.s32 $0x1  }
0x2: {  	[smem:$0x3F96] =	sst lr;
	_ =	strace $0xD0000000  }
0x3: {  	_ = 	snop  }
0x4: {  	_ = 	snop  }
0x5: {  	_ = 	snop  }
0x6: {  	_ = 	snop  }
0x7: {  	_ = 	snop  }
__scs_overlays_trampoline_lowered:
0x8: {  	[smem:$0x3FA5] =	sst s0  }
0x9: {  	[smem:$0x3FA6] =	sst s1  }
0xa: {  	[smem:$0x3FA7] =	sst s2  }
0xb: {  	[smem:$0x3FA8] =	sst s3  }
0xc: {  	[smem:$0x3FA9] =	sst s4  }
0xd: {  	[smem:$0x3FAA] =	sst s5  }
0xe: {  	[smem:$0x3FAB] =	sst s6  }
0xf: {  	[smem:$0x3FAC] =	sst s7  }
0x10: {  	[smem:$0x3FAD] =	sst s8  }
0x11: {  	[smem:$0x3FAE] =	sst s9;
	s0 =	simm.s32 @!p0 $0x0  }
0x12: {  	s1 =	sld [smem:$0x3F94];
	s0 =	simm.s32 @p0 $0x1  }
0x13: {  	[smem:$0x3FAF] =	sst s0;
	s0 =	simm.s32 @!p1 $0x0  }
0x14: {  	s2 =	sld [smem:$0x3F93];
	s0 =	simm.s32 @p1 $0x1  }
0x15: {  	[smem:$0x3FB0] =	sst s0;
	s0 =	simm.s32 @!p2 $0x0  }
0x16: {  	s3 =	sld [smem:$0x3FDB];
	s0 =	simm.s32 @p2 $0x1  }
0x17: {  	s4 =	simm.s32 $0x1BF5;
	[smem:$0x3FB2] =	sst s0  }
0x18: {  	s0 =	sld [smem:$0x3F95];
	_ =	swait.ge [sflag:s4], $0x0  }
0x19: {  	s7 =	sld [smem:$0x3F96]  }
0x1a: {  	s8 =	sadd.s32 $0xFFFFE003, lr  }
0x1b: {  	s9 =	sadd.s32 $0xFFFFFEF7, lr;
	s5 =	simm.s32 $0xFFFFFFFF;
	p2 =	slt.u32 s8, $0xFFFFF086  }
0x1c: {  	p1 =	slt.u32 s9, $0xF7A;
	s5 =	simm.s32 @!p2 $0x0  }
0x1d: {  	s5 =	simm.s32 @p1 $0x1;
	p0 =	seq.s32 s7, s2  }
0x1e: {  	s7 =	smul.u32 @!p0 $0xF7A, s2;
	p2 =	seq.s32 @!p0 s5, $0x0  }
0x1f: {  	s9 =	smul.u32 $0xF7A, s1;
	s8 =	simm.s32 @!p0 $0x1BF5;
	p2 =	por !p2, p0  }
0x20: {  	[sflag:s8] =	ssyncset.s32 @!p0 $0xFFFFF086;
	s6 =	sadd.s32 @!p0 s3, s7;
	s7 =	simm.s32 @!p0 $0x108  }
0x21: {  	s3 =	sadd.s32 s3, s9;
	s6 =	sadd.s32 @!p0 $0x88, s6;
	s7 =	simm.s32 @p2 $0x1082  }
0x22: {  	[simem:s7], [sflag:s8] =	dma.local @!p0 [hbm:s6], $0xF7A  }
0x23: {  	s9 =	sor.u32 $0xD0000000, s2;
	s6 =	simm.s32 $0x108;
	_ =	swait.ge @!p0 [sflag:s8], $0x0  }
0x24: {  	s3 =	sadd.s32 $0x88, s3;
	s6 =	simm.s32 @!p1 $0x1082;
	[sflag:s4] =	ssyncset.s32 $0xFFFFF086  }
0x25: {  	[simem:s6], [sflag:s4] =	dma.local [hbm:s3], $0xF7A  }
0x26: {  	[smem:$0x3F96] =	sst s1;
	(tag) =	ssettag s2;
	_ =	strace s9  }
0x27: {  	s1 =	sld [smem:$0x3FA6]  }
0x28: {  	s2 =	sld [smem:$0x3FA7]  }
0x29: {  	s4 =	sld [smem:$0x3FA9]  }
0x2a: {  	p0 =	seq.s32 s5, $0x0;
	s5 =	sld [smem:$0x3FAA]  }
0x2b: {  	s6 =	sld [smem:$0x3FAB]  }
0x2c: {  	s7 =	sld [smem:$0x3FAC]  }
0x2d: {  	s3 =	simm.s32 $0x108;
	s8 =	sld [smem:$0x3FAD]  }
0x2e: {  	s3 =	simm.s32 @!p0 $0x1082;
	s9 =	sld [smem:$0x3FAE]  }
0x2f: {  	lr =	sadd.s32 s0, s3;
	s0 =	sld [smem:$0x3FA5]  }
0x30: {  	s3 =	sld [smem:$0x3FA8]  }
0x31: {  	[smem:$0x3FB1] =	sst s10  }
0x32: {  	s10 =	sld [smem:$0x3FAF];
	_ =	sdelay $0x3  }
0x33: {  	p0 =	seq.s32 s10, $0x1;
	s10 =	sld [smem:$0x3FB1];
	_ =	sdelay $0x3  }
0x34: {  	[smem:$0x3FB1] =	sst s10  }
0x35: {  	s10 =	sld [smem:$0x3FB0];
	_ =	sdelay $0x3  }
0x36: {  	p1 =	seq.s32 s10, $0x1;
	s10 =	sld [smem:$0x3FB1];
	_ =	sdelay $0x3  }
0x37: {  	[smem:$0x3FB1] =	sst s10  }
0x38: {  	s10 =	sld [smem:$0x3FB2]  }
0x39: {  	_ = 	snop;
	(pc) =	sbr.ind lr, $3  }
0x3a: {  	_ = 	snop  }
0x3b: {  	_ = 	snop  }
0x3c: {  	p2 =	seq.s32 s10, $0x1;
	s10 =	sld [smem:$0x3FB1]  }
0x3d: {  	_ =	shalt  }
0x3e: {  	_ =	shalt  }
0x3f: {  	_ =	shalt  }
0x40: {  	_ =	shalt  }
0x41: {  	_ =	shalt  }
0x42: {  	_ =	shalt  }
0x43: {  	_ =	shalt  }
0x44: {  	_ =	shalt  }
0x45: {  	_ =	shalt  }
0x46: {  	_ =	shalt  }
0x47: {  	_ =	shalt  }
0x48: {  	_ =	shalt  }
0x49: {  	_ =	shalt  }
0x4a: {  	_ =	shalt  }
0x4b: {  	_ =	shalt  }
0x4c: {  	_ =	shalt  }
0x4d: {  	_ =	shalt  }
0x4e: {  	_ =	shalt  }
0x4f: {  	_ =	shalt  }
0x50: {  	_ =	shalt  }
0x51: {  	_ =	shalt  }
0x52: {  	_ =	shalt  }
0x53: {  	_ =	shalt  }
0x54: {  	_ =	shalt  }
0x55: {  	_ =	shalt  }
0x56: {  	_ =	shalt  }
0x57: {  	_ =	shalt  }
0x58: {  	_ =	shalt  }
0x59: {  	_ =	shalt  }
0x5a: {  	_ =	shalt  }
0x5b: {  	_ =	shalt  }
0x5c: {  	_ =	shalt  }
0x5d: {  	_ =	shalt  }
0x5e: {  	_ =	shalt  }
0x5f: {  	_ =	shalt  }
0x60: {  	_ =	shalt  }
0x61: {  	_ =	shalt  }
0x62: {  	_ =	shalt  }
0x63: {  	_ =	shalt  }
0x64: {  	_ =	shalt  }
0x65: {  	_ =	shalt  }
0x66: {  	_ =	shalt  }
0x67: {  	_ =	shalt  }
0x68: {  	_ =	shalt  }
0x69: {  	_ =	shalt  }
0x6a: {  	_ =	shalt  }
0x6b: {  	_ =	shalt  }
0x6c: {  	_ =	shalt  }
0x6d: {  	_ =	shalt  }
0x6e: {  	_ =	shalt  }
0x6f: {  	_ =	shalt  }
0x70: {  	_ =	shalt  }
0x71: {  	_ =	shalt  }
0x72: {  	_ =	shalt  }
0x73: {  	_ =	shalt  }
0x74: {  	_ =	shalt  }
0x75: {  	_ =	shalt  }
0x76: {  	_ =	shalt  }
0x77: {  	_ =	shalt  }
0x78: {  	_ =	shalt  }
0x79: {  	_ =	shalt  }
0x7a: {  	_ =	shalt  }
0x7b: {  	_ =	shalt  }
0x7c: {  	_ =	shalt  }
0x7d: {  	_ =	shalt  }
0x7e: {  	_ =	shalt  }
0x7f: {  	_ =	shalt  }
0x80: {  	_ =	shalt  }
0x81: {  	_ =	shalt  }
0x82: {  	_ =	shalt  }
0x83: {  	_ =	shalt  }
0x84: {  	_ =	shalt  }
0x85: {  	_ =	shalt  }
0x86: {  	_ =	shalt  }
0x87: {  	_ =	shalt  }
.Lfunc_end0:
.L_simem_size_0:
called_computation.1_lowered:
.L_overlay_start_0:
0x88: {  	s2 =	sld [smem:$0x3FD9]  }
0x89: {  	s3 =	sld [smem:$0x3FFE];
	_ =	sdelay $0x1  }
0x8a: {  	s1 =	srdreg.scid  }
0x8b: {  	s0 =	sand.u32 $0x1, s1  }
0x8c: {  	s16 =	sshll.u32 s0, $0xA;
	s2 =	sadd.s32 s3, s2  }
0x8d: {  	s2 =	sadd.s32 s2, s16  }
0x8e: {  	[smem:$0x3FBD] =	sst s2  }
0x8f: {  	_ = 	snop  }
0x90: {  	(tm) =	ssettm $0x1  }
0x91: {  	s17 =	sld [smem:$0x3FFB];
	_ =	sdelay $0x3  }
0x92: {  	_ =	strace s17  }
0x93: {  	s2 =	sld [smem:$0x3FFC];
	_ =	sdelay $0x3  }
0x94: {  	_ =	strace s2  }
0x95: {  	s2 =	sld [smem:$0x3FFD];
	_ =	sdelay $0x3  }
0x96: {  	_ =	strace s2  }
0x97: {  	_ =	strace $0x8FFFFFFF  }
0x98: {  	s18 =	sld [smem:$0x3FDB];
	_ =	sdelay $0x1  }
0x99: {  	s19 =	simm.s32 $_scs_section_size  }
0x9a: {  	s4 =	simm.s32 $_size__tile_overlayer_lowered;
	s5 =	simm.s32 $_tile_overlayer_lowered  }
0x9b: {  	s22 =	simm.s32 $0x1BFF;
	s21 =	sshll.u32 s5, $0x1;
	s2 =	sadd.s32 s19, s18  }
0x9c: {  	s6 =	simm.s32 $0x0;
	s20 =	sshll.u32 s4, $0x1;
	s4 =	sadd.s32 s21, s2  }
0x9d: {  	[timem:s6], [sflag:s22] =	dma.local [hbm:s4], s20  }
0x9e: {  	_ =	swait.ge [sflag:s22], s20  }
0x9f: {  	s3 =	ssub.s32 $0x0, s20;
	[sflag:s22] =	ssyncset.done $0x0  }
0xa0: {  	[sflag:s22] =	ssyncadd.s32 s3;
	_ =	sdelay $0x1  }
0xa1: {  	s23 =	simm.s32 $0x1B8B  }
0xa2: {  	_ =	swait.ge [sflag:s23], $0x1  }
0xa3: {  	[sflag:s23] =	ssyncset.done $0x0  }
0xa4: {  	s25 =	simm.s32 $0x1B8E;
	s24 =	sld [smem:$0x3FFE];
	[sflag:s23] =	ssyncadd.s32 $0xFFFFFFFF  }
0xa5: {  	s26 =	simm.s32 $execute0_lowered;
	[smem:$0x3FD2] =	sst s25  }
0xa6: {  	s4 =	sshll.u32 s26, $0x1;
	_ =	strace $0x80000049;
	[dreg:$0x1] =	wrdreg $0xFFFFFFFF  }
0xa7: {  	s28 =	simm.s32 $_size_execute0_lowered;
	s2 =	sadd.s32 s2, s4;
	[dreg:$0x0] =	wrdreg $0x0  }
0xa8: {  	s4 =	sshll.u32 s28, $0x1;
	[dreg:$0x2] =	wrdreg s2  }
0xa9: {  	[dreg:$0x3] =	wrdreg s4  }
0xaa: {  	[dreg:$0x4] =	wrdreg $0xC0  }
0xab: {  	_ =	task [dreg:s6], $0x5FFFF  }
0xac: {  	[dreg:$0x1] =	wrdreg $0xFFFFFFFF  }
0xad: {  	[dreg:$0x0] =	wrdreg $0x60  }
0xae: {  	[dreg:$0x2] =	wrdreg s24  }
0xaf: {  	[dreg:$0x3] =	wrdreg $0xB2200  }
0xb0: {  	[dreg:$0x4] =	wrdreg $0x9  }
0xb1: {  	_ =	task.clear_ibuf [dreg:s6], $0x5FFFF;
	_ =	strace $0x90000049  }
0xb2: {  	s29 =	simm.s32 $0x9;
	_ =	strace $0x8000004B  }
0xb3: {  	_ =	swait.ge [sflag:s29], $0x1  }
0xb4: {  	[sflag:s29] =	ssyncadd.s32 $0xFFFFFFFF  }
0xb5: {  	_ =	strace $0x9000004B  }
0xb6: {  	_ =	sfence  }
0xb7: {  	s30 =	sld [smem:$0x0];
	_ =	sdelay $0x2  }
0xb8: {  	s31 =	sshll.u32 s1, $0xD;
	s1 =	sshrl.u32 s1, $0x2  }
0xb9: {  	s3 =	sand.u32 $0x4000, s31;
	s1 =	sadd.s32 s1, s30  }
0xba: {  	s0 =	sor.u32 s3, s0;
	s1 =	sshll.u32 s1, $0x11  }
0xbb: {  	s0 =	sor.u32 s1, s0  }
0xbc: {  	s0 =	sadd.s32 $0x8F2B, s0  }
0xbd: {  	[sflag:s0] =	ssyncadd.remote.s32 $0x1  }
0xbe: {  	_ =	sfence.sel $0xFFFF  }
0xbf: {  	[dreg:$0x0] =	wrdreg $0xFFFFFFFF;
	(pc) =	sbr.abs _section_cstart, $3  }
0xc0: {  	[dreg:$0x1] =	wrdreg $0xFFFFFFFF  }
0xc1: {  	_ =	task.clear_ibuf [dreg:s6], $0x2FFFF;
	_ =	strace $0x9FFFFFFF  }
0xc2: {  	(tm) =	ssettm $0x7FFFFFFF  }
0xc3: {  	_ =	shalt  }
tec
execute0_lowered:
.L_overlay_start_1:
0x0: {  	(tag) =	ssettag $0x1  }
0x1: {  	s1 =	rddreg [dreg:$0x0]  }
0x2: {  	s0 =	srdreg.scid;
	s2 =	rddreg [dreg:$0x1]  }
0x3: {  	s13 =	stileid.u32;
	s3 =	simm.s32 $0x0;
	s17 =	simm.s32 $0x6  }
0x4: {  	s18 =	simm.s32 $0x7;
	s19 =	simm.s32 $0x50;
	s20 =	simm.s32 $0x4E20  }
0x5: {  	s21 =	simm.s32 $0x6220;
	s28 =	simm.s32 $0x9E20;
	s29 =	simm.s32 $0x8  }
0x6: {  	s30 =	simm.s32 $0x1;
	s31 =	simm.s32 $0x2;
	s0 =	sand.u32 $0x1, s0  }
0x7: {  	[smem:$0x7FF] =	sst s3;
	s9 =	smul.u32 $0x6400, s13;
	s25 =	sshll.u32 s13, $0x6  }
0x8: {  	p0 =	sgt.u32 s13, $0x8;
	s4 =	sshll.u32 s0, $0x4;
	_ =	strace $0x8000004A  }
0x9: {  	s6 =	ssub.s32 $0x2, s0;
	s0 =	smul.u32 $0x9C400, s0;
	s8 =	sor.u32 $0x1C08, s25  }
0xa: {  	s25 =	simm.s32 $0x8A20;
	s4 =	sor.u32 s13, s4;
	s7 =	sshrl.u32 s6, $0x1  }
0xb: {  	s23 =	sadd.s32 s9, s2;
	s24 =	sshrl.u32 s9, $0x3;
	s10 =	sadd.s32 $0x64000, s9  }
0xc: {  	s5 =	smul.u32 $0x4E2, s4;
	s4 =	sadd.s32 $0x16400, s1;
	s6 =	ssub.s32 s6, s7  }
0xd: {  	s9 =	sadd.s32 s9, s0;
	s11 =	sshrl.u32 s10, $0x3;
	s0 =	sadd.s32 s0, s10  }
0xe: {  	s14 =	sshrl.u32 s23, $0x3;
	s23 =	simm.s32 $0x7620;
	s7 =	sadd.s32 s4, s24  }
0xf: {  	s9 =	sshrl.u32 s9, $0x3;
	s26 =	sadd.s32 s4, s11;
	s0 =	sshrl.u32 s0, $0x3  }
0x10: {  	s12 =	smax.u32 s6, $0x1;
	s24 =	simm.s32 $0x9;
	s5 =	sadd.s32 s5, s1  }
0x11: {  	s1 =	sadd.s32 $0x29E00, s1;
	[dreg:$0x5] =	wrdreg s7;
	s7 =	sadd.s32 s10, s2  }
0x12: {  	[dreg:$0x6] =	wrdreg s26;
	s26 =	simm.s32 $0x5;
	s22 =	sadd.s32 $0x2800, s5  }
.Ltmp0:
0x13: {  	s5 =	sadd.s32 $0xC600, s5;
	[dreg:$0x3] =	wrdreg s22;
	(pc) =	sbr.rel .LBB2_1-.Ltmp0, $4  }
0x14: {  	s9 =	sadd.s32 s1, s9;
	s0 =	sadd.s32 s1, s0;
	[dreg:$0x4] =	wrdreg s5  }
0x15: {  	s16 =	sshrl.u32 @!p0 s7, $0x3;
	s1 =	simm.s32 $0xA;
	[dreg:$0x7] =	wrdreg s9  }
0x16: {  	[dreg:$0x8] =	wrdreg s0;
	s0 =	sshll.u32 @!p0 s13, $0x6;
	s22 =	simm.s32 $0x3  }
0x17: {  	s5 =	simm.s32 $0x0;
	s15 =	sor.u32 @!p0 $0x1C09, s0;
	s0 =	simm.s32 $0x4  }
.LBB2_4:
0x18: {  	_ =	swait.ge [sflag:s26], $0x1400  }
0x19: {  	[sflag:s26] =	ssyncset.done $0x0  }
0x1a: {  	[sflag:s26] =	ssyncadd.s32 $0xFFFFEC00  }
0x1b: {  	[spmem:s2] =	stream.indirect.scatter.add.f32 [tilespmem:s28], [sflag:$0xA], $0x40, s9, s19, $0xb8;
	[tilespmem:$0x154A0] =	vst v63  }
0x1c: {  	_ =	swait.ge [sflag:s24], $0x1400  }
0x1d: {  	[sflag:s24] =	ssyncset.done $0x0  }
0x1e: {  	[sflag:s24] =	ssyncadd.s32 $0xFFFFEC00  }
0x1f: {  	_ =	swait.ge [sflag:s1], $0x1400  }
0x20: {  	[sflag:s1] =	ssyncset.done $0x0  }
0x21: {  	[sflag:s1] =	ssyncadd.s32 $0xFFFFEC00  }
0x22: {  	[bflag:$0x0] =	sbarrier.arrive $0xFFFF  }
0x23: {  	s6 =	rddreg [dreg:$0x7]  }
0x24: {  	[hbm:s6], [sflag:s8] =	dma.local [spmem:s14], $0xC80  }
0x25: {  	s6 =	rddreg [dreg:$0x8]  }
0x26: {  	[hbm:s6], [sflag:s15] =	dma.local @!p0 [spmem:s16], $0xC80  }
0x27: {  	s5 =	sadd.s32 $0x1, s5;
	s6 =	simm.s32 @!p0 $0x8  }
0x28: {  	p1 =	sne.s32 s5, s12;
	_ =	swait.ge @!p0 [sflag:s6], $0xC80  }
.Ltmp1:
0x29: {  	s7 =	simm.s32 @!p0 $0x9;
	[sflag:s6] =	ssyncset.done @!p0 $0x0;
	(pc) =	sbr.rel @!p1 .LBB2_5-.Ltmp1, $4  }
0x2a: {  	s7 =	simm.s32 @p0 $0x8;
	[sflag:s6] =	ssyncadd.s32 @!p0 $0xFFFFF380  }
0x2b: {  	_ =	swait.ge [sflag:s7], $0xC80  }
0x2c: {  	[sflag:s7] =	ssyncset.done $0x0  }
0x2d: {  	[sflag:s7] =	ssyncadd.s32 $0xFFFFF380  }
.LBB2_1:
0x2e: {  	s6 =	rddreg [dreg:$0x3]  }
0x2f: {  	s9 =	rddreg [dreg:$0x4]  }
0x30: {  	[tilespmem:s3], [sflag:$0x6] =	stream.linear.gather [hbm4b:s6+s3], $0x2710, $0x38;
	[tilespmem:$0x154A0] =	vst v63  }
0x31: {  	s7 =	simm.s32 $0x2710;
	s10 =	rddreg [dreg:$0x5]  }
0x32: {  	[tilespmem:s7], [sflag:$0x7] =	stream.linear.gather [hbm4b:s9+s3], $0x2710, $0x38;
	[tilespmem:$0x154A0] =	vst v63  }
0x33: {  	[spmem:s14], [sflag:s8] =	dma.local [hbm:s10], $0xC80  }
0x34: {  	s6 =	rddreg [dreg:$0x6]  }
0x35: {  	[spmem:s16], [sflag:s15] =	dma.local @!p0 [hbm:s6], $0xC80  }
0x36: {  	_ =	swait.ge [sflag:s17], $0x2710  }
0x37: {  	[sflag:s17] =	ssyncset.done $0x0  }
0x38: {  	[sflag:s17] =	ssyncadd.s32 $0xFFFFD8F0  }
0x39: {  	_ =	swait.ge [sflag:s18], $0x2710  }
0x3a: {  	[sflag:s18] =	ssyncset.done $0x0  }
0x3b: {  	[sflag:s18] =	ssyncadd.s32 $0xFFFFD8F0  }
0x3c: {  	[tilespmem:s20], [sflag:$0x1] =	stream.indirect.gather [hbm4b:s4+s19], $0x40, s3, s19, $0xb8;
	[tilespmem:$0x154A0] =	vst v63  }
0x3d: {  	_ = 	snop  }
0x3e: {  	[tilespmem:s21], [sflag:$0x2] =	stream.indirect.gather [hbm4b:s4+s19], $0x40, s19, s19, $0xb8;
	[tilespmem:$0x154A0] =	vst v63  }
0x3f: {  	s11 =	simm.s32 $0xA0  }
0x40: {  	[tilespmem:s23], [sflag:$0x3] =	stream.indirect.gather [hbm4b:s4+s19], $0x40, s11, s19, $0xb8;
	[tilespmem:$0x154A0] =	vst v63  }
0x41: {  	s13 =	simm.s32 $0xF0  }
0x42: {  	[tilespmem:s25], [sflag:$0x4] =	stream.indirect.gather [hbm4b:s4+s19], $0x40, s13, s19, $0xb8;
	[tilespmem:$0x154A0] =	vst v63  }
0x43: {  	s9 =	simm.s32 $0x140  }
0x44: {  	[tilespmem:s28], [sflag:$0x5] =	stream.indirect.gather [hbm4b:s4+s19], $0x40, s9, s19, $0xb8;
	[tilespmem:$0x154A0] =	vst v63  }
0x45: {  	_ =	swait.ge [sflag:s29], $0xC80  }
0x46: {  	[sflag:s29] =	ssyncset.done $0x0  }
0x47: {  	s6 =	simm.s32 @!p0 $0x9;
	[sflag:s29] =	ssyncadd.s32 $0xFFFFF380  }
0x48: {  	_ =	swait.ge @!p0 [sflag:s6], $0xC80  }
0x49: {  	[sflag:s6] =	ssyncset.done @!p0 $0x0  }
0x4a: {  	[sflag:s6] =	ssyncadd.s32 @!p0 $0xFFFFF380  }
0x4b: {  	[bflag:$0x0] =	sbarrier.arrive $0xFFFF  }
0x4c: {  	_ =	swait.ge [sflag:s30], $0x1400  }
0x4d: {  	[sflag:s30] =	ssyncset.done $0x0  }
0x4e: {  	[sflag:s30] =	ssyncadd.s32 $0xFFFFEC00  }
0x4f: {  	[spmem:s2] =	stream.indirect.scatter.add.f32 [tilespmem:s20], [sflag:$0x6], $0x40, s7, s19, $0xb8;
	[tilespmem:$0x154A0] =	vst v63  }
0x50: {  	_ =	swait.ge [sflag:s31], $0x1400  }
0x51: {  	[sflag:s31] =	ssyncset.done $0x0  }
0x52: {  	s10 =	simm.s32 $0x2760;
	[sflag:s31] =	ssyncadd.s32 $0xFFFFEC00  }
0x53: {  	[spmem:s2] =	stream.indirect.scatter.add.f32 [tilespmem:s21], [sflag:$0x7], $0x40, s10, s19, $0xb8;
	[tilespmem:$0x154A0] =	vst v63  }
0x54: {  	_ =	swait.ge [sflag:s17], $0x1400  }
0x55: {  	[sflag:s17] =	ssyncset.done $0x0  }
0x56: {  	s11 =	simm.s32 $0x190;
	[sflag:s17] =	ssyncadd.s32 $0xFFFFEC00  }
0x57: {  	[tilespmem:s20], [sflag:$0x1] =	stream.indirect.gather [hbm4b:s4+s19], $0x40, s11, s19, $0xb8;
	[tilespmem:$0x154A0] =	vst v63  }
0x58: {  	_ =	swait.ge [sflag:s22], $0x1400  }
0x59: {  	[sflag:s22] =	ssyncset.done $0x0  }
0x5a: {  	s13 =	simm.s32 $0x27B0;
	[sflag:s22] =	ssyncadd.s32 $0xFFFFEC00  }
0x5b: {  	[spmem:s2] =	stream.indirect.scatter.add.f32 [tilespmem:s23], [sflag:$0x8], $0x40, s13, s19, $0xb8;
	[tilespmem:$0x154A0] =	vst v63  }
0x5c: {  	_ =	swait.ge [sflag:s18], $0x1400  }
0x5d: {  	[sflag:s18] =	ssyncset.done $0x0  }
0x5e: {  	s7 =	simm.s32 $0x1E0;
	[sflag:s18] =	ssyncadd.s32 $0xFFFFEC00  }
0x5f: {  	[tilespmem:s21], [sflag:$0x2] =	stream.indirect.gather [hbm4b:s4+s19], $0x40, s7, s19, $0xb8;
	[tilespmem:$0x154A0] =	vst v63  }
0x60: {  	_ =	swait.ge [sflag:s0], $0x1400  }
0x61: {  	[sflag:s0] =	ssyncset.done $0x0  }
0x62: {  	s9 =	simm.s32 $0x2800;
	[sflag:s0] =	ssyncadd.s32 $0xFFFFEC00  }
0x63: {  	[spmem:s2] =	stream.indirect.scatter.add.f32 [tilespmem:s25], [sflag:$0x9], $0x40, s9, s19, $0xb8;
	[tilespmem:$0x154A0] =	vst v63  }
0x64: {  	_ =	swait.ge [sflag:s29], $0x1400  }
0x65: {  	[sflag:s29] =	ssyncset.done $0x0  }
0x66: {  	s10 =	simm.s32 $0x230;
	[sflag:s29] =	ssyncadd.s32 $0xFFFFEC00  }
0x67: {  	[tilespmem:s23], [sflag:$0x3] =	stream.indirect.gather [hbm4b:s4+s19], $0x40, s10, s19, $0xb8;
	[tilespmem:$0x154A0] =	vst v63  }
0x68: {  	_ =	swait.ge [sflag:s26], $0x1400  }
0x69: {  	[sflag:s26] =	ssyncset.done $0x0  }
0x6a: {  	s11 =	simm.s32 $0x2850;
	[sflag:s26] =	ssyncadd.s32 $0xFFFFEC00  }
0x6b: {  	[spmem:s2] =	stream.indirect.scatter.add.f32 [tilespmem:s28], [sflag:$0xA], $0x40, s11, s19, $0xb8;
	[tilespmem:$0x154A0] =	vst v63  }
0x6c: {  	_ =	swait.ge [sflag:s24], $0x1400  }
0x6d: {  	[sflag:s24] =	ssyncset.done $0x0  }
0x6e: {  	s6 =	simm.s32 $0x0;
	s13 =	simm.s32 $0x280;
	[sflag:s24] =	ssyncadd.s32 $0xFFFFEC00  }
0x6f: {  	[tilespmem:s25], [sflag:$0x4] =	stream.indirect.gather [hbm4b:s4+s19], $0x40, s13, s19, $0xb8;
	[tilespmem:$0x154A0] =	vst v63  }
.LBB2_2:
0x70: {  	_ =	swait.ge [sflag:s30], $0x1400  }
0x71: {  	s7 =	sshra.s32 s6, $0x2;
	[sflag:s30] =	ssyncset.done $0x0  }
0x72: {  	s9 =	sadd.s32 $0x28A0, s7;
	[sflag:s30] =	ssyncadd.s32 $0xFFFFEC00  }
0x73: {  	[spmem:s2] =	stream.indirect.scatter.add.f32 [tilespmem:s20], [sflag:$0x6], $0x40, s9, s19, $0xb8;
	[tilespmem:$0x154A0] =	vst v63  }
0x74: {  	_ =	swait.ge [sflag:s1], $0x1400  }
0x75: {  	[sflag:s1] =	ssyncset.done $0x0  }
0x76: {  	s10 =	sadd.s32 $0x2D0, s7;
	[sflag:s1] =	ssyncadd.s32 $0xFFFFEC00  }
0x77: {  	[tilespmem:s28], [sflag:$0x5] =	stream.indirect.gather [hbm4b:s4+s19], $0x40, s10, s19, $0xb8;
	[tilespmem:$0x154A0] =	vst v63  }
0x78: {  	_ =	swait.ge [sflag:s31], $0x1400  }
0x79: {  	[sflag:s31] =	ssyncset.done $0x0  }
0x7a: {  	s11 =	sadd.s32 $0x28F0, s7;
	[sflag:s31] =	ssyncadd.s32 $0xFFFFEC00  }
0x7b: {  	[spmem:s2] =	stream.indirect.scatter.add.f32 [tilespmem:s21], [sflag:$0x7], $0x40, s11, s19, $0xb8;
	[tilespmem:$0x154A0] =	vst v63  }
0x7c: {  	_ =	swait.ge [sflag:s17], $0x1400  }
0x7d: {  	p1 =	seq.s32 s6, $0x8FC0;
	[sflag:s17] =	ssyncset.done $0x0  }
0x7e: {  	s9 =	simm.s32 @p1 $0x3;
	[sflag:s17] =	ssyncadd.s32 $0xFFFFEC00  }
0x7f: {  	_ =	swait.ge @p1 [sflag:s9], $0x1400  }
0x80: {  	[sflag:s9] =	ssyncset.done @p1 $0x0  }
0x81: {  	[sflag:s9] =	ssyncadd.s32 @p1 $0xFFFFEC00;
	s9 =	sshra.s32 @p1 s6, $0x2  }
0x82: {  	s13 =	simm.s32 @p1 $0x7620;
	s10 =	simm.s32 @p1 $0x50;
	s9 =	sadd.s32 @p1 $0x2940, s9  }
0x83: {  	[spmem:s2] =	stream.indirect.scatter.add.f32 @p1 [tilespmem:s13], [sflag:$0x8], $0x40, s9, s10, $0xb8;
	[tilespmem:$0x154A0] =	vst v63  }
0x84: {  	s9 =	simm.s32 @p1 $0x7  }
0x85: {  	_ =	swait.ge @p1 [sflag:s9], $0x1400  }
0x86: {  	[sflag:s9] =	ssyncset.done @p1 $0x0  }
0x87: {  	[sflag:s9] =	ssyncadd.s32 @p1 $0xFFFFEC00;
	s9 =	sshra.s32 @!p1 s6, $0x2  }
0x88: {  	s11 =	simm.s32 @!p1 $0x4E20;
	s13 =	simm.s32 @!p1 $0x50;
	s10 =	sadd.s32 @!p1 $0x320, s9  }
0x89: {  	[tilespmem:s11], [sflag:$0x1] =	stream.indirect.gather @!p1 [hbm4b:s4+s13], $0x40, s10, s13, $0xb8;
	[tilespmem:$0x154A0] =	vst v63  }
0x8a: {  	s10 =	simm.s32 @!p1 $0x3  }
0x8b: {  	_ =	swait.ge @!p1 [sflag:s10], $0x1400  }
0x8c: {  	[sflag:s10] =	ssyncset.done @!p1 $0x0  }
0x8d: {  	s11 =	simm.s32 @!p1 $0x7620;
	[sflag:s10] =	ssyncadd.s32 @!p1 $0xFFFFEC00;
	s10 =	sadd.s32 @!p1 $0x2940, s9  }
0x8e: {  	[spmem:s2] =	stream.indirect.scatter.add.f32 @!p1 [tilespmem:s11], [sflag:$0x8], $0x40, s10, s13, $0xb8;
	[tilespmem:$0x154A0] =	vst v63  }
0x8f: {  	s10 =	simm.s32 @!p1 $0x7  }
0x90: {  	_ =	swait.ge @!p1 [sflag:s10], $0x1400  }
0x91: {  	[sflag:s10] =	ssyncset.done @!p1 $0x0  }
0x92: {  	s9 =	sadd.s32 @!p1 $0x370, s9;
	[sflag:s10] =	ssyncadd.s32 @!p1 $0xFFFFEC00;
	s10 =	simm.s32 @!p1 $0x6220  }
0x93: {  	[tilespmem:s10], [sflag:$0x2] =	stream.indirect.gather @!p1 [hbm4b:s4+s13], $0x40, s9, s13, $0xb8;
	[tilespmem:$0x154A0] =	vst v63  }
0x94: {  	_ =	swait.ge [sflag:s0], $0x1400  }
0x95: {  	[sflag:s0] =	ssyncset.done $0x0  }
.Ltmp2:
0x96: {  	s13 =	sadd.s32 $0x2990, s7;
	[sflag:s0] =	ssyncadd.s32 $0xFFFFEC00;
	(pc) =	sbr.rel @p1 .LBB2_4-.Ltmp2, $4  }
0x97: {  	[spmem:s2] =	stream.indirect.scatter.add.f32 [tilespmem:s25], [sflag:$0x9], $0x40, s13, s19, $0xb8;
	[tilespmem:$0x154A0] =	vst v63  }
0x98: {  	_ =	swait.ge [sflag:s29], $0x1400  }
0x99: {  	[sflag:s29] =	ssyncset.done $0x0  }
0x9a: {  	s9 =	sadd.s32 $0x29E0, s7;
	[sflag:s29] =	ssyncadd.s32 $0xFFFFEC00  }
0x9b: {  	s10 =	sadd.s32 $0x3C0, s7  }
0x9c: {  	[tilespmem:s23], [sflag:$0x3] =	stream.indirect.gather [hbm4b:s4+s19], $0x40, s10, s19, $0xb8;
	[tilespmem:$0x154A0] =	vst v63  }
0x9d: {  	_ =	swait.ge [sflag:s26], $0x1400  }
0x9e: {  	[sflag:s26] =	ssyncset.done $0x0  }
0x9f: {  	[sflag:s26] =	ssyncadd.s32 $0xFFFFEC00  }
0xa0: {  	[spmem:s2] =	stream.indirect.scatter.add.f32 [tilespmem:s28], [sflag:$0xA], $0x40, s9, s19, $0xb8;
	[tilespmem:$0x154A0] =	vst v63  }
.Ltmp3:
0xa1: {  	_ = 	snop;
	(pc) =	sbr.rel .LBB2_2-.Ltmp3, $4  }
0xa2: {  	_ =	swait.ge [sflag:s24], $0x1400  }
0xa3: {  	[sflag:s24] =	ssyncset.done $0x0  }
0xa4: {  	s13 =	sadd.s32 $0x410, s7;
	s6 =	sadd.s32 $0x640, s6;
	[sflag:s24] =	ssyncadd.s32 $0xFFFFEC00  }
0xa5: {  	[tilespmem:s25], [sflag:$0x4] =	stream.indirect.gather [hbm4b:s4+s19], $0x40, s13, s19, $0xb8;
	[tilespmem:$0x154A0] =	vst v63  }
.LBB2_5:
0xa6: {  	_ =	sfence.sel $0x180000  }
0xa7: {  	[bflag:$0x0] =	sbarrier.arrive $0xFFFF  }
0xa8: {  	_ =	strace $0x9000004A  }
0xa9: {  	s0 =	stileid.u32;
	[bflag:$0x2] =	sbarrier.arrive $0xFFFF  }
0xaa: {  	p0 =	sne.s32 s0, $0x0;
	s0 =	rddreg [dreg:$0x2]  }
0xab: {  	s0 =	sadd.s32 @!p0 $0x100000, s0  }
0xac: {  	[sflag:s0] =	ssyncadd.tile.s32 @!p0 $0x1;
	_ =	shalt  }
.Lfunc_end2:
_tile_overlayer_lowered:
.L_overlay_start_2:
0xad: {  	(tag) =	ssettag $0x2  }
0xae: {  	s0 =	rddreg [dreg:$0x0];
	s2 =	stileid.u32  }
0xaf: {  	s1 =	rddreg [dreg:$0x1];
	p0 =	sne.s32 s2, $0x0  }
0xb0: {  	s3 =	rddreg [dreg:$0x2];
	[bflag:$0x3] =	sbarrier.arrive $0xFFFF;
	s2 =	simm.s32 @!p0 $0x1C0B  }
0xb1: {  	[timem:s3], [sflag:s2] =	dma.local @!p0 [hbm:s0], s1  }
0xb2: {  	s0 =	simm.s32 @!p0 $0xB  }
0xb3: {  	_ =	swait.ge @!p0 [sflag:s0], s1  }
0xb4: {  	s1 =	ssub.s32 @!p0 $0x0, s1;
	[sflag:s0] =	ssyncset.done @!p0 $0x0  }
0xb5: {  	[sflag:s0] =	ssyncadd.s32 @!p0 s1  }
0xb6: {  	[bflag:$0x3] =	sbarrier.arrive $0xFFFF  }
0xb7: {  	_ =	shalt  }

// kernel: kernel.18.cloned.1.call-start
scs
__scs_entry_jumppad:
0x0: {  	(pc) =	sbr.rel $0x88, $3  }
0x1: {  	(tag) =	ssettag $0x0;
	lr =	simm.s32 $0x1  }
0x2: {  	[smem:$0x3F96] =	sst lr;
	_ =	strace $0xD0000000  }
0x3: {  	_ = 	snop  }
0x4: {  	_ = 	snop  }
0x5: {  	_ = 	snop  }
0x6: {  	_ = 	snop  }
0x7: {  	_ = 	snop  }
__scs_overlays_trampoline_lowered:
0x8: {  	[smem:$0x3FA5] =	sst s0  }
0x9: {  	[smem:$0x3FA6] =	sst s1  }
0xa: {  	[smem:$0x3FA7] =	sst s2  }
0xb: {  	[smem:$0x3FA8] =	sst s3  }
0xc: {  	[smem:$0x3FA9] =	sst s4  }
0xd: {  	[smem:$0x3FAA] =	sst s5  }
0xe: {  	[smem:$0x3FAB] =	sst s6  }
0xf: {  	[smem:$0x3FAC] =	sst s7  }
0x10: {  	[smem:$0x3FAD] =	sst s8  }
0x11: {  	[smem:$0x3FAE] =	sst s9;
	s0 =	simm.s32 @!p0 $0x0  }
0x12: {  	s1 =	sld [smem:$0x3F94];
	s0 =	simm.s32 @p0 $0x1  }
0x13: {  	[smem:$0x3FAF] =	sst s0;
	s0 =	simm.s32 @!p1 $0x0  }
0x14: {  	s2 =	sld [smem:$0x3F93];
	s0 =	simm.s32 @p1 $0x1  }
0x15: {  	[smem:$0x3FB0] =	sst s0;
	s0 =	simm.s32 @!p2 $0x0  }
0x16: {  	s3 =	sld [smem:$0x3FDB];
	s0 =	simm.s32 @p2 $0x1  }
0x17: {  	s4 =	simm.s32 $0x1BF5;
	[smem:$0x3FB2] =	sst s0  }
0x18: {  	s0 =	sld [smem:$0x3F95];
	_ =	swait.ge [sflag:s4], $0x0  }
0x19: {  	s7 =	sld [smem:$0x3F96]  }
0x1a: {  	s8 =	sadd.s32 $0xFFFFE003, lr  }
0x1b: {  	s9 =	sadd.s32 $0xFFFFFEF7, lr;
	s5 =	simm.s32 $0xFFFFFFFF;
	p2 =	slt.u32 s8, $0xFFFFF086  }
0x1c: {  	p1 =	slt.u32 s9, $0xF7A;
	s5 =	simm.s32 @!p2 $0x0  }
0x1d: {  	s5 =	simm.s32 @p1 $0x1;
	p0 =	seq.s32 s7, s2  }
0x1e: {  	s7 =	smul.u32 @!p0 $0xF7A, s2;
	p2 =	seq.s32 @!p0 s5, $0x0  }
0x1f: {  	s9 =	smul.u32 $0xF7A, s1;
	s8 =	simm.s32 @!p0 $0x1BF5;
	p2 =	por !p2, p0  }
0x20: {  	[sflag:s8] =	ssyncset.s32 @!p0 $0xFFFFF086;
	s6 =	sadd.s32 @!p0 s3, s7;
	s7 =	simm.s32 @!p0 $0x108  }
0x21: {  	s3 =	sadd.s32 s3, s9;
	s6 =	sadd.s32 @!p0 $0x88, s6;
	s7 =	simm.s32 @p2 $0x1082  }
0x22: {  	[simem:s7], [sflag:s8] =	dma.local @!p0 [hbm:s6], $0xF7A  }
0x23: {  	s9 =	sor.u32 $0xD0000000, s2;
	s6 =	simm.s32 $0x108;
	_ =	swait.ge @!p0 [sflag:s8], $0x0  }
0x24: {  	s3 =	sadd.s32 $0x88, s3;
	s6 =	simm.s32 @!p1 $0x1082;
	[sflag:s4] =	ssyncset.s32 $0xFFFFF086  }
0x25: {  	[simem:s6], [sflag:s4] =	dma.local [hbm:s3], $0xF7A  }
0x26: {  	[smem:$0x3F96] =	sst s1;
	(tag) =	ssettag s2;
	_ =	strace s9  }
0x27: {  	s1 =	sld [smem:$0x3FA6]  }
0x28: {  	s2 =	sld [smem:$0x3FA7]  }
0x29: {  	s4 =	sld [smem:$0x3FA9]  }
0x2a: {  	p0 =	seq.s32 s5, $0x0;
	s5 =	sld [smem:$0x3FAA]  }
0x2b: {  	s6 =	sld [smem:$0x3FAB]  }
0x2c: {  	s7 =	sld [smem:$0x3FAC]  }
0x2d: {  	s3 =	simm.s32 $0x108;
	s8 =	sld [smem:$0x3FAD]  }
0x2e: {  	s3 =	simm.s32 @!p0 $0x1082;
	s9 =	sld [smem:$0x3FAE]  }
0x2f: {  	lr =	sadd.s32 s0, s3;
	s0 =	sld [smem:$0x3FA5]  }
0x30: {  	s3 =	sld [smem:$0x3FA8]  }
0x31: {  	[smem:$0x3FB1] =	sst s10  }
0x32: {  	s10 =	sld [smem:$0x3FAF];
	_ =	sdelay $0x3  }
0x33: {  	p0 =	seq.s32 s10, $0x1;
	s10 =	sld [smem:$0x3FB1];
	_ =	sdelay $0x3  }
0x34: {  	[smem:$0x3FB1] =	sst s10  }
0x35: {  	s10 =	sld [smem:$0x3FB0];
	_ =	sdelay $0x3  }
0x36: {  	p1 =	seq.s32 s10, $0x1;
	s10 =	sld [smem:$0x3FB1];
	_ =	sdelay $0x3  }
0x37: {  	[smem:$0x3FB1] =	sst s10  }
0x38: {  	s10 =	sld [smem:$0x3FB2]  }
0x39: {  	_ = 	snop;
	(pc) =	sbr.ind lr, $3  }
0x3a: {  	_ = 	snop  }
0x3b: {  	_ = 	snop  }
0x3c: {  	p2 =	seq.s32 s10, $0x1;
	s10 =	sld [smem:$0x3FB1]  }
0x3d: {  	_ =	shalt  }
0x3e: {  	_ =	shalt  }
0x3f: {  	_ =	shalt  }
0x40: {  	_ =	shalt  }
0x41: {  	_ =	shalt  }
0x42: {  	_ =	shalt  }
0x43: {  	_ =	shalt  }
0x44: {  	_ =	shalt  }
0x45: {  	_ =	shalt  }
0x46: {  	_ =	shalt  }
0x47: {  	_ =	shalt  }
0x48: {  	_ =	shalt  }
0x49: {  	_ =	shalt  }
0x4a: {  	_ =	shalt  }
0x4b: {  	_ =	shalt  }
0x4c: {  	_ =	shalt  }
0x4d: {  	_ =	shalt  }
0x4e: {  	_ =	shalt  }
0x4f: {  	_ =	shalt  }
0x50: {  	_ =	shalt  }
0x51: {  	_ =	shalt  }
0x52: {  	_ =	shalt  }
0x53: {  	_ =	shalt  }
0x54: {  	_ =	shalt  }
0x55: {  	_ =	shalt  }
0x56: {  	_ =	shalt  }
0x57: {  	_ =	shalt  }
0x58: {  	_ =	shalt  }
0x59: {  	_ =	shalt  }
0x5a: {  	_ =	shalt  }
0x5b: {  	_ =	shalt  }
0x5c: {  	_ =	shalt  }
0x5d: {  	_ =	shalt  }
0x5e: {  	_ =	shalt  }
0x5f: {  	_ =	shalt  }
0x60: {  	_ =	shalt  }
0x61: {  	_ =	shalt  }
0x62: {  	_ =	shalt  }
0x63: {  	_ =	shalt  }
0x64: {  	_ =	shalt  }
0x65: {  	_ =	shalt  }
0x66: {  	_ =	shalt  }
0x67: {  	_ =	shalt  }
0x68: {  	_ =	shalt  }
0x69: {  	_ =	shalt  }
0x6a: {  	_ =	shalt  }
0x6b: {  	_ =	shalt  }
0x6c: {  	_ =	shalt  }
0x6d: {  	_ =	shalt  }
0x6e: {  	_ =	shalt  }
0x6f: {  	_ =	shalt  }
0x70: {  	_ =	shalt  }
0x71: {  	_ =	shalt  }
0x72: {  	_ =	shalt  }
0x73: {  	_ =	shalt  }
0x74: {  	_ =	shalt  }
0x75: {  	_ =	shalt  }
0x76: {  	_ =	shalt  }
0x77: {  	_ =	shalt  }
0x78: {  	_ =	shalt  }
0x79: {  	_ =	shalt  }
0x7a: {  	_ =	shalt  }
0x7b: {  	_ =	shalt  }
0x7c: {  	_ =	shalt  }
0x7d: {  	_ =	shalt  }
0x7e: {  	_ =	shalt  }
0x7f: {  	_ =	shalt  }
0x80: {  	_ =	shalt  }
0x81: {  	_ =	shalt  }
0x82: {  	_ =	shalt  }
0x83: {  	_ =	shalt  }
0x84: {  	_ =	shalt  }
0x85: {  	_ =	shalt  }
0x86: {  	_ =	shalt  }
0x87: {  	_ =	shalt  }
.Lfunc_end0:
.L_simem_size_0:
called_computation.2_lowered:
.L_overlay_start_0:
0x88: {  	s2 =	sld [smem:$0x3FD9]  }
0x89: {  	s3 =	sld [smem:$0x3FFE];
	_ =	sdelay $0x1  }
0x8a: {  	s1 =	srdreg.scid  }
0x8b: {  	s0 =	sand.u32 $0x1, s1  }
0x8c: {  	s16 =	sshll.u32 s0, $0xA;
	s2 =	sadd.s32 s3, s2  }
0x8d: {  	s2 =	sadd.s32 s2, s16  }
0x8e: {  	[smem:$0x3FBD] =	sst s2  }
0x8f: {  	_ = 	snop  }
0x90: {  	(tm) =	ssettm $0x1  }
0x91: {  	s17 =	sld [smem:$0x3FFB];
	_ =	sdelay $0x3  }
0x92: {  	_ =	strace s17  }
0x93: {  	s2 =	sld [smem:$0x3FFC];
	_ =	sdelay $0x3  }
0x94: {  	_ =	strace s2  }
0x95: {  	s2 =	sld [smem:$0x3FFD];
	_ =	sdelay $0x3  }
0x96: {  	_ =	strace s2  }
0x97: {  	_ =	strace $0x8FFFFFFF  }
0x98: {  	s18 =	sld [smem:$0x3FDB];
	_ =	sdelay $0x1  }
0x99: {  	s19 =	simm.s32 $_scs_section_size  }
0x9a: {  	s4 =	simm.s32 $_size__tile_overlayer_lowered;
	s5 =	simm.s32 $_tile_overlayer_lowered  }
0x9b: {  	s22 =	simm.s32 $0x1BFF;
	s21 =	sshll.u32 s5, $0x1;
	s2 =	sadd.s32 s19, s18  }
0x9c: {  	s6 =	simm.s32 $0x0;
	s20 =	sshll.u32 s4, $0x1;
	s4 =	sadd.s32 s21, s2  }
0x9d: {  	[timem:s6], [sflag:s22] =	dma.local [hbm:s4], s20  }
0x9e: {  	_ =	swait.ge [sflag:s22], s20  }
0x9f: {  	s3 =	ssub.s32 $0x0, s20;
	[sflag:s22] =	ssyncset.done $0x0  }
0xa0: {  	[sflag:s22] =	ssyncadd.s32 s3;
	_ =	sdelay $0x1  }
0xa1: {  	s23 =	simm.s32 $0x1B8B  }
0xa2: {  	_ =	swait.ge [sflag:s23], $0x1  }
0xa3: {  	[sflag:s23] =	ssyncset.done $0x0  }
0xa4: {  	s25 =	simm.s32 $0x1B8E;
	s24 =	sld [smem:$0x3FFE];
	[sflag:s23] =	ssyncadd.s32 $0xFFFFFFFF  }
0xa5: {  	s26 =	simm.s32 $execute0_lowered;
	[smem:$0x3FD2] =	sst s25  }
0xa6: {  	s4 =	sshll.u32 s26, $0x1;
	_ =	strace $0x8000004C;
	[dreg:$0x1] =	wrdreg $0xFFFFFFFF  }
0xa7: {  	s28 =	simm.s32 $_size_execute0_lowered;
	s2 =	sadd.s32 s2, s4;
	[dreg:$0x0] =	wrdreg $0x0  }
0xa8: {  	s4 =	sshll.u32 s28, $0x1;
	[dreg:$0x2] =	wrdreg s2  }
0xa9: {  	[dreg:$0x3] =	wrdreg s4  }
0xaa: {  	[dreg:$0x4] =	wrdreg $0xC0  }
0xab: {  	_ =	task [dreg:s6], $0x5FFFF  }
0xac: {  	[dreg:$0x1] =	wrdreg $0xFFFFFFFF  }
0xad: {  	[dreg:$0x0] =	wrdreg $0x60  }
0xae: {  	[dreg:$0x2] =	wrdreg s24  }
0xaf: {  	[dreg:$0x3] =	wrdreg $0xB2200  }
0xb0: {  	[dreg:$0x4] =	wrdreg $0x9  }
0xb1: {  	_ =	task.clear_ibuf [dreg:s6], $0x5FFFF;
	_ =	strace $0x9000004C  }
0xb2: {  	s29 =	simm.s32 $0x9;
	_ =	strace $0x8000004E  }
0xb3: {  	_ =	swait.ge [sflag:s29], $0x1  }
0xb4: {  	[sflag:s29] =	ssyncadd.s32 $0xFFFFFFFF  }
0xb5: {  	_ =	strace $0x9000004E  }
0xb6: {  	_ =	sfence  }
0xb7: {  	s30 =	sld [smem:$0x0];
	_ =	sdelay $0x2  }
0xb8: {  	s31 =	sshll.u32 s1, $0xD;
	s1 =	sshrl.u32 s1, $0x2  }
0xb9: {  	s3 =	sand.u32 $0x4000, s31;
	s1 =	sadd.s32 s1, s30  }
0xba: {  	s0 =	sor.u32 s3, s0;
	s1 =	sshll.u32 s1, $0x11  }
0xbb: {  	s0 =	sor.u32 s1, s0  }
0xbc: {  	s0 =	sadd.s32 $0x8F2B, s0  }
0xbd: {  	[sflag:s0] =	ssyncadd.remote.s32 $0x1  }
0xbe: {  	_ =	sfence.sel $0xFFFF  }
0xbf: {  	[dreg:$0x0] =	wrdreg $0xFFFFFFFF;
	(pc) =	sbr.abs _section_cstart, $3  }
0xc0: {  	[dreg:$0x1] =	wrdreg $0xFFFFFFFF  }
0xc1: {  	_ =	task.clear_ibuf [dreg:s6], $0x2FFFF;
	_ =	strace $0x9FFFFFFF  }
0xc2: {  	(tm) =	ssettm $0x7FFFFFFF  }
0xc3: {  	_ =	shalt  }
tec
execute0_lowered:
.L_overlay_start_1:
0x0: {  	(tag) =	ssettag $0x1  }
0x1: {  	s1 =	rddreg [dreg:$0x0]  }
0x2: {  	s0 =	srdreg.scid;
	s2 =	rddreg [dreg:$0x1]  }
0x3: {  	s13 =	stileid.u32;
	s3 =	simm.s32 $0x0;
	s17 =	simm.s32 $0x6  }
0x4: {  	s18 =	simm.s32 $0x7;
	s19 =	simm.s32 $0x50;
	s20 =	simm.s32 $0x4E20  }
0x5: {  	s21 =	simm.s32 $0x6220;
	s28 =	simm.s32 $0x9E20;
	s29 =	simm.s32 $0x8  }
0x6: {  	s30 =	simm.s32 $0x1;
	s31 =	simm.s32 $0x2;
	s0 =	sand.u32 $0x1, s0  }
0x7: {  	[smem:$0x7FF] =	sst s3;
	s9 =	smul.u32 $0x6400, s13;
	s25 =	sshll.u32 s13, $0x6  }
0x8: {  	p0 =	sgt.u32 s13, $0x8;
	s4 =	sshll.u32 s0, $0x4;
	_ =	strace $0x8000004D  }
0x9: {  	s6 =	ssub.s32 $0x2, s0;
	s0 =	smul.u32 $0x9C400, s0;
	s8 =	sor.u32 $0x1C08, s25  }
0xa: {  	s25 =	simm.s32 $0x8A20;
	s4 =	sor.u32 s13, s4;
	s7 =	sshrl.u32 s6, $0x1  }
0xb: {  	s23 =	sadd.s32 s9, s2;
	s24 =	sshrl.u32 s9, $0x3;
	s10 =	sadd.s32 $0x64000, s9  }
0xc: {  	s5 =	smul.u32 $0x4E2, s4;
	s4 =	sadd.s32 $0x16400, s1;
	s6 =	ssub.s32 s6, s7  }
0xd: {  	s9 =	sadd.s32 s9, s0;
	s11 =	sshrl.u32 s10, $0x3;
	s0 =	sadd.s32 s0, s10  }
0xe: {  	s14 =	sshrl.u32 s23, $0x3;
	s23 =	simm.s32 $0x7620;
	s7 =	sadd.s32 s4, s24  }
0xf: {  	s9 =	sshrl.u32 s9, $0x3;
	s26 =	sadd.s32 s4, s11;
	s0 =	sshrl.u32 s0, $0x3  }
0x10: {  	s12 =	smax.u32 s6, $0x1;
	s24 =	simm.s32 $0x9;
	s5 =	sadd.s32 s5, s1  }
0x11: {  	s1 =	sadd.s32 $0x29E00, s1;
	[dreg:$0x5] =	wrdreg s7;
	s7 =	sadd.s32 s10, s2  }
0x12: {  	[dreg:$0x6] =	wrdreg s26;
	s26 =	simm.s32 $0x5;
	s22 =	sadd.s32 $0x2800, s5  }
.Ltmp0:
0x13: {  	s5 =	sadd.s32 $0xC600, s5;
	[dreg:$0x3] =	wrdreg s22;
	(pc) =	sbr.rel .LBB2_1-.Ltmp0, $4  }
0x14: {  	s9 =	sadd.s32 s1, s9;
	s0 =	sadd.s32 s1, s0;
	[dreg:$0x4] =	wrdreg s5  }
0x15: {  	s16 =	sshrl.u32 @!p0 s7, $0x3;
	s1 =	simm.s32 $0xA;
	[dreg:$0x7] =	wrdreg s9  }
0x16: {  	[dreg:$0x8] =	wrdreg s0;
	s0 =	sshll.u32 @!p0 s13, $0x6;
	s22 =	simm.s32 $0x3  }
0x17: {  	s5 =	simm.s32 $0x0;
	s15 =	sor.u32 @!p0 $0x1C09, s0;
	s0 =	simm.s32 $0x4  }
.LBB2_4:
0x18: {  	_ =	swait.ge [sflag:s26], $0x1400  }
0x19: {  	[sflag:s26] =	ssyncset.done $0x0  }
0x1a: {  	[sflag:s26] =	ssyncadd.s32 $0xFFFFEC00  }
0x1b: {  	[spmem:s2] =	stream.indirect.scatter.add.f32 [tilespmem:s28], [sflag:$0xA], $0x40, s9, s19, $0xb8;
	[tilespmem:$0x154A0] =	vst v63  }
0x1c: {  	_ =	swait.ge [sflag:s24], $0x1400  }
0x1d: {  	[sflag:s24] =	ssyncset.done $0x0  }
0x1e: {  	[sflag:s24] =	ssyncadd.s32 $0xFFFFEC00  }
0x1f: {  	_ =	swait.ge [sflag:s1], $0x1400  }
0x20: {  	[sflag:s1] =	ssyncset.done $0x0  }
0x21: {  	[sflag:s1] =	ssyncadd.s32 $0xFFFFEC00  }
0x22: {  	[bflag:$0x0] =	sbarrier.arrive $0xFFFF  }
0x23: {  	s6 =	rddreg [dreg:$0x7]  }
0x24: {  	[hbm:s6], [sflag:s8] =	dma.local [spmem:s14], $0xC80  }
0x25: {  	s6 =	rddreg [dreg:$0x8]  }
0x26: {  	[hbm:s6], [sflag:s15] =	dma.local @!p0 [spmem:s16], $0xC80  }
0x27: {  	s5 =	sadd.s32 $0x1, s5;
	s6 =	simm.s32 @!p0 $0x8  }
0x28: {  	p1 =	sne.s32 s5, s12;
	_ =	swait.ge @!p0 [sflag:s6], $0xC80  }
.Ltmp1:
0x29: {  	s7 =	simm.s32 @!p0 $0x9;
	[sflag:s6] =	ssyncset.done @!p0 $0x0;
	(pc) =	sbr.rel @!p1 .LBB2_5-.Ltmp1, $4  }
0x2a: {  	s7 =	simm.s32 @p0 $0x8;
	[sflag:s6] =	ssyncadd.s32 @!p0 $0xFFFFF380  }
0x2b: {  	_ =	swait.ge [sflag:s7], $0xC80  }
0x2c: {  	[sflag:s7] =	ssyncset.done $0x0  }
0x2d: {  	[sflag:s7] =	ssyncadd.s32 $0xFFFFF380  }
.LBB2_1:
0x2e: {  	s6 =	rddreg [dreg:$0x3]  }
0x2f: {  	s9 =	rddreg [dreg:$0x4]  }
0x30: {  	[tilespmem:s3], [sflag:$0x6] =	stream.linear.gather [hbm4b:s6+s3], $0x2710, $0x38;
	[tilespmem:$0x154A0] =	vst v63  }
0x31: {  	s7 =	simm.s32 $0x2710;
	s10 =	rddreg [dreg:$0x5]  }
0x32: {  	[tilespmem:s7], [sflag:$0x7] =	stream.linear.gather [hbm4b:s9+s3], $0x2710, $0x38;
	[tilespmem:$0x154A0] =	vst v63  }
0x33: {  	[spmem:s14], [sflag:s8] =	dma.local [hbm:s10], $0xC80  }
0x34: {  	s6 =	rddreg [dreg:$0x6]  }
0x35: {  	[spmem:s16], [sflag:s15] =	dma.local @!p0 [hbm:s6], $0xC80  }
0x36: {  	_ =	swait.ge [sflag:s17], $0x2710  }
0x37: {  	[sflag:s17] =	ssyncset.done $0x0  }
0x38: {  	[sflag:s17] =	ssyncadd.s32 $0xFFFFD8F0  }
0x39: {  	_ =	swait.ge [sflag:s18], $0x2710  }
0x3a: {  	[sflag:s18] =	ssyncset.done $0x0  }
0x3b: {  	[sflag:s18] =	ssyncadd.s32 $0xFFFFD8F0  }
0x3c: {  	[tilespmem:s20], [sflag:$0x1] =	stream.indirect.gather [hbm4b:s4+s19], $0x40, s3, s19, $0xb8;
	[tilespmem:$0x154A0] =	vst v63  }
0x3d: {  	_ = 	snop  }
0x3e: {  	[tilespmem:s21], [sflag:$0x2] =	stream.indirect.gather [hbm4b:s4+s19], $0x40, s19, s19, $0xb8;
	[tilespmem:$0x154A0] =	vst v63  }
0x3f: {  	s11 =	simm.s32 $0xA0  }
0x40: {  	[tilespmem:s23], [sflag:$0x3] =	stream.indirect.gather [hbm4b:s4+s19], $0x40, s11, s19, $0xb8;
	[tilespmem:$0x154A0] =	vst v63  }
0x41: {  	s13 =	simm.s32 $0xF0  }
0x42: {  	[tilespmem:s25], [sflag:$0x4] =	stream.indirect.gather [hbm4b:s4+s19], $0x40, s13, s19, $0xb8;
	[tilespmem:$0x154A0] =	vst v63  }
0x43: {  	s9 =	simm.s32 $0x140  }
0x44: {  	[tilespmem:s28], [sflag:$0x5] =	stream.indirect.gather [hbm4b:s4+s19], $0x40, s9, s19, $0xb8;
	[tilespmem:$0x154A0] =	vst v63  }
0x45: {  	_ =	swait.ge [sflag:s29], $0xC80  }
0x46: {  	[sflag:s29] =	ssyncset.done $0x0  }
0x47: {  	s6 =	simm.s32 @!p0 $0x9;
	[sflag:s29] =	ssyncadd.s32 $0xFFFFF380  }
0x48: {  	_ =	swait.ge @!p0 [sflag:s6], $0xC80  }
0x49: {  	[sflag:s6] =	ssyncset.done @!p0 $0x0  }
0x4a: {  	[sflag:s6] =	ssyncadd.s32 @!p0 $0xFFFFF380  }
0x4b: {  	[bflag:$0x0] =	sbarrier.arrive $0xFFFF  }
0x4c: {  	_ =	swait.ge [sflag:s30], $0x1400  }
0x4d: {  	[sflag:s30] =	ssyncset.done $0x0  }
0x4e: {  	[sflag:s30] =	ssyncadd.s32 $0xFFFFEC00  }
0x4f: {  	[spmem:s2] =	stream.indirect.scatter.add.f32 [tilespmem:s20], [sflag:$0x6], $0x40, s7, s19, $0xb8;
	[tilespmem:$0x154A0] =	vst v63  }
0x50: {  	_ =	swait.ge [sflag:s31], $0x1400  }
0x51: {  	[sflag:s31] =	ssyncset.done $0x0  }
0x52: {  	s10 =	simm.s32 $0x2760;
	[sflag:s31] =	ssyncadd.s32 $0xFFFFEC00  }
0x53: {  	[spmem:s2] =	stream.indirect.scatter.add.f32 [tilespmem:s21], [sflag:$0x7], $0x40, s10, s19, $0xb8;
	[tilespmem:$0x154A0] =	vst v63  }
0x54: {  	_ =	swait.ge [sflag:s17], $0x1400  }
0x55: {  	[sflag:s17] =	ssyncset.done $0x0  }
0x56: {  	s11 =	simm.s32 $0x190;
	[sflag:s17] =	ssyncadd.s32 $0xFFFFEC00  }
0x57: {  	[tilespmem:s20], [sflag:$0x1] =	stream.indirect.gather [hbm4b:s4+s19], $0x40, s11, s19, $0xb8;
	[tilespmem:$0x154A0] =	vst v63  }
0x58: {  	_ =	swait.ge [sflag:s22], $0x1400  }
0x59: {  	[sflag:s22] =	ssyncset.done $0x0  }
0x5a: {  	s13 =	simm.s32 $0x27B0;
	[sflag:s22] =	ssyncadd.s32 $0xFFFFEC00  }
0x5b: {  	[spmem:s2] =	stream.indirect.scatter.add.f32 [tilespmem:s23], [sflag:$0x8], $0x40, s13, s19, $0xb8;
	[tilespmem:$0x154A0] =	vst v63  }
0x5c: {  	_ =	swait.ge [sflag:s18], $0x1400  }
0x5d: {  	[sflag:s18] =	ssyncset.done $0x0  }
0x5e: {  	s7 =	simm.s32 $0x1E0;
	[sflag:s18] =	ssyncadd.s32 $0xFFFFEC00  }
0x5f: {  	[tilespmem:s21], [sflag:$0x2] =	stream.indirect.gather [hbm4b:s4+s19], $0x40, s7, s19, $0xb8;
	[tilespmem:$0x154A0] =	vst v63  }
0x60: {  	_ =	swait.ge [sflag:s0], $0x1400  }
0x61: {  	[sflag:s0] =	ssyncset.done $0x0  }
0x62: {  	s9 =	simm.s32 $0x2800;
	[sflag:s0] =	ssyncadd.s32 $0xFFFFEC00  }
0x63: {  	[spmem:s2] =	stream.indirect.scatter.add.f32 [tilespmem:s25], [sflag:$0x9], $0x40, s9, s19, $0xb8;
	[tilespmem:$0x154A0] =	vst v63  }
0x64: {  	_ =	swait.ge [sflag:s29], $0x1400  }
0x65: {  	[sflag:s29] =	ssyncset.done $0x0  }
0x66: {  	s10 =	simm.s32 $0x230;
	[sflag:s29] =	ssyncadd.s32 $0xFFFFEC00  }
0x67: {  	[tilespmem:s23], [sflag:$0x3] =	stream.indirect.gather [hbm4b:s4+s19], $0x40, s10, s19, $0xb8;
	[tilespmem:$0x154A0] =	vst v63  }
0x68: {  	_ =	swait.ge [sflag:s26], $0x1400  }
0x69: {  	[sflag:s26] =	ssyncset.done $0x0  }
0x6a: {  	s11 =	simm.s32 $0x2850;
	[sflag:s26] =	ssyncadd.s32 $0xFFFFEC00  }
0x6b: {  	[spmem:s2] =	stream.indirect.scatter.add.f32 [tilespmem:s28], [sflag:$0xA], $0x40, s11, s19, $0xb8;
	[tilespmem:$0x154A0] =	vst v63  }
0x6c: {  	_ =	swait.ge [sflag:s24], $0x1400  }
0x6d: {  	[sflag:s24] =	ssyncset.done $0x0  }
0x6e: {  	s6 =	simm.s32 $0x0;
	s13 =	simm.s32 $0x280;
	[sflag:s24] =	ssyncadd.s32 $0xFFFFEC00  }
0x6f: {  	[tilespmem:s25], [sflag:$0x4] =	stream.indirect.gather [hbm4b:s4+s19], $0x40, s13, s19, $0xb8;
	[tilespmem:$0x154A0] =	vst v63  }
.LBB2_2:
0x70: {  	_ =	swait.ge [sflag:s30], $0x1400  }
0x71: {  	s7 =	sshra.s32 s6, $0x2;
	[sflag:s30] =	ssyncset.done $0x0  }
0x72: {  	s9 =	sadd.s32 $0x28A0, s7;
	[sflag:s30] =	ssyncadd.s32 $0xFFFFEC00  }
0x73: {  	[spmem:s2] =	stream.indirect.scatter.add.f32 [tilespmem:s20], [sflag:$0x6], $0x40, s9, s19, $0xb8;
	[tilespmem:$0x154A0] =	vst v63  }
0x74: {  	_ =	swait.ge [sflag:s1], $0x1400  }
0x75: {  	[sflag:s1] =	ssyncset.done $0x0  }
0x76: {  	s10 =	sadd.s32 $0x2D0, s7;
	[sflag:s1] =	ssyncadd.s32 $0xFFFFEC00  }
0x77: {  	[tilespmem:s28], [sflag:$0x5] =	stream.indirect.gather [hbm4b:s4+s19], $0x40, s10, s19, $0xb8;
	[tilespmem:$0x154A0] =	vst v63  }
0x78: {  	_ =	swait.ge [sflag:s31], $0x1400  }
0x79: {  	[sflag:s31] =	ssyncset.done $0x0  }
0x7a: {  	s11 =	sadd.s32 $0x28F0, s7;
	[sflag:s31] =	ssyncadd.s32 $0xFFFFEC00  }
0x7b: {  	[spmem:s2] =	stream.indirect.scatter.add.f32 [tilespmem:s21], [sflag:$0x7], $0x40, s11, s19, $0xb8;
	[tilespmem:$0x154A0] =	vst v63  }
0x7c: {  	_ =	swait.ge [sflag:s17], $0x1400  }
0x7d: {  	p1 =	seq.s32 s6, $0x8FC0;
	[sflag:s17] =	ssyncset.done $0x0  }
0x7e: {  	s9 =	simm.s32 @p1 $0x3;
	[sflag:s17] =	ssyncadd.s32 $0xFFFFEC00  }
0x7f: {  	_ =	swait.ge @p1 [sflag:s9], $0x1400  }
0x80: {  	[sflag:s9] =	ssyncset.done @p1 $0x0  }
0x81: {  	[sflag:s9] =	ssyncadd.s32 @p1 $0xFFFFEC00;
	s9 =	sshra.s32 @p1 s6, $0x2  }
0x82: {  	s13 =	simm.s32 @p1 $0x7620;
	s10 =	simm.s32 @p1 $0x50;
	s9 =	sadd.s32 @p1 $0x2940, s9  }
0x83: {  	[spmem:s2] =	stream.indirect.scatter.add.f32 @p1 [tilespmem:s13], [sflag:$0x8], $0x40, s9, s10, $0xb8;
	[tilespmem:$0x154A0] =	vst v63  }
0x84: {  	s9 =	simm.s32 @p1 $0x7  }
0x85: {  	_ =	swait.ge @p1 [sflag:s9], $0x1400  }
0x86: {  	[sflag:s9] =	ssyncset.done @p1 $0x0  }
0x87: {  	[sflag:s9] =	ssyncadd.s32 @p1 $0xFFFFEC00;
	s9 =	sshra.s32 @!p1 s6, $0x2  }
0x88: {  	s11 =	simm.s32 @!p1 $0x4E20;
	s13 =	simm.s32 @!p1 $0x50;
	s10 =	sadd.s32 @!p1 $0x320, s9  }
0x89: {  	[tilespmem:s11], [sflag:$0x1] =	stream.indirect.gather @!p1 [hbm4b:s4+s13], $0x40, s10, s13, $0xb8;
	[tilespmem:$0x154A0] =	vst v63  }
0x8a: {  	s10 =	simm.s32 @!p1 $0x3  }
0x8b: {  	_ =	swait.ge @!p1 [sflag:s10], $0x1400  }
0x8c: {  	[sflag:s10] =	ssyncset.done @!p1 $0x0  }
0x8d: {  	s11 =	simm.s32 @!p1 $0x7620;
	[sflag:s10] =	ssyncadd.s32 @!p1 $0xFFFFEC00;
	s10 =	sadd.s32 @!p1 $0x2940, s9  }
0x8e: {  	[spmem:s2] =	stream.indirect.scatter.add.f32 @!p1 [tilespmem:s11], [sflag:$0x8], $0x40, s10, s13, $0xb8;
	[tilespmem:$0x154A0] =	vst v63  }
0x8f: {  	s10 =	simm.s32 @!p1 $0x7  }
0x90: {  	_ =	swait.ge @!p1 [sflag:s10], $0x1400  }
0x91: {  	[sflag:s10] =	ssyncset.done @!p1 $0x0  }
0x92: {  	s9 =	sadd.s32 @!p1 $0x370, s9;
	[sflag:s10] =	ssyncadd.s32 @!p1 $0xFFFFEC00;
	s10 =	simm.s32 @!p1 $0x6220  }
0x93: {  	[tilespmem:s10], [sflag:$0x2] =	stream.indirect.gather @!p1 [hbm4b:s4+s13], $0x40, s9, s13, $0xb8;
	[tilespmem:$0x154A0] =	vst v63  }
0x94: {  	_ =	swait.ge [sflag:s0], $0x1400  }
0x95: {  	[sflag:s0] =	ssyncset.done $0x0  }
.Ltmp2:
0x96: {  	s13 =	sadd.s32 $0x2990, s7;
	[sflag:s0] =	ssyncadd.s32 $0xFFFFEC00;
	(pc) =	sbr.rel @p1 .LBB2_4-.Ltmp2, $4  }
0x97: {  	[spmem:s2] =	stream.indirect.scatter.add.f32 [tilespmem:s25], [sflag:$0x9], $0x40, s13, s19, $0xb8;
	[tilespmem:$0x154A0] =	vst v63  }
0x98: {  	_ =	swait.ge [sflag:s29], $0x1400  }
0x99: {  	[sflag:s29] =	ssyncset.done $0x0  }
0x9a: {  	s9 =	sadd.s32 $0x29E0, s7;
	[sflag:s29] =	ssyncadd.s32 $0xFFFFEC00  }
0x9b: {  	s10 =	sadd.s32 $0x3C0, s7  }
0x9c: {  	[tilespmem:s23], [sflag:$0x3] =	stream.indirect.gather [hbm4b:s4+s19], $0x40, s10, s19, $0xb8;
	[tilespmem:$0x154A0] =	vst v63  }
0x9d: {  	_ =	swait.ge [sflag:s26], $0x1400  }
0x9e: {  	[sflag:s26] =	ssyncset.done $0x0  }
0x9f: {  	[sflag:s26] =	ssyncadd.s32 $0xFFFFEC00  }
0xa0: {  	[spmem:s2] =	stream.indirect.scatter.add.f32 [tilespmem:s28], [sflag:$0xA], $0x40, s9, s19, $0xb8;
	[tilespmem:$0x154A0] =	vst v63  }
.Ltmp3:
0xa1: {  	_ = 	snop;
	(pc) =	sbr.rel .LBB2_2-.Ltmp3, $4  }
0xa2: {  	_ =	swait.ge [sflag:s24], $0x1400  }
0xa3: {  	[sflag:s24] =	ssyncset.done $0x0  }
0xa4: {  	s13 =	sadd.s32 $0x410, s7;
	s6 =	sadd.s32 $0x640, s6;
	[sflag:s24] =	ssyncadd.s32 $0xFFFFEC00  }
0xa5: {  	[tilespmem:s25], [sflag:$0x4] =	stream.indirect.gather [hbm4b:s4+s19], $0x40, s13, s19, $0xb8;
	[tilespmem:$0x154A0] =	vst v63  }
.LBB2_5:
0xa6: {  	_ =	sfence.sel $0x180000  }
0xa7: {  	[bflag:$0x0] =	sbarrier.arrive $0xFFFF  }
0xa8: {  	_ =	strace $0x9000004D  }
0xa9: {  	s0 =	stileid.u32;
	[bflag:$0x2] =	sbarrier.arrive $0xFFFF  }
0xaa: {  	p0 =	sne.s32 s0, $0x0;
	s0 =	rddreg [dreg:$0x2]  }
0xab: {  	s0 =	sadd.s32 @!p0 $0x100000, s0  }
0xac: {  	[sflag:s0] =	ssyncadd.tile.s32 @!p0 $0x1;
	_ =	shalt  }
.Lfunc_end2:
_tile_overlayer_lowered:
.L_overlay_start_2:
0xad: {  	(tag) =	ssettag $0x2  }
0xae: {  	s0 =	rddreg [dreg:$0x0];
	s2 =	stileid.u32  }
0xaf: {  	s1 =	rddreg [dreg:$0x1];
	p0 =	sne.s32 s2, $0x0  }
0xb0: {  	s3 =	rddreg [dreg:$0x2];
	[bflag:$0x3] =	sbarrier.arrive $0xFFFF;
	s2 =	simm.s32 @!p0 $0x1C0B  }
0xb1: {  	[timem:s3], [sflag:s2] =	dma.local @!p0 [hbm:s0], s1  }
0xb2: {  	s0 =	simm.s32 @!p0 $0xB  }
0xb3: {  	_ =	swait.ge @!p0 [sflag:s0], s1  }
0xb4: {  	s1 =	ssub.s32 @!p0 $0x0, s1;
	[sflag:s0] =	ssyncset.done @!p0 $0x0  }
0xb5: {  	[sflag:s0] =	ssyncadd.s32 @!p0 s1  }
0xb6: {  	[bflag:$0x3] =	sbarrier.arrive $0xFFFF  }
0xb7: {  	_ =	shalt  }

// kernel: kernel.21.cloned.1.call-start
scs
__scs_entry_jumppad:
0x0: {  	(pc) =	sbr.rel $0x88, $3  }
0x1: {  	(tag) =	ssettag $0x0;
	lr =	simm.s32 $0x1  }
0x2: {  	[smem:$0x3F96] =	sst lr;
	_ =	strace $0xD0000000  }
0x3: {  	_ = 	snop  }
0x4: {  	_ = 	snop  }
0x5: {  	_ = 	snop  }
0x6: {  	_ = 	snop  }
0x7: {  	_ = 	snop  }
__scs_overlays_trampoline_lowered:
0x8: {  	[smem:$0x3FA5] =	sst s0  }
0x9: {  	[smem:$0x3FA6] =	sst s1  }
0xa: {  	[smem:$0x3FA7] =	sst s2  }
0xb: {  	[smem:$0x3FA8] =	sst s3  }
0xc: {  	[smem:$0x3FA9] =	sst s4  }
0xd: {  	[smem:$0x3FAA] =	sst s5  }
0xe: {  	[smem:$0x3FAB] =	sst s6  }
0xf: {  	[smem:$0x3FAC] =	sst s7  }
0x10: {  	[smem:$0x3FAD] =	sst s8  }
0x11: {  	[smem:$0x3FAE] =	sst s9;
	s0 =	simm.s32 @!p0 $0x0  }
0x12: {  	s1 =	sld [smem:$0x3F94];
	s0 =	simm.s32 @p0 $0x1  }
0x13: {  	[smem:$0x3FAF] =	sst s0;
	s0 =	simm.s32 @!p1 $0x0  }
0x14: {  	s2 =	sld [smem:$0x3F93];
	s0 =	simm.s32 @p1 $0x1  }
0x15: {  	[smem:$0x3FB0] =	sst s0;
	s0 =	simm.s32 @!p2 $0x0  }
0x16: {  	s3 =	sld [smem:$0x3FDB];
	s0 =	simm.s32 @p2 $0x1  }
0x17: {  	s4 =	simm.s32 $0x1BF5;
	[smem:$0x3FB2] =	sst s0  }
0x18: {  	s0 =	sld [smem:$0x3F95];
	_ =	swait.ge [sflag:s4], $0x0  }
0x19: {  	s7 =	sld [smem:$0x3F96]  }
0x1a: {  	s8 =	sadd.s32 $0xFFFFE003, lr  }
0x1b: {  	s9 =	sadd.s32 $0xFFFFFEF7, lr;
	s5 =	simm.s32 $0xFFFFFFFF;
	p2 =	slt.u32 s8, $0xFFFFF086  }
0x1c: {  	p1 =	slt.u32 s9, $0xF7A;
	s5 =	simm.s32 @!p2 $0x0  }
0x1d: {  	s5 =	simm.s32 @p1 $0x1;
	p0 =	seq.s32 s7, s2  }
0x1e: {  	s7 =	smul.u32 @!p0 $0xF7A, s2;
	p2 =	seq.s32 @!p0 s5, $0x0  }
0x1f: {  	s9 =	smul.u32 $0xF7A, s1;
	s8 =	simm.s32 @!p0 $0x1BF5;
	p2 =	por !p2, p0  }
0x20: {  	[sflag:s8] =	ssyncset.s32 @!p0 $0xFFFFF086;
	s6 =	sadd.s32 @!p0 s3, s7;
	s7 =	simm.s32 @!p0 $0x108  }
0x21: {  	s3 =	sadd.s32 s3, s9;
	s6 =	sadd.s32 @!p0 $0x88, s6;
	s7 =	simm.s32 @p2 $0x1082  }
0x22: {  	[simem:s7], [sflag:s8] =	dma.local @!p0 [hbm:s6], $0xF7A  }
0x23: {  	s9 =	sor.u32 $0xD0000000, s2;
	s6 =	simm.s32 $0x108;
	_ =	swait.ge @!p0 [sflag:s8], $0x0  }
0x24: {  	s3 =	sadd.s32 $0x88, s3;
	s6 =	simm.s32 @!p1 $0x1082;
	[sflag:s4] =	ssyncset.s32 $0xFFFFF086  }
0x25: {  	[simem:s6], [sflag:s4] =	dma.local [hbm:s3], $0xF7A  }
0x26: {  	[smem:$0x3F96] =	sst s1;
	(tag) =	ssettag s2;
	_ =	strace s9  }
0x27: {  	s1 =	sld [smem:$0x3FA6]  }
0x28: {  	s2 =	sld [smem:$0x3FA7]  }
0x29: {  	s4 =	sld [smem:$0x3FA9]  }
0x2a: {  	p0 =	seq.s32 s5, $0x0;
	s5 =	sld [smem:$0x3FAA]  }
0x2b: {  	s6 =	sld [smem:$0x3FAB]  }
0x2c: {  	s7 =	sld [smem:$0x3FAC]  }
0x2d: {  	s3 =	simm.s32 $0x108;
	s8 =	sld [smem:$0x3FAD]  }
0x2e: {  	s3 =	simm.s32 @!p0 $0x1082;
	s9 =	sld [smem:$0x3FAE]  }
0x2f: {  	lr =	sadd.s32 s0, s3;
	s0 =	sld [smem:$0x3FA5]  }
0x30: {  	s3 =	sld [smem:$0x3FA8]  }
0x31: {  	[smem:$0x3FB1] =	sst s10  }
0x32: {  	s10 =	sld [smem:$0x3FAF];
	_ =	sdelay $0x3  }
0x33: {  	p0 =	seq.s32 s10, $0x1;
	s10 =	sld [smem:$0x3FB1];
	_ =	sdelay $0x3  }
0x34: {  	[smem:$0x3FB1] =	sst s10  }
0x35: {  	s10 =	sld [smem:$0x3FB0];
	_ =	sdelay $0x3  }
0x36: {  	p1 =	seq.s32 s10, $0x1;
	s10 =	sld [smem:$0x3FB1];
	_ =	sdelay $0x3  }
0x37: {  	[smem:$0x3FB1] =	sst s10  }
0x38: {  	s10 =	sld [smem:$0x3FB2]  }
0x39: {  	_ = 	snop;
	(pc) =	sbr.ind lr, $3  }
0x3a: {  	_ = 	snop  }
0x3b: {  	_ = 	snop  }
0x3c: {  	p2 =	seq.s32 s10, $0x1;
	s10 =	sld [smem:$0x3FB1]  }
0x3d: {  	_ =	shalt  }
0x3e: {  	_ =	shalt  }
0x3f: {  	_ =	shalt  }
0x40: {  	_ =	shalt  }
0x41: {  	_ =	shalt  }
0x42: {  	_ =	shalt  }
0x43: {  	_ =	shalt  }
0x44: {  	_ =	shalt  }
0x45: {  	_ =	shalt  }
0x46: {  	_ =	shalt  }
0x47: {  	_ =	shalt  }
0x48: {  	_ =	shalt  }
0x49: {  	_ =	shalt  }
0x4a: {  	_ =	shalt  }
0x4b: {  	_ =	shalt  }
0x4c: {  	_ =	shalt  }
0x4d: {  	_ =	shalt  }
0x4e: {  	_ =	shalt  }
0x4f: {  	_ =	shalt  }
0x50: {  	_ =	shalt  }
0x51: {  	_ =	shalt  }
0x52: {  	_ =	shalt  }
0x53: {  	_ =	shalt  }
0x54: {  	_ =	shalt  }
0x55: {  	_ =	shalt  }
0x56: {  	_ =	shalt  }
0x57: {  	_ =	shalt  }
0x58: {  	_ =	shalt  }
0x59: {  	_ =	shalt  }
0x5a: {  	_ =	shalt  }
0x5b: {  	_ =	shalt  }
0x5c: {  	_ =	shalt  }
0x5d: {  	_ =	shalt  }
0x5e: {  	_ =	shalt  }
0x5f: {  	_ =	shalt  }
0x60: {  	_ =	shalt  }
0x61: {  	_ =	shalt  }
0x62: {  	_ =	shalt  }
0x63: {  	_ =	shalt  }
0x64: {  	_ =	shalt  }
0x65: {  	_ =	shalt  }
0x66: {  	_ =	shalt  }
0x67: {  	_ =	shalt  }
0x68: {  	_ =	shalt  }
0x69: {  	_ =	shalt  }
0x6a: {  	_ =	shalt  }
0x6b: {  	_ =	shalt  }
0x6c: {  	_ =	shalt  }
0x6d: {  	_ =	shalt  }
0x6e: {  	_ =	shalt  }
0x6f: {  	_ =	shalt  }
0x70: {  	_ =	shalt  }
0x71: {  	_ =	shalt  }
0x72: {  	_ =	shalt  }
0x73: {  	_ =	shalt  }
0x74: {  	_ =	shalt  }
0x75: {  	_ =	shalt  }
0x76: {  	_ =	shalt  }
0x77: {  	_ =	shalt  }
0x78: {  	_ =	shalt  }
0x79: {  	_ =	shalt  }
0x7a: {  	_ =	shalt  }
0x7b: {  	_ =	shalt  }
0x7c: {  	_ =	shalt  }
0x7d: {  	_ =	shalt  }
0x7e: {  	_ =	shalt  }
0x7f: {  	_ =	shalt  }
0x80: {  	_ =	shalt  }
0x81: {  	_ =	shalt  }
0x82: {  	_ =	shalt  }
0x83: {  	_ =	shalt  }
0x84: {  	_ =	shalt  }
0x85: {  	_ =	shalt  }
0x86: {  	_ =	shalt  }
0x87: {  	_ =	shalt  }
.Lfunc_end0:
.L_simem_size_0:
called_computation.3_lowered:
.L_overlay_start_0:
0x88: {  	s2 =	sld [smem:$0x3FD9]  }
0x89: {  	s3 =	sld [smem:$0x3FFE];
	_ =	sdelay $0x1  }
0x8a: {  	s1 =	srdreg.scid  }
0x8b: {  	s0 =	sand.u32 $0x1, s1  }
0x8c: {  	s16 =	sshll.u32 s0, $0xA;
	s2 =	sadd.s32 s3, s2  }
0x8d: {  	s2 =	sadd.s32 s2, s16  }
0x8e: {  	[smem:$0x3FBD] =	sst s2  }
0x8f: {  	_ = 	snop  }
0x90: {  	(tm) =	ssettm $0x1  }
0x91: {  	s17 =	sld [smem:$0x3FFB];
	_ =	sdelay $0x3  }
0x92: {  	_ =	strace s17  }
0x93: {  	s2 =	sld [smem:$0x3FFC];
	_ =	sdelay $0x3  }
0x94: {  	_ =	strace s2  }
0x95: {  	s2 =	sld [smem:$0x3FFD];
	_ =	sdelay $0x3  }
0x96: {  	_ =	strace s2  }
0x97: {  	_ =	strace $0x8FFFFFFF  }
0x98: {  	s18 =	sld [smem:$0x3FDB];
	_ =	sdelay $0x1  }
0x99: {  	s19 =	simm.s32 $_scs_section_size  }
0x9a: {  	s4 =	simm.s32 $_size__tile_overlayer_lowered;
	s5 =	simm.s32 $_tile_overlayer_lowered  }
0x9b: {  	s22 =	simm.s32 $0x1BFF;
	s21 =	sshll.u32 s5, $0x1;
	s2 =	sadd.s32 s19, s18  }
0x9c: {  	s6 =	simm.s32 $0x0;
	s20 =	sshll.u32 s4, $0x1;
	s4 =	sadd.s32 s21, s2  }
0x9d: {  	[timem:s6], [sflag:s22] =	dma.local [hbm:s4], s20  }
0x9e: {  	_ =	swait.ge [sflag:s22], s20  }
0x9f: {  	s3 =	ssub.s32 $0x0, s20;
	[sflag:s22] =	ssyncset.done $0x0  }
0xa0: {  	[sflag:s22] =	ssyncadd.s32 s3;
	_ =	sdelay $0x1  }
0xa1: {  	s23 =	simm.s32 $0x1B8B  }
0xa2: {  	_ =	swait.ge [sflag:s23], $0x1  }
0xa3: {  	[sflag:s23] =	ssyncset.done $0x0  }
0xa4: {  	s25 =	simm.s32 $0x1B8E;
	s24 =	sld [smem:$0x3FFE];
	[sflag:s23] =	ssyncadd.s32 $0xFFFFFFFF  }
0xa5: {  	s26 =	simm.s32 $execute0_lowered;
	[smem:$0x3FD2] =	sst s25  }
0xa6: {  	s4 =	sshll.u32 s26, $0x1;
	_ =	strace $0x8000004F;
	[dreg:$0x1] =	wrdreg $0xFFFFFFFF  }
0xa7: {  	s28 =	simm.s32 $_size_execute0_lowered;
	s2 =	sadd.s32 s2, s4;
	[dreg:$0x0] =	wrdreg $0x0  }
0xa8: {  	s4 =	sshll.u32 s28, $0x1;
	[dreg:$0x2] =	wrdreg s2  }
0xa9: {  	[dreg:$0x3] =	wrdreg s4  }
0xaa: {  	[dreg:$0x4] =	wrdreg $0xC0  }
0xab: {  	_ =	task [dreg:s6], $0x5FFFF  }
0xac: {  	[dreg:$0x1] =	wrdreg $0xFFFFFFFF  }
0xad: {  	[dreg:$0x0] =	wrdreg $0x60  }
0xae: {  	[dreg:$0x2] =	wrdreg s24  }
0xaf: {  	[dreg:$0x3] =	wrdreg $0xB2200  }
0xb0: {  	[dreg:$0x4] =	wrdreg $0x9  }
0xb1: {  	_ =	task.clear_ibuf [dreg:s6], $0x5FFFF;
	_ =	strace $0x9000004F  }
0xb2: {  	s29 =	simm.s32 $0x9;
	_ =	strace $0x80000051  }
0xb3: {  	_ =	swait.ge [sflag:s29], $0x1  }
0xb4: {  	[sflag:s29] =	ssyncadd.s32 $0xFFFFFFFF  }
0xb5: {  	_ =	strace $0x90000051  }
0xb6: {  	_ =	sfence  }
0xb7: {  	s30 =	sld [smem:$0x0];
	_ =	sdelay $0x2  }
0xb8: {  	s31 =	sshll.u32 s1, $0xD;
	s1 =	sshrl.u32 s1, $0x2  }
0xb9: {  	s3 =	sand.u32 $0x4000, s31;
	s1 =	sadd.s32 s1, s30  }
0xba: {  	s0 =	sor.u32 s3, s0;
	s1 =	sshll.u32 s1, $0x11  }
0xbb: {  	s0 =	sor.u32 s1, s0  }
0xbc: {  	s0 =	sadd.s32 $0x8F2B, s0  }
0xbd: {  	[sflag:s0] =	ssyncadd.remote.s32 $0x1  }
0xbe: {  	_ =	sfence.sel $0xFFFF  }
0xbf: {  	[dreg:$0x0] =	wrdreg $0xFFFFFFFF;
	(pc) =	sbr.abs _section_cstart, $3  }
0xc0: {  	[dreg:$0x1] =	wrdreg $0xFFFFFFFF  }
0xc1: {  	_ =	task.clear_ibuf [dreg:s6], $0x2FFFF;
	_ =	strace $0x9FFFFFFF  }
0xc2: {  	(tm) =	ssettm $0x7FFFFFFF  }
0xc3: {  	_ =	shalt  }
tec
execute0_lowered:
.L_overlay_start_1:
0x0: {  	(tag) =	ssettag $0x1  }
0x1: {  	s1 =	rddreg [dreg:$0x0]  }
0x2: {  	s0 =	srdreg.scid;
	s2 =	rddreg [dreg:$0x1]  }
0x3: {  	s13 =	stileid.u32;
	s3 =	simm.s32 $0x0;
	s17 =	simm.s32 $0x6  }
0x4: {  	s18 =	simm.s32 $0x7;
	s19 =	simm.s32 $0x50;
	s20 =	simm.s32 $0x4E20  }
0x5: {  	s21 =	simm.s32 $0x6220;
	s28 =	simm.s32 $0x9E20;
	s29 =	simm.s32 $0x8  }
0x6: {  	s30 =	simm.s32 $0x1;
	s31 =	simm.s32 $0x2;
	s0 =	sand.u32 $0x1, s0  }
0x7: {  	[smem:$0x7FF] =	sst s3;
	s9 =	smul.u32 $0x6400, s13;
	s25 =	sshll.u32 s13, $0x6  }
0x8: {  	p0 =	sgt.u32 s13, $0x8;
	s4 =	sshll.u32 s0, $0x4;
	_ =	strace $0x80000050  }
0x9: {  	s6 =	ssub.s32 $0x2, s0;
	s0 =	smul.u32 $0x9C400, s0;
	s8 =	sor.u32 $0x1C08, s25  }
0xa: {  	s25 =	simm.s32 $0x8A20;
	s4 =	sor.u32 s13, s4;
	s7 =	sshrl.u32 s6, $0x1  }
0xb: {  	s23 =	sadd.s32 s9, s2;
	s24 =	sshrl.u32 s9, $0x3;
	s10 =	sadd.s32 $0x64000, s9  }
0xc: {  	s5 =	smul.u32 $0x4E2, s4;
	s4 =	sadd.s32 $0x16400, s1;
	s6 =	ssub.s32 s6, s7  }
0xd: {  	s9 =	sadd.s32 s9, s0;
	s11 =	sshrl.u32 s10, $0x3;
	s0 =	sadd.s32 s0, s10  }
0xe: {  	s14 =	sshrl.u32 s23, $0x3;
	s23 =	simm.s32 $0x7620;
	s7 =	sadd.s32 s4, s24  }
0xf: {  	s9 =	sshrl.u32 s9, $0x3;
	s26 =	sadd.s32 s4, s11;
	s0 =	sshrl.u32 s0, $0x3  }
0x10: {  	s12 =	smax.u32 s6, $0x1;
	s24 =	simm.s32 $0x9;
	s5 =	sadd.s32 s5, s1  }
0x11: {  	s1 =	sadd.s32 $0x29E00, s1;
	[dreg:$0x5] =	wrdreg s7;
	s7 =	sadd.s32 s10, s2  }
0x12: {  	[dreg:$0x6] =	wrdreg s26;
	s26 =	simm.s32 $0x5;
	s22 =	sadd.s32 $0x2800, s5  }
.Ltmp0:
0x13: {  	s5 =	sadd.s32 $0xC600, s5;
	[dreg:$0x3] =	wrdreg s22;
	(pc) =	sbr.rel .LBB2_1-.Ltmp0, $4  }
0x14: {  	s9 =	sadd.s32 s1, s9;
	s0 =	sadd.s32 s1, s0;
	[dreg:$0x4] =	wrdreg s5  }
0x15: {  	s16 =	sshrl.u32 @!p0 s7, $0x3;
	s1 =	simm.s32 $0xA;
	[dreg:$0x7] =	wrdreg s9  }
0x16: {  	[dreg:$0x8] =	wrdreg s0;
	s0 =	sshll.u32 @!p0 s13, $0x6;
	s22 =	simm.s32 $0x3  }
0x17: {  	s5 =	simm.s32 $0x0;
	s15 =	sor.u32 @!p0 $0x1C09, s0;
	s0 =	simm.s32 $0x4  }
.LBB2_4:
0x18: {  	_ =	swait.ge [sflag:s26], $0x1400  }
0x19: {  	[sflag:s26] =	ssyncset.done $0x0  }
0x1a: {  	[sflag:s26] =	ssyncadd.s32 $0xFFFFEC00  }
0x1b: {  	[spmem:s2] =	stream.indirect.scatter.add.f32 [tilespmem:s28], [sflag:$0xA], $0x40, s9, s19, $0xb8;
	[tilespmem:$0x154A0] =	vst v63  }
0x1c: {  	_ =	swait.ge [sflag:s24], $0x1400  }
0x1d: {  	[sflag:s24] =	ssyncset.done $0x0  }
0x1e: {  	[sflag:s24] =	ssyncadd.s32 $0xFFFFEC00  }
0x1f: {  	_ =	swait.ge [sflag:s1], $0x1400  }
0x20: {  	[sflag:s1] =	ssyncset.done $0x0  }
0x21: {  	[sflag:s1] =	ssyncadd.s32 $0xFFFFEC00  }
0x22: {  	[bflag:$0x0] =	sbarrier.arrive $0xFFFF  }
0x23: {  	s6 =	rddreg [dreg:$0x7]  }
0x24: {  	[hbm:s6], [sflag:s8] =	dma.local [spmem:s14], $0xC80  }
0x25: {  	s6 =	rddreg [dreg:$0x8]  }
0x26: {  	[hbm:s6], [sflag:s15] =	dma.local @!p0 [spmem:s16], $0xC80  }
0x27: {  	s5 =	sadd.s32 $0x1, s5;
	s6 =	simm.s32 @!p0 $0x8  }
0x28: {  	p1 =	sne.s32 s5, s12;
	_ =	swait.ge @!p0 [sflag:s6], $0xC80  }
.Ltmp1:
0x29: {  	s7 =	simm.s32 @!p0 $0x9;
	[sflag:s6] =	ssyncset.done @!p0 $0x0;
	(pc) =	sbr.rel @!p1 .LBB2_5-.Ltmp1, $4  }
0x2a: {  	s7 =	simm.s32 @p0 $0x8;
	[sflag:s6] =	ssyncadd.s32 @!p0 $0xFFFFF380  }
0x2b: {  	_ =	swait.ge [sflag:s7], $0xC80  }
0x2c: {  	[sflag:s7] =	ssyncset.done $0x0  }
0x2d: {  	[sflag:s7] =	ssyncadd.s32 $0xFFFFF380  }
.LBB2_1:
0x2e: {  	s6 =	rddreg [dreg:$0x3]  }
0x2f: {  	s9 =	rddreg [dreg:$0x4]  }
0x30: {  	[tilespmem:s3], [sflag:$0x6] =	stream.linear.gather [hbm4b:s6+s3], $0x2710, $0x38;
	[tilespmem:$0x154A0] =	vst v63  }
0x31: {  	s7 =	simm.s32 $0x2710;
	s10 =	rddreg [dreg:$0x5]  }
0x32: {  	[tilespmem:s7], [sflag:$0x7] =	stream.linear.gather [hbm4b:s9+s3], $0x2710, $0x38;
	[tilespmem:$0x154A0] =	vst v63  }
0x33: {  	[spmem:s14], [sflag:s8] =	dma.local [hbm:s10], $0xC80  }
0x34: {  	s6 =	rddreg [dreg:$0x6]  }
0x35: {  	[spmem:s16], [sflag:s15] =	dma.local @!p0 [hbm:s6], $0xC80  }
0x36: {  	_ =	swait.ge [sflag:s17], $0x2710  }
0x37: {  	[sflag:s17] =	ssyncset.done $0x0  }
0x38: {  	[sflag:s17] =	ssyncadd.s32 $0xFFFFD8F0  }
0x39: {  	_ =	swait.ge [sflag:s18], $0x2710  }
0x3a: {  	[sflag:s18] =	ssyncset.done $0x0  }
0x3b: {  	[sflag:s18] =	ssyncadd.s32 $0xFFFFD8F0  }
0x3c: {  	[tilespmem:s20], [sflag:$0x1] =	stream.indirect.gather [hbm4b:s4+s19], $0x40, s3, s19, $0xb8;
	[tilespmem:$0x154A0] =	vst v63  }
0x3d: {  	_ = 	snop  }
0x3e: {  	[tilespmem:s21], [sflag:$0x2] =	stream.indirect.gather [hbm4b:s4+s19], $0x40, s19, s19, $0xb8;
	[tilespmem:$0x154A0] =	vst v63  }
0x3f: {  	s11 =	simm.s32 $0xA0  }
0x40: {  	[tilespmem:s23], [sflag:$0x3] =	stream.indirect.gather [hbm4b:s4+s19], $0x40, s11, s19, $0xb8;
	[tilespmem:$0x154A0] =	vst v63  }
0x41: {  	s13 =	simm.s32 $0xF0  }
0x42: {  	[tilespmem:s25], [sflag:$0x4] =	stream.indirect.gather [hbm4b:s4+s19], $0x40, s13, s19, $0xb8;
	[tilespmem:$0x154A0] =	vst v63  }
0x43: {  	s9 =	simm.s32 $0x140  }
0x44: {  	[tilespmem:s28], [sflag:$0x5] =	stream.indirect.gather [hbm4b:s4+s19], $0x40, s9, s19, $0xb8;
	[tilespmem:$0x154A0] =	vst v63  }
0x45: {  	_ =	swait.ge [sflag:s29], $0xC80  }
0x46: {  	[sflag:s29] =	ssyncset.done $0x0  }
0x47: {  	s6 =	simm.s32 @!p0 $0x9;
	[sflag:s29] =	ssyncadd.s32 $0xFFFFF380  }
0x48: {  	_ =	swait.ge @!p0 [sflag:s6], $0xC80  }
0x49: {  	[sflag:s6] =	ssyncset.done @!p0 $0x0  }
0x4a: {  	[sflag:s6] =	ssyncadd.s32 @!p0 $0xFFFFF380  }
0x4b: {  	[bflag:$0x0] =	sbarrier.arrive $0xFFFF  }
0x4c: {  	_ =	swait.ge [sflag:s30], $0x1400  }
0x4d: {  	[sflag:s30] =	ssyncset.done $0x0  }
0x4e: {  	[sflag:s30] =	ssyncadd.s32 $0xFFFFEC00  }
0x4f: {  	[spmem:s2] =	stream.indirect.scatter.add.f32 [tilespmem:s20], [sflag:$0x6], $0x40, s7, s19, $0xb8;
	[tilespmem:$0x154A0] =	vst v63  }
0x50: {  	_ =	swait.ge [sflag:s31], $0x1400  }
0x51: {  	[sflag:s31] =	ssyncset.done $0x0  }
0x52: {  	s10 =	simm.s32 $0x2760;
	[sflag:s31] =	ssyncadd.s32 $0xFFFFEC00  }
0x53: {  	[spmem:s2] =	stream.indirect.scatter.add.f32 [tilespmem:s21], [sflag:$0x7], $0x40, s10, s19, $0xb8;
	[tilespmem:$0x154A0] =	vst v63  }
0x54: {  	_ =	swait.ge [sflag:s17], $0x1400  }
0x55: {  	[sflag:s17] =	ssyncset.done $0x0  }
0x56: {  	s11 =	simm.s32 $0x190;
	[sflag:s17] =	ssyncadd.s32 $0xFFFFEC00  }
0x57: {  	[tilespmem:s20], [sflag:$0x1] =	stream.indirect.gather [hbm4b:s4+s19], $0x40, s11, s19, $0xb8;
	[tilespmem:$0x154A0] =	vst v63  }
0x58: {  	_ =	swait.ge [sflag:s22], $0x1400  }
0x59: {  	[sflag:s22] =	ssyncset.done $0x0  }
0x5a: {  	s13 =	simm.s32 $0x27B0;
	[sflag:s22] =	ssyncadd.s32 $0xFFFFEC00  }
0x5b: {  	[spmem:s2] =	stream.indirect.scatter.add.f32 [tilespmem:s23], [sflag:$0x8], $0x40, s13, s19, $0xb8;
	[tilespmem:$0x154A0] =	vst v63  }
0x5c: {  	_ =	swait.ge [sflag:s18], $0x1400  }
0x5d: {  	[sflag:s18] =	ssyncset.done $0x0  }
0x5e: {  	s7 =	simm.s32 $0x1E0;
	[sflag:s18] =	ssyncadd.s32 $0xFFFFEC00  }
0x5f: {  	[tilespmem:s21], [sflag:$0x2] =	stream.indirect.gather [hbm4b:s4+s19], $0x40, s7, s19, $0xb8;
	[tilespmem:$0x154A0] =	vst v63  }
0x60: {  	_ =	swait.ge [sflag:s0], $0x1400  }
0x61: {  	[sflag:s0] =	ssyncset.done $0x0  }
0x62: {  	s9 =	simm.s32 $0x2800;
	[sflag:s0] =	ssyncadd.s32 $0xFFFFEC00  }
0x63: {  	[spmem:s2] =	stream.indirect.scatter.add.f32 [tilespmem:s25], [sflag:$0x9], $0x40, s9, s19, $0xb8;
	[tilespmem:$0x154A0] =	vst v63  }
0x64: {  	_ =	swait.ge [sflag:s29], $0x1400  }
0x65: {  	[sflag:s29] =	ssyncset.done $0x0  }
0x66: {  	s10 =	simm.s32 $0x230;
	[sflag:s29] =	ssyncadd.s32 $0xFFFFEC00  }
0x67: {  	[tilespmem:s23], [sflag:$0x3] =	stream.indirect.gather [hbm4b:s4+s19], $0x40, s10, s19, $0xb8;
	[tilespmem:$0x154A0] =	vst v63  }
0x68: {  	_ =	swait.ge [sflag:s26], $0x1400  }
0x69: {  	[sflag:s26] =	ssyncset.done $0x0  }
0x6a: {  	s11 =	simm.s32 $0x2850;
	[sflag:s26] =	ssyncadd.s32 $0xFFFFEC00  }
0x6b: {  	[spmem:s2] =	stream.indirect.scatter.add.f32 [tilespmem:s28], [sflag:$0xA], $0x40, s11, s19, $0xb8;
	[tilespmem:$0x154A0] =	vst v63  }
0x6c: {  	_ =	swait.ge [sflag:s24], $0x1400  }
0x6d: {  	[sflag:s24] =	ssyncset.done $0x0  }
0x6e: {  	s6 =	simm.s32 $0x0;
	s13 =	simm.s32 $0x280;
	[sflag:s24] =	ssyncadd.s32 $0xFFFFEC00  }
0x6f: {  	[tilespmem:s25], [sflag:$0x4] =	stream.indirect.gather [hbm4b:s4+s19], $0x40, s13, s19, $0xb8;
	[tilespmem:$0x154A0] =	vst v63  }
.LBB2_2:
0x70: {  	_ =	swait.ge [sflag:s30], $0x1400  }
0x71: {  	s7 =	sshra.s32 s6, $0x2;
	[sflag:s30] =	ssyncset.done $0x0  }
0x72: {  	s9 =	sadd.s32 $0x28A0, s7;
	[sflag:s30] =	ssyncadd.s32 $0xFFFFEC00  }
0x73: {  	[spmem:s2] =	stream.indirect.scatter.add.f32 [tilespmem:s20], [sflag:$0x6], $0x40, s9, s19, $0xb8;
	[tilespmem:$0x154A0] =	vst v63  }
0x74: {  	_ =	swait.ge [sflag:s1], $0x1400  }
0x75: {  	[sflag:s1] =	ssyncset.done $0x0  }
0x76: {  	s10 =	sadd.s32 $0x2D0, s7;
	[sflag:s1] =	ssyncadd.s32 $0xFFFFEC00  }
0x77: {  	[tilespmem:s28], [sflag:$0x5] =	stream.indirect.gather [hbm4b:s4+s19], $0x40, s10, s19, $0xb8;
	[tilespmem:$0x154A0] =	vst v63  }
0x78: {  	_ =	swait.ge [sflag:s31], $0x1400  }
0x79: {  	[sflag:s31] =	ssyncset.done $0x0  }
0x7a: {  	s11 =	sadd.s32 $0x28F0, s7;
	[sflag:s31] =	ssyncadd.s32 $0xFFFFEC00  }
0x7b: {  	[spmem:s2] =	stream.indirect.scatter.add.f32 [tilespmem:s21], [sflag:$0x7], $0x40, s11, s19, $0xb8;
	[tilespmem:$0x154A0] =	vst v63  }
0x7c: {  	_ =	swait.ge [sflag:s17], $0x1400  }
0x7d: {  	p1 =	seq.s32 s6, $0x8FC0;
	[sflag:s17] =	ssyncset.done $0x0  }
0x7e: {  	s9 =	simm.s32 @p1 $0x3;
	[sflag:s17] =	ssyncadd.s32 $0xFFFFEC00  }
0x7f: {  	_ =	swait.ge @p1 [sflag:s9], $0x1400  }
0x80: {  	[sflag:s9] =	ssyncset.done @p1 $0x0  }
0x81: {  	[sflag:s9] =	ssyncadd.s32 @p1 $0xFFFFEC00;
	s9 =	sshra.s32 @p1 s6, $0x2  }
0x82: {  	s13 =	simm.s32 @p1 $0x7620;
	s10 =	simm.s32 @p1 $0x50;
	s9 =	sadd.s32 @p1 $0x2940, s9  }
0x83: {  	[spmem:s2] =	stream.indirect.scatter.add.f32 @p1 [tilespmem:s13], [sflag:$0x8], $0x40, s9, s10, $0xb8;
	[tilespmem:$0x154A0] =	vst v63  }
0x84: {  	s9 =	simm.s32 @p1 $0x7  }
0x85: {  	_ =	swait.ge @p1 [sflag:s9], $0x1400  }
0x86: {  	[sflag:s9] =	ssyncset.done @p1 $0x0  }
0x87: {  	[sflag:s9] =	ssyncadd.s32 @p1 $0xFFFFEC00;
	s9 =	sshra.s32 @!p1 s6, $0x2  }
0x88: {  	s11 =	simm.s32 @!p1 $0x4E20;
	s13 =	simm.s32 @!p1 $0x50;
	s10 =	sadd.s32 @!p1 $0x320, s9  }
0x89: {  	[tilespmem:s11], [sflag:$0x1] =	stream.indirect.gather @!p1 [hbm4b:s4+s13], $0x40, s10, s13, $0xb8;
	[tilespmem:$0x154A0] =	vst v63  }
0x8a: {  	s10 =	simm.s32 @!p1 $0x3  }
0x8b: {  	_ =	swait.ge @!p1 [sflag:s10], $0x1400  }
0x8c: {  	[sflag:s10] =	ssyncset.done @!p1 $0x0  }
0x8d: {  	s11 =	simm.s32 @!p1 $0x7620;
	[sflag:s10] =	ssyncadd.s32 @!p1 $0xFFFFEC00;
	s10 =	sadd.s32 @!p1 $0x2940, s9  }
0x8e: {  	[spmem:s2] =	stream.indirect.scatter.add.f32 @!p1 [tilespmem:s11], [sflag:$0x8], $0x40, s10, s13, $0xb8;
	[tilespmem:$0x154A0] =	vst v63  }
0x8f: {  	s10 =	simm.s32 @!p1 $0x7  }
0x90: {  	_ =	swait.ge @!p1 [sflag:s10], $0x1400  }
0x91: {  	[sflag:s10] =	ssyncset.done @!p1 $0x0  }
0x92: {  	s9 =	sadd.s32 @!p1 $0x370, s9;
	[sflag:s10] =	ssyncadd.s32 @!p1 $0xFFFFEC00;
	s10 =	simm.s32 @!p1 $0x6220  }
0x93: {  	[tilespmem:s10], [sflag:$0x2] =	stream.indirect.gather @!p1 [hbm4b:s4+s13], $0x40, s9, s13, $0xb8;
	[tilespmem:$0x154A0] =	vst v63  }
0x94: {  	_ =	swait.ge [sflag:s0], $0x1400  }
0x95: {  	[sflag:s0] =	ssyncset.done $0x0  }
.Ltmp2:
0x96: {  	s13 =	sadd.s32 $0x2990, s7;
	[sflag:s0] =	ssyncadd.s32 $0xFFFFEC00;
	(pc) =	sbr.rel @p1 .LBB2_4-.Ltmp2, $4  }
0x97: {  	[spmem:s2] =	stream.indirect.scatter.add.f32 [tilespmem:s25], [sflag:$0x9], $0x40, s13, s19, $0xb8;
	[tilespmem:$0x154A0] =	vst v63  }
0x98: {  	_ =	swait.ge [sflag:s29], $0x1400  }
0x99: {  	[sflag:s29] =	ssyncset.done $0x0  }
0x9a: {  	s9 =	sadd.s32 $0x29E0, s7;
	[sflag:s29] =	ssyncadd.s32 $0xFFFFEC00  }
0x9b: {  	s10 =	sadd.s32 $0x3C0, s7  }
0x9c: {  	[tilespmem:s23], [sflag:$0x3] =	stream.indirect.gather [hbm4b:s4+s19], $0x40, s10, s19, $0xb8;
	[tilespmem:$0x154A0] =	vst v63  }
0x9d: {  	_ =	swait.ge [sflag:s26], $0x1400  }
0x9e: {  	[sflag:s26] =	ssyncset.done $0x0  }
0x9f: {  	[sflag:s26] =	ssyncadd.s32 $0xFFFFEC00  }
0xa0: {  	[spmem:s2] =	stream.indirect.scatter.add.f32 [tilespmem:s28], [sflag:$0xA], $0x40, s9, s19, $0xb8;
	[tilespmem:$0x154A0] =	vst v63  }
.Ltmp3:
0xa1: {  	_ = 	snop;
	(pc) =	sbr.rel .LBB2_2-.Ltmp3, $4  }
0xa2: {  	_ =	swait.ge [sflag:s24], $0x1400  }
0xa3: {  	[sflag:s24] =	ssyncset.done $0x0  }
0xa4: {  	s13 =	sadd.s32 $0x410, s7;
	s6 =	sadd.s32 $0x640, s6;
	[sflag:s24] =	ssyncadd.s32 $0xFFFFEC00  }
0xa5: {  	[tilespmem:s25], [sflag:$0x4] =	stream.indirect.gather [hbm4b:s4+s19], $0x40, s13, s19, $0xb8;
	[tilespmem:$0x154A0] =	vst v63  }
.LBB2_5:
0xa6: {  	_ =	sfence.sel $0x180000  }
0xa7: {  	[bflag:$0x0] =	sbarrier.arrive $0xFFFF  }
0xa8: {  	_ =	strace $0x90000050  }
0xa9: {  	s0 =	stileid.u32;
	[bflag:$0x2] =	sbarrier.arrive $0xFFFF  }
0xaa: {  	p0 =	sne.s32 s0, $0x0;
	s0 =	rddreg [dreg:$0x2]  }
0xab: {  	s0 =	sadd.s32 @!p0 $0x100000, s0  }
0xac: {  	[sflag:s0] =	ssyncadd.tile.s32 @!p0 $0x1;
	_ =	shalt  }
.Lfunc_end2:
_tile_overlayer_lowered:
.L_overlay_start_2:
0xad: {  	(tag) =	ssettag $0x2  }
0xae: {  	s0 =	rddreg [dreg:$0x0];
	s2 =	stileid.u32  }
0xaf: {  	s1 =	rddreg [dreg:$0x1];
	p0 =	sne.s32 s2, $0x0  }
0xb0: {  	s3 =	rddreg [dreg:$0x2];
	[bflag:$0x3] =	sbarrier.arrive $0xFFFF;
	s2 =	simm.s32 @!p0 $0x1C0B  }
0xb1: {  	[timem:s3], [sflag:s2] =	dma.local @!p0 [hbm:s0], s1  }
0xb2: {  	s0 =	simm.s32 @!p0 $0xB  }
0xb3: {  	_ =	swait.ge @!p0 [sflag:s0], s1  }
0xb4: {  	s1 =	ssub.s32 @!p0 $0x0, s1;
	[sflag:s0] =	ssyncset.done @!p0 $0x0  }
0xb5: {  	[sflag:s0] =	ssyncadd.s32 @!p0 s1  }
0xb6: {  	[bflag:$0x3] =	sbarrier.arrive $0xFFFF  }
0xb7: {  	_ =	shalt  }

// kernel: kernel.24.cloned.1.call-start
scs
__scs_entry_jumppad:
0x0: {  	(pc) =	sbr.rel $0x88, $3  }
0x1: {  	(tag) =	ssettag $0x0;
	lr =	simm.s32 $0x1  }
0x2: {  	[smem:$0x3F96] =	sst lr;
	_ =	strace $0xD0000000  }
0x3: {  	_ = 	snop  }
0x4: {  	_ = 	snop  }
0x5: {  	_ = 	snop  }
0x6: {  	_ = 	snop  }
0x7: {  	_ = 	snop  }
__scs_overlays_trampoline_lowered:
0x8: {  	[smem:$0x3FA5] =	sst s0  }
0x9: {  	[smem:$0x3FA6] =	sst s1  }
0xa: {  	[smem:$0x3FA7] =	sst s2  }
0xb: {  	[smem:$0x3FA8] =	sst s3  }
0xc: {  	[smem:$0x3FA9] =	sst s4  }
0xd: {  	[smem:$0x3FAA] =	sst s5  }
0xe: {  	[smem:$0x3FAB] =	sst s6  }
0xf: {  	[smem:$0x3FAC] =	sst s7  }
0x10: {  	[smem:$0x3FAD] =	sst s8  }
0x11: {  	[smem:$0x3FAE] =	sst s9;
	s0 =	simm.s32 @!p0 $0x0  }
0x12: {  	s1 =	sld [smem:$0x3F94];
	s0 =	simm.s32 @p0 $0x1  }
0x13: {  	[smem:$0x3FAF] =	sst s0;
	s0 =	simm.s32 @!p1 $0x0  }
0x14: {  	s2 =	sld [smem:$0x3F93];
	s0 =	simm.s32 @p1 $0x1  }
0x15: {  	[smem:$0x3FB0] =	sst s0;
	s0 =	simm.s32 @!p2 $0x0  }
0x16: {  	s3 =	sld [smem:$0x3FDB];
	s0 =	simm.s32 @p2 $0x1  }
0x17: {  	s4 =	simm.s32 $0x1BF5;
	[smem:$0x3FB2] =	sst s0  }
0x18: {  	s0 =	sld [smem:$0x3F95];
	_ =	swait.ge [sflag:s4], $0x0  }
0x19: {  	s7 =	sld [smem:$0x3F96]  }
0x1a: {  	s8 =	sadd.s32 $0xFFFFE003, lr  }
0x1b: {  	s9 =	sadd.s32 $0xFFFFFEF7, lr;
	s5 =	simm.s32 $0xFFFFFFFF;
	p2 =	slt.u32 s8, $0xFFFFF086  }
0x1c: {  	p1 =	slt.u32 s9, $0xF7A;
	s5 =	simm.s32 @!p2 $0x0  }
0x1d: {  	s5 =	simm.s32 @p1 $0x1;
	p0 =	seq.s32 s7, s2  }
0x1e: {  	s7 =	smul.u32 @!p0 $0xF7A, s2;
	p2 =	seq.s32 @!p0 s5, $0x0  }
0x1f: {  	s9 =	smul.u32 $0xF7A, s1;
	s8 =	simm.s32 @!p0 $0x1BF5;
	p2 =	por !p2, p0  }
0x20: {  	[sflag:s8] =	ssyncset.s32 @!p0 $0xFFFFF086;
	s6 =	sadd.s32 @!p0 s3, s7;
	s7 =	simm.s32 @!p0 $0x108  }
0x21: {  	s3 =	sadd.s32 s3, s9;
	s6 =	sadd.s32 @!p0 $0x88, s6;
	s7 =	simm.s32 @p2 $0x1082  }
0x22: {  	[simem:s7], [sflag:s8] =	dma.local @!p0 [hbm:s6], $0xF7A  }
0x23: {  	s9 =	sor.u32 $0xD0000000, s2;
	s6 =	simm.s32 $0x108;
	_ =	swait.ge @!p0 [sflag:s8], $0x0  }
0x24: {  	s3 =	sadd.s32 $0x88, s3;
	s6 =	simm.s32 @!p1 $0x1082;
	[sflag:s4] =	ssyncset.s32 $0xFFFFF086  }
0x25: {  	[simem:s6], [sflag:s4] =	dma.local [hbm:s3], $0xF7A  }
0x26: {  	[smem:$0x3F96] =	sst s1;
	(tag) =	ssettag s2;
	_ =	strace s9  }
0x27: {  	s1 =	sld [smem:$0x3FA6]  }
0x28: {  	s2 =	sld [smem:$0x3FA7]  }
0x29: {  	s4 =	sld [smem:$0x3FA9]  }
0x2a: {  	p0 =	seq.s32 s5, $0x0;
	s5 =	sld [smem:$0x3FAA]  }
0x2b: {  	s6 =	sld [smem:$0x3FAB]  }
0x2c: {  	s7 =	sld [smem:$0x3FAC]  }
0x2d: {  	s3 =	simm.s32 $0x108;
	s8 =	sld [smem:$0x3FAD]  }
0x2e: {  	s3 =	simm.s32 @!p0 $0x1082;
	s9 =	sld [smem:$0x3FAE]  }
0x2f: {  	lr =	sadd.s32 s0, s3;
	s0 =	sld [smem:$0x3FA5]  }
0x30: {  	s3 =	sld [smem:$0x3FA8]  }
0x31: {  	[smem:$0x3FB1] =	sst s10  }
0x32: {  	s10 =	sld [smem:$0x3FAF];
	_ =	sdelay $0x3  }
0x33: {  	p0 =	seq.s32 s10, $0x1;
	s10 =	sld [smem:$0x3FB1];
	_ =	sdelay $0x3  }
0x34: {  	[smem:$0x3FB1] =	sst s10  }
0x35: {  	s10 =	sld [smem:$0x3FB0];
	_ =	sdelay $0x3  }
0x36: {  	p1 =	seq.s32 s10, $0x1;
	s10 =	sld [smem:$0x3FB1];
	_ =	sdelay $0x3  }
0x37: {  	[smem:$0x3FB1] =	sst s10  }
0x38: {  	s10 =	sld [smem:$0x3FB2]  }
0x39: {  	_ = 	snop;
	(pc) =	sbr.ind lr, $3  }
0x3a: {  	_ = 	snop  }
0x3b: {  	_ = 	snop  }
0x3c: {  	p2 =	seq.s32 s10, $0x1;
	s10 =	sld [smem:$0x3FB1]  }
0x3d: {  	_ =	shalt  }
0x3e: {  	_ =	shalt  }
0x3f: {  	_ =	shalt  }
0x40: {  	_ =	shalt  }
0x41: {  	_ =	shalt  }
0x42: {  	_ =	shalt  }
0x43: {  	_ =	shalt  }
0x44: {  	_ =	shalt  }
0x45: {  	_ =	shalt  }
0x46: {  	_ =	shalt  }
0x47: {  	_ =	shalt  }
0x48: {  	_ =	shalt  }
0x49: {  	_ =	shalt  }
0x4a: {  	_ =	shalt  }
0x4b: {  	_ =	shalt  }
0x4c: {  	_ =	shalt  }
0x4d: {  	_ =	shalt  }
0x4e: {  	_ =	shalt  }
0x4f: {  	_ =	shalt  }
0x50: {  	_ =	shalt  }
0x51: {  	_ =	shalt  }
0x52: {  	_ =	shalt  }
0x53: {  	_ =	shalt  }
0x54: {  	_ =	shalt  }
0x55: {  	_ =	shalt  }
0x56: {  	_ =	shalt  }
0x57: {  	_ =	shalt  }
0x58: {  	_ =	shalt  }
0x59: {  	_ =	shalt  }
0x5a: {  	_ =	shalt  }
0x5b: {  	_ =	shalt  }
0x5c: {  	_ =	shalt  }
0x5d: {  	_ =	shalt  }
0x5e: {  	_ =	shalt  }
0x5f: {  	_ =	shalt  }
0x60: {  	_ =	shalt  }
0x61: {  	_ =	shalt  }
0x62: {  	_ =	shalt  }
0x63: {  	_ =	shalt  }
0x64: {  	_ =	shalt  }
0x65: {  	_ =	shalt  }
0x66: {  	_ =	shalt  }
0x67: {  	_ =	shalt  }
0x68: {  	_ =	shalt  }
0x69: {  	_ =	shalt  }
0x6a: {  	_ =	shalt  }
0x6b: {  	_ =	shalt  }
0x6c: {  	_ =	shalt  }
0x6d: {  	_ =	shalt  }
0x6e: {  	_ =	shalt  }
0x6f: {  	_ =	shalt  }
0x70: {  	_ =	shalt  }
0x71: {  	_ =	shalt  }
0x72: {  	_ =	shalt  }
0x73: {  	_ =	shalt  }
0x74: {  	_ =	shalt  }
0x75: {  	_ =	shalt  }
0x76: {  	_ =	shalt  }
0x77: {  	_ =	shalt  }
0x78: {  	_ =	shalt  }
0x79: {  	_ =	shalt  }
0x7a: {  	_ =	shalt  }
0x7b: {  	_ =	shalt  }
0x7c: {  	_ =	shalt  }
0x7d: {  	_ =	shalt  }
0x7e: {  	_ =	shalt  }
0x7f: {  	_ =	shalt  }
0x80: {  	_ =	shalt  }
0x81: {  	_ =	shalt  }
0x82: {  	_ =	shalt  }
0x83: {  	_ =	shalt  }
0x84: {  	_ =	shalt  }
0x85: {  	_ =	shalt  }
0x86: {  	_ =	shalt  }
0x87: {  	_ =	shalt  }
.Lfunc_end0:
.L_simem_size_0:
called_computation.4_lowered:
.L_overlay_start_0:
0x88: {  	s2 =	sld [smem:$0x3FD9]  }
0x89: {  	s3 =	sld [smem:$0x3FFE];
	_ =	sdelay $0x1  }
0x8a: {  	s1 =	srdreg.scid  }
0x8b: {  	s0 =	sand.u32 $0x1, s1  }
0x8c: {  	s16 =	sshll.u32 s0, $0xA;
	s2 =	sadd.s32 s3, s2  }
0x8d: {  	s2 =	sadd.s32 s2, s16  }
0x8e: {  	[smem:$0x3FBD] =	sst s2  }
0x8f: {  	_ = 	snop  }
0x90: {  	(tm) =	ssettm $0x1  }
0x91: {  	s17 =	sld [smem:$0x3FFB];
	_ =	sdelay $0x3  }
0x92: {  	_ =	strace s17  }
0x93: {  	s2 =	sld [smem:$0x3FFC];
	_ =	sdelay $0x3  }
0x94: {  	_ =	strace s2  }
0x95: {  	s2 =	sld [smem:$0x3FFD];
	_ =	sdelay $0x3  }
0x96: {  	_ =	strace s2  }
0x97: {  	_ =	strace $0x8FFFFFFF  }
0x98: {  	s18 =	sld [smem:$0x3FDB];
	_ =	sdelay $0x1  }
0x99: {  	s19 =	simm.s32 $_scs_section_size  }
0x9a: {  	s4 =	simm.s32 $_size__tile_overlayer_lowered;
	s5 =	simm.s32 $_tile_overlayer_lowered  }
0x9b: {  	s22 =	simm.s32 $0x1BFF;
	s21 =	sshll.u32 s5, $0x1;
	s2 =	sadd.s32 s19, s18  }
0x9c: {  	s6 =	simm.s32 $0x0;
	s20 =	sshll.u32 s4, $0x1;
	s4 =	sadd.s32 s21, s2  }
0x9d: {  	[timem:s6], [sflag:s22] =	dma.local [hbm:s4], s20  }
0x9e: {  	_ =	swait.ge [sflag:s22], s20  }
0x9f: {  	s3 =	ssub.s32 $0x0, s20;
	[sflag:s22] =	ssyncset.done $0x0  }
0xa0: {  	[sflag:s22] =	ssyncadd.s32 s3;
	_ =	sdelay $0x1  }
0xa1: {  	s23 =	simm.s32 $0x1B8B  }
0xa2: {  	_ =	swait.ge [sflag:s23], $0x1  }
0xa3: {  	[sflag:s23] =	ssyncset.done $0x0  }
0xa4: {  	s25 =	simm.s32 $0x1B8E;
	s24 =	sld [smem:$0x3FFE];
	[sflag:s23] =	ssyncadd.s32 $0xFFFFFFFF  }
0xa5: {  	s26 =	simm.s32 $execute0_lowered;
	[smem:$0x3FD2] =	sst s25  }
0xa6: {  	s4 =	sshll.u32 s26, $0x1;
	_ =	strace $0x80000052;
	[dreg:$0x1] =	wrdreg $0xFFFFFFFF  }
0xa7: {  	s28 =	simm.s32 $_size_execute0_lowered;
	s2 =	sadd.s32 s2, s4;
	[dreg:$0x0] =	wrdreg $0x0  }
0xa8: {  	s4 =	sshll.u32 s28, $0x1;
	[dreg:$0x2] =	wrdreg s2  }
0xa9: {  	[dreg:$0x3] =	wrdreg s4  }
0xaa: {  	[dreg:$0x4] =	wrdreg $0xC0  }
0xab: {  	_ =	task [dreg:s6], $0x5FFFF  }
0xac: {  	[dreg:$0x1] =	wrdreg $0xFFFFFFFF  }
0xad: {  	[dreg:$0x0] =	wrdreg $0x60  }
0xae: {  	[dreg:$0x2] =	wrdreg s24  }
0xaf: {  	[dreg:$0x3] =	wrdreg $0xB2200  }
0xb0: {  	[dreg:$0x4] =	wrdreg $0x9  }
0xb1: {  	_ =	task.clear_ibuf [dreg:s6], $0x5FFFF;
	_ =	strace $0x90000052  }
0xb2: {  	s29 =	simm.s32 $0x9;
	_ =	strace $0x80000054  }
0xb3: {  	_ =	swait.ge [sflag:s29], $0x1  }
0xb4: {  	[sflag:s29] =	ssyncadd.s32 $0xFFFFFFFF  }
0xb5: {  	_ =	strace $0x90000054  }
0xb6: {  	_ =	sfence  }
0xb7: {  	s30 =	sld [smem:$0x0];
	_ =	sdelay $0x2  }
0xb8: {  	s31 =	sshll.u32 s1, $0xD;
	s1 =	sshrl.u32 s1, $0x2  }
0xb9: {  	s3 =	sand.u32 $0x4000, s31;
	s1 =	sadd.s32 s1, s30  }
0xba: {  	s0 =	sor.u32 s3, s0;
	s1 =	sshll.u32 s1, $0x11  }
0xbb: {  	s0 =	sor.u32 s1, s0  }
0xbc: {  	s0 =	sadd.s32 $0x8F2B, s0  }
0xbd: {  	[sflag:s0] =	ssyncadd.remote.s32 $0x1  }
0xbe: {  	_ =	sfence.sel $0xFFFF  }
0xbf: {  	[dreg:$0x0] =	wrdreg $0xFFFFFFFF;
	(pc) =	sbr.abs _section_cstart, $3  }
0xc0: {  	[dreg:$0x1] =	wrdreg $0xFFFFFFFF  }
0xc1: {  	_ =	task.clear_ibuf [dreg:s6], $0x2FFFF;
	_ =	strace $0x9FFFFFFF  }
0xc2: {  	(tm) =	ssettm $0x7FFFFFFF  }
0xc3: {  	_ =	shalt  }
tec
execute0_lowered:
.L_overlay_start_1:
0x0: {  	(tag) =	ssettag $0x1  }
0x1: {  	s1 =	rddreg [dreg:$0x0]  }
0x2: {  	s0 =	srdreg.scid;
	s2 =	rddreg [dreg:$0x1]  }
0x3: {  	s13 =	stileid.u32;
	s3 =	simm.s32 $0x0;
	s17 =	simm.s32 $0x6  }
0x4: {  	s18 =	simm.s32 $0x7;
	s19 =	simm.s32 $0x50;
	s20 =	simm.s32 $0x4E20  }
0x5: {  	s21 =	simm.s32 $0x6220;
	s28 =	simm.s32 $0x9E20;
	s29 =	simm.s32 $0x8  }
0x6: {  	s30 =	simm.s32 $0x1;
	s31 =	simm.s32 $0x2;
	s0 =	sand.u32 $0x1, s0  }
0x7: {  	[smem:$0x7FF] =	sst s3;
	s9 =	smul.u32 $0x6400, s13;
	s25 =	sshll.u32 s13, $0x6  }
0x8: {  	p0 =	sgt.u32 s13, $0x8;
	s4 =	sshll.u32 s0, $0x4;
	_ =	strace $0x80000053  }
0x9: {  	s6 =	ssub.s32 $0x2, s0;
	s0 =	smul.u32 $0x9C400, s0;
	s8 =	sor.u32 $0x1C08, s25  }
0xa: {  	s25 =	simm.s32 $0x8A20;
	s4 =	sor.u32 s13, s4;
	s7 =	sshrl.u32 s6, $0x1  }
0xb: {  	s23 =	sadd.s32 s9, s2;
	s24 =	sshrl.u32 s9, $0x3;
	s10 =	sadd.s32 $0x64000, s9  }
0xc: {  	s5 =	smul.u32 $0x4E2, s4;
	s4 =	sadd.s32 $0x16400, s1;
	s6 =	ssub.s32 s6, s7  }
0xd: {  	s9 =	sadd.s32 s9, s0;
	s11 =	sshrl.u32 s10, $0x3;
	s0 =	sadd.s32 s0, s10  }
0xe: {  	s14 =	sshrl.u32 s23, $0x3;
	s23 =	simm.s32 $0x7620;
	s7 =	sadd.s32 s4, s24  }
0xf: {  	s9 =	sshrl.u32 s9, $0x3;
	s26 =	sadd.s32 s4, s11;
	s0 =	sshrl.u32 s0, $0x3  }
0x10: {  	s12 =	smax.u32 s6, $0x1;
	s24 =	simm.s32 $0x9;
	s5 =	sadd.s32 s5, s1  }
0x11: {  	s1 =	sadd.s32 $0x29E00, s1;
	[dreg:$0x5] =	wrdreg s7;
	s7 =	sadd.s32 s10, s2  }
0x12: {  	[dreg:$0x6] =	wrdreg s26;
	s26 =	simm.s32 $0x5;
	s22 =	sadd.s32 $0x2800, s5  }
.Ltmp0:
0x13: {  	s5 =	sadd.s32 $0xC600, s5;
	[dreg:$0x3] =	wrdreg s22;
	(pc) =	sbr.rel .LBB2_1-.Ltmp0, $4  }
0x14: {  	s9 =	sadd.s32 s1, s9;
	s0 =	sadd.s32 s1, s0;
	[dreg:$0x4] =	wrdreg s5  }
0x15: {  	s16 =	sshrl.u32 @!p0 s7, $0x3;
	s1 =	simm.s32 $0xA;
	[dreg:$0x7] =	wrdreg s9  }
0x16: {  	[dreg:$0x8] =	wrdreg s0;
	s0 =	sshll.u32 @!p0 s13, $0x6;
	s22 =	simm.s32 $0x3  }
0x17: {  	s5 =	simm.s32 $0x0;
	s15 =	sor.u32 @!p0 $0x1C09, s0;
	s0 =	simm.s32 $0x4  }
.LBB2_4:
0x18: {  	_ =	swait.ge [sflag:s26], $0x1400  }
0x19: {  	[sflag:s26] =	ssyncset.done $0x0  }
0x1a: {  	[sflag:s26] =	ssyncadd.s32 $0xFFFFEC00  }
0x1b: {  	[spmem:s2] =	stream.indirect.scatter.add.f32 [tilespmem:s28], [sflag:$0xA], $0x40, s9, s19, $0xb8;
	[tilespmem:$0x154A0] =	vst v63  }
0x1c: {  	_ =	swait.ge [sflag:s24], $0x1400  }
0x1d: {  	[sflag:s24] =	ssyncset.done $0x0  }
0x1e: {  	[sflag:s24] =	ssyncadd.s32 $0xFFFFEC00  }
0x1f: {  	_ =	swait.ge [sflag:s1], $0x1400  }
0x20: {  	[sflag:s1] =	ssyncset.done $0x0  }
0x21: {  	[sflag:s1] =	ssyncadd.s32 $0xFFFFEC00  }
0x22: {  	[bflag:$0x0] =	sbarrier.arrive $0xFFFF  }
0x23: {  	s6 =	rddreg [dreg:$0x7]  }
0x24: {  	[hbm:s6], [sflag:s8] =	dma.local [spmem:s14], $0xC80  }
0x25: {  	s6 =	rddreg [dreg:$0x8]  }
0x26: {  	[hbm:s6], [sflag:s15] =	dma.local @!p0 [spmem:s16], $0xC80  }
0x27: {  	s5 =	sadd.s32 $0x1, s5;
	s6 =	simm.s32 @!p0 $0x8  }
0x28: {  	p1 =	sne.s32 s5, s12;
	_ =	swait.ge @!p0 [sflag:s6], $0xC80  }
.Ltmp1:
0x29: {  	s7 =	simm.s32 @!p0 $0x9;
	[sflag:s6] =	ssyncset.done @!p0 $0x0;
	(pc) =	sbr.rel @!p1 .LBB2_5-.Ltmp1, $4  }
0x2a: {  	s7 =	simm.s32 @p0 $0x8;
	[sflag:s6] =	ssyncadd.s32 @!p0 $0xFFFFF380  }
0x2b: {  	_ =	swait.ge [sflag:s7], $0xC80  }
0x2c: {  	[sflag:s7] =	ssyncset.done $0x0  }
0x2d: {  	[sflag:s7] =	ssyncadd.s32 $0xFFFFF380  }
.LBB2_1:
0x2e: {  	s6 =	rddreg [dreg:$0x3]  }
0x2f: {  	s9 =	rddreg [dreg:$0x4]  }
0x30: {  	[tilespmem:s3], [sflag:$0x6] =	stream.linear.gather [hbm4b:s6+s3], $0x2710, $0x38;
	[tilespmem:$0x154A0] =	vst v63  }
0x31: {  	s7 =	simm.s32 $0x2710;
	s10 =	rddreg [dreg:$0x5]  }
0x32: {  	[tilespmem:s7], [sflag:$0x7] =	stream.linear.gather [hbm4b:s9+s3], $0x2710, $0x38;
	[tilespmem:$0x154A0] =	vst v63  }
0x33: {  	[spmem:s14], [sflag:s8] =	dma.local [hbm:s10], $0xC80  }
0x34: {  	s6 =	rddreg [dreg:$0x6]  }
0x35: {  	[spmem:s16], [sflag:s15] =	dma.local @!p0 [hbm:s6], $0xC80  }
0x36: {  	_ =	swait.ge [sflag:s17], $0x2710  }
0x37: {  	[sflag:s17] =	ssyncset.done $0x0  }
0x38: {  	[sflag:s17] =	ssyncadd.s32 $0xFFFFD8F0  }
0x39: {  	_ =	swait.ge [sflag:s18], $0x2710  }
0x3a: {  	[sflag:s18] =	ssyncset.done $0x0  }
0x3b: {  	[sflag:s18] =	ssyncadd.s32 $0xFFFFD8F0  }
0x3c: {  	[tilespmem:s20], [sflag:$0x1] =	stream.indirect.gather [hbm4b:s4+s19], $0x40, s3, s19, $0xb8;
	[tilespmem:$0x154A0] =	vst v63  }
0x3d: {  	_ = 	snop  }
0x3e: {  	[tilespmem:s21], [sflag:$0x2] =	stream.indirect.gather [hbm4b:s4+s19], $0x40, s19, s19, $0xb8;
	[tilespmem:$0x154A0] =	vst v63  }
0x3f: {  	s11 =	simm.s32 $0xA0  }
0x40: {  	[tilespmem:s23], [sflag:$0x3] =	stream.indirect.gather [hbm4b:s4+s19], $0x40, s11, s19, $0xb8;
	[tilespmem:$0x154A0] =	vst v63  }
0x41: {  	s13 =	simm.s32 $0xF0  }
0x42: {  	[tilespmem:s25], [sflag:$0x4] =	stream.indirect.gather [hbm4b:s4+s19], $0x40, s13, s19, $0xb8;
	[tilespmem:$0x154A0] =	vst v63  }
0x43: {  	s9 =	simm.s32 $0x140  }
0x44: {  	[tilespmem:s28], [sflag:$0x5] =	stream.indirect.gather [hbm4b:s4+s19], $0x40, s9, s19, $0xb8;
	[tilespmem:$0x154A0] =	vst v63  }
0x45: {  	_ =	swait.ge [sflag:s29], $0xC80  }
0x46: {  	[sflag:s29] =	ssyncset.done $0x0  }
0x47: {  	s6 =	simm.s32 @!p0 $0x9;
	[sflag:s29] =	ssyncadd.s32 $0xFFFFF380  }
0x48: {  	_ =	swait.ge @!p0 [sflag:s6], $0xC80  }
0x49: {  	[sflag:s6] =	ssyncset.done @!p0 $0x0  }
0x4a: {  	[sflag:s6] =	ssyncadd.s32 @!p0 $0xFFFFF380  }
0x4b: {  	[bflag:$0x0] =	sbarrier.arrive $0xFFFF  }
0x4c: {  	_ =	swait.ge [sflag:s30], $0x1400  }
0x4d: {  	[sflag:s30] =	ssyncset.done $0x0  }
0x4e: {  	[sflag:s30] =	ssyncadd.s32 $0xFFFFEC00  }
0x4f: {  	[spmem:s2] =	stream.indirect.scatter.add.f32 [tilespmem:s20], [sflag:$0x6], $0x40, s7, s19, $0xb8;
	[tilespmem:$0x154A0] =	vst v63  }
0x50: {  	_ =	swait.ge [sflag:s31], $0x1400  }
0x51: {  	[sflag:s31] =	ssyncset.done $0x0  }
0x52: {  	s10 =	simm.s32 $0x2760;
	[sflag:s31] =	ssyncadd.s32 $0xFFFFEC00  }
0x53: {  	[spmem:s2] =	stream.indirect.scatter.add.f32 [tilespmem:s21], [sflag:$0x7], $0x40, s10, s19, $0xb8;
	[tilespmem:$0x154A0] =	vst v63  }
0x54: {  	_ =	swait.ge [sflag:s17], $0x1400  }
0x55: {  	[sflag:s17] =	ssyncset.done $0x0  }
0x56: {  	s11 =	simm.s32 $0x190;
	[sflag:s17] =	ssyncadd.s32 $0xFFFFEC00  }
0x57: {  	[tilespmem:s20], [sflag:$0x1] =	stream.indirect.gather [hbm4b:s4+s19], $0x40, s11, s19, $0xb8;
	[tilespmem:$0x154A0] =	vst v63  }
0x58: {  	_ =	swait.ge [sflag:s22], $0x1400  }
0x59: {  	[sflag:s22] =	ssyncset.done $0x0  }
0x5a: {  	s13 =	simm.s32 $0x27B0;
	[sflag:s22] =	ssyncadd.s32 $0xFFFFEC00  }
0x5b: {  	[spmem:s2] =	stream.indirect.scatter.add.f32 [tilespmem:s23], [sflag:$0x8], $0x40, s13, s19, $0xb8;
	[tilespmem:$0x154A0] =	vst v63  }
0x5c: {  	_ =	swait.ge [sflag:s18], $0x1400  }
0x5d: {  	[sflag:s18] =	ssyncset.done $0x0  }
0x5e: {  	s7 =	simm.s32 $0x1E0;
	[sflag:s18] =	ssyncadd.s32 $0xFFFFEC00  }
0x5f: {  	[tilespmem:s21], [sflag:$0x2] =	stream.indirect.gather [hbm4b:s4+s19], $0x40, s7, s19, $0xb8;
	[tilespmem:$0x154A0] =	vst v63  }
0x60: {  	_ =	swait.ge [sflag:s0], $0x1400  }
0x61: {  	[sflag:s0] =	ssyncset.done $0x0  }
0x62: {  	s9 =	simm.s32 $0x2800;
	[sflag:s0] =	ssyncadd.s32 $0xFFFFEC00  }
0x63: {  	[spmem:s2] =	stream.indirect.scatter.add.f32 [tilespmem:s25], [sflag:$0x9], $0x40, s9, s19, $0xb8;
	[tilespmem:$0x154A0] =	vst v63  }
0x64: {  	_ =	swait.ge [sflag:s29], $0x1400  }
0x65: {  	[sflag:s29] =	ssyncset.done $0x0  }
0x66: {  	s10 =	simm.s32 $0x230;
	[sflag:s29] =	ssyncadd.s32 $0xFFFFEC00  }
0x67: {  	[tilespmem:s23], [sflag:$0x3] =	stream.indirect.gather [hbm4b:s4+s19], $0x40, s10, s19, $0xb8;
	[tilespmem:$0x154A0] =	vst v63  }
0x68: {  	_ =	swait.ge [sflag:s26], $0x1400  }
0x69: {  	[sflag:s26] =	ssyncset.done $0x0  }
0x6a: {  	s11 =	simm.s32 $0x2850;
	[sflag:s26] =	ssyncadd.s32 $0xFFFFEC00  }
0x6b: {  	[spmem:s2] =	stream.indirect.scatter.add.f32 [tilespmem:s28], [sflag:$0xA], $0x40, s11, s19, $0xb8;
	[tilespmem:$0x154A0] =	vst v63  }
0x6c: {  	_ =	swait.ge [sflag:s24], $0x1400  }
0x6d: {  	[sflag:s24] =	ssyncset.done $0x0  }
0x6e: {  	s6 =	simm.s32 $0x0;
	s13 =	simm.s32 $0x280;
	[sflag:s24] =	ssyncadd.s32 $0xFFFFEC00  }
0x6f: {  	[tilespmem:s25], [sflag:$0x4] =	stream.indirect.gather [hbm4b:s4+s19], $0x40, s13, s19, $0xb8;
	[tilespmem:$0x154A0] =	vst v63  }
.LBB2_2:
0x70: {  	_ =	swait.ge [sflag:s30], $0x1400  }
0x71: {  	s7 =	sshra.s32 s6, $0x2;
	[sflag:s30] =	ssyncset.done $0x0  }
0x72: {  	s9 =	sadd.s32 $0x28A0, s7;
	[sflag:s30] =	ssyncadd.s32 $0xFFFFEC00  }
0x73: {  	[spmem:s2] =	stream.indirect.scatter.add.f32 [tilespmem:s20], [sflag:$0x6], $0x40, s9, s19, $0xb8;
	[tilespmem:$0x154A0] =	vst v63  }
0x74: {  	_ =	swait.ge [sflag:s1], $0x1400  }
0x75: {  	[sflag:s1] =	ssyncset.done $0x0  }
0x76: {  	s10 =	sadd.s32 $0x2D0, s7;
	[sflag:s1] =	ssyncadd.s32 $0xFFFFEC00  }
0x77: {  	[tilespmem:s28], [sflag:$0x5] =	stream.indirect.gather [hbm4b:s4+s19], $0x40, s10, s19, $0xb8;
	[tilespmem:$0x154A0] =	vst v63  }
0x78: {  	_ =	swait.ge [sflag:s31], $0x1400  }
0x79: {  	[sflag:s31] =	ssyncset.done $0x0  }
0x7a: {  	s11 =	sadd.s32 $0x28F0, s7;
	[sflag:s31] =	ssyncadd.s32 $0xFFFFEC00  }
0x7b: {  	[spmem:s2] =	stream.indirect.scatter.add.f32 [tilespmem:s21], [sflag:$0x7], $0x40, s11, s19, $0xb8;
	[tilespmem:$0x154A0] =	vst v63  }
0x7c: {  	_ =	swait.ge [sflag:s17], $0x1400  }
0x7d: {  	p1 =	seq.s32 s6, $0x8FC0;
	[sflag:s17] =	ssyncset.done $0x0  }
0x7e: {  	s9 =	simm.s32 @p1 $0x3;
	[sflag:s17] =	ssyncadd.s32 $0xFFFFEC00  }
0x7f: {  	_ =	swait.ge @p1 [sflag:s9], $0x1400  }
0x80: {  	[sflag:s9] =	ssyncset.done @p1 $0x0  }
0x81: {  	[sflag:s9] =	ssyncadd.s32 @p1 $0xFFFFEC00;
	s9 =	sshra.s32 @p1 s6, $0x2  }
0x82: {  	s13 =	simm.s32 @p1 $0x7620;
	s10 =	simm.s32 @p1 $0x50;
	s9 =	sadd.s32 @p1 $0x2940, s9  }
0x83: {  	[spmem:s2] =	stream.indirect.scatter.add.f32 @p1 [tilespmem:s13], [sflag:$0x8], $0x40, s9, s10, $0xb8;
	[tilespmem:$0x154A0] =	vst v63  }
0x84: {  	s9 =	simm.s32 @p1 $0x7  }
0x85: {  	_ =	swait.ge @p1 [sflag:s9], $0x1400  }
0x86: {  	[sflag:s9] =	ssyncset.done @p1 $0x0  }
0x87: {  	[sflag:s9] =	ssyncadd.s32 @p1 $0xFFFFEC00;
	s9 =	sshra.s32 @!p1 s6, $0x2  }
0x88: {  	s11 =	simm.s32 @!p1 $0x4E20;
	s13 =	simm.s32 @!p1 $0x50;
	s10 =	sadd.s32 @!p1 $0x320, s9  }
0x89: {  	[tilespmem:s11], [sflag:$0x1] =	stream.indirect.gather @!p1 [hbm4b:s4+s13], $0x40, s10, s13, $0xb8;
	[tilespmem:$0x154A0] =	vst v63  }
0x8a: {  	s10 =	simm.s32 @!p1 $0x3  }
0x8b: {  	_ =	swait.ge @!p1 [sflag:s10], $0x1400  }
0x8c: {  	[sflag:s10] =	ssyncset.done @!p1 $0x0  }
0x8d: {  	s11 =	simm.s32 @!p1 $0x7620;
	[sflag:s10] =	ssyncadd.s32 @!p1 $0xFFFFEC00;
	s10 =	sadd.s32 @!p1 $0x2940, s9  }
0x8e: {  	[spmem:s2] =	stream.indirect.scatter.add.f32 @!p1 [tilespmem:s11], [sflag:$0x8], $0x40, s10, s13, $0xb8;
	[tilespmem:$0x154A0] =	vst v63  }
0x8f: {  	s10 =	simm.s32 @!p1 $0x7  }
0x90: {  	_ =	swait.ge @!p1 [sflag:s10], $0x1400  }
0x91: {  	[sflag:s10] =	ssyncset.done @!p1 $0x0  }
0x92: {  	s9 =	sadd.s32 @!p1 $0x370, s9;
	[sflag:s10] =	ssyncadd.s32 @!p1 $0xFFFFEC00;
	s10 =	simm.s32 @!p1 $0x6220  }
0x93: {  	[tilespmem:s10], [sflag:$0x2] =	stream.indirect.gather @!p1 [hbm4b:s4+s13], $0x40, s9, s13, $0xb8;
	[tilespmem:$0x154A0] =	vst v63  }
0x94: {  	_ =	swait.ge [sflag:s0], $0x1400  }
0x95: {  	[sflag:s0] =	ssyncset.done $0x0  }
.Ltmp2:
0x96: {  	s13 =	sadd.s32 $0x2990, s7;
	[sflag:s0] =	ssyncadd.s32 $0xFFFFEC00;
	(pc) =	sbr.rel @p1 .LBB2_4-.Ltmp2, $4  }
0x97: {  	[spmem:s2] =	stream.indirect.scatter.add.f32 [tilespmem:s25], [sflag:$0x9], $0x40, s13, s19, $0xb8;
	[tilespmem:$0x154A0] =	vst v63  }
0x98: {  	_ =	swait.ge [sflag:s29], $0x1400  }
0x99: {  	[sflag:s29] =	ssyncset.done $0x0  }
0x9a: {  	s9 =	sadd.s32 $0x29E0, s7;
	[sflag:s29] =	ssyncadd.s32 $0xFFFFEC00  }
0x9b: {  	s10 =	sadd.s32 $0x3C0, s7  }
0x9c: {  	[tilespmem:s23], [sflag:$0x3] =	stream.indirect.gather [hbm4b:s4+s19], $0x40, s10, s19, $0xb8;
	[tilespmem:$0x154A0] =	vst v63  }
0x9d: {  	_ =	swait.ge [sflag:s26], $0x1400  }
0x9e: {  	[sflag:s26] =	ssyncset.done $0x0  }
0x9f: {  	[sflag:s26] =	ssyncadd.s32 $0xFFFFEC00  }
0xa0: {  	[spmem:s2] =	stream.indirect.scatter.add.f32 [tilespmem:s28], [sflag:$0xA], $0x40, s9, s19, $0xb8;
	[tilespmem:$0x154A0] =	vst v63  }
.Ltmp3:
0xa1: {  	_ = 	snop;
	(pc) =	sbr.rel .LBB2_2-.Ltmp3, $4  }
0xa2: {  	_ =	swait.ge [sflag:s24], $0x1400  }
0xa3: {  	[sflag:s24] =	ssyncset.done $0x0  }
0xa4: {  	s13 =	sadd.s32 $0x410, s7;
	s6 =	sadd.s32 $0x640, s6;
	[sflag:s24] =	ssyncadd.s32 $0xFFFFEC00  }
0xa5: {  	[tilespmem:s25], [sflag:$0x4] =	stream.indirect.gather [hbm4b:s4+s19], $0x40, s13, s19, $0xb8;
	[tilespmem:$0x154A0] =	vst v63  }
.LBB2_5:
0xa6: {  	_ =	sfence.sel $0x180000  }
0xa7: {  	[bflag:$0x0] =	sbarrier.arrive $0xFFFF  }
0xa8: {  	_ =	strace $0x90000053  }
0xa9: {  	s0 =	stileid.u32;
	[bflag:$0x2] =	sbarrier.arrive $0xFFFF  }
0xaa: {  	p0 =	sne.s32 s0, $0x0;
	s0 =	rddreg [dreg:$0x2]  }
0xab: {  	s0 =	sadd.s32 @!p0 $0x100000, s0  }
0xac: {  	[sflag:s0] =	ssyncadd.tile.s32 @!p0 $0x1;
	_ =	shalt  }
.Lfunc_end2:
_tile_overlayer_lowered:
.L_overlay_start_2:
0xad: {  	(tag) =	ssettag $0x2  }
0xae: {  	s0 =	rddreg [dreg:$0x0];
	s2 =	stileid.u32  }
0xaf: {  	s1 =	rddreg [dreg:$0x1];
	p0 =	sne.s32 s2, $0x0  }
0xb0: {  	s3 =	rddreg [dreg:$0x2];
	[bflag:$0x3] =	sbarrier.arrive $0xFFFF;
	s2 =	simm.s32 @!p0 $0x1C0B  }
0xb1: {  	[timem:s3], [sflag:s2] =	dma.local @!p0 [hbm:s0], s1  }
0xb2: {  	s0 =	simm.s32 @!p0 $0xB  }
0xb3: {  	_ =	swait.ge @!p0 [sflag:s0], s1  }
0xb4: {  	s1 =	ssub.s32 @!p0 $0x0, s1;
	[sflag:s0] =	ssyncset.done @!p0 $0x0  }
0xb5: {  	[sflag:s0] =	ssyncadd.s32 @!p0 s1  }
0xb6: {  	[bflag:$0x3] =	sbarrier.arrive $0xFFFF  }
0xb7: {  	_ =	shalt  }

</sc_bundles>
